<compile_context>
chip_gen: v7x
topology: tpu7x:2x2x1
jax: 0.10.2.dev20260603
libtpu: 0.0.44.dev20260713+nightly
codegen_flags: <defaults>
</compile_context>

<pallas_src>
import functools

import jax
import jax.numpy as jnp
import numpy as np
from jax import lax
from jax.experimental import pallas as pl
from jax.experimental.pallas import tpu as pltpu
from jax.experimental.pallas import tpu_sc as plsc

_B, _H, _W, _C = 2, 192, 192, 96
_P = _H * _W
_R = (_H * 2) * (_W * 2)
_HALF = _R // 2
_CHUNK = 2304
_NBUF = 4
_NPAIRS = _B * _C
_NWORK = 32
_TASKS_PER_W = _NPAIRS // _NWORK

_THIRD = np.float32(1.0 / 3.0)


def _sc_unpool(mask_t, upd_t):
    mesh = plsc.VectorSubcoreMesh(core_axis_name="c", subcore_axis_name="s")

    @functools.partial(
        pl.kernel,
        mesh=mesh,
        out_type=jax.ShapeDtypeStruct((_NPAIRS, _R), jnp.float32),
        scratch_types=[
            pltpu.VMEM((_HALF,), jnp.float32),
            pltpu.VMEM((_P,), jnp.int32),
            pltpu.VMEM((_CHUNK,), jnp.int32),
            pltpu.VMEM((_CHUNK,), jnp.int32),
            pltpu.VMEM((_CHUNK,), jnp.int32),
            pltpu.VMEM((_CHUNK,), jnp.int32),
            pltpu.VMEM((_CHUNK,), jnp.float32),
            pltpu.VMEM((_CHUNK,), jnp.float32),
            pltpu.VMEM((_CHUNK,), jnp.float32),
            pltpu.VMEM((_CHUNK,), jnp.float32),
            pltpu.SemaphoreType.DMA,
            pltpu.SemaphoreType.DMA,
            pltpu.SemaphoreType.DMA,
            pltpu.SemaphoreType.DMA,
            pltpu.SemaphoreType.DMA,
        ],
        compiler_params=pltpu.CompilerParams(needs_layout_passes=False),
    )
    def k(mask_hbm, upd_hbm, out_hbm, acc, rcache, mb0, mb1, mb2, mb3,
          ub0, ub1, ub2, ub3, sem_a, sem_b, sem_c, sem_d, out_sem):
        wid = lax.axis_index("s") * 2 + lax.axis_index("c")
        sems = (sem_a, sem_b, sem_c, sem_d)
        mbufs = (mb0, mb1, mb2, mb3)
        ubufs = (ub0, ub1, ub2, ub3)
        nchunks = _P // _CHUNK
        zeros = jnp.zeros((16,), jnp.float32)

        def task(j, carry):
            pair = wid * _TASKS_PER_W + j

            def issue(ck, half):
                par = ck % _NBUF
                off = ck * _CHUNK
                if half == 0:
                    cu = pltpu.async_copy(
                        upd_hbm.at[pair, pl.ds(off, _CHUNK)], ubufs[par],
                        sems[par])
                    cm = pltpu.async_copy(
                        mask_hbm.at[pair, pl.ds(off, _CHUNK)], mbufs[par],
                        sems[par])
                    return cm, cu
                cu = pltpu.async_copy(
                    upd_hbm.at[pair, pl.ds(off, _CHUNK)], ubufs[par],
                    sems[par])
                return (cu,)

            for half in (0, 1):
                lo = half * _HALF
                cps = {0: issue(0, half), 1: issue(1, half), 2: issue(2, half)}

                drain = pltpu.make_async_copy(
                    acc, out_hbm.at[pair, pl.ds(lo, _HALF)], out_sem)
                if half == 0:
                    @pl.when(j > 0)
                    def _():
                        drain.wait()
                else:
                    drain.wait()

                @plsc.parallel_loop(0, _HALF // 16, unroll=8)
                def _(i):
                    acc[pl.ds(i * 16, 16)] = zeros

                for ck in range(nchunks):
                    par = ck % _NBUF
                    coff = ck * _CHUNK
                    if ck + 3 < nchunks:
                        cps[ck + 3] = issue(ck + 3, half)
                    for cp in cps.pop(ck):
                        cp.wait()

                    if half == 0:
                        @plsc.parallel_loop(0, _CHUNK // 16, unroll=8)
                        def _(g, par=par, coff=coff):
                            s = g * 16
                            m = mbufs[par][pl.ds(s, 16)]
                            v = ubufs[par][pl.ds(s, 16)]
                            t5 = lax.shift_right_logical(m, 5)
                            r = (t5.astype(jnp.float32) * _THIRD).astype(
                                jnp.int32)
                            rcache[pl.ds(coff + s, 16)] = r
                            ok = r < _HALF
                            plsc.addupdate_scatter(acc, [r], v, mask=ok)

                    else:
                        @plsc.parallel_loop(0, _CHUNK // 16, unroll=8)
                        def _(g, par=par, coff=coff):
                            s = g * 16
                            r = rcache[pl.ds(coff + s, 16)]
                            v = ubufs[par][pl.ds(s, 16)]
                            idx = r - _HALF
                            ok = r >= _HALF
                            plsc.addupdate_scatter(acc, [idx], v, mask=ok)

                pltpu.async_copy(
                    acc, out_hbm.at[pair, pl.ds(lo, _HALF)], out_sem)

            return carry

        lax.fori_loop(0, _TASKS_PER_W, task, 0)
        pltpu.make_async_copy(
            acc, out_hbm.at[0, pl.ds(0, _HALF)], out_sem).wait()

    return k(mask_t, upd_t)


def kernel(updates, mask):
    B, H, W, C = updates.shape
    Ho, Wo = H * 2, W * 2
    m32 = mask.astype(jnp.int32)
    u_t = updates.reshape(B, H * W, C).transpose(0, 2, 1).reshape(B * C, H * W)
    m_t = m32.reshape(B, H * W, C).transpose(0, 2, 1).reshape(B * C, H * W)
    out = _sc_unpool(m_t, u_t)
    return out.reshape(B, C, Ho * Wo).transpose(0, 2, 1).reshape(B, Ho, Wo, C)

# --- scband reference (transcript-rebuilt; emitter-appended) ---
"""Pipeline reference for scband-max-unpooling2-d-73675868996117 (READ-ONLY COPY).

The authoritative reference and input builder live on the scoring server;
editing this copy changes nothing except your own understanding.
"""

import jax, jax.numpy as jnp
import numpy as np

SIZE = (2, 2)

def setup_inputs(seed: int = 0) -> dict:
    key = jax.random.key(seed)
    k1, k2 = jax.random.split(key)
    B, H, W, C = 2, 192, 192, 96
    Ho, Wo = H * SIZE[0], W * SIZE[1]
    updates = jax.random.normal(k1, (B, H, W, C), dtype=jnp.float32)
    mask = jax.random.randint(k2, (B, H, W, C), 0, Ho * Wo * C, dtype=jnp.int64)
    return {"updates": updates, "mask": mask}

def reference(updates, mask):
    # Faithful JAX translation of MaxUnpooling2D.call
    mask = mask.astype(jnp.int32)
    B, H, W, C = updates.shape
    Ho = H * SIZE[0]
    Wo = W * SIZE[1]
    output_shape = (B, Ho, Wo, C)
    one_like_mask = jnp.ones_like(mask, dtype=jnp.int32)
    batch_range = jnp.arange(B, dtype=jnp.int32).reshape(B, 1, 1, 1)
    b = one_like_mask * batch_range
    y = mask // (Wo * C)
    x = (mask // C) % Wo
    feature_range = jnp.arange(C, dtype=jnp.int32)
    f = one_like_mask * feature_range
    updates_size = updates.size
    b_flat = b.reshape(updates_size)
    y_flat = y.reshape(updates_size)
    x_flat = x.reshape(updates_size)
    f_flat = f.reshape(updates_size)
    values = updates.reshape(updates_size)
    # tf.scatter_nd sums duplicate indices -> use .at[...].add
    ret = jnp.zeros(output_shape, dtype=updates.dtype).at[b_flat, y_flat, x_flat, f_flat].add(values)
    return ret

if __name__ == "__main__":
    import jax
    _d = setup_inputs()
    print(jax.jit(kernel)(*tuple(_d.values())))

</pallas_src>

<mosaic_0001>
#map = affine_map<(d0, d1) -> (0, 0)>
module attributes {stable_mosaic.version = 14 : i64} {
  func.func @k(%arg0: i32, %arg1: i32, %arg2: memref<192x36864xi32, #tpu.memory_space<hbm>>, %arg3: memref<192x36864xf32, #tpu.memory_space<hbm>>, %arg4: memref<192x147456xf32, #tpu.memory_space<hbm>>, %arg5: memref<73728xf32, #tpu.memory_space<vmem>>, %arg6: memref<36864xi32, #tpu.memory_space<vmem>>, %arg7: memref<2304xi32, #tpu.memory_space<vmem>>, %arg8: memref<2304xi32, #tpu.memory_space<vmem>>, %arg9: memref<2304xi32, #tpu.memory_space<vmem>>, %arg10: memref<2304xi32, #tpu.memory_space<vmem>>, %arg11: memref<2304xf32, #tpu.memory_space<vmem>>, %arg12: memref<2304xf32, #tpu.memory_space<vmem>>, %arg13: memref<2304xf32, #tpu.memory_space<vmem>>, %arg14: memref<2304xf32, #tpu.memory_space<vmem>>, %arg15: memref<!tpu.dma_semaphore, #tpu.memory_space<semaphore_mem>>, %arg16: memref<!tpu.dma_semaphore, #tpu.memory_space<semaphore_mem>>, %arg17: memref<!tpu.dma_semaphore, #tpu.memory_space<semaphore_mem>>, %arg18: memref<!tpu.dma_semaphore, #tpu.memory_space<semaphore_mem>>, %arg19: memref<!tpu.dma_semaphore, #tpu.memory_space<semaphore_mem>>) attributes {dimension_semantics = [#tpu.dimension_semantics<core_parallel>, #tpu.dimension_semantics<subcore_parallel>], iteration_bounds = array<i64: 2, 16>, scalar_prefetch = 0 : i64, scratch_operands = 15 : i64, tpu.core_type = #tpu.core_type<sc_vector_subcore>, window_params = [{transform_indices = #map}, {transform_indices = #map}, {transform_indices = #map}]} {
    %mul3A = arith.constant 2 : i32
    %mul3A_0 = arith.muli %arg1, %mul3A : i32
    %add3A = arith.addi %mul3A_0, %arg0 : i32
    %broadcast_in_dim3A = arith.constant 0.000000e+00 : f32
    %broadcast_in_dim3A_1 = vector.broadcast %broadcast_in_dim3A : f32 to vector<16xf32>
    %scan3A = arith.constant 0 : i32
    %scan3A_2 = arith.constant 0 : i32
    %scan3A_3 = arith.constant 6 : i32
    %scan3A_4 = arith.addi %scan3A_2, %scan3A_3 : i32
    %scan3A_5 = arith.constant 1 : i32
    scf.for %scan3A_13 = %scan3A_2 to %scan3A_4 step %scan3A_5  : i32 {
      %mul3A_14 = arith.constant 6 : i32
      %mul3A_15 = arith.muli %add3A, %mul3A_14 : i32
      %add3A_16 = arith.addi %mul3A_15, %scan3A_13 : i32
      %dma_start3A = arith.constant 0 : i32
      %dma_start3A_17 = tpu.memref_slice %arg3[%add3A_16, %dma_start3A] : memref<192x36864xf32, #tpu.memory_space<hbm>> -> memref<1x2304xf32, #tpu.memory_space<hbm>>
      %dma_start3A_18 = tpu.memref_squeeze %dma_start3A_17 : memref<1x2304xf32, #tpu.memory_space<hbm>> -> memref<2304xf32, #tpu.memory_space<hbm>>
      %dma_start3A_19 = arith.constant 0 : i32
      %dma_start3A_20 = tpu.memref_slice %arg3[%add3A_16, %dma_start3A_19] : memref<192x36864xf32, #tpu.memory_space<hbm>> -> memref<1x2304xf32, #tpu.memory_space<hbm>>
      %dma_start3A_21 = tpu.memref_squeeze %dma_start3A_20 : memref<1x2304xf32, #tpu.memory_space<hbm>> -> memref<2304xf32, #tpu.memory_space<hbm>>
      tpu.enqueue_dma source(%dma_start3A_21 : memref<2304xf32, #tpu.memory_space<hbm>>) target(%arg11 : memref<2304xf32, #tpu.memory_space<vmem>>) target_semaphore(%arg15 : memref<!tpu.dma_semaphore, #tpu.memory_space<semaphore_mem>>)
      %dma_start3A_22 = arith.constant 0 : i32
      %dma_start3A_23 = tpu.memref_slice %arg2[%add3A_16, %dma_start3A_22] : memref<192x36864xi32, #tpu.memory_space<hbm>> -> memref<1x2304xi32, #tpu.memory_space<hbm>>
      %dma_start3A_24 = tpu.memref_squeeze %dma_start3A_23 : memref<1x2304xi32, #tpu.memory_space<hbm>> -> memref<2304xi32, #tpu.memory_space<hbm>>
      %dma_start3A_25 = arith.constant 0 : i32
      %dma_start3A_26 = tpu.memref_slice %arg2[%add3A_16, %dma_start3A_25] : memref<192x36864xi32, #tpu.memory_space<hbm>> -> memref<1x2304xi32, #tpu.memory_space<hbm>>
      %dma_start3A_27 = tpu.memref_squeeze %dma_start3A_26 : memref<1x2304xi32, #tpu.memory_space<hbm>> -> memref<2304xi32, #tpu.memory_space<hbm>>
      tpu.enqueue_dma source(%dma_start3A_27 : memref<2304xi32, #tpu.memory_space<hbm>>) target(%arg7 : memref<2304xi32, #tpu.memory_space<vmem>>) target_semaphore(%arg15 : memref<!tpu.dma_semaphore, #tpu.memory_space<semaphore_mem>>)
      %dma_start3A_28 = arith.constant 2304 : i32
      %dma_start3A_29 = tpu.memref_slice %arg3[%add3A_16, %dma_start3A_28] : memref<192x36864xf32, #tpu.memory_space<hbm>> -> memref<1x2304xf32, #tpu.memory_space<hbm>>
      %dma_start3A_30 = tpu.memref_squeeze %dma_start3A_29 : memref<1x2304xf32, #tpu.memory_space<hbm>> -> memref<2304xf32, #tpu.memory_space<hbm>>
      %dma_start3A_31 = arith.constant 2304 : i32
      %dma_start3A_32 = tpu.memref_slice %arg3[%add3A_16, %dma_start3A_31] : memref<192x36864xf32, #tpu.memory_space<hbm>> -> memref<1x2304xf32, #tpu.memory_space<hbm>>
      %dma_start3A_33 = tpu.memref_squeeze %dma_start3A_32 : memref<1x2304xf32, #tpu.memory_space<hbm>> -> memref<2304xf32, #tpu.memory_space<hbm>>
      tpu.enqueue_dma source(%dma_start3A_33 : memref<2304xf32, #tpu.memory_space<hbm>>) target(%arg12 : memref<2304xf32, #tpu.memory_space<vmem>>) target_semaphore(%arg16 : memref<!tpu.dma_semaphore, #tpu.memory_space<semaphore_mem>>)
      %dma_start3A_34 = arith.constant 2304 : i32
      %dma_start3A_35 = tpu.memref_slice %arg2[%add3A_16, %dma_start3A_34] : memref<192x36864xi32, #tpu.memory_space<hbm>> -> memref<1x2304xi32, #tpu.memory_space<hbm>>
      %dma_start3A_36 = tpu.memref_squeeze %dma_start3A_35 : memref<1x2304xi32, #tpu.memory_space<hbm>> -> memref<2304xi32, #tpu.memory_space<hbm>>
      %dma_start3A_37 = arith.constant 2304 : i32
      %dma_start3A_38 = tpu.memref_slice %arg2[%add3A_16, %dma_start3A_37] : memref<192x36864xi32, #tpu.memory_space<hbm>> -> memref<1x2304xi32, #tpu.memory_space<hbm>>
      %dma_start3A_39 = tpu.memref_squeeze %dma_start3A_38 : memref<1x2304xi32, #tpu.memory_space<hbm>> -> memref<2304xi32, #tpu.memory_space<hbm>>
      tpu.enqueue_dma source(%dma_start3A_39 : memref<2304xi32, #tpu.memory_space<hbm>>) target(%arg8 : memref<2304xi32, #tpu.memory_space<vmem>>) target_semaphore(%arg16 : memref<!tpu.dma_semaphore, #tpu.memory_space<semaphore_mem>>)
      %dma_start3A_40 = arith.constant 4608 : i32
      %dma_start3A_41 = tpu.memref_slice %arg3[%add3A_16, %dma_start3A_40] : memref<192x36864xf32, #tpu.memory_space<hbm>> -> memref<1x2304xf32, #tpu.memory_space<hbm>>
      %dma_start3A_42 = tpu.memref_squeeze %dma_start3A_41 : memref<1x2304xf32, #tpu.memory_space<hbm>> -> memref<2304xf32, #tpu.memory_space<hbm>>
      %dma_start3A_43 = arith.constant 4608 : i32
      %dma_start3A_44 = tpu.memref_slice %arg3[%add3A_16, %dma_start3A_43] : memref<192x36864xf32, #tpu.memory_space<hbm>> -> memref<1x2304xf32, #tpu.memory_space<hbm>>
      %dma_start3A_45 = tpu.memref_squeeze %dma_start3A_44 : memref<1x2304xf32, #tpu.memory_space<hbm>> -> memref<2304xf32, #tpu.memory_space<hbm>>
      tpu.enqueue_dma source(%dma_start3A_45 : memref<2304xf32, #tpu.memory_space<hbm>>) target(%arg13 : memref<2304xf32, #tpu.memory_space<vmem>>) target_semaphore(%arg17 : memref<!tpu.dma_semaphore, #tpu.memory_space<semaphore_mem>>)
      %dma_start3A_46 = arith.constant 4608 : i32
      %dma_start3A_47 = tpu.memref_slice %arg2[%add3A_16, %dma_start3A_46] : memref<192x36864xi32, #tpu.memory_space<hbm>> -> memref<1x2304xi32, #tpu.memory_space<hbm>>
      %dma_start3A_48 = tpu.memref_squeeze %dma_start3A_47 : memref<1x2304xi32, #tpu.memory_space<hbm>> -> memref<2304xi32, #tpu.memory_space<hbm>>
      %dma_start3A_49 = arith.constant 4608 : i32
      %dma_start3A_50 = tpu.memref_slice %arg2[%add3A_16, %dma_start3A_49] : memref<192x36864xi32, #tpu.memory_space<hbm>> -> memref<1x2304xi32, #tpu.memory_space<hbm>>
      %dma_start3A_51 = tpu.memref_squeeze %dma_start3A_50 : memref<1x2304xi32, #tpu.memory_space<hbm>> -> memref<2304xi32, #tpu.memory_space<hbm>>
      tpu.enqueue_dma source(%dma_start3A_51 : memref<2304xi32, #tpu.memory_space<hbm>>) target(%arg9 : memref<2304xi32, #tpu.memory_space<vmem>>) target_semaphore(%arg17 : memref<!tpu.dma_semaphore, #tpu.memory_space<semaphore_mem>>)
      %gt3A = arith.constant 0 : i32
      %gt3A_52 = arith.cmpi sgt, %scan3A_13, %gt3A : i32
      %convert_element_type3A = arith.extui %gt3A_52 : i1 to i32
      %cond3A = arith.constant 0 : i32
      %cond3A_53 = arith.cmpi ne, %convert_element_type3A, %cond3A : i32
      scf.if %cond3A_53 {
        %dma_wait3A_713 = arith.constant 0 : i32
        %dma_wait3A_714 = tpu.memref_slice %arg4[%add3A_16, %dma_wait3A_713] : memref<192x147456xf32, #tpu.memory_space<hbm>> -> memref<1x73728xf32, #tpu.memory_space<hbm>>
        %dma_wait3A_715 = tpu.memref_squeeze %dma_wait3A_714 : memref<1x73728xf32, #tpu.memory_space<hbm>> -> memref<73728xf32, #tpu.memory_space<hbm>>
        %dma_wait3A_716 = arith.constant 0 : i32
        %dma_wait3A_717 = tpu.memref_slice %arg4[%add3A_16, %dma_wait3A_716] : memref<192x147456xf32, #tpu.memory_space<hbm>> -> memref<1x73728xf32, #tpu.memory_space<hbm>>
        %dma_wait3A_718 = tpu.memref_squeeze %dma_wait3A_717 : memref<1x73728xf32, #tpu.memory_space<hbm>> -> memref<73728xf32, #tpu.memory_space<hbm>>
        tpu.wait_dma2 semaphore(%arg19 : memref<!tpu.dma_semaphore, #tpu.memory_space<semaphore_mem>>) src(%arg5 : memref<73728xf32, #tpu.memory_space<vmem>>) dst(%dma_wait3A_718 : memref<73728xf32, #tpu.memory_space<hbm>>)
      } else {
      }
      %parallel_loop3A = arith.constant 0 : i32
      %parallel_loop3A_54 = arith.constant 4608 : i32
      %parallel_loop3A_55 = arith.constant 1 : i32
      scf.for %parallel_loop3A_713 = %parallel_loop3A to %parallel_loop3A_54 step %parallel_loop3A_55  : i32 {
        %parallel_loop3A_714 = arith.constant 16 : i32
        %parallel_loop3A_715 = arith.muli %parallel_loop3A_713, %parallel_loop3A_714 : i32
        %parallel_loop3A_716 = arith.index_cast %parallel_loop3A_715 : i32 to index
        %parallel_loop3A_717 = tpu.vector_load %arg5[%parallel_loop3A_716] {strides = array<i32>} : memref<73728xf32, #tpu.memory_space<vmem>>, vector<16xf32>,
        tpu.vector_store %arg5[%parallel_loop3A_716], %broadcast_in_dim3A_1 {strides = array<i32>} : memref<73728xf32, #tpu.memory_space<vmem>>, vector<16xf32>,
      } {sc.loop_unroll_factor = 8 : i64, sc.parallel_access}
      %dma_start3A_56 = arith.constant 6912 : i32
      %dma_start3A_57 = tpu.memref_slice %arg3[%add3A_16, %dma_start3A_56] : memref<192x36864xf32, #tpu.memory_space<hbm>> -> memref<1x2304xf32, #tpu.memory_space<hbm>>
      %dma_start3A_58 = tpu.memref_squeeze %dma_start3A_57 : memref<1x2304xf32, #tpu.memory_space<hbm>> -> memref<2304xf32, #tpu.memory_space<hbm>>
      %dma_start3A_59 = arith.constant 6912 : i32
      %dma_start3A_60 = tpu.memref_slice %arg3[%add3A_16, %dma_start3A_59] : memref<192x36864xf32, #tpu.memory_space<hbm>> -> memref<1x2304xf32, #tpu.memory_space<hbm>>
      %dma_start3A_61 = tpu.memref_squeeze %dma_start3A_60 : memref<1x2304xf32, #tpu.memory_space<hbm>> -> memref<2304xf32, #tpu.memory_space<hbm>>
      tpu.enqueue_dma source(%dma_start3A_61 : memref<2304xf32, #tpu.memory_space<hbm>>) target(%arg14 : memref<2304xf32, #tpu.memory_space<vmem>>) target_semaphore(%arg18 : memref<!tpu.dma_semaphore, #tpu.memory_space<semaphore_mem>>)
      %dma_start3A_62 = arith.constant 6912 : i32
      %dma_start3A_63 = tpu.memref_slice %arg2[%add3A_16, %dma_start3A_62] : memref<192x36864xi32, #tpu.memory_space<hbm>> -> memref<1x2304xi32, #tpu.memory_space<hbm>>
      %dma_start3A_64 = tpu.memref_squeeze %dma_start3A_63 : memref<1x2304xi32, #tpu.memory_space<hbm>> -> memref<2304xi32, #tpu.memory_space<hbm>>
      %dma_start3A_65 = arith.constant 6912 : i32
      %dma_start3A_66 = tpu.memref_slice %arg2[%add3A_16, %dma_start3A_65] : memref<192x36864xi32, #tpu.memory_space<hbm>> -> memref<1x2304xi32, #tpu.memory_space<hbm>>
      %dma_start3A_67 = tpu.memref_squeeze %dma_start3A_66 : memref<1x2304xi32, #tpu.memory_space<hbm>> -> memref<2304xi32, #tpu.memory_space<hbm>>
      tpu.enqueue_dma source(%dma_start3A_67 : memref<2304xi32, #tpu.memory_space<hbm>>) target(%arg10 : memref<2304xi32, #tpu.memory_space<vmem>>) target_semaphore(%arg18 : memref<!tpu.dma_semaphore, #tpu.memory_space<semaphore_mem>>)
      %dma_wait3A_68 = arith.constant 0 : i32
      %dma_wait3A_69 = tpu.memref_slice %arg2[%add3A_16, %dma_wait3A_68] : memref<192x36864xi32, #tpu.memory_space<hbm>> -> memref<1x2304xi32, #tpu.memory_space<hbm>>
      %dma_wait3A_70 = tpu.memref_squeeze %dma_wait3A_69 : memref<1x2304xi32, #tpu.memory_space<hbm>> -> memref<2304xi32, #tpu.memory_space<hbm>>
      %dma_wait3A_71 = arith.constant 0 : i32
      %dma_wait3A_72 = tpu.memref_slice %arg2[%add3A_16, %dma_wait3A_71] : memref<192x36864xi32, #tpu.memory_space<hbm>> -> memref<1x2304xi32, #tpu.memory_space<hbm>>
      %dma_wait3A_73 = tpu.memref_squeeze %dma_wait3A_72 : memref<1x2304xi32, #tpu.memory_space<hbm>> -> memref<2304xi32, #tpu.memory_space<hbm>>
      tpu.wait_dma2 semaphore(%arg15 : memref<!tpu.dma_semaphore, #tpu.memory_space<semaphore_mem>>) src(%dma_wait3A_73 : memref<2304xi32, #tpu.memory_space<hbm>>) dst(%arg7 : memref<2304xi32, #tpu.memory_space<vmem>>)
      %dma_wait3A_74 = arith.constant 0 : i32
      %dma_wait3A_75 = tpu.memref_slice %arg3[%add3A_16, %dma_wait3A_74] : memref<192x36864xf32, #tpu.memory_space<hbm>> -> memref<1x2304xf32, #tpu.memory_space<hbm>>
      %dma_wait3A_76 = tpu.memref_squeeze %dma_wait3A_75 : memref<1x2304xf32, #tpu.memory_space<hbm>> -> memref<2304xf32, #tpu.memory_space<hbm>>
      %dma_wait3A_77 = arith.constant 0 : i32
      %dma_wait3A_78 = tpu.memref_slice %arg3[%add3A_16, %dma_wait3A_77] : memref<192x36864xf32, #tpu.memory_space<hbm>> -> memref<1x2304xf32, #tpu.memory_space<hbm>>
      %dma_wait3A_79 = tpu.memref_squeeze %dma_wait3A_78 : memref<1x2304xf32, #tpu.memory_space<hbm>> -> memref<2304xf32, #tpu.memory_space<hbm>>
      tpu.wait_dma2 semaphore(%arg15 : memref<!tpu.dma_semaphore, #tpu.memory_space<semaphore_mem>>) src(%dma_wait3A_79 : memref<2304xf32, #tpu.memory_space<hbm>>) dst(%arg11 : memref<2304xf32, #tpu.memory_space<vmem>>)
      %parallel_loop3A_80 = arith.constant 0 : i32
      %parallel_loop3A_81 = arith.constant 144 : i32
      %parallel_loop3A_82 = arith.constant 1 : i32
      scf.for %parallel_loop3A_713 = %parallel_loop3A_80 to %parallel_loop3A_81 step %parallel_loop3A_82  : i32 {
        %parallel_loop3A_714 = arith.constant 16 : i32
        %parallel_loop3A_715 = arith.muli %parallel_loop3A_713, %parallel_loop3A_714 : i32
        %parallel_loop3A_716 = arith.index_cast %parallel_loop3A_715 : i32 to index
        %parallel_loop3A_717 = tpu.vector_load %arg7[%parallel_loop3A_716] {strides = array<i32>} : memref<2304xi32, #tpu.memory_space<vmem>>, vector<16xi32>,
        %parallel_loop3A_718 = arith.index_cast %parallel_loop3A_715 : i32 to index
        %parallel_loop3A_719 = tpu.vector_load %arg11[%parallel_loop3A_718] {strides = array<i32>} : memref<2304xf32, #tpu.memory_space<vmem>>, vector<16xf32>,
        %parallel_loop3A_720 = arith.constant 5 : i32
        %parallel_loop3A_721 = vector.broadcast %parallel_loop3A_720 : i32 to vector<16xi32>
        %parallel_loop3A_722 = arith.shrui %parallel_loop3A_717, %parallel_loop3A_721 : vector<16xi32>
        %parallel_loop3A_723 = arith.sitofp %parallel_loop3A_722 : vector<16xi32> to vector<16xf32>
        %parallel_loop3A_724 = arith.constant 0.333333343 : f32
        %parallel_loop3A_725 = vector.broadcast %parallel_loop3A_724 : f32 to vector<16xf32>
        %parallel_loop3A_726 = arith.mulf %parallel_loop3A_723, %parallel_loop3A_725 : vector<16xf32>
        %parallel_loop3A_727 = arith.fptosi %parallel_loop3A_726 : vector<16xf32> to vector<16xi32>
        %parallel_loop3A_728 = arith.constant 0 : i32
        %parallel_loop3A_729 = arith.addi %parallel_loop3A_728, %parallel_loop3A_715 : i32
        %parallel_loop3A_730 = arith.index_cast %parallel_loop3A_729 : i32 to index
        %parallel_loop3A_731 = tpu.vector_load %arg6[%parallel_loop3A_730] {strides = array<i32>} : memref<36864xi32, #tpu.memory_space<vmem>>, vector<16xi32>,
        tpu.vector_store %arg6[%parallel_loop3A_730], %parallel_loop3A_727 {strides = array<i32>} : memref<36864xi32, #tpu.memory_space<vmem>>, vector<16xi32>,
        %parallel_loop3A_732 = arith.constant 73728 : i32
        %parallel_loop3A_733 = vector.broadcast %parallel_loop3A_732 : i32 to vector<16xi32>
        %parallel_loop3A_734 = arith.cmpi slt, %parallel_loop3A_727, %parallel_loop3A_733 : vector<16xi32>
        tpu.vector_store_idx %arg5[%parallel_loop3A_727], %parallel_loop3A_719 masked %parallel_loop3A_734 {add = true} : memref<73728xf32, #tpu.memory_space<vmem>>[vector<16xi32>], vector<16xf32>, vector<16xi1>
      } {sc.loop_unroll_factor = 8 : i64, sc.parallel_access}
      %dma_start3A_83 = arith.constant 9216 : i32
      %dma_start3A_84 = tpu.memref_slice %arg3[%add3A_16, %dma_start3A_83] : memref<192x36864xf32, #tpu.memory_space<hbm>> -> memref<1x2304xf32, #tpu.memory_space<hbm>>
      %dma_start3A_85 = tpu.memref_squeeze %dma_start3A_84 : memref<1x2304xf32, #tpu.memory_space<hbm>> -> memref<2304xf32, #tpu.memory_space<hbm>>
      %dma_start3A_86 = arith.constant 9216 : i32
      %dma_start3A_87 = tpu.memref_slice %arg3[%add3A_16, %dma_start3A_86] : memref<192x36864xf32, #tpu.memory_space<hbm>> -> memref<1x2304xf32, #tpu.memory_space<hbm>>
      %dma_start3A_88 = tpu.memref_squeeze %dma_start3A_87 : memref<1x2304xf32, #tpu.memory_space<hbm>> -> memref<2304xf32, #tpu.memory_space<hbm>>
      tpu.enqueue_dma source(%dma_start3A_88 : memref<2304xf32, #tpu.memory_space<hbm>>) target(%arg11 : memref<2304xf32, #tpu.memory_space<vmem>>) target_semaphore(%arg15 : memref<!tpu.dma_semaphore, #tpu.memory_space<semaphore_mem>>)
      %dma_start3A_89 = arith.constant 9216 : i32
      %dma_start3A_90 = tpu.memref_slice %arg2[%add3A_16, %dma_start3A_89] : memref<192x36864xi32, #tpu.memory_space<hbm>> -> memref<1x2304xi32, #tpu.memory_space<hbm>>
      %dma_start3A_91 = tpu.memref_squeeze %dma_start3A_90 : memref<1x2304xi32, #tpu.memory_space<hbm>> -> memref<2304xi32, #tpu.memory_space<hbm>>
      %dma_start3A_92 = arith.constant 9216 : i32
      %dma_start3A_93 = tpu.memref_slice %arg2[%add3A_16, %dma_start3A_92] : memref<192x36864xi32, #tpu.memory_space<hbm>> -> memref<1x2304xi32, #tpu.memory_space<hbm>>
      %dma_start3A_94 = tpu.memref_squeeze %dma_start3A_93 : memref<1x2304xi32, #tpu.memory_space<hbm>> -> memref<2304xi32, #tpu.memory_space<hbm>>
      tpu.enqueue_dma source(%dma_start3A_94 : memref<2304xi32, #tpu.memory_space<hbm>>) target(%arg7 : memref<2304xi32, #tpu.memory_space<vmem>>) target_semaphore(%arg15 : memref<!tpu.dma_semaphore, #tpu.memory_space<semaphore_mem>>)
      %dma_wait3A_95 = arith.constant 2304 : i32
      %dma_wait3A_96 = tpu.memref_slice %arg2[%add3A_16, %dma_wait3A_95] : memref<192x36864xi32, #tpu.memory_space<hbm>> -> memref<1x2304xi32, #tpu.memory_space<hbm>>
      %dma_wait3A_97 = tpu.memref_squeeze %dma_wait3A_96 : memref<1x2304xi32, #tpu.memory_space<hbm>> -> memref<2304xi32, #tpu.memory_space<hbm>>
      %dma_wait3A_98 = arith.constant 2304 : i32
      %dma_wait3A_99 = tpu.memref_slice %arg2[%add3A_16, %dma_wait3A_98] : memref<192x36864xi32, #tpu.memory_space<hbm>> -> memref<1x2304xi32, #tpu.memory_space<hbm>>
      %dma_wait3A_100 = tpu.memref_squeeze %dma_wait3A_99 : memref<1x2304xi32, #tpu.memory_space<hbm>> -> memref<2304xi32, #tpu.memory_space<hbm>>
      tpu.wait_dma2 semaphore(%arg16 : memref<!tpu.dma_semaphore, #tpu.memory_space<semaphore_mem>>) src(%dma_wait3A_100 : memref<2304xi32, #tpu.memory_space<hbm>>) dst(%arg8 : memref<2304xi32, #tpu.memory_space<vmem>>)
      %dma_wait3A_101 = arith.constant 2304 : i32
      %dma_wait3A_102 = tpu.memref_slice %arg3[%add3A_16, %dma_wait3A_101] : memref<192x36864xf32, #tpu.memory_space<hbm>> -> memref<1x2304xf32, #tpu.memory_space<hbm>>
      %dma_wait3A_103 = tpu.memref_squeeze %dma_wait3A_102 : memref<1x2304xf32, #tpu.memory_space<hbm>> -> memref<2304xf32, #tpu.memory_space<hbm>>
      %dma_wait3A_104 = arith.constant 2304 : i32
      %dma_wait3A_105 = tpu.memref_slice %arg3[%add3A_16, %dma_wait3A_104] : memref<192x36864xf32, #tpu.memory_space<hbm>> -> memref<1x2304xf32, #tpu.memory_space<hbm>>
      %dma_wait3A_106 = tpu.memref_squeeze %dma_wait3A_105 : memref<1x2304xf32, #tpu.memory_space<hbm>> -> memref<2304xf32, #tpu.memory_space<hbm>>
      tpu.wait_dma2 semaphore(%arg16 : memref<!tpu.dma_semaphore, #tpu.memory_space<semaphore_mem>>) src(%dma_wait3A_106 : memref<2304xf32, #tpu.memory_space<hbm>>) dst(%arg12 : memref<2304xf32, #tpu.memory_space<vmem>>)
      %parallel_loop3A_107 = arith.constant 0 : i32
      %parallel_loop3A_108 = arith.constant 144 : i32
      %parallel_loop3A_109 = arith.constant 1 : i32
      scf.for %parallel_loop3A_713 = %parallel_loop3A_107 to %parallel_loop3A_108 step %parallel_loop3A_109  : i32 {
        %parallel_loop3A_714 = arith.constant 16 : i32
        %parallel_loop3A_715 = arith.muli %parallel_loop3A_713, %parallel_loop3A_714 : i32
        %parallel_loop3A_716 = arith.index_cast %parallel_loop3A_715 : i32 to index
        %parallel_loop3A_717 = tpu.vector_load %arg8[%parallel_loop3A_716] {strides = array<i32>} : memref<2304xi32, #tpu.memory_space<vmem>>, vector<16xi32>,
        %parallel_loop3A_718 = arith.index_cast %parallel_loop3A_715 : i32 to index
        %parallel_loop3A_719 = tpu.vector_load %arg12[%parallel_loop3A_718] {strides = array<i32>} : memref<2304xf32, #tpu.memory_space<vmem>>, vector<16xf32>,
        %parallel_loop3A_720 = arith.constant 5 : i32
        %parallel_loop3A_721 = vector.broadcast %parallel_loop3A_720 : i32 to vector<16xi32>
        %parallel_loop3A_722 = arith.shrui %parallel_loop3A_717, %parallel_loop3A_721 : vector<16xi32>
        %parallel_loop3A_723 = arith.sitofp %parallel_loop3A_722 : vector<16xi32> to vector<16xf32>
        %parallel_loop3A_724 = arith.constant 0.333333343 : f32
        %parallel_loop3A_725 = vector.broadcast %parallel_loop3A_724 : f32 to vector<16xf32>
        %parallel_loop3A_726 = arith.mulf %parallel_loop3A_723, %parallel_loop3A_725 : vector<16xf32>
        %parallel_loop3A_727 = arith.fptosi %parallel_loop3A_726 : vector<16xf32> to vector<16xi32>
        %parallel_loop3A_728 = arith.constant 2304 : i32
        %parallel_loop3A_729 = arith.addi %parallel_loop3A_728, %parallel_loop3A_715 : i32
        %parallel_loop3A_730 = arith.index_cast %parallel_loop3A_729 : i32 to index
        %parallel_loop3A_731 = tpu.vector_load %arg6[%parallel_loop3A_730] {strides = array<i32>} : memref<36864xi32, #tpu.memory_space<vmem>>, vector<16xi32>,
        tpu.vector_store %arg6[%parallel_loop3A_730], %parallel_loop3A_727 {strides = array<i32>} : memref<36864xi32, #tpu.memory_space<vmem>>, vector<16xi32>,
        %parallel_loop3A_732 = arith.constant 73728 : i32
        %parallel_loop3A_733 = vector.broadcast %parallel_loop3A_732 : i32 to vector<16xi32>
        %parallel_loop3A_734 = arith.cmpi slt, %parallel_loop3A_727, %parallel_loop3A_733 : vector<16xi32>
        tpu.vector_store_idx %arg5[%parallel_loop3A_727], %parallel_loop3A_719 masked %parallel_loop3A_734 {add = true} : memref<73728xf32, #tpu.memory_space<vmem>>[vector<16xi32>], vector<16xf32>, vector<16xi1>
      } {sc.loop_unroll_factor = 8 : i64, sc.parallel_access}
      %dma_start3A_110 = arith.constant 11520 : i32
      %dma_start3A_111 = tpu.memref_slice %arg3[%add3A_16, %dma_start3A_110] : memref<192x36864xf32, #tpu.memory_space<hbm>> -> memref<1x2304xf32, #tpu.memory_space<hbm>>
      %dma_start3A_112 = tpu.memref_squeeze %dma_start3A_111 : memref<1x2304xf32, #tpu.memory_space<hbm>> -> memref<2304xf32, #tpu.memory_space<hbm>>
      %dma_start3A_113 = arith.constant 11520 : i32
      %dma_start3A_114 = tpu.memref_slice %arg3[%add3A_16, %dma_start3A_113] : memref<192x36864xf32, #tpu.memory_space<hbm>> -> memref<1x2304xf32, #tpu.memory_space<hbm>>
      %dma_start3A_115 = tpu.memref_squeeze %dma_start3A_114 : memref<1x2304xf32, #tpu.memory_space<hbm>> -> memref<2304xf32, #tpu.memory_space<hbm>>
      tpu.enqueue_dma source(%dma_start3A_115 : memref<2304xf32, #tpu.memory_space<hbm>>) target(%arg12 : memref<2304xf32, #tpu.memory_space<vmem>>) target_semaphore(%arg16 : memref<!tpu.dma_semaphore, #tpu.memory_space<semaphore_mem>>)
      %dma_start3A_116 = arith.constant 11520 : i32
      %dma_start3A_117 = tpu.memref_slice %arg2[%add3A_16, %dma_start3A_116] : memref<192x36864xi32, #tpu.memory_space<hbm>> -> memref<1x2304xi32, #tpu.memory_space<hbm>>
      %dma_start3A_118 = tpu.memref_squeeze %dma_start3A_117 : memref<1x2304xi32, #tpu.memory_space<hbm>> -> memref<2304xi32, #tpu.memory_space<hbm>>
      %dma_start3A_119 = arith.constant 11520 : i32
      %dma_start3A_120 = tpu.memref_slice %arg2[%add3A_16, %dma_start3A_119] : memref<192x36864xi32, #tpu.memory_space<hbm>> -> memref<1x2304xi32, #tpu.memory_space<hbm>>
      %dma_start3A_121 = tpu.memref_squeeze %dma_start3A_120 : memref<1x2304xi32, #tpu.memory_space<hbm>> -> memref<2304xi32, #tpu.memory_space<hbm>>
      tpu.enqueue_dma source(%dma_start3A_121 : memref<2304xi32, #tpu.memory_space<hbm>>) target(%arg8 : memref<2304xi32, #tpu.memory_space<vmem>>) target_semaphore(%arg16 : memref<!tpu.dma_semaphore, #tpu.memory_space<semaphore_mem>>)
      %dma_wait3A_122 = arith.constant 4608 : i32
      %dma_wait3A_123 = tpu.memref_slice %arg2[%add3A_16, %dma_wait3A_122] : memref<192x36864xi32, #tpu.memory_space<hbm>> -> memref<1x2304xi32, #tpu.memory_space<hbm>>
      %dma_wait3A_124 = tpu.memref_squeeze %dma_wait3A_123 : memref<1x2304xi32, #tpu.memory_space<hbm>> -> memref<2304xi32, #tpu.memory_space<hbm>>
      %dma_wait3A_125 = arith.constant 4608 : i32
      %dma_wait3A_126 = tpu.memref_slice %arg2[%add3A_16, %dma_wait3A_125] : memref<192x36864xi32, #tpu.memory_space<hbm>> -> memref<1x2304xi32, #tpu.memory_space<hbm>>
      %dma_wait3A_127 = tpu.memref_squeeze %dma_wait3A_126 : memref<1x2304xi32, #tpu.memory_space<hbm>> -> memref<2304xi32, #tpu.memory_space<hbm>>
      tpu.wait_dma2 semaphore(%arg17 : memref<!tpu.dma_semaphore, #tpu.memory_space<semaphore_mem>>) src(%dma_wait3A_127 : memref<2304xi32, #tpu.memory_space<hbm>>) dst(%arg9 : memref<2304xi32, #tpu.memory_space<vmem>>)
      %dma_wait3A_128 = arith.constant 4608 : i32
      %dma_wait3A_129 = tpu.memref_slice %arg3[%add3A_16, %dma_wait3A_128] : memref<192x36864xf32, #tpu.memory_space<hbm>> -> memref<1x2304xf32, #tpu.memory_space<hbm>>
      %dma_wait3A_130 = tpu.memref_squeeze %dma_wait3A_129 : memref<1x2304xf32, #tpu.memory_space<hbm>> -> memref<2304xf32, #tpu.memory_space<hbm>>
      %dma_wait3A_131 = arith.constant 4608 : i32
      %dma_wait3A_132 = tpu.memref_slice %arg3[%add3A_16, %dma_wait3A_131] : memref<192x36864xf32, #tpu.memory_space<hbm>> -> memref<1x2304xf32, #tpu.memory_space<hbm>>
      %dma_wait3A_133 = tpu.memref_squeeze %dma_wait3A_132 : memref<1x2304xf32, #tpu.memory_space<hbm>> -> memref<2304xf32, #tpu.memory_space<hbm>>
      tpu.wait_dma2 semaphore(%arg17 : memref<!tpu.dma_semaphore, #tpu.memory_space<semaphore_mem>>) src(%dma_wait3A_133 : memref<2304xf32, #tpu.memory_space<hbm>>) dst(%arg13 : memref<2304xf32, #tpu.memory_space<vmem>>)
      %parallel_loop3A_134 = arith.constant 0 : i32
      %parallel_loop3A_135 = arith.constant 144 : i32
      %parallel_loop3A_136 = arith.constant 1 : i32
      scf.for %parallel_loop3A_713 = %parallel_loop3A_134 to %parallel_loop3A_135 step %parallel_loop3A_136  : i32 {
        %parallel_loop3A_714 = arith.constant 16 : i32
        %parallel_loop3A_715 = arith.muli %parallel_loop3A_713, %parallel_loop3A_714 : i32
        %parallel_loop3A_716 = arith.index_cast %parallel_loop3A_715 : i32 to index
        %parallel_loop3A_717 = tpu.vector_load %arg9[%parallel_loop3A_716] {strides = array<i32>} : memref<2304xi32, #tpu.memory_space<vmem>>, vector<16xi32>,
        %parallel_loop3A_718 = arith.index_cast %parallel_loop3A_715 : i32 to index
        %parallel_loop3A_719 = tpu.vector_load %arg13[%parallel_loop3A_718] {strides = array<i32>} : memref<2304xf32, #tpu.memory_space<vmem>>, vector<16xf32>,
        %parallel_loop3A_720 = arith.constant 5 : i32
        %parallel_loop3A_721 = vector.broadcast %parallel_loop3A_720 : i32 to vector<16xi32>
        %parallel_loop3A_722 = arith.shrui %parallel_loop3A_717, %parallel_loop3A_721 : vector<16xi32>
        %parallel_loop3A_723 = arith.sitofp %parallel_loop3A_722 : vector<16xi32> to vector<16xf32>
        %parallel_loop3A_724 = arith.constant 0.333333343 : f32
        %parallel_loop3A_725 = vector.broadcast %parallel_loop3A_724 : f32 to vector<16xf32>
        %parallel_loop3A_726 = arith.mulf %parallel_loop3A_723, %parallel_loop3A_725 : vector<16xf32>
        %parallel_loop3A_727 = arith.fptosi %parallel_loop3A_726 : vector<16xf32> to vector<16xi32>
        %parallel_loop3A_728 = arith.constant 4608 : i32
        %parallel_loop3A_729 = arith.addi %parallel_loop3A_728, %parallel_loop3A_715 : i32
        %parallel_loop3A_730 = arith.index_cast %parallel_loop3A_729 : i32 to index
        %parallel_loop3A_731 = tpu.vector_load %arg6[%parallel_loop3A_730] {strides = array<i32>} : memref<36864xi32, #tpu.memory_space<vmem>>, vector<16xi32>,
        tpu.vector_store %arg6[%parallel_loop3A_730], %parallel_loop3A_727 {strides = array<i32>} : memref<36864xi32, #tpu.memory_space<vmem>>, vector<16xi32>,
        %parallel_loop3A_732 = arith.constant 73728 : i32
        %parallel_loop3A_733 = vector.broadcast %parallel_loop3A_732 : i32 to vector<16xi32>
        %parallel_loop3A_734 = arith.cmpi slt, %parallel_loop3A_727, %parallel_loop3A_733 : vector<16xi32>
        tpu.vector_store_idx %arg5[%parallel_loop3A_727], %parallel_loop3A_719 masked %parallel_loop3A_734 {add = true} : memref<73728xf32, #tpu.memory_space<vmem>>[vector<16xi32>], vector<16xf32>, vector<16xi1>
      } {sc.loop_unroll_factor = 8 : i64, sc.parallel_access}
      %dma_start3A_137 = arith.constant 13824 : i32
      %dma_start3A_138 = tpu.memref_slice %arg3[%add3A_16, %dma_start3A_137] : memref<192x36864xf32, #tpu.memory_space<hbm>> -> memref<1x2304xf32, #tpu.memory_space<hbm>>
      %dma_start3A_139 = tpu.memref_squeeze %dma_start3A_138 : memref<1x2304xf32, #tpu.memory_space<hbm>> -> memref<2304xf32, #tpu.memory_space<hbm>>
      %dma_start3A_140 = arith.constant 13824 : i32
      %dma_start3A_141 = tpu.memref_slice %arg3[%add3A_16, %dma_start3A_140] : memref<192x36864xf32, #tpu.memory_space<hbm>> -> memref<1x2304xf32, #tpu.memory_space<hbm>>
      %dma_start3A_142 = tpu.memref_squeeze %dma_start3A_141 : memref<1x2304xf32, #tpu.memory_space<hbm>> -> memref<2304xf32, #tpu.memory_space<hbm>>
      tpu.enqueue_dma source(%dma_start3A_142 : memref<2304xf32, #tpu.memory_space<hbm>>) target(%arg13 : memref<2304xf32, #tpu.memory_space<vmem>>) target_semaphore(%arg17 : memref<!tpu.dma_semaphore, #tpu.memory_space<semaphore_mem>>)
      %dma_start3A_143 = arith.constant 13824 : i32
      %dma_start3A_144 = tpu.memref_slice %arg2[%add3A_16, %dma_start3A_143] : memref<192x36864xi32, #tpu.memory_space<hbm>> -> memref<1x2304xi32, #tpu.memory_space<hbm>>
      %dma_start3A_145 = tpu.memref_squeeze %dma_start3A_144 : memref<1x2304xi32, #tpu.memory_space<hbm>> -> memref<2304xi32, #tpu.memory_space<hbm>>
      %dma_start3A_146 = arith.constant 13824 : i32
      %dma_start3A_147 = tpu.memref_slice %arg2[%add3A_16, %dma_start3A_146] : memref<192x36864xi32, #tpu.memory_space<hbm>> -> memref<1x2304xi32, #tpu.memory_space<hbm>>
      %dma_start3A_148 = tpu.memref_squeeze %dma_start3A_147 : memref<1x2304xi32, #tpu.memory_space<hbm>> -> memref<2304xi32, #tpu.memory_space<hbm>>
      tpu.enqueue_dma source(%dma_start3A_148 : memref<2304xi32, #tpu.memory_space<hbm>>) target(%arg9 : memref<2304xi32, #tpu.memory_space<vmem>>) target_semaphore(%arg17 : memref<!tpu.dma_semaphore, #tpu.memory_space<semaphore_mem>>)
      %dma_wait3A_149 = arith.constant 6912 : i32
      %dma_wait3A_150 = tpu.memref_slice %arg2[%add3A_16, %dma_wait3A_149] : memref<192x36864xi32, #tpu.memory_space<hbm>> -> memref<1x2304xi32, #tpu.memory_space<hbm>>
      %dma_wait3A_151 = tpu.memref_squeeze %dma_wait3A_150 : memref<1x2304xi32, #tpu.memory_space<hbm>> -> memref<2304xi32, #tpu.memory_space<hbm>>
      %dma_wait3A_152 = arith.constant 6912 : i32
      %dma_wait3A_153 = tpu.memref_slice %arg2[%add3A_16, %dma_wait3A_152] : memref<192x36864xi32, #tpu.memory_space<hbm>> -> memref<1x2304xi32, #tpu.memory_space<hbm>>
      %dma_wait3A_154 = tpu.memref_squeeze %dma_wait3A_153 : memref<1x2304xi32, #tpu.memory_space<hbm>> -> memref<2304xi32, #tpu.memory_space<hbm>>
      tpu.wait_dma2 semaphore(%arg18 : memref<!tpu.dma_semaphore, #tpu.memory_space<semaphore_mem>>) src(%dma_wait3A_154 : memref<2304xi32, #tpu.memory_space<hbm>>) dst(%arg10 : memref<2304xi32, #tpu.memory_space<vmem>>)
      %dma_wait3A_155 = arith.constant 6912 : i32
      %dma_wait3A_156 = tpu.memref_slice %arg3[%add3A_16, %dma_wait3A_155] : memref<192x36864xf32, #tpu.memory_space<hbm>> -> memref<1x2304xf32, #tpu.memory_space<hbm>>
      %dma_wait3A_157 = tpu.memref_squeeze %dma_wait3A_156 : memref<1x2304xf32, #tpu.memory_space<hbm>> -> memref<2304xf32, #tpu.memory_space<hbm>>
      %dma_wait3A_158 = arith.constant 6912 : i32
      %dma_wait3A_159 = tpu.memref_slice %arg3[%add3A_16, %dma_wait3A_158] : memref<192x36864xf32, #tpu.memory_space<hbm>> -> memref<1x2304xf32, #tpu.memory_space<hbm>>
      %dma_wait3A_160 = tpu.memref_squeeze %dma_wait3A_159 : memref<1x2304xf32, #tpu.memory_space<hbm>> -> memref<2304xf32, #tpu.memory_space<hbm>>
      tpu.wait_dma2 semaphore(%arg18 : memref<!tpu.dma_semaphore, #tpu.memory_space<semaphore_mem>>) src(%dma_wait3A_160 : memref<2304xf32, #tpu.memory_space<hbm>>) dst(%arg14 : memref<2304xf32, #tpu.memory_space<vmem>>)
      %parallel_loop3A_161 = arith.constant 0 : i32
      %parallel_loop3A_162 = arith.constant 144 : i32
      %parallel_loop3A_163 = arith.constant 1 : i32
      scf.for %parallel_loop3A_713 = %parallel_loop3A_161 to %parallel_loop3A_162 step %parallel_loop3A_163  : i32 {
        %parallel_loop3A_714 = arith.constant 16 : i32
        %parallel_loop3A_715 = arith.muli %parallel_loop3A_713, %parallel_loop3A_714 : i32
        %parallel_loop3A_716 = arith.index_cast %parallel_loop3A_715 : i32 to index
        %parallel_loop3A_717 = tpu.vector_load %arg10[%parallel_loop3A_716] {strides = array<i32>} : memref<2304xi32, #tpu.memory_space<vmem>>, vector<16xi32>,
        %parallel_loop3A_718 = arith.index_cast %parallel_loop3A_715 : i32 to index
        %parallel_loop3A_719 = tpu.vector_load %arg14[%parallel_loop3A_718] {strides = array<i32>} : memref<2304xf32, #tpu.memory_space<vmem>>, vector<16xf32>,
        %parallel_loop3A_720 = arith.constant 5 : i32
        %parallel_loop3A_721 = vector.broadcast %parallel_loop3A_720 : i32 to vector<16xi32>
        %parallel_loop3A_722 = arith.shrui %parallel_loop3A_717, %parallel_loop3A_721 : vector<16xi32>
        %parallel_loop3A_723 = arith.sitofp %parallel_loop3A_722 : vector<16xi32> to vector<16xf32>
        %parallel_loop3A_724 = arith.constant 0.333333343 : f32
        %parallel_loop3A_725 = vector.broadcast %parallel_loop3A_724 : f32 to vector<16xf32>
        %parallel_loop3A_726 = arith.mulf %parallel_loop3A_723, %parallel_loop3A_725 : vector<16xf32>
        %parallel_loop3A_727 = arith.fptosi %parallel_loop3A_726 : vector<16xf32> to vector<16xi32>
        %parallel_loop3A_728 = arith.constant 6912 : i32
        %parallel_loop3A_729 = arith.addi %parallel_loop3A_728, %parallel_loop3A_715 : i32
        %parallel_loop3A_730 = arith.index_cast %parallel_loop3A_729 : i32 to index
        %parallel_loop3A_731 = tpu.vector_load %arg6[%parallel_loop3A_730] {strides = array<i32>} : memref<36864xi32, #tpu.memory_space<vmem>>, vector<16xi32>,
        tpu.vector_store %arg6[%parallel_loop3A_730], %parallel_loop3A_727 {strides = array<i32>} : memref<36864xi32, #tpu.memory_space<vmem>>, vector<16xi32>,
        %parallel_loop3A_732 = arith.constant 73728 : i32
        %parallel_loop3A_733 = vector.broadcast %parallel_loop3A_732 : i32 to vector<16xi32>
        %parallel_loop3A_734 = arith.cmpi slt, %parallel_loop3A_727, %parallel_loop3A_733 : vector<16xi32>
        tpu.vector_store_idx %arg5[%parallel_loop3A_727], %parallel_loop3A_719 masked %parallel_loop3A_734 {add = true} : memref<73728xf32, #tpu.memory_space<vmem>>[vector<16xi32>], vector<16xf32>, vector<16xi1>
      } {sc.loop_unroll_factor = 8 : i64, sc.parallel_access}
      %dma_start3A_164 = arith.constant 16128 : i32
      %dma_start3A_165 = tpu.memref_slice %arg3[%add3A_16, %dma_start3A_164] : memref<192x36864xf32, #tpu.memory_space<hbm>> -> memref<1x2304xf32, #tpu.memory_space<hbm>>
      %dma_start3A_166 = tpu.memref_squeeze %dma_start3A_165 : memref<1x2304xf32, #tpu.memory_space<hbm>> -> memref<2304xf32, #tpu.memory_space<hbm>>
      %dma_start3A_167 = arith.constant 16128 : i32
      %dma_start3A_168 = tpu.memref_slice %arg3[%add3A_16, %dma_start3A_167] : memref<192x36864xf32, #tpu.memory_space<hbm>> -> memref<1x2304xf32, #tpu.memory_space<hbm>>
      %dma_start3A_169 = tpu.memref_squeeze %dma_start3A_168 : memref<1x2304xf32, #tpu.memory_space<hbm>> -> memref<2304xf32, #tpu.memory_space<hbm>>
      tpu.enqueue_dma source(%dma_start3A_169 : memref<2304xf32, #tpu.memory_space<hbm>>) target(%arg14 : memref<2304xf32, #tpu.memory_space<vmem>>) target_semaphore(%arg18 : memref<!tpu.dma_semaphore, #tpu.memory_space<semaphore_mem>>)
      %dma_start3A_170 = arith.constant 16128 : i32
      %dma_start3A_171 = tpu.memref_slice %arg2[%add3A_16, %dma_start3A_170] : memref<192x36864xi32, #tpu.memory_space<hbm>> -> memref<1x2304xi32, #tpu.memory_space<hbm>>
      %dma_start3A_172 = tpu.memref_squeeze %dma_start3A_171 : memref<1x2304xi32, #tpu.memory_space<hbm>> -> memref<2304xi32, #tpu.memory_space<hbm>>
      %dma_start3A_173 = arith.constant 16128 : i32
      %dma_start3A_174 = tpu.memref_slice %arg2[%add3A_16, %dma_start3A_173] : memref<192x36864xi32, #tpu.memory_space<hbm>> -> memref<1x2304xi32, #tpu.memory_space<hbm>>
      %dma_start3A_175 = tpu.memref_squeeze %dma_start3A_174 : memref<1x2304xi32, #tpu.memory_space<hbm>> -> memref<2304xi32, #tpu.memory_space<hbm>>
      tpu.enqueue_dma source(%dma_start3A_175 : memref<2304xi32, #tpu.memory_space<hbm>>) target(%arg10 : memref<2304xi32, #tpu.memory_space<vmem>>) target_semaphore(%arg18 : memref<!tpu.dma_semaphore, #tpu.memory_space<semaphore_mem>>)
      %dma_wait3A_176 = arith.constant 9216 : i32
      %dma_wait3A_177 = tpu.memref_slice %arg2[%add3A_16, %dma_wait3A_176] : memref<192x36864xi32, #tpu.memory_space<hbm>> -> memref<1x2304xi32, #tpu.memory_space<hbm>>
      %dma_wait3A_178 = tpu.memref_squeeze %dma_wait3A_177 : memref<1x2304xi32, #tpu.memory_space<hbm>> -> memref<2304xi32, #tpu.memory_space<hbm>>
      %dma_wait3A_179 = arith.constant 9216 : i32
      %dma_wait3A_180 = tpu.memref_slice %arg2[%add3A_16, %dma_wait3A_179] : memref<192x36864xi32, #tpu.memory_space<hbm>> -> memref<1x2304xi32, #tpu.memory_space<hbm>>
      %dma_wait3A_181 = tpu.memref_squeeze %dma_wait3A_180 : memref<1x2304xi32, #tpu.memory_space<hbm>> -> memref<2304xi32, #tpu.memory_space<hbm>>
      tpu.wait_dma2 semaphore(%arg15 : memref<!tpu.dma_semaphore, #tpu.memory_space<semaphore_mem>>) src(%dma_wait3A_181 : memref<2304xi32, #tpu.memory_space<hbm>>) dst(%arg7 : memref<2304xi32, #tpu.memory_space<vmem>>)
      %dma_wait3A_182 = arith.constant 9216 : i32
      %dma_wait3A_183 = tpu.memref_slice %arg3[%add3A_16, %dma_wait3A_182] : memref<192x36864xf32, #tpu.memory_space<hbm>> -> memref<1x2304xf32, #tpu.memory_space<hbm>>
      %dma_wait3A_184 = tpu.memref_squeeze %dma_wait3A_183 : memref<1x2304xf32, #tpu.memory_space<hbm>> -> memref<2304xf32, #tpu.memory_space<hbm>>
      %dma_wait3A_185 = arith.constant 9216 : i32
      %dma_wait3A_186 = tpu.memref_slice %arg3[%add3A_16, %dma_wait3A_185] : memref<192x36864xf32, #tpu.memory_space<hbm>> -> memref<1x2304xf32, #tpu.memory_space<hbm>>
      %dma_wait3A_187 = tpu.memref_squeeze %dma_wait3A_186 : memref<1x2304xf32, #tpu.memory_space<hbm>> -> memref<2304xf32, #tpu.memory_space<hbm>>
      tpu.wait_dma2 semaphore(%arg15 : memref<!tpu.dma_semaphore, #tpu.memory_space<semaphore_mem>>) src(%dma_wait3A_187 : memref<2304xf32, #tpu.memory_space<hbm>>) dst(%arg11 : memref<2304xf32, #tpu.memory_space<vmem>>)
      %parallel_loop3A_188 = arith.constant 0 : i32
      %parallel_loop3A_189 = arith.constant 144 : i32
      %parallel_loop3A_190 = arith.constant 1 : i32
      scf.for %parallel_loop3A_713 = %parallel_loop3A_188 to %parallel_loop3A_189 step %parallel_loop3A_190  : i32 {
        %parallel_loop3A_714 = arith.constant 16 : i32
        %parallel_loop3A_715 = arith.muli %parallel_loop3A_713, %parallel_loop3A_714 : i32
        %parallel_loop3A_716 = arith.index_cast %parallel_loop3A_715 : i32 to index
        %parallel_loop3A_717 = tpu.vector_load %arg7[%parallel_loop3A_716] {strides = array<i32>} : memref<2304xi32, #tpu.memory_space<vmem>>, vector<16xi32>,
        %parallel_loop3A_718 = arith.index_cast %parallel_loop3A_715 : i32 to index
        %parallel_loop3A_719 = tpu.vector_load %arg11[%parallel_loop3A_718] {strides = array<i32>} : memref<2304xf32, #tpu.memory_space<vmem>>, vector<16xf32>,
        %parallel_loop3A_720 = arith.constant 5 : i32
        %parallel_loop3A_721 = vector.broadcast %parallel_loop3A_720 : i32 to vector<16xi32>
        %parallel_loop3A_722 = arith.shrui %parallel_loop3A_717, %parallel_loop3A_721 : vector<16xi32>
        %parallel_loop3A_723 = arith.sitofp %parallel_loop3A_722 : vector<16xi32> to vector<16xf32>
        %parallel_loop3A_724 = arith.constant 0.333333343 : f32
        %parallel_loop3A_725 = vector.broadcast %parallel_loop3A_724 : f32 to vector<16xf32>
        %parallel_loop3A_726 = arith.mulf %parallel_loop3A_723, %parallel_loop3A_725 : vector<16xf32>
        %parallel_loop3A_727 = arith.fptosi %parallel_loop3A_726 : vector<16xf32> to vector<16xi32>
        %parallel_loop3A_728 = arith.constant 9216 : i32
        %parallel_loop3A_729 = arith.addi %parallel_loop3A_728, %parallel_loop3A_715 : i32
        %parallel_loop3A_730 = arith.index_cast %parallel_loop3A_729 : i32 to index
        %parallel_loop3A_731 = tpu.vector_load %arg6[%parallel_loop3A_730] {strides = array<i32>} : memref<36864xi32, #tpu.memory_space<vmem>>, vector<16xi32>,
        tpu.vector_store %arg6[%parallel_loop3A_730], %parallel_loop3A_727 {strides = array<i32>} : memref<36864xi32, #tpu.memory_space<vmem>>, vector<16xi32>,
        %parallel_loop3A_732 = arith.constant 73728 : i32
        %parallel_loop3A_733 = vector.broadcast %parallel_loop3A_732 : i32 to vector<16xi32>
        %parallel_loop3A_734 = arith.cmpi slt, %parallel_loop3A_727, %parallel_loop3A_733 : vector<16xi32>
        tpu.vector_store_idx %arg5[%parallel_loop3A_727], %parallel_loop3A_719 masked %parallel_loop3A_734 {add = true} : memref<73728xf32, #tpu.memory_space<vmem>>[vector<16xi32>], vector<16xf32>, vector<16xi1>
      } {sc.loop_unroll_factor = 8 : i64, sc.parallel_access}
      %dma_start3A_191 = arith.constant 18432 : i32
      %dma_start3A_192 = tpu.memref_slice %arg3[%add3A_16, %dma_start3A_191] : memref<192x36864xf32, #tpu.memory_space<hbm>> -> memref<1x2304xf32, #tpu.memory_space<hbm>>
      %dma_start3A_193 = tpu.memref_squeeze %dma_start3A_192 : memref<1x2304xf32, #tpu.memory_space<hbm>> -> memref<2304xf32, #tpu.memory_space<hbm>>
      %dma_start3A_194 = arith.constant 18432 : i32
      %dma_start3A_195 = tpu.memref_slice %arg3[%add3A_16, %dma_start3A_194] : memref<192x36864xf32, #tpu.memory_space<hbm>> -> memref<1x2304xf32, #tpu.memory_space<hbm>>
      %dma_start3A_196 = tpu.memref_squeeze %dma_start3A_195 : memref<1x2304xf32, #tpu.memory_space<hbm>> -> memref<2304xf32, #tpu.memory_space<hbm>>
      tpu.enqueue_dma source(%dma_start3A_196 : memref<2304xf32, #tpu.memory_space<hbm>>) target(%arg11 : memref<2304xf32, #tpu.memory_space<vmem>>) target_semaphore(%arg15 : memref<!tpu.dma_semaphore, #tpu.memory_space<semaphore_mem>>)
      %dma_start3A_197 = arith.constant 18432 : i32
      %dma_start3A_198 = tpu.memref_slice %arg2[%add3A_16, %dma_start3A_197] : memref<192x36864xi32, #tpu.memory_space<hbm>> -> memref<1x2304xi32, #tpu.memory_space<hbm>>
      %dma_start3A_199 = tpu.memref_squeeze %dma_start3A_198 : memref<1x2304xi32, #tpu.memory_space<hbm>> -> memref<2304xi32, #tpu.memory_space<hbm>>
      %dma_start3A_200 = arith.constant 18432 : i32
      %dma_start3A_201 = tpu.memref_slice %arg2[%add3A_16, %dma_start3A_200] : memref<192x36864xi32, #tpu.memory_space<hbm>> -> memref<1x2304xi32, #tpu.memory_space<hbm>>
      %dma_start3A_202 = tpu.memref_squeeze %dma_start3A_201 : memref<1x2304xi32, #tpu.memory_space<hbm>> -> memref<2304xi32, #tpu.memory_space<hbm>>
      tpu.enqueue_dma source(%dma_start3A_202 : memref<2304xi32, #tpu.memory_space<hbm>>) target(%arg7 : memref<2304xi32, #tpu.memory_space<vmem>>) target_semaphore(%arg15 : memref<!tpu.dma_semaphore, #tpu.memory_space<semaphore_mem>>)
      %dma_wait3A_203 = arith.constant 11520 : i32
      %dma_wait3A_204 = tpu.memref_slice %arg2[%add3A_16, %dma_wait3A_203] : memref<192x36864xi32, #tpu.memory_space<hbm>> -> memref<1x2304xi32, #tpu.memory_space<hbm>>
      %dma_wait3A_205 = tpu.memref_squeeze %dma_wait3A_204 : memref<1x2304xi32, #tpu.memory_space<hbm>> -> memref<2304xi32, #tpu.memory_space<hbm>>
      %dma_wait3A_206 = arith.constant 11520 : i32
      %dma_wait3A_207 = tpu.memref_slice %arg2[%add3A_16, %dma_wait3A_206] : memref<192x36864xi32, #tpu.memory_space<hbm>> -> memref<1x2304xi32, #tpu.memory_space<hbm>>
      %dma_wait3A_208 = tpu.memref_squeeze %dma_wait3A_207 : memref<1x2304xi32, #tpu.memory_space<hbm>> -> memref<2304xi32, #tpu.memory_space<hbm>>
      tpu.wait_dma2 semaphore(%arg16 : memref<!tpu.dma_semaphore, #tpu.memory_space<semaphore_mem>>) src(%dma_wait3A_208 : memref<2304xi32, #tpu.memory_space<hbm>>) dst(%arg8 : memref<2304xi32, #tpu.memory_space<vmem>>)
      %dma_wait3A_209 = arith.constant 11520 : i32
      %dma_wait3A_210 = tpu.memref_slice %arg3[%add3A_16, %dma_wait3A_209] : memref<192x36864xf32, #tpu.memory_space<hbm>> -> memref<1x2304xf32, #tpu.memory_space<hbm>>
      %dma_wait3A_211 = tpu.memref_squeeze %dma_wait3A_210 : memref<1x2304xf32, #tpu.memory_space<hbm>> -> memref<2304xf32, #tpu.memory_space<hbm>>
      %dma_wait3A_212 = arith.constant 11520 : i32
      %dma_wait3A_213 = tpu.memref_slice %arg3[%add3A_16, %dma_wait3A_212] : memref<192x36864xf32, #tpu.memory_space<hbm>> -> memref<1x2304xf32, #tpu.memory_space<hbm>>
      %dma_wait3A_214 = tpu.memref_squeeze %dma_wait3A_213 : memref<1x2304xf32, #tpu.memory_space<hbm>> -> memref<2304xf32, #tpu.memory_space<hbm>>
      tpu.wait_dma2 semaphore(%arg16 : memref<!tpu.dma_semaphore, #tpu.memory_space<semaphore_mem>>) src(%dma_wait3A_214 : memref<2304xf32, #tpu.memory_space<hbm>>) dst(%arg12 : memref<2304xf32, #tpu.memory_space<vmem>>)
      %parallel_loop3A_215 = arith.constant 0 : i32
      %parallel_loop3A_216 = arith.constant 144 : i32
      %parallel_loop3A_217 = arith.constant 1 : i32
      scf.for %parallel_loop3A_713 = %parallel_loop3A_215 to %parallel_loop3A_216 step %parallel_loop3A_217  : i32 {
        %parallel_loop3A_714 = arith.constant 16 : i32
        %parallel_loop3A_715 = arith.muli %parallel_loop3A_713, %parallel_loop3A_714 : i32
        %parallel_loop3A_716 = arith.index_cast %parallel_loop3A_715 : i32 to index
        %parallel_loop3A_717 = tpu.vector_load %arg8[%parallel_loop3A_716] {strides = array<i32>} : memref<2304xi32, #tpu.memory_space<vmem>>, vector<16xi32>,
        %parallel_loop3A_718 = arith.index_cast %parallel_loop3A_715 : i32 to index
        %parallel_loop3A_719 = tpu.vector_load %arg12[%parallel_loop3A_718] {strides = array<i32>} : memref<2304xf32, #tpu.memory_space<vmem>>, vector<16xf32>,
        %parallel_loop3A_720 = arith.constant 5 : i32
        %parallel_loop3A_721 = vector.broadcast %parallel_loop3A_720 : i32 to vector<16xi32>
        %parallel_loop3A_722 = arith.shrui %parallel_loop3A_717, %parallel_loop3A_721 : vector<16xi32>
        %parallel_loop3A_723 = arith.sitofp %parallel_loop3A_722 : vector<16xi32> to vector<16xf32>
        %parallel_loop3A_724 = arith.constant 0.333333343 : f32
        %parallel_loop3A_725 = vector.broadcast %parallel_loop3A_724 : f32 to vector<16xf32>
        %parallel_loop3A_726 = arith.mulf %parallel_loop3A_723, %parallel_loop3A_725 : vector<16xf32>
        %parallel_loop3A_727 = arith.fptosi %parallel_loop3A_726 : vector<16xf32> to vector<16xi32>
        %parallel_loop3A_728 = arith.constant 11520 : i32
        %parallel_loop3A_729 = arith.addi %parallel_loop3A_728, %parallel_loop3A_715 : i32
        %parallel_loop3A_730 = arith.index_cast %parallel_loop3A_729 : i32 to index
        %parallel_loop3A_731 = tpu.vector_load %arg6[%parallel_loop3A_730] {strides = array<i32>} : memref<36864xi32, #tpu.memory_space<vmem>>, vector<16xi32>,
        tpu.vector_store %arg6[%parallel_loop3A_730], %parallel_loop3A_727 {strides = array<i32>} : memref<36864xi32, #tpu.memory_space<vmem>>, vector<16xi32>,
        %parallel_loop3A_732 = arith.constant 73728 : i32
        %parallel_loop3A_733 = vector.broadcast %parallel_loop3A_732 : i32 to vector<16xi32>
        %parallel_loop3A_734 = arith.cmpi slt, %parallel_loop3A_727, %parallel_loop3A_733 : vector<16xi32>
        tpu.vector_store_idx %arg5[%parallel_loop3A_727], %parallel_loop3A_719 masked %parallel_loop3A_734 {add = true} : memref<73728xf32, #tpu.memory_space<vmem>>[vector<16xi32>], vector<16xf32>, vector<16xi1>
      } {sc.loop_unroll_factor = 8 : i64, sc.parallel_access}
      %dma_start3A_218 = arith.constant 20736 : i32
      %dma_start3A_219 = tpu.memref_slice %arg3[%add3A_16, %dma_start3A_218] : memref<192x36864xf32, #tpu.memory_space<hbm>> -> memref<1x2304xf32, #tpu.memory_space<hbm>>
      %dma_start3A_220 = tpu.memref_squeeze %dma_start3A_219 : memref<1x2304xf32, #tpu.memory_space<hbm>> -> memref<2304xf32, #tpu.memory_space<hbm>>
      %dma_start3A_221 = arith.constant 20736 : i32
      %dma_start3A_222 = tpu.memref_slice %arg3[%add3A_16, %dma_start3A_221] : memref<192x36864xf32, #tpu.memory_space<hbm>> -> memref<1x2304xf32, #tpu.memory_space<hbm>>
      %dma_start3A_223 = tpu.memref_squeeze %dma_start3A_222 : memref<1x2304xf32, #tpu.memory_space<hbm>> -> memref<2304xf32, #tpu.memory_space<hbm>>
      tpu.enqueue_dma source(%dma_start3A_223 : memref<2304xf32, #tpu.memory_space<hbm>>) target(%arg12 : memref<2304xf32, #tpu.memory_space<vmem>>) target_semaphore(%arg16 : memref<!tpu.dma_semaphore, #tpu.memory_space<semaphore_mem>>)
      %dma_start3A_224 = arith.constant 20736 : i32
      %dma_start3A_225 = tpu.memref_slice %arg2[%add3A_16, %dma_start3A_224] : memref<192x36864xi32, #tpu.memory_space<hbm>> -> memref<1x2304xi32, #tpu.memory_space<hbm>>
      %dma_start3A_226 = tpu.memref_squeeze %dma_start3A_225 : memref<1x2304xi32, #tpu.memory_space<hbm>> -> memref<2304xi32, #tpu.memory_space<hbm>>
      %dma_start3A_227 = arith.constant 20736 : i32
      %dma_start3A_228 = tpu.memref_slice %arg2[%add3A_16, %dma_start3A_227] : memref<192x36864xi32, #tpu.memory_space<hbm>> -> memref<1x2304xi32, #tpu.memory_space<hbm>>
      %dma_start3A_229 = tpu.memref_squeeze %dma_start3A_228 : memref<1x2304xi32, #tpu.memory_space<hbm>> -> memref<2304xi32, #tpu.memory_space<hbm>>
      tpu.enqueue_dma source(%dma_start3A_229 : memref<2304xi32, #tpu.memory_space<hbm>>) target(%arg8 : memref<2304xi32, #tpu.memory_space<vmem>>) target_semaphore(%arg16 : memref<!tpu.dma_semaphore, #tpu.memory_space<semaphore_mem>>)
      %dma_wait3A_230 = arith.constant 13824 : i32
      %dma_wait3A_231 = tpu.memref_slice %arg2[%add3A_16, %dma_wait3A_230] : memref<192x36864xi32, #tpu.memory_space<hbm>> -> memref<1x2304xi32, #tpu.memory_space<hbm>>
      %dma_wait3A_232 = tpu.memref_squeeze %dma_wait3A_231 : memref<1x2304xi32, #tpu.memory_space<hbm>> -> memref<2304xi32, #tpu.memory_space<hbm>>
      %dma_wait3A_233 = arith.constant 13824 : i32
      %dma_wait3A_234 = tpu.memref_slice %arg2[%add3A_16, %dma_wait3A_233] : memref<192x36864xi32, #tpu.memory_space<hbm>> -> memref<1x2304xi32, #tpu.memory_space<hbm>>
      %dma_wait3A_235 = tpu.memref_squeeze %dma_wait3A_234 : memref<1x2304xi32, #tpu.memory_space<hbm>> -> memref<2304xi32, #tpu.memory_space<hbm>>
      tpu.wait_dma2 semaphore(%arg17 : memref<!tpu.dma_semaphore, #tpu.memory_space<semaphore_mem>>) src(%dma_wait3A_235 : memref<2304xi32, #tpu.memory_space<hbm>>) dst(%arg9 : memref<2304xi32, #tpu.memory_space<vmem>>)
      %dma_wait3A_236 = arith.constant 13824 : i32
      %dma_wait3A_237 = tpu.memref_slice %arg3[%add3A_16, %dma_wait3A_236] : memref<192x36864xf32, #tpu.memory_space<hbm>> -> memref<1x2304xf32, #tpu.memory_space<hbm>>
      %dma_wait3A_238 = tpu.memref_squeeze %dma_wait3A_237 : memref<1x2304xf32, #tpu.memory_space<hbm>> -> memref<2304xf32, #tpu.memory_space<hbm>>
      %dma_wait3A_239 = arith.constant 13824 : i32
      %dma_wait3A_240 = tpu.memref_slice %arg3[%add3A_16, %dma_wait3A_239] : memref<192x36864xf32, #tpu.memory_space<hbm>> -> memref<1x2304xf32, #tpu.memory_space<hbm>>
      %dma_wait3A_241 = tpu.memref_squeeze %dma_wait3A_240 : memref<1x2304xf32, #tpu.memory_space<hbm>> -> memref<2304xf32, #tpu.memory_space<hbm>>
      tpu.wait_dma2 semaphore(%arg17 : memref<!tpu.dma_semaphore, #tpu.memory_space<semaphore_mem>>) src(%dma_wait3A_241 : memref<2304xf32, #tpu.memory_space<hbm>>) dst(%arg13 : memref<2304xf32, #tpu.memory_space<vmem>>)
      %parallel_loop3A_242 = arith.constant 0 : i32
      %parallel_loop3A_243 = arith.constant 144 : i32
      %parallel_loop3A_244 = arith.constant 1 : i32
      scf.for %parallel_loop3A_713 = %parallel_loop3A_242 to %parallel_loop3A_243 step %parallel_loop3A_244  : i32 {
        %parallel_loop3A_714 = arith.constant 16 : i32
        %parallel_loop3A_715 = arith.muli %parallel_loop3A_713, %parallel_loop3A_714 : i32
        %parallel_loop3A_716 = arith.index_cast %parallel_loop3A_715 : i32 to index
        %parallel_loop3A_717 = tpu.vector_load %arg9[%parallel_loop3A_716] {strides = array<i32>} : memref<2304xi32, #tpu.memory_space<vmem>>, vector<16xi32>,
        %parallel_loop3A_718 = arith.index_cast %parallel_loop3A_715 : i32 to index
        %parallel_loop3A_719 = tpu.vector_load %arg13[%parallel_loop3A_718] {strides = array<i32>} : memref<2304xf32, #tpu.memory_space<vmem>>, vector<16xf32>,
        %parallel_loop3A_720 = arith.constant 5 : i32
        %parallel_loop3A_721 = vector.broadcast %parallel_loop3A_720 : i32 to vector<16xi32>
        %parallel_loop3A_722 = arith.shrui %parallel_loop3A_717, %parallel_loop3A_721 : vector<16xi32>
        %parallel_loop3A_723 = arith.sitofp %parallel_loop3A_722 : vector<16xi32> to vector<16xf32>
        %parallel_loop3A_724 = arith.constant 0.333333343 : f32
        %parallel_loop3A_725 = vector.broadcast %parallel_loop3A_724 : f32 to vector<16xf32>
        %parallel_loop3A_726 = arith.mulf %parallel_loop3A_723, %parallel_loop3A_725 : vector<16xf32>
        %parallel_loop3A_727 = arith.fptosi %parallel_loop3A_726 : vector<16xf32> to vector<16xi32>
        %parallel_loop3A_728 = arith.constant 13824 : i32
        %parallel_loop3A_729 = arith.addi %parallel_loop3A_728, %parallel_loop3A_715 : i32
        %parallel_loop3A_730 = arith.index_cast %parallel_loop3A_729 : i32 to index
        %parallel_loop3A_731 = tpu.vector_load %arg6[%parallel_loop3A_730] {strides = array<i32>} : memref<36864xi32, #tpu.memory_space<vmem>>, vector<16xi32>,
        tpu.vector_store %arg6[%parallel_loop3A_730], %parallel_loop3A_727 {strides = array<i32>} : memref<36864xi32, #tpu.memory_space<vmem>>, vector<16xi32>,
        %parallel_loop3A_732 = arith.constant 73728 : i32
        %parallel_loop3A_733 = vector.broadcast %parallel_loop3A_732 : i32 to vector<16xi32>
        %parallel_loop3A_734 = arith.cmpi slt, %parallel_loop3A_727, %parallel_loop3A_733 : vector<16xi32>
        tpu.vector_store_idx %arg5[%parallel_loop3A_727], %parallel_loop3A_719 masked %parallel_loop3A_734 {add = true} : memref<73728xf32, #tpu.memory_space<vmem>>[vector<16xi32>], vector<16xf32>, vector<16xi1>
      } {sc.loop_unroll_factor = 8 : i64, sc.parallel_access}
      %dma_start3A_245 = arith.constant 23040 : i32
      %dma_start3A_246 = tpu.memref_slice %arg3[%add3A_16, %dma_start3A_245] : memref<192x36864xf32, #tpu.memory_space<hbm>> -> memref<1x2304xf32, #tpu.memory_space<hbm>>
      %dma_start3A_247 = tpu.memref_squeeze %dma_start3A_246 : memref<1x2304xf32, #tpu.memory_space<hbm>> -> memref<2304xf32, #tpu.memory_space<hbm>>
      %dma_start3A_248 = arith.constant 23040 : i32
      %dma_start3A_249 = tpu.memref_slice %arg3[%add3A_16, %dma_start3A_248] : memref<192x36864xf32, #tpu.memory_space<hbm>> -> memref<1x2304xf32, #tpu.memory_space<hbm>>
      %dma_start3A_250 = tpu.memref_squeeze %dma_start3A_249 : memref<1x2304xf32, #tpu.memory_space<hbm>> -> memref<2304xf32, #tpu.memory_space<hbm>>
      tpu.enqueue_dma source(%dma_start3A_250 : memref<2304xf32, #tpu.memory_space<hbm>>) target(%arg13 : memref<2304xf32, #tpu.memory_space<vmem>>) target_semaphore(%arg17 : memref<!tpu.dma_semaphore, #tpu.memory_space<semaphore_mem>>)
      %dma_start3A_251 = arith.constant 23040 : i32
      %dma_start3A_252 = tpu.memref_slice %arg2[%add3A_16, %dma_start3A_251] : memref<192x36864xi32, #tpu.memory_space<hbm>> -> memref<1x2304xi32, #tpu.memory_space<hbm>>
      %dma_start3A_253 = tpu.memref_squeeze %dma_start3A_252 : memref<1x2304xi32, #tpu.memory_space<hbm>> -> memref<2304xi32, #tpu.memory_space<hbm>>
      %dma_start3A_254 = arith.constant 23040 : i32
      %dma_start3A_255 = tpu.memref_slice %arg2[%add3A_16, %dma_start3A_254] : memref<192x36864xi32, #tpu.memory_space<hbm>> -> memref<1x2304xi32, #tpu.memory_space<hbm>>
      %dma_start3A_256 = tpu.memref_squeeze %dma_start3A_255 : memref<1x2304xi32, #tpu.memory_space<hbm>> -> memref<2304xi32, #tpu.memory_space<hbm>>
      tpu.enqueue_dma source(%dma_start3A_256 : memref<2304xi32, #tpu.memory_space<hbm>>) target(%arg9 : memref<2304xi32, #tpu.memory_space<vmem>>) target_semaphore(%arg17 : memref<!tpu.dma_semaphore, #tpu.memory_space<semaphore_mem>>)
      %dma_wait3A_257 = arith.constant 16128 : i32
      %dma_wait3A_258 = tpu.memref_slice %arg2[%add3A_16, %dma_wait3A_257] : memref<192x36864xi32, #tpu.memory_space<hbm>> -> memref<1x2304xi32, #tpu.memory_space<hbm>>
      %dma_wait3A_259 = tpu.memref_squeeze %dma_wait3A_258 : memref<1x2304xi32, #tpu.memory_space<hbm>> -> memref<2304xi32, #tpu.memory_space<hbm>>
      %dma_wait3A_260 = arith.constant 16128 : i32
      %dma_wait3A_261 = tpu.memref_slice %arg2[%add3A_16, %dma_wait3A_260] : memref<192x36864xi32, #tpu.memory_space<hbm>> -> memref<1x2304xi32, #tpu.memory_space<hbm>>
      %dma_wait3A_262 = tpu.memref_squeeze %dma_wait3A_261 : memref<1x2304xi32, #tpu.memory_space<hbm>> -> memref<2304xi32, #tpu.memory_space<hbm>>
      tpu.wait_dma2 semaphore(%arg18 : memref<!tpu.dma_semaphore, #tpu.memory_space<semaphore_mem>>) src(%dma_wait3A_262 : memref<2304xi32, #tpu.memory_space<hbm>>) dst(%arg10 : memref<2304xi32, #tpu.memory_space<vmem>>)
      %dma_wait3A_263 = arith.constant 16128 : i32
      %dma_wait3A_264 = tpu.memref_slice %arg3[%add3A_16, %dma_wait3A_263] : memref<192x36864xf32, #tpu.memory_space<hbm>> -> memref<1x2304xf32, #tpu.memory_space<hbm>>
      %dma_wait3A_265 = tpu.memref_squeeze %dma_wait3A_264 : memref<1x2304xf32, #tpu.memory_space<hbm>> -> memref<2304xf32, #tpu.memory_space<hbm>>
      %dma_wait3A_266 = arith.constant 16128 : i32
      %dma_wait3A_267 = tpu.memref_slice %arg3[%add3A_16, %dma_wait3A_266] : memref<192x36864xf32, #tpu.memory_space<hbm>> -> memref<1x2304xf32, #tpu.memory_space<hbm>>
      %dma_wait3A_268 = tpu.memref_squeeze %dma_wait3A_267 : memref<1x2304xf32, #tpu.memory_space<hbm>> -> memref<2304xf32, #tpu.memory_space<hbm>>
      tpu.wait_dma2 semaphore(%arg18 : memref<!tpu.dma_semaphore, #tpu.memory_space<semaphore_mem>>) src(%dma_wait3A_268 : memref<2304xf32, #tpu.memory_space<hbm>>) dst(%arg14 : memref<2304xf32, #tpu.memory_space<vmem>>)
      %parallel_loop3A_269 = arith.constant 0 : i32
      %parallel_loop3A_270 = arith.constant 144 : i32
      %parallel_loop3A_271 = arith.constant 1 : i32
      scf.for %parallel_loop3A_713 = %parallel_loop3A_269 to %parallel_loop3A_270 step %parallel_loop3A_271  : i32 {
        %parallel_loop3A_714 = arith.constant 16 : i32
        %parallel_loop3A_715 = arith.muli %parallel_loop3A_713, %parallel_loop3A_714 : i32
        %parallel_loop3A_716 = arith.index_cast %parallel_loop3A_715 : i32 to index
        %parallel_loop3A_717 = tpu.vector_load %arg10[%parallel_loop3A_716] {strides = array<i32>} : memref<2304xi32, #tpu.memory_space<vmem>>, vector<16xi32>,
        %parallel_loop3A_718 = arith.index_cast %parallel_loop3A_715 : i32 to index
        %parallel_loop3A_719 = tpu.vector_load %arg14[%parallel_loop3A_718] {strides = array<i32>} : memref<2304xf32, #tpu.memory_space<vmem>>, vector<16xf32>,
        %parallel_loop3A_720 = arith.constant 5 : i32
        %parallel_loop3A_721 = vector.broadcast %parallel_loop3A_720 : i32 to vector<16xi32>
        %parallel_loop3A_722 = arith.shrui %parallel_loop3A_717, %parallel_loop3A_721 : vector<16xi32>
        %parallel_loop3A_723 = arith.sitofp %parallel_loop3A_722 : vector<16xi32> to vector<16xf32>
        %parallel_loop3A_724 = arith.constant 0.333333343 : f32
        %parallel_loop3A_725 = vector.broadcast %parallel_loop3A_724 : f32 to vector<16xf32>
        %parallel_loop3A_726 = arith.mulf %parallel_loop3A_723, %parallel_loop3A_725 : vector<16xf32>
        %parallel_loop3A_727 = arith.fptosi %parallel_loop3A_726 : vector<16xf32> to vector<16xi32>
        %parallel_loop3A_728 = arith.constant 16128 : i32
        %parallel_loop3A_729 = arith.addi %parallel_loop3A_728, %parallel_loop3A_715 : i32
        %parallel_loop3A_730 = arith.index_cast %parallel_loop3A_729 : i32 to index
        %parallel_loop3A_731 = tpu.vector_load %arg6[%parallel_loop3A_730] {strides = array<i32>} : memref<36864xi32, #tpu.memory_space<vmem>>, vector<16xi32>,
        tpu.vector_store %arg6[%parallel_loop3A_730], %parallel_loop3A_727 {strides = array<i32>} : memref<36864xi32, #tpu.memory_space<vmem>>, vector<16xi32>,
        %parallel_loop3A_732 = arith.constant 73728 : i32
        %parallel_loop3A_733 = vector.broadcast %parallel_loop3A_732 : i32 to vector<16xi32>
        %parallel_loop3A_734 = arith.cmpi slt, %parallel_loop3A_727, %parallel_loop3A_733 : vector<16xi32>
        tpu.vector_store_idx %arg5[%parallel_loop3A_727], %parallel_loop3A_719 masked %parallel_loop3A_734 {add = true} : memref<73728xf32, #tpu.memory_space<vmem>>[vector<16xi32>], vector<16xf32>, vector<16xi1>
      } {sc.loop_unroll_factor = 8 : i64, sc.parallel_access}
      %dma_start3A_272 = arith.constant 25344 : i32
      %dma_start3A_273 = tpu.memref_slice %arg3[%add3A_16, %dma_start3A_272] : memref<192x36864xf32, #tpu.memory_space<hbm>> -> memref<1x2304xf32, #tpu.memory_space<hbm>>
      %dma_start3A_274 = tpu.memref_squeeze %dma_start3A_273 : memref<1x2304xf32, #tpu.memory_space<hbm>> -> memref<2304xf32, #tpu.memory_space<hbm>>
      %dma_start3A_275 = arith.constant 25344 : i32
      %dma_start3A_276 = tpu.memref_slice %arg3[%add3A_16, %dma_start3A_275] : memref<192x36864xf32, #tpu.memory_space<hbm>> -> memref<1x2304xf32, #tpu.memory_space<hbm>>
      %dma_start3A_277 = tpu.memref_squeeze %dma_start3A_276 : memref<1x2304xf32, #tpu.memory_space<hbm>> -> memref<2304xf32, #tpu.memory_space<hbm>>
      tpu.enqueue_dma source(%dma_start3A_277 : memref<2304xf32, #tpu.memory_space<hbm>>) target(%arg14 : memref<2304xf32, #tpu.memory_space<vmem>>) target_semaphore(%arg18 : memref<!tpu.dma_semaphore, #tpu.memory_space<semaphore_mem>>)
      %dma_start3A_278 = arith.constant 25344 : i32
      %dma_start3A_279 = tpu.memref_slice %arg2[%add3A_16, %dma_start3A_278] : memref<192x36864xi32, #tpu.memory_space<hbm>> -> memref<1x2304xi32, #tpu.memory_space<hbm>>
      %dma_start3A_280 = tpu.memref_squeeze %dma_start3A_279 : memref<1x2304xi32, #tpu.memory_space<hbm>> -> memref<2304xi32, #tpu.memory_space<hbm>>
      %dma_start3A_281 = arith.constant 25344 : i32
      %dma_start3A_282 = tpu.memref_slice %arg2[%add3A_16, %dma_start3A_281] : memref<192x36864xi32, #tpu.memory_space<hbm>> -> memref<1x2304xi32, #tpu.memory_space<hbm>>
      %dma_start3A_283 = tpu.memref_squeeze %dma_start3A_282 : memref<1x2304xi32, #tpu.memory_space<hbm>> -> memref<2304xi32, #tpu.memory_space<hbm>>
      tpu.enqueue_dma source(%dma_start3A_283 : memref<2304xi32, #tpu.memory_space<hbm>>) target(%arg10 : memref<2304xi32, #tpu.memory_space<vmem>>) target_semaphore(%arg18 : memref<!tpu.dma_semaphore, #tpu.memory_space<semaphore_mem>>)
      %dma_wait3A_284 = arith.constant 18432 : i32
      %dma_wait3A_285 = tpu.memref_slice %arg2[%add3A_16, %dma_wait3A_284] : memref<192x36864xi32, #tpu.memory_space<hbm>> -> memref<1x2304xi32, #tpu.memory_space<hbm>>
      %dma_wait3A_286 = tpu.memref_squeeze %dma_wait3A_285 : memref<1x2304xi32, #tpu.memory_space<hbm>> -> memref<2304xi32, #tpu.memory_space<hbm>>
      %dma_wait3A_287 = arith.constant 18432 : i32
      %dma_wait3A_288 = tpu.memref_slice %arg2[%add3A_16, %dma_wait3A_287] : memref<192x36864xi32, #tpu.memory_space<hbm>> -> memref<1x2304xi32, #tpu.memory_space<hbm>>
      %dma_wait3A_289 = tpu.memref_squeeze %dma_wait3A_288 : memref<1x2304xi32, #tpu.memory_space<hbm>> -> memref<2304xi32, #tpu.memory_space<hbm>>
      tpu.wait_dma2 semaphore(%arg15 : memref<!tpu.dma_semaphore, #tpu.memory_space<semaphore_mem>>) src(%dma_wait3A_289 : memref<2304xi32, #tpu.memory_space<hbm>>) dst(%arg7 : memref<2304xi32, #tpu.memory_space<vmem>>)
      %dma_wait3A_290 = arith.constant 18432 : i32
      %dma_wait3A_291 = tpu.memref_slice %arg3[%add3A_16, %dma_wait3A_290] : memref<192x36864xf32, #tpu.memory_space<hbm>> -> memref<1x2304xf32, #tpu.memory_space<hbm>>
      %dma_wait3A_292 = tpu.memref_squeeze %dma_wait3A_291 : memref<1x2304xf32, #tpu.memory_space<hbm>> -> memref<2304xf32, #tpu.memory_space<hbm>>
      %dma_wait3A_293 = arith.constant 18432 : i32
      %dma_wait3A_294 = tpu.memref_slice %arg3[%add3A_16, %dma_wait3A_293] : memref<192x36864xf32, #tpu.memory_space<hbm>> -> memref<1x2304xf32, #tpu.memory_space<hbm>>
      %dma_wait3A_295 = tpu.memref_squeeze %dma_wait3A_294 : memref<1x2304xf32, #tpu.memory_space<hbm>> -> memref<2304xf32, #tpu.memory_space<hbm>>
      tpu.wait_dma2 semaphore(%arg15 : memref<!tpu.dma_semaphore, #tpu.memory_space<semaphore_mem>>) src(%dma_wait3A_295 : memref<2304xf32, #tpu.memory_space<hbm>>) dst(%arg11 : memref<2304xf32, #tpu.memory_space<vmem>>)
      %parallel_loop3A_296 = arith.constant 0 : i32
      %parallel_loop3A_297 = arith.constant 144 : i32
      %parallel_loop3A_298 = arith.constant 1 : i32
      scf.for %parallel_loop3A_713 = %parallel_loop3A_296 to %parallel_loop3A_297 step %parallel_loop3A_298  : i32 {
        %parallel_loop3A_714 = arith.constant 16 : i32
        %parallel_loop3A_715 = arith.muli %parallel_loop3A_713, %parallel_loop3A_714 : i32
        %parallel_loop3A_716 = arith.index_cast %parallel_loop3A_715 : i32 to index
        %parallel_loop3A_717 = tpu.vector_load %arg7[%parallel_loop3A_716] {strides = array<i32>} : memref<2304xi32, #tpu.memory_space<vmem>>, vector<16xi32>,
        %parallel_loop3A_718 = arith.index_cast %parallel_loop3A_715 : i32 to index
        %parallel_loop3A_719 = tpu.vector_load %arg11[%parallel_loop3A_718] {strides = array<i32>} : memref<2304xf32, #tpu.memory_space<vmem>>, vector<16xf32>,
        %parallel_loop3A_720 = arith.constant 5 : i32
        %parallel_loop3A_721 = vector.broadcast %parallel_loop3A_720 : i32 to vector<16xi32>
        %parallel_loop3A_722 = arith.shrui %parallel_loop3A_717, %parallel_loop3A_721 : vector<16xi32>
        %parallel_loop3A_723 = arith.sitofp %parallel_loop3A_722 : vector<16xi32> to vector<16xf32>
        %parallel_loop3A_724 = arith.constant 0.333333343 : f32
        %parallel_loop3A_725 = vector.broadcast %parallel_loop3A_724 : f32 to vector<16xf32>
        %parallel_loop3A_726 = arith.mulf %parallel_loop3A_723, %parallel_loop3A_725 : vector<16xf32>
        %parallel_loop3A_727 = arith.fptosi %parallel_loop3A_726 : vector<16xf32> to vector<16xi32>
        %parallel_loop3A_728 = arith.constant 18432 : i32
        %parallel_loop3A_729 = arith.addi %parallel_loop3A_728, %parallel_loop3A_715 : i32
        %parallel_loop3A_730 = arith.index_cast %parallel_loop3A_729 : i32 to index
        %parallel_loop3A_731 = tpu.vector_load %arg6[%parallel_loop3A_730] {strides = array<i32>} : memref<36864xi32, #tpu.memory_space<vmem>>, vector<16xi32>,
        tpu.vector_store %arg6[%parallel_loop3A_730], %parallel_loop3A_727 {strides = array<i32>} : memref<36864xi32, #tpu.memory_space<vmem>>, vector<16xi32>,
        %parallel_loop3A_732 = arith.constant 73728 : i32
        %parallel_loop3A_733 = vector.broadcast %parallel_loop3A_732 : i32 to vector<16xi32>
        %parallel_loop3A_734 = arith.cmpi slt, %parallel_loop3A_727, %parallel_loop3A_733 : vector<16xi32>
        tpu.vector_store_idx %arg5[%parallel_loop3A_727], %parallel_loop3A_719 masked %parallel_loop3A_734 {add = true} : memref<73728xf32, #tpu.memory_space<vmem>>[vector<16xi32>], vector<16xf32>, vector<16xi1>
      } {sc.loop_unroll_factor = 8 : i64, sc.parallel_access}
      %dma_start3A_299 = arith.constant 27648 : i32
      %dma_start3A_300 = tpu.memref_slice %arg3[%add3A_16, %dma_start3A_299] : memref<192x36864xf32, #tpu.memory_space<hbm>> -> memref<1x2304xf32, #tpu.memory_space<hbm>>
      %dma_start3A_301 = tpu.memref_squeeze %dma_start3A_300 : memref<1x2304xf32, #tpu.memory_space<hbm>> -> memref<2304xf32, #tpu.memory_space<hbm>>
      %dma_start3A_302 = arith.constant 27648 : i32
      %dma_start3A_303 = tpu.memref_slice %arg3[%add3A_16, %dma_start3A_302] : memref<192x36864xf32, #tpu.memory_space<hbm>> -> memref<1x2304xf32, #tpu.memory_space<hbm>>
      %dma_start3A_304 = tpu.memref_squeeze %dma_start3A_303 : memref<1x2304xf32, #tpu.memory_space<hbm>> -> memref<2304xf32, #tpu.memory_space<hbm>>
      tpu.enqueue_dma source(%dma_start3A_304 : memref<2304xf32, #tpu.memory_space<hbm>>) target(%arg11 : memref<2304xf32, #tpu.memory_space<vmem>>) target_semaphore(%arg15 : memref<!tpu.dma_semaphore, #tpu.memory_space<semaphore_mem>>)
      %dma_start3A_305 = arith.constant 27648 : i32
      %dma_start3A_306 = tpu.memref_slice %arg2[%add3A_16, %dma_start3A_305] : memref<192x36864xi32, #tpu.memory_space<hbm>> -> memref<1x2304xi32, #tpu.memory_space<hbm>>
      %dma_start3A_307 = tpu.memref_squeeze %dma_start3A_306 : memref<1x2304xi32, #tpu.memory_space<hbm>> -> memref<2304xi32, #tpu.memory_space<hbm>>
      %dma_start3A_308 = arith.constant 27648 : i32
      %dma_start3A_309 = tpu.memref_slice %arg2[%add3A_16, %dma_start3A_308] : memref<192x36864xi32, #tpu.memory_space<hbm>> -> memref<1x2304xi32, #tpu.memory_space<hbm>>
      %dma_start3A_310 = tpu.memref_squeeze %dma_start3A_309 : memref<1x2304xi32, #tpu.memory_space<hbm>> -> memref<2304xi32, #tpu.memory_space<hbm>>
      tpu.enqueue_dma source(%dma_start3A_310 : memref<2304xi32, #tpu.memory_space<hbm>>) target(%arg7 : memref<2304xi32, #tpu.memory_space<vmem>>) target_semaphore(%arg15 : memref<!tpu.dma_semaphore, #tpu.memory_space<semaphore_mem>>)
      %dma_wait3A_311 = arith.constant 20736 : i32
      %dma_wait3A_312 = tpu.memref_slice %arg2[%add3A_16, %dma_wait3A_311] : memref<192x36864xi32, #tpu.memory_space<hbm>> -> memref<1x2304xi32, #tpu.memory_space<hbm>>
      %dma_wait3A_313 = tpu.memref_squeeze %dma_wait3A_312 : memref<1x2304xi32, #tpu.memory_space<hbm>> -> memref<2304xi32, #tpu.memory_space<hbm>>
      %dma_wait3A_314 = arith.constant 20736 : i32
      %dma_wait3A_315 = tpu.memref_slice %arg2[%add3A_16, %dma_wait3A_314] : memref<192x36864xi32, #tpu.memory_space<hbm>> -> memref<1x2304xi32, #tpu.memory_space<hbm>>
      %dma_wait3A_316 = tpu.memref_squeeze %dma_wait3A_315 : memref<1x2304xi32, #tpu.memory_space<hbm>> -> memref<2304xi32, #tpu.memory_space<hbm>>
      tpu.wait_dma2 semaphore(%arg16 : memref<!tpu.dma_semaphore, #tpu.memory_space<semaphore_mem>>) src(%dma_wait3A_316 : memref<2304xi32, #tpu.memory_space<hbm>>) dst(%arg8 : memref<2304xi32, #tpu.memory_space<vmem>>)
      %dma_wait3A_317 = arith.constant 20736 : i32
      %dma_wait3A_318 = tpu.memref_slice %arg3[%add3A_16, %dma_wait3A_317] : memref<192x36864xf32, #tpu.memory_space<hbm>> -> memref<1x2304xf32, #tpu.memory_space<hbm>>
      %dma_wait3A_319 = tpu.memref_squeeze %dma_wait3A_318 : memref<1x2304xf32, #tpu.memory_space<hbm>> -> memref<2304xf32, #tpu.memory_space<hbm>>
      %dma_wait3A_320 = arith.constant 20736 : i32
      %dma_wait3A_321 = tpu.memref_slice %arg3[%add3A_16, %dma_wait3A_320] : memref<192x36864xf32, #tpu.memory_space<hbm>> -> memref<1x2304xf32, #tpu.memory_space<hbm>>
      %dma_wait3A_322 = tpu.memref_squeeze %dma_wait3A_321 : memref<1x2304xf32, #tpu.memory_space<hbm>> -> memref<2304xf32, #tpu.memory_space<hbm>>
      tpu.wait_dma2 semaphore(%arg16 : memref<!tpu.dma_semaphore, #tpu.memory_space<semaphore_mem>>) src(%dma_wait3A_322 : memref<2304xf32, #tpu.memory_space<hbm>>) dst(%arg12 : memref<2304xf32, #tpu.memory_space<vmem>>)
      %parallel_loop3A_323 = arith.constant 0 : i32
      %parallel_loop3A_324 = arith.constant 144 : i32
      %parallel_loop3A_325 = arith.constant 1 : i32
      scf.for %parallel_loop3A_713 = %parallel_loop3A_323 to %parallel_loop3A_324 step %parallel_loop3A_325  : i32 {
        %parallel_loop3A_714 = arith.constant 16 : i32
        %parallel_loop3A_715 = arith.muli %parallel_loop3A_713, %parallel_loop3A_714 : i32
        %parallel_loop3A_716 = arith.index_cast %parallel_loop3A_715 : i32 to index
        %parallel_loop3A_717 = tpu.vector_load %arg8[%parallel_loop3A_716] {strides = array<i32>} : memref<2304xi32, #tpu.memory_space<vmem>>, vector<16xi32>,
        %parallel_loop3A_718 = arith.index_cast %parallel_loop3A_715 : i32 to index
        %parallel_loop3A_719 = tpu.vector_load %arg12[%parallel_loop3A_718] {strides = array<i32>} : memref<2304xf32, #tpu.memory_space<vmem>>, vector<16xf32>,
        %parallel_loop3A_720 = arith.constant 5 : i32
        %parallel_loop3A_721 = vector.broadcast %parallel_loop3A_720 : i32 to vector<16xi32>
        %parallel_loop3A_722 = arith.shrui %parallel_loop3A_717, %parallel_loop3A_721 : vector<16xi32>
        %parallel_loop3A_723 = arith.sitofp %parallel_loop3A_722 : vector<16xi32> to vector<16xf32>
        %parallel_loop3A_724 = arith.constant 0.333333343 : f32
        %parallel_loop3A_725 = vector.broadcast %parallel_loop3A_724 : f32 to vector<16xf32>
        %parallel_loop3A_726 = arith.mulf %parallel_loop3A_723, %parallel_loop3A_725 : vector<16xf32>
        %parallel_loop3A_727 = arith.fptosi %parallel_loop3A_726 : vector<16xf32> to vector<16xi32>
        %parallel_loop3A_728 = arith.constant 20736 : i32
        %parallel_loop3A_729 = arith.addi %parallel_loop3A_728, %parallel_loop3A_715 : i32
        %parallel_loop3A_730 = arith.index_cast %parallel_loop3A_729 : i32 to index
        %parallel_loop3A_731 = tpu.vector_load %arg6[%parallel_loop3A_730] {strides = array<i32>} : memref<36864xi32, #tpu.memory_space<vmem>>, vector<16xi32>,
        tpu.vector_store %arg6[%parallel_loop3A_730], %parallel_loop3A_727 {strides = array<i32>} : memref<36864xi32, #tpu.memory_space<vmem>>, vector<16xi32>,
        %parallel_loop3A_732 = arith.constant 73728 : i32
        %parallel_loop3A_733 = vector.broadcast %parallel_loop3A_732 : i32 to vector<16xi32>
        %parallel_loop3A_734 = arith.cmpi slt, %parallel_loop3A_727, %parallel_loop3A_733 : vector<16xi32>
        tpu.vector_store_idx %arg5[%parallel_loop3A_727], %parallel_loop3A_719 masked %parallel_loop3A_734 {add = true} : memref<73728xf32, #tpu.memory_space<vmem>>[vector<16xi32>], vector<16xf32>, vector<16xi1>
      } {sc.loop_unroll_factor = 8 : i64, sc.parallel_access}
      %dma_start3A_326 = arith.constant 29952 : i32
      %dma_start3A_327 = tpu.memref_slice %arg3[%add3A_16, %dma_start3A_326] : memref<192x36864xf32, #tpu.memory_space<hbm>> -> memref<1x2304xf32, #tpu.memory_space<hbm>>
      %dma_start3A_328 = tpu.memref_squeeze %dma_start3A_327 : memref<1x2304xf32, #tpu.memory_space<hbm>> -> memref<2304xf32, #tpu.memory_space<hbm>>
      %dma_start3A_329 = arith.constant 29952 : i32
      %dma_start3A_330 = tpu.memref_slice %arg3[%add3A_16, %dma_start3A_329] : memref<192x36864xf32, #tpu.memory_space<hbm>> -> memref<1x2304xf32, #tpu.memory_space<hbm>>
      %dma_start3A_331 = tpu.memref_squeeze %dma_start3A_330 : memref<1x2304xf32, #tpu.memory_space<hbm>> -> memref<2304xf32, #tpu.memory_space<hbm>>
      tpu.enqueue_dma source(%dma_start3A_331 : memref<2304xf32, #tpu.memory_space<hbm>>) target(%arg12 : memref<2304xf32, #tpu.memory_space<vmem>>) target_semaphore(%arg16 : memref<!tpu.dma_semaphore, #tpu.memory_space<semaphore_mem>>)
      %dma_start3A_332 = arith.constant 29952 : i32
      %dma_start3A_333 = tpu.memref_slice %arg2[%add3A_16, %dma_start3A_332] : memref<192x36864xi32, #tpu.memory_space<hbm>> -> memref<1x2304xi32, #tpu.memory_space<hbm>>
      %dma_start3A_334 = tpu.memref_squeeze %dma_start3A_333 : memref<1x2304xi32, #tpu.memory_space<hbm>> -> memref<2304xi32, #tpu.memory_space<hbm>>
      %dma_start3A_335 = arith.constant 29952 : i32
      %dma_start3A_336 = tpu.memref_slice %arg2[%add3A_16, %dma_start3A_335] : memref<192x36864xi32, #tpu.memory_space<hbm>> -> memref<1x2304xi32, #tpu.memory_space<hbm>>
      %dma_start3A_337 = tpu.memref_squeeze %dma_start3A_336 : memref<1x2304xi32, #tpu.memory_space<hbm>> -> memref<2304xi32, #tpu.memory_space<hbm>>
      tpu.enqueue_dma source(%dma_start3A_337 : memref<2304xi32, #tpu.memory_space<hbm>>) target(%arg8 : memref<2304xi32, #tpu.memory_space<vmem>>) target_semaphore(%arg16 : memref<!tpu.dma_semaphore, #tpu.memory_space<semaphore_mem>>)
      %dma_wait3A_338 = arith.constant 23040 : i32
      %dma_wait3A_339 = tpu.memref_slice %arg2[%add3A_16, %dma_wait3A_338] : memref<192x36864xi32, #tpu.memory_space<hbm>> -> memref<1x2304xi32, #tpu.memory_space<hbm>>
      %dma_wait3A_340 = tpu.memref_squeeze %dma_wait3A_339 : memref<1x2304xi32, #tpu.memory_space<hbm>> -> memref<2304xi32, #tpu.memory_space<hbm>>
      %dma_wait3A_341 = arith.constant 23040 : i32
      %dma_wait3A_342 = tpu.memref_slice %arg2[%add3A_16, %dma_wait3A_341] : memref<192x36864xi32, #tpu.memory_space<hbm>> -> memref<1x2304xi32, #tpu.memory_space<hbm>>
      %dma_wait3A_343 = tpu.memref_squeeze %dma_wait3A_342 : memref<1x2304xi32, #tpu.memory_space<hbm>> -> memref<2304xi32, #tpu.memory_space<hbm>>
      tpu.wait_dma2 semaphore(%arg17 : memref<!tpu.dma_semaphore, #tpu.memory_space<semaphore_mem>>) src(%dma_wait3A_343 : memref<2304xi32, #tpu.memory_space<hbm>>) dst(%arg9 : memref<2304xi32, #tpu.memory_space<vmem>>)
      %dma_wait3A_344 = arith.constant 23040 : i32
      %dma_wait3A_345 = tpu.memref_slice %arg3[%add3A_16, %dma_wait3A_344] : memref<192x36864xf32, #tpu.memory_space<hbm>> -> memref<1x2304xf32, #tpu.memory_space<hbm>>
      %dma_wait3A_346 = tpu.memref_squeeze %dma_wait3A_345 : memref<1x2304xf32, #tpu.memory_space<hbm>> -> memref<2304xf32, #tpu.memory_space<hbm>>
      %dma_wait3A_347 = arith.constant 23040 : i32
      %dma_wait3A_348 = tpu.memref_slice %arg3[%add3A_16, %dma_wait3A_347] : memref<192x36864xf32, #tpu.memory_space<hbm>> -> memref<1x2304xf32, #tpu.memory_space<hbm>>
      %dma_wait3A_349 = tpu.memref_squeeze %dma_wait3A_348 : memref<1x2304xf32, #tpu.memory_space<hbm>> -> memref<2304xf32, #tpu.memory_space<hbm>>
      tpu.wait_dma2 semaphore(%arg17 : memref<!tpu.dma_semaphore, #tpu.memory_space<semaphore_mem>>) src(%dma_wait3A_349 : memref<2304xf32, #tpu.memory_space<hbm>>) dst(%arg13 : memref<2304xf32, #tpu.memory_space<vmem>>)
      %parallel_loop3A_350 = arith.constant 0 : i32
      %parallel_loop3A_351 = arith.constant 144 : i32
      %parallel_loop3A_352 = arith.constant 1 : i32
      scf.for %parallel_loop3A_713 = %parallel_loop3A_350 to %parallel_loop3A_351 step %parallel_loop3A_352  : i32 {
        %parallel_loop3A_714 = arith.constant 16 : i32
        %parallel_loop3A_715 = arith.muli %parallel_loop3A_713, %parallel_loop3A_714 : i32
        %parallel_loop3A_716 = arith.index_cast %parallel_loop3A_715 : i32 to index
        %parallel_loop3A_717 = tpu.vector_load %arg9[%parallel_loop3A_716] {strides = array<i32>} : memref<2304xi32, #tpu.memory_space<vmem>>, vector<16xi32>,
        %parallel_loop3A_718 = arith.index_cast %parallel_loop3A_715 : i32 to index
        %parallel_loop3A_719 = tpu.vector_load %arg13[%parallel_loop3A_718] {strides = array<i32>} : memref<2304xf32, #tpu.memory_space<vmem>>, vector<16xf32>,
        %parallel_loop3A_720 = arith.constant 5 : i32
        %parallel_loop3A_721 = vector.broadcast %parallel_loop3A_720 : i32 to vector<16xi32>
        %parallel_loop3A_722 = arith.shrui %parallel_loop3A_717, %parallel_loop3A_721 : vector<16xi32>
        %parallel_loop3A_723 = arith.sitofp %parallel_loop3A_722 : vector<16xi32> to vector<16xf32>
        %parallel_loop3A_724 = arith.constant 0.333333343 : f32
        %parallel_loop3A_725 = vector.broadcast %parallel_loop3A_724 : f32 to vector<16xf32>
        %parallel_loop3A_726 = arith.mulf %parallel_loop3A_723, %parallel_loop3A_725 : vector<16xf32>
        %parallel_loop3A_727 = arith.fptosi %parallel_loop3A_726 : vector<16xf32> to vector<16xi32>
        %parallel_loop3A_728 = arith.constant 23040 : i32
        %parallel_loop3A_729 = arith.addi %parallel_loop3A_728, %parallel_loop3A_715 : i32
        %parallel_loop3A_730 = arith.index_cast %parallel_loop3A_729 : i32 to index
        %parallel_loop3A_731 = tpu.vector_load %arg6[%parallel_loop3A_730] {strides = array<i32>} : memref<36864xi32, #tpu.memory_space<vmem>>, vector<16xi32>,
        tpu.vector_store %arg6[%parallel_loop3A_730], %parallel_loop3A_727 {strides = array<i32>} : memref<36864xi32, #tpu.memory_space<vmem>>, vector<16xi32>,
        %parallel_loop3A_732 = arith.constant 73728 : i32
        %parallel_loop3A_733 = vector.broadcast %parallel_loop3A_732 : i32 to vector<16xi32>
        %parallel_loop3A_734 = arith.cmpi slt, %parallel_loop3A_727, %parallel_loop3A_733 : vector<16xi32>
        tpu.vector_store_idx %arg5[%parallel_loop3A_727], %parallel_loop3A_719 masked %parallel_loop3A_734 {add = true} : memref<73728xf32, #tpu.memory_space<vmem>>[vector<16xi32>], vector<16xf32>, vector<16xi1>
      } {sc.loop_unroll_factor = 8 : i64, sc.parallel_access}
      %dma_start3A_353 = arith.constant 32256 : i32
      %dma_start3A_354 = tpu.memref_slice %arg3[%add3A_16, %dma_start3A_353] : memref<192x36864xf32, #tpu.memory_space<hbm>> -> memref<1x2304xf32, #tpu.memory_space<hbm>>
      %dma_start3A_355 = tpu.memref_squeeze %dma_start3A_354 : memref<1x2304xf32, #tpu.memory_space<hbm>> -> memref<2304xf32, #tpu.memory_space<hbm>>
      %dma_start3A_356 = arith.constant 32256 : i32
      %dma_start3A_357 = tpu.memref_slice %arg3[%add3A_16, %dma_start3A_356] : memref<192x36864xf32, #tpu.memory_space<hbm>> -> memref<1x2304xf32, #tpu.memory_space<hbm>>
      %dma_start3A_358 = tpu.memref_squeeze %dma_start3A_357 : memref<1x2304xf32, #tpu.memory_space<hbm>> -> memref<2304xf32, #tpu.memory_space<hbm>>
      tpu.enqueue_dma source(%dma_start3A_358 : memref<2304xf32, #tpu.memory_space<hbm>>) target(%arg13 : memref<2304xf32, #tpu.memory_space<vmem>>) target_semaphore(%arg17 : memref<!tpu.dma_semaphore, #tpu.memory_space<semaphore_mem>>)
      %dma_start3A_359 = arith.constant 32256 : i32
      %dma_start3A_360 = tpu.memref_slice %arg2[%add3A_16, %dma_start3A_359] : memref<192x36864xi32, #tpu.memory_space<hbm>> -> memref<1x2304xi32, #tpu.memory_space<hbm>>
      %dma_start3A_361 = tpu.memref_squeeze %dma_start3A_360 : memref<1x2304xi32, #tpu.memory_space<hbm>> -> memref<2304xi32, #tpu.memory_space<hbm>>
      %dma_start3A_362 = arith.constant 32256 : i32
      %dma_start3A_363 = tpu.memref_slice %arg2[%add3A_16, %dma_start3A_362] : memref<192x36864xi32, #tpu.memory_space<hbm>> -> memref<1x2304xi32, #tpu.memory_space<hbm>>
      %dma_start3A_364 = tpu.memref_squeeze %dma_start3A_363 : memref<1x2304xi32, #tpu.memory_space<hbm>> -> memref<2304xi32, #tpu.memory_space<hbm>>
      tpu.enqueue_dma source(%dma_start3A_364 : memref<2304xi32, #tpu.memory_space<hbm>>) target(%arg9 : memref<2304xi32, #tpu.memory_space<vmem>>) target_semaphore(%arg17 : memref<!tpu.dma_semaphore, #tpu.memory_space<semaphore_mem>>)
      %dma_wait3A_365 = arith.constant 25344 : i32
      %dma_wait3A_366 = tpu.memref_slice %arg2[%add3A_16, %dma_wait3A_365] : memref<192x36864xi32, #tpu.memory_space<hbm>> -> memref<1x2304xi32, #tpu.memory_space<hbm>>
      %dma_wait3A_367 = tpu.memref_squeeze %dma_wait3A_366 : memref<1x2304xi32, #tpu.memory_space<hbm>> -> memref<2304xi32, #tpu.memory_space<hbm>>
      %dma_wait3A_368 = arith.constant 25344 : i32
      %dma_wait3A_369 = tpu.memref_slice %arg2[%add3A_16, %dma_wait3A_368] : memref<192x36864xi32, #tpu.memory_space<hbm>> -> memref<1x2304xi32, #tpu.memory_space<hbm>>
      %dma_wait3A_370 = tpu.memref_squeeze %dma_wait3A_369 : memref<1x2304xi32, #tpu.memory_space<hbm>> -> memref<2304xi32, #tpu.memory_space<hbm>>
      tpu.wait_dma2 semaphore(%arg18 : memref<!tpu.dma_semaphore, #tpu.memory_space<semaphore_mem>>) src(%dma_wait3A_370 : memref<2304xi32, #tpu.memory_space<hbm>>) dst(%arg10 : memref<2304xi32, #tpu.memory_space<vmem>>)
      %dma_wait3A_371 = arith.constant 25344 : i32
      %dma_wait3A_372 = tpu.memref_slice %arg3[%add3A_16, %dma_wait3A_371] : memref<192x36864xf32, #tpu.memory_space<hbm>> -> memref<1x2304xf32, #tpu.memory_space<hbm>>
      %dma_wait3A_373 = tpu.memref_squeeze %dma_wait3A_372 : memref<1x2304xf32, #tpu.memory_space<hbm>> -> memref<2304xf32, #tpu.memory_space<hbm>>
      %dma_wait3A_374 = arith.constant 25344 : i32
      %dma_wait3A_375 = tpu.memref_slice %arg3[%add3A_16, %dma_wait3A_374] : memref<192x36864xf32, #tpu.memory_space<hbm>> -> memref<1x2304xf32, #tpu.memory_space<hbm>>
      %dma_wait3A_376 = tpu.memref_squeeze %dma_wait3A_375 : memref<1x2304xf32, #tpu.memory_space<hbm>> -> memref<2304xf32, #tpu.memory_space<hbm>>
      tpu.wait_dma2 semaphore(%arg18 : memref<!tpu.dma_semaphore, #tpu.memory_space<semaphore_mem>>) src(%dma_wait3A_376 : memref<2304xf32, #tpu.memory_space<hbm>>) dst(%arg14 : memref<2304xf32, #tpu.memory_space<vmem>>)
      %parallel_loop3A_377 = arith.constant 0 : i32
      %parallel_loop3A_378 = arith.constant 144 : i32
      %parallel_loop3A_379 = arith.constant 1 : i32
      scf.for %parallel_loop3A_713 = %parallel_loop3A_377 to %parallel_loop3A_378 step %parallel_loop3A_379  : i32 {
        %parallel_loop3A_714 = arith.constant 16 : i32
        %parallel_loop3A_715 = arith.muli %parallel_loop3A_713, %parallel_loop3A_714 : i32
        %parallel_loop3A_716 = arith.index_cast %parallel_loop3A_715 : i32 to index
        %parallel_loop3A_717 = tpu.vector_load %arg10[%parallel_loop3A_716] {strides = array<i32>} : memref<2304xi32, #tpu.memory_space<vmem>>, vector<16xi32>,
        %parallel_loop3A_718 = arith.index_cast %parallel_loop3A_715 : i32 to index
        %parallel_loop3A_719 = tpu.vector_load %arg14[%parallel_loop3A_718] {strides = array<i32>} : memref<2304xf32, #tpu.memory_space<vmem>>, vector<16xf32>,
        %parallel_loop3A_720 = arith.constant 5 : i32
        %parallel_loop3A_721 = vector.broadcast %parallel_loop3A_720 : i32 to vector<16xi32>
        %parallel_loop3A_722 = arith.shrui %parallel_loop3A_717, %parallel_loop3A_721 : vector<16xi32>
        %parallel_loop3A_723 = arith.sitofp %parallel_loop3A_722 : vector<16xi32> to vector<16xf32>
        %parallel_loop3A_724 = arith.constant 0.333333343 : f32
        %parallel_loop3A_725 = vector.broadcast %parallel_loop3A_724 : f32 to vector<16xf32>
        %parallel_loop3A_726 = arith.mulf %parallel_loop3A_723, %parallel_loop3A_725 : vector<16xf32>
        %parallel_loop3A_727 = arith.fptosi %parallel_loop3A_726 : vector<16xf32> to vector<16xi32>
        %parallel_loop3A_728 = arith.constant 25344 : i32
        %parallel_loop3A_729 = arith.addi %parallel_loop3A_728, %parallel_loop3A_715 : i32
        %parallel_loop3A_730 = arith.index_cast %parallel_loop3A_729 : i32 to index
        %parallel_loop3A_731 = tpu.vector_load %arg6[%parallel_loop3A_730] {strides = array<i32>} : memref<36864xi32, #tpu.memory_space<vmem>>, vector<16xi32>,
        tpu.vector_store %arg6[%parallel_loop3A_730], %parallel_loop3A_727 {strides = array<i32>} : memref<36864xi32, #tpu.memory_space<vmem>>, vector<16xi32>,
        %parallel_loop3A_732 = arith.constant 73728 : i32
        %parallel_loop3A_733 = vector.broadcast %parallel_loop3A_732 : i32 to vector<16xi32>
        %parallel_loop3A_734 = arith.cmpi slt, %parallel_loop3A_727, %parallel_loop3A_733 : vector<16xi32>
        tpu.vector_store_idx %arg5[%parallel_loop3A_727], %parallel_loop3A_719 masked %parallel_loop3A_734 {add = true} : memref<73728xf32, #tpu.memory_space<vmem>>[vector<16xi32>], vector<16xf32>, vector<16xi1>
      } {sc.loop_unroll_factor = 8 : i64, sc.parallel_access}
      %dma_start3A_380 = arith.constant 34560 : i32
      %dma_start3A_381 = tpu.memref_slice %arg3[%add3A_16, %dma_start3A_380] : memref<192x36864xf32, #tpu.memory_space<hbm>> -> memref<1x2304xf32, #tpu.memory_space<hbm>>
      %dma_start3A_382 = tpu.memref_squeeze %dma_start3A_381 : memref<1x2304xf32, #tpu.memory_space<hbm>> -> memref<2304xf32, #tpu.memory_space<hbm>>
      %dma_start3A_383 = arith.constant 34560 : i32
      %dma_start3A_384 = tpu.memref_slice %arg3[%add3A_16, %dma_start3A_383] : memref<192x36864xf32, #tpu.memory_space<hbm>> -> memref<1x2304xf32, #tpu.memory_space<hbm>>
      %dma_start3A_385 = tpu.memref_squeeze %dma_start3A_384 : memref<1x2304xf32, #tpu.memory_space<hbm>> -> memref<2304xf32, #tpu.memory_space<hbm>>
      tpu.enqueue_dma source(%dma_start3A_385 : memref<2304xf32, #tpu.memory_space<hbm>>) target(%arg14 : memref<2304xf32, #tpu.memory_space<vmem>>) target_semaphore(%arg18 : memref<!tpu.dma_semaphore, #tpu.memory_space<semaphore_mem>>)
      %dma_start3A_386 = arith.constant 34560 : i32
      %dma_start3A_387 = tpu.memref_slice %arg2[%add3A_16, %dma_start3A_386] : memref<192x36864xi32, #tpu.memory_space<hbm>> -> memref<1x2304xi32, #tpu.memory_space<hbm>>
      %dma_start3A_388 = tpu.memref_squeeze %dma_start3A_387 : memref<1x2304xi32, #tpu.memory_space<hbm>> -> memref<2304xi32, #tpu.memory_space<hbm>>
      %dma_start3A_389 = arith.constant 34560 : i32
      %dma_start3A_390 = tpu.memref_slice %arg2[%add3A_16, %dma_start3A_389] : memref<192x36864xi32, #tpu.memory_space<hbm>> -> memref<1x2304xi32, #tpu.memory_space<hbm>>
      %dma_start3A_391 = tpu.memref_squeeze %dma_start3A_390 : memref<1x2304xi32, #tpu.memory_space<hbm>> -> memref<2304xi32, #tpu.memory_space<hbm>>
      tpu.enqueue_dma source(%dma_start3A_391 : memref<2304xi32, #tpu.memory_space<hbm>>) target(%arg10 : memref<2304xi32, #tpu.memory_space<vmem>>) target_semaphore(%arg18 : memref<!tpu.dma_semaphore, #tpu.memory_space<semaphore_mem>>)
      %dma_wait3A_392 = arith.constant 27648 : i32
      %dma_wait3A_393 = tpu.memref_slice %arg2[%add3A_16, %dma_wait3A_392] : memref<192x36864xi32, #tpu.memory_space<hbm>> -> memref<1x2304xi32, #tpu.memory_space<hbm>>
      %dma_wait3A_394 = tpu.memref_squeeze %dma_wait3A_393 : memref<1x2304xi32, #tpu.memory_space<hbm>> -> memref<2304xi32, #tpu.memory_space<hbm>>
      %dma_wait3A_395 = arith.constant 27648 : i32
      %dma_wait3A_396 = tpu.memref_slice %arg2[%add3A_16, %dma_wait3A_395] : memref<192x36864xi32, #tpu.memory_space<hbm>> -> memref<1x2304xi32, #tpu.memory_space<hbm>>
      %dma_wait3A_397 = tpu.memref_squeeze %dma_wait3A_396 : memref<1x2304xi32, #tpu.memory_space<hbm>> -> memref<2304xi32, #tpu.memory_space<hbm>>
      tpu.wait_dma2 semaphore(%arg15 : memref<!tpu.dma_semaphore, #tpu.memory_space<semaphore_mem>>) src(%dma_wait3A_397 : memref<2304xi32, #tpu.memory_space<hbm>>) dst(%arg7 : memref<2304xi32, #tpu.memory_space<vmem>>)
      %dma_wait3A_398 = arith.constant 27648 : i32
      %dma_wait3A_399 = tpu.memref_slice %arg3[%add3A_16, %dma_wait3A_398] : memref<192x36864xf32, #tpu.memory_space<hbm>> -> memref<1x2304xf32, #tpu.memory_space<hbm>>
      %dma_wait3A_400 = tpu.memref_squeeze %dma_wait3A_399 : memref<1x2304xf32, #tpu.memory_space<hbm>> -> memref<2304xf32, #tpu.memory_space<hbm>>
      %dma_wait3A_401 = arith.constant 27648 : i32
      %dma_wait3A_402 = tpu.memref_slice %arg3[%add3A_16, %dma_wait3A_401] : memref<192x36864xf32, #tpu.memory_space<hbm>> -> memref<1x2304xf32, #tpu.memory_space<hbm>>
      %dma_wait3A_403 = tpu.memref_squeeze %dma_wait3A_402 : memref<1x2304xf32, #tpu.memory_space<hbm>> -> memref<2304xf32, #tpu.memory_space<hbm>>
      tpu.wait_dma2 semaphore(%arg15 : memref<!tpu.dma_semaphore, #tpu.memory_space<semaphore_mem>>) src(%dma_wait3A_403 : memref<2304xf32, #tpu.memory_space<hbm>>) dst(%arg11 : memref<2304xf32, #tpu.memory_space<vmem>>)
      %parallel_loop3A_404 = arith.constant 0 : i32
      %parallel_loop3A_405 = arith.constant 144 : i32
      %parallel_loop3A_406 = arith.constant 1 : i32
      scf.for %parallel_loop3A_713 = %parallel_loop3A_404 to %parallel_loop3A_405 step %parallel_loop3A_406  : i32 {
        %parallel_loop3A_714 = arith.constant 16 : i32
        %parallel_loop3A_715 = arith.muli %parallel_loop3A_713, %parallel_loop3A_714 : i32
        %parallel_loop3A_716 = arith.index_cast %parallel_loop3A_715 : i32 to index
        %parallel_loop3A_717 = tpu.vector_load %arg7[%parallel_loop3A_716] {strides = array<i32>} : memref<2304xi32, #tpu.memory_space<vmem>>, vector<16xi32>,
        %parallel_loop3A_718 = arith.index_cast %parallel_loop3A_715 : i32 to index
        %parallel_loop3A_719 = tpu.vector_load %arg11[%parallel_loop3A_718] {strides = array<i32>} : memref<2304xf32, #tpu.memory_space<vmem>>, vector<16xf32>,
        %parallel_loop3A_720 = arith.constant 5 : i32
        %parallel_loop3A_721 = vector.broadcast %parallel_loop3A_720 : i32 to vector<16xi32>
        %parallel_loop3A_722 = arith.shrui %parallel_loop3A_717, %parallel_loop3A_721 : vector<16xi32>
        %parallel_loop3A_723 = arith.sitofp %parallel_loop3A_722 : vector<16xi32> to vector<16xf32>
        %parallel_loop3A_724 = arith.constant 0.333333343 : f32
        %parallel_loop3A_725 = vector.broadcast %parallel_loop3A_724 : f32 to vector<16xf32>
        %parallel_loop3A_726 = arith.mulf %parallel_loop3A_723, %parallel_loop3A_725 : vector<16xf32>
        %parallel_loop3A_727 = arith.fptosi %parallel_loop3A_726 : vector<16xf32> to vector<16xi32>
        %parallel_loop3A_728 = arith.constant 27648 : i32
        %parallel_loop3A_729 = arith.addi %parallel_loop3A_728, %parallel_loop3A_715 : i32
        %parallel_loop3A_730 = arith.index_cast %parallel_loop3A_729 : i32 to index
        %parallel_loop3A_731 = tpu.vector_load %arg6[%parallel_loop3A_730] {strides = array<i32>} : memref<36864xi32, #tpu.memory_space<vmem>>, vector<16xi32>,
        tpu.vector_store %arg6[%parallel_loop3A_730], %parallel_loop3A_727 {strides = array<i32>} : memref<36864xi32, #tpu.memory_space<vmem>>, vector<16xi32>,
        %parallel_loop3A_732 = arith.constant 73728 : i32
        %parallel_loop3A_733 = vector.broadcast %parallel_loop3A_732 : i32 to vector<16xi32>
        %parallel_loop3A_734 = arith.cmpi slt, %parallel_loop3A_727, %parallel_loop3A_733 : vector<16xi32>
        tpu.vector_store_idx %arg5[%parallel_loop3A_727], %parallel_loop3A_719 masked %parallel_loop3A_734 {add = true} : memref<73728xf32, #tpu.memory_space<vmem>>[vector<16xi32>], vector<16xf32>, vector<16xi1>
      } {sc.loop_unroll_factor = 8 : i64, sc.parallel_access}
      %dma_wait3A_407 = arith.constant 29952 : i32
      %dma_wait3A_408 = tpu.memref_slice %arg2[%add3A_16, %dma_wait3A_407] : memref<192x36864xi32, #tpu.memory_space<hbm>> -> memref<1x2304xi32, #tpu.memory_space<hbm>>
      %dma_wait3A_409 = tpu.memref_squeeze %dma_wait3A_408 : memref<1x2304xi32, #tpu.memory_space<hbm>> -> memref<2304xi32, #tpu.memory_space<hbm>>
      %dma_wait3A_410 = arith.constant 29952 : i32
      %dma_wait3A_411 = tpu.memref_slice %arg2[%add3A_16, %dma_wait3A_410] : memref<192x36864xi32, #tpu.memory_space<hbm>> -> memref<1x2304xi32, #tpu.memory_space<hbm>>
      %dma_wait3A_412 = tpu.memref_squeeze %dma_wait3A_411 : memref<1x2304xi32, #tpu.memory_space<hbm>> -> memref<2304xi32, #tpu.memory_space<hbm>>
      tpu.wait_dma2 semaphore(%arg16 : memref<!tpu.dma_semaphore, #tpu.memory_space<semaphore_mem>>) src(%dma_wait3A_412 : memref<2304xi32, #tpu.memory_space<hbm>>) dst(%arg8 : memref<2304xi32, #tpu.memory_space<vmem>>)
      %dma_wait3A_413 = arith.constant 29952 : i32
      %dma_wait3A_414 = tpu.memref_slice %arg3[%add3A_16, %dma_wait3A_413] : memref<192x36864xf32, #tpu.memory_space<hbm>> -> memref<1x2304xf32, #tpu.memory_space<hbm>>
      %dma_wait3A_415 = tpu.memref_squeeze %dma_wait3A_414 : memref<1x2304xf32, #tpu.memory_space<hbm>> -> memref<2304xf32, #tpu.memory_space<hbm>>
      %dma_wait3A_416 = arith.constant 29952 : i32
      %dma_wait3A_417 = tpu.memref_slice %arg3[%add3A_16, %dma_wait3A_416] : memref<192x36864xf32, #tpu.memory_space<hbm>> -> memref<1x2304xf32, #tpu.memory_space<hbm>>
      %dma_wait3A_418 = tpu.memref_squeeze %dma_wait3A_417 : memref<1x2304xf32, #tpu.memory_space<hbm>> -> memref<2304xf32, #tpu.memory_space<hbm>>
      tpu.wait_dma2 semaphore(%arg16 : memref<!tpu.dma_semaphore, #tpu.memory_space<semaphore_mem>>) src(%dma_wait3A_418 : memref<2304xf32, #tpu.memory_space<hbm>>) dst(%arg12 : memref<2304xf32, #tpu.memory_space<vmem>>)
      %parallel_loop3A_419 = arith.constant 0 : i32
      %parallel_loop3A_420 = arith.constant 144 : i32
      %parallel_loop3A_421 = arith.constant 1 : i32
      scf.for %parallel_loop3A_713 = %parallel_loop3A_419 to %parallel_loop3A_420 step %parallel_loop3A_421  : i32 {
        %parallel_loop3A_714 = arith.constant 16 : i32
        %parallel_loop3A_715 = arith.muli %parallel_loop3A_713, %parallel_loop3A_714 : i32
        %parallel_loop3A_716 = arith.index_cast %parallel_loop3A_715 : i32 to index
        %parallel_loop3A_717 = tpu.vector_load %arg8[%parallel_loop3A_716] {strides = array<i32>} : memref<2304xi32, #tpu.memory_space<vmem>>, vector<16xi32>,
        %parallel_loop3A_718 = arith.index_cast %parallel_loop3A_715 : i32 to index
        %parallel_loop3A_719 = tpu.vector_load %arg12[%parallel_loop3A_718] {strides = array<i32>} : memref<2304xf32, #tpu.memory_space<vmem>>, vector<16xf32>,
        %parallel_loop3A_720 = arith.constant 5 : i32
        %parallel_loop3A_721 = vector.broadcast %parallel_loop3A_720 : i32 to vector<16xi32>
        %parallel_loop3A_722 = arith.shrui %parallel_loop3A_717, %parallel_loop3A_721 : vector<16xi32>
        %parallel_loop3A_723 = arith.sitofp %parallel_loop3A_722 : vector<16xi32> to vector<16xf32>
        %parallel_loop3A_724 = arith.constant 0.333333343 : f32
        %parallel_loop3A_725 = vector.broadcast %parallel_loop3A_724 : f32 to vector<16xf32>
        %parallel_loop3A_726 = arith.mulf %parallel_loop3A_723, %parallel_loop3A_725 : vector<16xf32>
        %parallel_loop3A_727 = arith.fptosi %parallel_loop3A_726 : vector<16xf32> to vector<16xi32>
        %parallel_loop3A_728 = arith.constant 29952 : i32
        %parallel_loop3A_729 = arith.addi %parallel_loop3A_728, %parallel_loop3A_715 : i32
        %parallel_loop3A_730 = arith.index_cast %parallel_loop3A_729 : i32 to index
        %parallel_loop3A_731 = tpu.vector_load %arg6[%parallel_loop3A_730] {strides = array<i32>} : memref<36864xi32, #tpu.memory_space<vmem>>, vector<16xi32>,
        tpu.vector_store %arg6[%parallel_loop3A_730], %parallel_loop3A_727 {strides = array<i32>} : memref<36864xi32, #tpu.memory_space<vmem>>, vector<16xi32>,
        %parallel_loop3A_732 = arith.constant 73728 : i32
        %parallel_loop3A_733 = vector.broadcast %parallel_loop3A_732 : i32 to vector<16xi32>
        %parallel_loop3A_734 = arith.cmpi slt, %parallel_loop3A_727, %parallel_loop3A_733 : vector<16xi32>
        tpu.vector_store_idx %arg5[%parallel_loop3A_727], %parallel_loop3A_719 masked %parallel_loop3A_734 {add = true} : memref<73728xf32, #tpu.memory_space<vmem>>[vector<16xi32>], vector<16xf32>, vector<16xi1>
      } {sc.loop_unroll_factor = 8 : i64, sc.parallel_access}
      %dma_wait3A_422 = arith.constant 32256 : i32
      %dma_wait3A_423 = tpu.memref_slice %arg2[%add3A_16, %dma_wait3A_422] : memref<192x36864xi32, #tpu.memory_space<hbm>> -> memref<1x2304xi32, #tpu.memory_space<hbm>>
      %dma_wait3A_424 = tpu.memref_squeeze %dma_wait3A_423 : memref<1x2304xi32, #tpu.memory_space<hbm>> -> memref<2304xi32, #tpu.memory_space<hbm>>
      %dma_wait3A_425 = arith.constant 32256 : i32
      %dma_wait3A_426 = tpu.memref_slice %arg2[%add3A_16, %dma_wait3A_425] : memref<192x36864xi32, #tpu.memory_space<hbm>> -> memref<1x2304xi32, #tpu.memory_space<hbm>>
      %dma_wait3A_427 = tpu.memref_squeeze %dma_wait3A_426 : memref<1x2304xi32, #tpu.memory_space<hbm>> -> memref<2304xi32, #tpu.memory_space<hbm>>
      tpu.wait_dma2 semaphore(%arg17 : memref<!tpu.dma_semaphore, #tpu.memory_space<semaphore_mem>>) src(%dma_wait3A_427 : memref<2304xi32, #tpu.memory_space<hbm>>) dst(%arg9 : memref<2304xi32, #tpu.memory_space<vmem>>)
      %dma_wait3A_428 = arith.constant 32256 : i32
      %dma_wait3A_429 = tpu.memref_slice %arg3[%add3A_16, %dma_wait3A_428] : memref<192x36864xf32, #tpu.memory_space<hbm>> -> memref<1x2304xf32, #tpu.memory_space<hbm>>
      %dma_wait3A_430 = tpu.memref_squeeze %dma_wait3A_429 : memref<1x2304xf32, #tpu.memory_space<hbm>> -> memref<2304xf32, #tpu.memory_space<hbm>>
      %dma_wait3A_431 = arith.constant 32256 : i32
      %dma_wait3A_432 = tpu.memref_slice %arg3[%add3A_16, %dma_wait3A_431] : memref<192x36864xf32, #tpu.memory_space<hbm>> -> memref<1x2304xf32, #tpu.memory_space<hbm>>
      %dma_wait3A_433 = tpu.memref_squeeze %dma_wait3A_432 : memref<1x2304xf32, #tpu.memory_space<hbm>> -> memref<2304xf32, #tpu.memory_space<hbm>>
      tpu.wait_dma2 semaphore(%arg17 : memref<!tpu.dma_semaphore, #tpu.memory_space<semaphore_mem>>) src(%dma_wait3A_433 : memref<2304xf32, #tpu.memory_space<hbm>>) dst(%arg13 : memref<2304xf32, #tpu.memory_space<vmem>>)
      %parallel_loop3A_434 = arith.constant 0 : i32
      %parallel_loop3A_435 = arith.constant 144 : i32
      %parallel_loop3A_436 = arith.constant 1 : i32
      scf.for %parallel_loop3A_713 = %parallel_loop3A_434 to %parallel_loop3A_435 step %parallel_loop3A_436  : i32 {
        %parallel_loop3A_714 = arith.constant 16 : i32
        %parallel_loop3A_715 = arith.muli %parallel_loop3A_713, %parallel_loop3A_714 : i32
        %parallel_loop3A_716 = arith.index_cast %parallel_loop3A_715 : i32 to index
        %parallel_loop3A_717 = tpu.vector_load %arg9[%parallel_loop3A_716] {strides = array<i32>} : memref<2304xi32, #tpu.memory_space<vmem>>, vector<16xi32>,
        %parallel_loop3A_718 = arith.index_cast %parallel_loop3A_715 : i32 to index
        %parallel_loop3A_719 = tpu.vector_load %arg13[%parallel_loop3A_718] {strides = array<i32>} : memref<2304xf32, #tpu.memory_space<vmem>>, vector<16xf32>,
        %parallel_loop3A_720 = arith.constant 5 : i32
        %parallel_loop3A_721 = vector.broadcast %parallel_loop3A_720 : i32 to vector<16xi32>
        %parallel_loop3A_722 = arith.shrui %parallel_loop3A_717, %parallel_loop3A_721 : vector<16xi32>
        %parallel_loop3A_723 = arith.sitofp %parallel_loop3A_722 : vector<16xi32> to vector<16xf32>
        %parallel_loop3A_724 = arith.constant 0.333333343 : f32
        %parallel_loop3A_725 = vector.broadcast %parallel_loop3A_724 : f32 to vector<16xf32>
        %parallel_loop3A_726 = arith.mulf %parallel_loop3A_723, %parallel_loop3A_725 : vector<16xf32>
        %parallel_loop3A_727 = arith.fptosi %parallel_loop3A_726 : vector<16xf32> to vector<16xi32>
        %parallel_loop3A_728 = arith.constant 32256 : i32
        %parallel_loop3A_729 = arith.addi %parallel_loop3A_728, %parallel_loop3A_715 : i32
        %parallel_loop3A_730 = arith.index_cast %parallel_loop3A_729 : i32 to index
        %parallel_loop3A_731 = tpu.vector_load %arg6[%parallel_loop3A_730] {strides = array<i32>} : memref<36864xi32, #tpu.memory_space<vmem>>, vector<16xi32>,
        tpu.vector_store %arg6[%parallel_loop3A_730], %parallel_loop3A_727 {strides = array<i32>} : memref<36864xi32, #tpu.memory_space<vmem>>, vector<16xi32>,
        %parallel_loop3A_732 = arith.constant 73728 : i32
        %parallel_loop3A_733 = vector.broadcast %parallel_loop3A_732 : i32 to vector<16xi32>
        %parallel_loop3A_734 = arith.cmpi slt, %parallel_loop3A_727, %parallel_loop3A_733 : vector<16xi32>
        tpu.vector_store_idx %arg5[%parallel_loop3A_727], %parallel_loop3A_719 masked %parallel_loop3A_734 {add = true} : memref<73728xf32, #tpu.memory_space<vmem>>[vector<16xi32>], vector<16xf32>, vector<16xi1>
      } {sc.loop_unroll_factor = 8 : i64, sc.parallel_access}
      %dma_wait3A_437 = arith.constant 34560 : i32
      %dma_wait3A_438 = tpu.memref_slice %arg2[%add3A_16, %dma_wait3A_437] : memref<192x36864xi32, #tpu.memory_space<hbm>> -> memref<1x2304xi32, #tpu.memory_space<hbm>>
      %dma_wait3A_439 = tpu.memref_squeeze %dma_wait3A_438 : memref<1x2304xi32, #tpu.memory_space<hbm>> -> memref<2304xi32, #tpu.memory_space<hbm>>
      %dma_wait3A_440 = arith.constant 34560 : i32
      %dma_wait3A_441 = tpu.memref_slice %arg2[%add3A_16, %dma_wait3A_440] : memref<192x36864xi32, #tpu.memory_space<hbm>> -> memref<1x2304xi32, #tpu.memory_space<hbm>>
      %dma_wait3A_442 = tpu.memref_squeeze %dma_wait3A_441 : memref<1x2304xi32, #tpu.memory_space<hbm>> -> memref<2304xi32, #tpu.memory_space<hbm>>
      tpu.wait_dma2 semaphore(%arg18 : memref<!tpu.dma_semaphore, #tpu.memory_space<semaphore_mem>>) src(%dma_wait3A_442 : memref<2304xi32, #tpu.memory_space<hbm>>) dst(%arg10 : memref<2304xi32, #tpu.memory_space<vmem>>)
      %dma_wait3A_443 = arith.constant 34560 : i32
      %dma_wait3A_444 = tpu.memref_slice %arg3[%add3A_16, %dma_wait3A_443] : memref<192x36864xf32, #tpu.memory_space<hbm>> -> memref<1x2304xf32, #tpu.memory_space<hbm>>
      %dma_wait3A_445 = tpu.memref_squeeze %dma_wait3A_444 : memref<1x2304xf32, #tpu.memory_space<hbm>> -> memref<2304xf32, #tpu.memory_space<hbm>>
      %dma_wait3A_446 = arith.constant 34560 : i32
      %dma_wait3A_447 = tpu.memref_slice %arg3[%add3A_16, %dma_wait3A_446] : memref<192x36864xf32, #tpu.memory_space<hbm>> -> memref<1x2304xf32, #tpu.memory_space<hbm>>
      %dma_wait3A_448 = tpu.memref_squeeze %dma_wait3A_447 : memref<1x2304xf32, #tpu.memory_space<hbm>> -> memref<2304xf32, #tpu.memory_space<hbm>>
      tpu.wait_dma2 semaphore(%arg18 : memref<!tpu.dma_semaphore, #tpu.memory_space<semaphore_mem>>) src(%dma_wait3A_448 : memref<2304xf32, #tpu.memory_space<hbm>>) dst(%arg14 : memref<2304xf32, #tpu.memory_space<vmem>>)
      %parallel_loop3A_449 = arith.constant 0 : i32
      %parallel_loop3A_450 = arith.constant 144 : i32
      %parallel_loop3A_451 = arith.constant 1 : i32
      scf.for %parallel_loop3A_713 = %parallel_loop3A_449 to %parallel_loop3A_450 step %parallel_loop3A_451  : i32 {
        %parallel_loop3A_714 = arith.constant 16 : i32
        %parallel_loop3A_715 = arith.muli %parallel_loop3A_713, %parallel_loop3A_714 : i32
        %parallel_loop3A_716 = arith.index_cast %parallel_loop3A_715 : i32 to index
        %parallel_loop3A_717 = tpu.vector_load %arg10[%parallel_loop3A_716] {strides = array<i32>} : memref<2304xi32, #tpu.memory_space<vmem>>, vector<16xi32>,
        %parallel_loop3A_718 = arith.index_cast %parallel_loop3A_715 : i32 to index
        %parallel_loop3A_719 = tpu.vector_load %arg14[%parallel_loop3A_718] {strides = array<i32>} : memref<2304xf32, #tpu.memory_space<vmem>>, vector<16xf32>,
        %parallel_loop3A_720 = arith.constant 5 : i32
        %parallel_loop3A_721 = vector.broadcast %parallel_loop3A_720 : i32 to vector<16xi32>
        %parallel_loop3A_722 = arith.shrui %parallel_loop3A_717, %parallel_loop3A_721 : vector<16xi32>
        %parallel_loop3A_723 = arith.sitofp %parallel_loop3A_722 : vector<16xi32> to vector<16xf32>
        %parallel_loop3A_724 = arith.constant 0.333333343 : f32
        %parallel_loop3A_725 = vector.broadcast %parallel_loop3A_724 : f32 to vector<16xf32>
        %parallel_loop3A_726 = arith.mulf %parallel_loop3A_723, %parallel_loop3A_725 : vector<16xf32>
        %parallel_loop3A_727 = arith.fptosi %parallel_loop3A_726 : vector<16xf32> to vector<16xi32>
        %parallel_loop3A_728 = arith.constant 34560 : i32
        %parallel_loop3A_729 = arith.addi %parallel_loop3A_728, %parallel_loop3A_715 : i32
        %parallel_loop3A_730 = arith.index_cast %parallel_loop3A_729 : i32 to index
        %parallel_loop3A_731 = tpu.vector_load %arg6[%parallel_loop3A_730] {strides = array<i32>} : memref<36864xi32, #tpu.memory_space<vmem>>, vector<16xi32>,
        tpu.vector_store %arg6[%parallel_loop3A_730], %parallel_loop3A_727 {strides = array<i32>} : memref<36864xi32, #tpu.memory_space<vmem>>, vector<16xi32>,
        %parallel_loop3A_732 = arith.constant 73728 : i32
        %parallel_loop3A_733 = vector.broadcast %parallel_loop3A_732 : i32 to vector<16xi32>
        %parallel_loop3A_734 = arith.cmpi slt, %parallel_loop3A_727, %parallel_loop3A_733 : vector<16xi32>
        tpu.vector_store_idx %arg5[%parallel_loop3A_727], %parallel_loop3A_719 masked %parallel_loop3A_734 {add = true} : memref<73728xf32, #tpu.memory_space<vmem>>[vector<16xi32>], vector<16xf32>, vector<16xi1>
      } {sc.loop_unroll_factor = 8 : i64, sc.parallel_access}
      %dma_start3A_452 = arith.constant 0 : i32
      %dma_start3A_453 = tpu.memref_slice %arg4[%add3A_16, %dma_start3A_452] : memref<192x147456xf32, #tpu.memory_space<hbm>> -> memref<1x73728xf32, #tpu.memory_space<hbm>>
      %dma_start3A_454 = tpu.memref_squeeze %dma_start3A_453 : memref<1x73728xf32, #tpu.memory_space<hbm>> -> memref<73728xf32, #tpu.memory_space<hbm>>
      %dma_start3A_455 = arith.constant 0 : i32
      %dma_start3A_456 = tpu.memref_slice %arg4[%add3A_16, %dma_start3A_455] : memref<192x147456xf32, #tpu.memory_space<hbm>> -> memref<1x73728xf32, #tpu.memory_space<hbm>>
      %dma_start3A_457 = tpu.memref_squeeze %dma_start3A_456 : memref<1x73728xf32, #tpu.memory_space<hbm>> -> memref<73728xf32, #tpu.memory_space<hbm>>
      tpu.enqueue_dma source(%arg5 : memref<73728xf32, #tpu.memory_space<vmem>>) target(%dma_start3A_457 : memref<73728xf32, #tpu.memory_space<hbm>>) target_semaphore(%arg19 : memref<!tpu.dma_semaphore, #tpu.memory_space<semaphore_mem>>)
      %dma_start3A_458 = arith.constant 0 : i32
      %dma_start3A_459 = tpu.memref_slice %arg3[%add3A_16, %dma_start3A_458] : memref<192x36864xf32, #tpu.memory_space<hbm>> -> memref<1x2304xf32, #tpu.memory_space<hbm>>
      %dma_start3A_460 = tpu.memref_squeeze %dma_start3A_459 : memref<1x2304xf32, #tpu.memory_space<hbm>> -> memref<2304xf32, #tpu.memory_space<hbm>>
      %dma_start3A_461 = arith.constant 0 : i32
      %dma_start3A_462 = tpu.memref_slice %arg3[%add3A_16, %dma_start3A_461] : memref<192x36864xf32, #tpu.memory_space<hbm>> -> memref<1x2304xf32, #tpu.memory_space<hbm>>
      %dma_start3A_463 = tpu.memref_squeeze %dma_start3A_462 : memref<1x2304xf32, #tpu.memory_space<hbm>> -> memref<2304xf32, #tpu.memory_space<hbm>>
      tpu.enqueue_dma source(%dma_start3A_463 : memref<2304xf32, #tpu.memory_space<hbm>>) target(%arg11 : memref<2304xf32, #tpu.memory_space<vmem>>) target_semaphore(%arg15 : memref<!tpu.dma_semaphore, #tpu.memory_space<semaphore_mem>>)
      %dma_start3A_464 = arith.constant 2304 : i32
      %dma_start3A_465 = tpu.memref_slice %arg3[%add3A_16, %dma_start3A_464] : memref<192x36864xf32, #tpu.memory_space<hbm>> -> memref<1x2304xf32, #tpu.memory_space<hbm>>
      %dma_start3A_466 = tpu.memref_squeeze %dma_start3A_465 : memref<1x2304xf32, #tpu.memory_space<hbm>> -> memref<2304xf32, #tpu.memory_space<hbm>>
      %dma_start3A_467 = arith.constant 2304 : i32
      %dma_start3A_468 = tpu.memref_slice %arg3[%add3A_16, %dma_start3A_467] : memref<192x36864xf32, #tpu.memory_space<hbm>> -> memref<1x2304xf32, #tpu.memory_space<hbm>>
      %dma_start3A_469 = tpu.memref_squeeze %dma_start3A_468 : memref<1x2304xf32, #tpu.memory_space<hbm>> -> memref<2304xf32, #tpu.memory_space<hbm>>
      tpu.enqueue_dma source(%dma_start3A_469 : memref<2304xf32, #tpu.memory_space<hbm>>) target(%arg12 : memref<2304xf32, #tpu.memory_space<vmem>>) target_semaphore(%arg16 : memref<!tpu.dma_semaphore, #tpu.memory_space<semaphore_mem>>)
      %dma_start3A_470 = arith.constant 4608 : i32
      %dma_start3A_471 = tpu.memref_slice %arg3[%add3A_16, %dma_start3A_470] : memref<192x36864xf32, #tpu.memory_space<hbm>> -> memref<1x2304xf32, #tpu.memory_space<hbm>>
      %dma_start3A_472 = tpu.memref_squeeze %dma_start3A_471 : memref<1x2304xf32, #tpu.memory_space<hbm>> -> memref<2304xf32, #tpu.memory_space<hbm>>
      %dma_start3A_473 = arith.constant 4608 : i32
      %dma_start3A_474 = tpu.memref_slice %arg3[%add3A_16, %dma_start3A_473] : memref<192x36864xf32, #tpu.memory_space<hbm>> -> memref<1x2304xf32, #tpu.memory_space<hbm>>
      %dma_start3A_475 = tpu.memref_squeeze %dma_start3A_474 : memref<1x2304xf32, #tpu.memory_space<hbm>> -> memref<2304xf32, #tpu.memory_space<hbm>>
      tpu.enqueue_dma source(%dma_start3A_475 : memref<2304xf32, #tpu.memory_space<hbm>>) target(%arg13 : memref<2304xf32, #tpu.memory_space<vmem>>) target_semaphore(%arg17 : memref<!tpu.dma_semaphore, #tpu.memory_space<semaphore_mem>>)
      %dma_wait3A_476 = arith.constant 73728 : i32
      %dma_wait3A_477 = tpu.memref_slice %arg4[%add3A_16, %dma_wait3A_476] : memref<192x147456xf32, #tpu.memory_space<hbm>> -> memref<1x73728xf32, #tpu.memory_space<hbm>>
      %dma_wait3A_478 = tpu.memref_squeeze %dma_wait3A_477 : memref<1x73728xf32, #tpu.memory_space<hbm>> -> memref<73728xf32, #tpu.memory_space<hbm>>
      %dma_wait3A_479 = arith.constant 73728 : i32
      %dma_wait3A_480 = tpu.memref_slice %arg4[%add3A_16, %dma_wait3A_479] : memref<192x147456xf32, #tpu.memory_space<hbm>> -> memref<1x73728xf32, #tpu.memory_space<hbm>>
      %dma_wait3A_481 = tpu.memref_squeeze %dma_wait3A_480 : memref<1x73728xf32, #tpu.memory_space<hbm>> -> memref<73728xf32, #tpu.memory_space<hbm>>
      tpu.wait_dma2 semaphore(%arg19 : memref<!tpu.dma_semaphore, #tpu.memory_space<semaphore_mem>>) src(%arg5 : memref<73728xf32, #tpu.memory_space<vmem>>) dst(%dma_wait3A_481 : memref<73728xf32, #tpu.memory_space<hbm>>)
      %parallel_loop3A_482 = arith.constant 0 : i32
      %parallel_loop3A_483 = arith.constant 4608 : i32
      %parallel_loop3A_484 = arith.constant 1 : i32
      scf.for %parallel_loop3A_713 = %parallel_loop3A_482 to %parallel_loop3A_483 step %parallel_loop3A_484  : i32 {
        %parallel_loop3A_714 = arith.constant 16 : i32
        %parallel_loop3A_715 = arith.muli %parallel_loop3A_713, %parallel_loop3A_714 : i32
        %parallel_loop3A_716 = arith.index_cast %parallel_loop3A_715 : i32 to index
        %parallel_loop3A_717 = tpu.vector_load %arg5[%parallel_loop3A_716] {strides = array<i32>} : memref<73728xf32, #tpu.memory_space<vmem>>, vector<16xf32>,
        tpu.vector_store %arg5[%parallel_loop3A_716], %broadcast_in_dim3A_1 {strides = array<i32>} : memref<73728xf32, #tpu.memory_space<vmem>>, vector<16xf32>,
      } {sc.loop_unroll_factor = 8 : i64, sc.parallel_access}
      %dma_start3A_485 = arith.constant 6912 : i32
      %dma_start3A_486 = tpu.memref_slice %arg3[%add3A_16, %dma_start3A_485] : memref<192x36864xf32, #tpu.memory_space<hbm>> -> memref<1x2304xf32, #tpu.memory_space<hbm>>
      %dma_start3A_487 = tpu.memref_squeeze %dma_start3A_486 : memref<1x2304xf32, #tpu.memory_space<hbm>> -> memref<2304xf32, #tpu.memory_space<hbm>>
      %dma_start3A_488 = arith.constant 6912 : i32
      %dma_start3A_489 = tpu.memref_slice %arg3[%add3A_16, %dma_start3A_488] : memref<192x36864xf32, #tpu.memory_space<hbm>> -> memref<1x2304xf32, #tpu.memory_space<hbm>>
      %dma_start3A_490 = tpu.memref_squeeze %dma_start3A_489 : memref<1x2304xf32, #tpu.memory_space<hbm>> -> memref<2304xf32, #tpu.memory_space<hbm>>
      tpu.enqueue_dma source(%dma_start3A_490 : memref<2304xf32, #tpu.memory_space<hbm>>) target(%arg14 : memref<2304xf32, #tpu.memory_space<vmem>>) target_semaphore(%arg18 : memref<!tpu.dma_semaphore, #tpu.memory_space<semaphore_mem>>)
      %dma_wait3A_491 = arith.constant 0 : i32
      %dma_wait3A_492 = tpu.memref_slice %arg3[%add3A_16, %dma_wait3A_491] : memref<192x36864xf32, #tpu.memory_space<hbm>> -> memref<1x2304xf32, #tpu.memory_space<hbm>>
      %dma_wait3A_493 = tpu.memref_squeeze %dma_wait3A_492 : memref<1x2304xf32, #tpu.memory_space<hbm>> -> memref<2304xf32, #tpu.memory_space<hbm>>
      %dma_wait3A_494 = arith.constant 0 : i32
      %dma_wait3A_495 = tpu.memref_slice %arg3[%add3A_16, %dma_wait3A_494] : memref<192x36864xf32, #tpu.memory_space<hbm>> -> memref<1x2304xf32, #tpu.memory_space<hbm>>
      %dma_wait3A_496 = tpu.memref_squeeze %dma_wait3A_495 : memref<1x2304xf32, #tpu.memory_space<hbm>> -> memref<2304xf32, #tpu.memory_space<hbm>>
      tpu.wait_dma2 semaphore(%arg15 : memref<!tpu.dma_semaphore, #tpu.memory_space<semaphore_mem>>) src(%dma_wait3A_496 : memref<2304xf32, #tpu.memory_space<hbm>>) dst(%arg11 : memref<2304xf32, #tpu.memory_space<vmem>>)
      %parallel_loop3A_497 = arith.constant 0 : i32
      %parallel_loop3A_498 = arith.constant 144 : i32
      %parallel_loop3A_499 = arith.constant 1 : i32
      scf.for %parallel_loop3A_713 = %parallel_loop3A_497 to %parallel_loop3A_498 step %parallel_loop3A_499  : i32 {
        %parallel_loop3A_714 = arith.constant 16 : i32
        %parallel_loop3A_715 = arith.muli %parallel_loop3A_713, %parallel_loop3A_714 : i32
        %parallel_loop3A_716 = arith.constant 0 : i32
        %parallel_loop3A_717 = arith.addi %parallel_loop3A_716, %parallel_loop3A_715 : i32
        %parallel_loop3A_718 = arith.index_cast %parallel_loop3A_717 : i32 to index
        %parallel_loop3A_719 = tpu.vector_load %arg6[%parallel_loop3A_718] {strides = array<i32>} : memref<36864xi32, #tpu.memory_space<vmem>>, vector<16xi32>,
        %parallel_loop3A_720 = arith.index_cast %parallel_loop3A_715 : i32 to index
        %parallel_loop3A_721 = tpu.vector_load %arg11[%parallel_loop3A_720] {strides = array<i32>} : memref<2304xf32, #tpu.memory_space<vmem>>, vector<16xf32>,
        %parallel_loop3A_722 = arith.constant 73728 : i32
        %parallel_loop3A_723 = vector.broadcast %parallel_loop3A_722 : i32 to vector<16xi32>
        %parallel_loop3A_724 = arith.subi %parallel_loop3A_719, %parallel_loop3A_723 : vector<16xi32>
        %parallel_loop3A_725 = arith.constant 73728 : i32
        %parallel_loop3A_726 = vector.broadcast %parallel_loop3A_725 : i32 to vector<16xi32>
        %parallel_loop3A_727 = arith.cmpi sge, %parallel_loop3A_719, %parallel_loop3A_726 : vector<16xi32>
        tpu.vector_store_idx %arg5[%parallel_loop3A_724], %parallel_loop3A_721 masked %parallel_loop3A_727 {add = true} : memref<73728xf32, #tpu.memory_space<vmem>>[vector<16xi32>], vector<16xf32>, vector<16xi1>
      } {sc.loop_unroll_factor = 8 : i64, sc.parallel_access}
      %dma_start3A_500 = arith.constant 9216 : i32
      %dma_start3A_501 = tpu.memref_slice %arg3[%add3A_16, %dma_start3A_500] : memref<192x36864xf32, #tpu.memory_space<hbm>> -> memref<1x2304xf32, #tpu.memory_space<hbm>>
      %dma_start3A_502 = tpu.memref_squeeze %dma_start3A_501 : memref<1x2304xf32, #tpu.memory_space<hbm>> -> memref<2304xf32, #tpu.memory_space<hbm>>
      %dma_start3A_503 = arith.constant 9216 : i32
      %dma_start3A_504 = tpu.memref_slice %arg3[%add3A_16, %dma_start3A_503] : memref<192x36864xf32, #tpu.memory_space<hbm>> -> memref<1x2304xf32, #tpu.memory_space<hbm>>
      %dma_start3A_505 = tpu.memref_squeeze %dma_start3A_504 : memref<1x2304xf32, #tpu.memory_space<hbm>> -> memref<2304xf32, #tpu.memory_space<hbm>>
      tpu.enqueue_dma source(%dma_start3A_505 : memref<2304xf32, #tpu.memory_space<hbm>>) target(%arg11 : memref<2304xf32, #tpu.memory_space<vmem>>) target_semaphore(%arg15 : memref<!tpu.dma_semaphore, #tpu.memory_space<semaphore_mem>>)
      %dma_wait3A_506 = arith.constant 2304 : i32
      %dma_wait3A_507 = tpu.memref_slice %arg3[%add3A_16, %dma_wait3A_506] : memref<192x36864xf32, #tpu.memory_space<hbm>> -> memref<1x2304xf32, #tpu.memory_space<hbm>>
      %dma_wait3A_508 = tpu.memref_squeeze %dma_wait3A_507 : memref<1x2304xf32, #tpu.memory_space<hbm>> -> memref<2304xf32, #tpu.memory_space<hbm>>
      %dma_wait3A_509 = arith.constant 2304 : i32
      %dma_wait3A_510 = tpu.memref_slice %arg3[%add3A_16, %dma_wait3A_509] : memref<192x36864xf32, #tpu.memory_space<hbm>> -> memref<1x2304xf32, #tpu.memory_space<hbm>>
      %dma_wait3A_511 = tpu.memref_squeeze %dma_wait3A_510 : memref<1x2304xf32, #tpu.memory_space<hbm>> -> memref<2304xf32, #tpu.memory_space<hbm>>
      tpu.wait_dma2 semaphore(%arg16 : memref<!tpu.dma_semaphore, #tpu.memory_space<semaphore_mem>>) src(%dma_wait3A_511 : memref<2304xf32, #tpu.memory_space<hbm>>) dst(%arg12 : memref<2304xf32, #tpu.memory_space<vmem>>)
      %parallel_loop3A_512 = arith.constant 0 : i32
      %parallel_loop3A_513 = arith.constant 144 : i32
      %parallel_loop3A_514 = arith.constant 1 : i32
      scf.for %parallel_loop3A_713 = %parallel_loop3A_512 to %parallel_loop3A_513 step %parallel_loop3A_514  : i32 {
        %parallel_loop3A_714 = arith.constant 16 : i32
        %parallel_loop3A_715 = arith.muli %parallel_loop3A_713, %parallel_loop3A_714 : i32
        %parallel_loop3A_716 = arith.constant 2304 : i32
        %parallel_loop3A_717 = arith.addi %parallel_loop3A_716, %parallel_loop3A_715 : i32
        %parallel_loop3A_718 = arith.index_cast %parallel_loop3A_717 : i32 to index
        %parallel_loop3A_719 = tpu.vector_load %arg6[%parallel_loop3A_718] {strides = array<i32>} : memref<36864xi32, #tpu.memory_space<vmem>>, vector<16xi32>,
        %parallel_loop3A_720 = arith.index_cast %parallel_loop3A_715 : i32 to index
        %parallel_loop3A_721 = tpu.vector_load %arg12[%parallel_loop3A_720] {strides = array<i32>} : memref<2304xf32, #tpu.memory_space<vmem>>, vector<16xf32>,
        %parallel_loop3A_722 = arith.constant 73728 : i32
        %parallel_loop3A_723 = vector.broadcast %parallel_loop3A_722 : i32 to vector<16xi32>
        %parallel_loop3A_724 = arith.subi %parallel_loop3A_719, %parallel_loop3A_723 : vector<16xi32>
        %parallel_loop3A_725 = arith.constant 73728 : i32
        %parallel_loop3A_726 = vector.broadcast %parallel_loop3A_725 : i32 to vector<16xi32>
        %parallel_loop3A_727 = arith.cmpi sge, %parallel_loop3A_719, %parallel_loop3A_726 : vector<16xi32>
        tpu.vector_store_idx %arg5[%parallel_loop3A_724], %parallel_loop3A_721 masked %parallel_loop3A_727 {add = true} : memref<73728xf32, #tpu.memory_space<vmem>>[vector<16xi32>], vector<16xf32>, vector<16xi1>
      } {sc.loop_unroll_factor = 8 : i64, sc.parallel_access}
      %dma_start3A_515 = arith.constant 11520 : i32
      %dma_start3A_516 = tpu.memref_slice %arg3[%add3A_16, %dma_start3A_515] : memref<192x36864xf32, #tpu.memory_space<hbm>> -> memref<1x2304xf32, #tpu.memory_space<hbm>>
      %dma_start3A_517 = tpu.memref_squeeze %dma_start3A_516 : memref<1x2304xf32, #tpu.memory_space<hbm>> -> memref<2304xf32, #tpu.memory_space<hbm>>
      %dma_start3A_518 = arith.constant 11520 : i32
      %dma_start3A_519 = tpu.memref_slice %arg3[%add3A_16, %dma_start3A_518] : memref<192x36864xf32, #tpu.memory_space<hbm>> -> memref<1x2304xf32, #tpu.memory_space<hbm>>
      %dma_start3A_520 = tpu.memref_squeeze %dma_start3A_519 : memref<1x2304xf32, #tpu.memory_space<hbm>> -> memref<2304xf32, #tpu.memory_space<hbm>>
      tpu.enqueue_dma source(%dma_start3A_520 : memref<2304xf32, #tpu.memory_space<hbm>>) target(%arg12 : memref<2304xf32, #tpu.memory_space<vmem>>) target_semaphore(%arg16 : memref<!tpu.dma_semaphore, #tpu.memory_space<semaphore_mem>>)
      %dma_wait3A_521 = arith.constant 4608 : i32
      %dma_wait3A_522 = tpu.memref_slice %arg3[%add3A_16, %dma_wait3A_521] : memref<192x36864xf32, #tpu.memory_space<hbm>> -> memref<1x2304xf32, #tpu.memory_space<hbm>>
      %dma_wait3A_523 = tpu.memref_squeeze %dma_wait3A_522 : memref<1x2304xf32, #tpu.memory_space<hbm>> -> memref<2304xf32, #tpu.memory_space<hbm>>
      %dma_wait3A_524 = arith.constant 4608 : i32
      %dma_wait3A_525 = tpu.memref_slice %arg3[%add3A_16, %dma_wait3A_524] : memref<192x36864xf32, #tpu.memory_space<hbm>> -> memref<1x2304xf32, #tpu.memory_space<hbm>>
      %dma_wait3A_526 = tpu.memref_squeeze %dma_wait3A_525 : memref<1x2304xf32, #tpu.memory_space<hbm>> -> memref<2304xf32, #tpu.memory_space<hbm>>
      tpu.wait_dma2 semaphore(%arg17 : memref<!tpu.dma_semaphore, #tpu.memory_space<semaphore_mem>>) src(%dma_wait3A_526 : memref<2304xf32, #tpu.memory_space<hbm>>) dst(%arg13 : memref<2304xf32, #tpu.memory_space<vmem>>)
      %parallel_loop3A_527 = arith.constant 0 : i32
      %parallel_loop3A_528 = arith.constant 144 : i32
      %parallel_loop3A_529 = arith.constant 1 : i32
      scf.for %parallel_loop3A_713 = %parallel_loop3A_527 to %parallel_loop3A_528 step %parallel_loop3A_529  : i32 {
        %parallel_loop3A_714 = arith.constant 16 : i32
        %parallel_loop3A_715 = arith.muli %parallel_loop3A_713, %parallel_loop3A_714 : i32
        %parallel_loop3A_716 = arith.constant 4608 : i32
        %parallel_loop3A_717 = arith.addi %parallel_loop3A_716, %parallel_loop3A_715 : i32
        %parallel_loop3A_718 = arith.index_cast %parallel_loop3A_717 : i32 to index
        %parallel_loop3A_719 = tpu.vector_load %arg6[%parallel_loop3A_718] {strides = array<i32>} : memref<36864xi32, #tpu.memory_space<vmem>>, vector<16xi32>,
        %parallel_loop3A_720 = arith.index_cast %parallel_loop3A_715 : i32 to index
        %parallel_loop3A_721 = tpu.vector_load %arg13[%parallel_loop3A_720] {strides = array<i32>} : memref<2304xf32, #tpu.memory_space<vmem>>, vector<16xf32>,
        %parallel_loop3A_722 = arith.constant 73728 : i32
        %parallel_loop3A_723 = vector.broadcast %parallel_loop3A_722 : i32 to vector<16xi32>
        %parallel_loop3A_724 = arith.subi %parallel_loop3A_719, %parallel_loop3A_723 : vector<16xi32>
        %parallel_loop3A_725 = arith.constant 73728 : i32
        %parallel_loop3A_726 = vector.broadcast %parallel_loop3A_725 : i32 to vector<16xi32>
        %parallel_loop3A_727 = arith.cmpi sge, %parallel_loop3A_719, %parallel_loop3A_726 : vector<16xi32>
        tpu.vector_store_idx %arg5[%parallel_loop3A_724], %parallel_loop3A_721 masked %parallel_loop3A_727 {add = true} : memref<73728xf32, #tpu.memory_space<vmem>>[vector<16xi32>], vector<16xf32>, vector<16xi1>
      } {sc.loop_unroll_factor = 8 : i64, sc.parallel_access}
      %dma_start3A_530 = arith.constant 13824 : i32
      %dma_start3A_531 = tpu.memref_slice %arg3[%add3A_16, %dma_start3A_530] : memref<192x36864xf32, #tpu.memory_space<hbm>> -> memref<1x2304xf32, #tpu.memory_space<hbm>>
      %dma_start3A_532 = tpu.memref_squeeze %dma_start3A_531 : memref<1x2304xf32, #tpu.memory_space<hbm>> -> memref<2304xf32, #tpu.memory_space<hbm>>
      %dma_start3A_533 = arith.constant 13824 : i32
      %dma_start3A_534 = tpu.memref_slice %arg3[%add3A_16, %dma_start3A_533] : memref<192x36864xf32, #tpu.memory_space<hbm>> -> memref<1x2304xf32, #tpu.memory_space<hbm>>
      %dma_start3A_535 = tpu.memref_squeeze %dma_start3A_534 : memref<1x2304xf32, #tpu.memory_space<hbm>> -> memref<2304xf32, #tpu.memory_space<hbm>>
      tpu.enqueue_dma source(%dma_start3A_535 : memref<2304xf32, #tpu.memory_space<hbm>>) target(%arg13 : memref<2304xf32, #tpu.memory_space<vmem>>) target_semaphore(%arg17 : memref<!tpu.dma_semaphore, #tpu.memory_space<semaphore_mem>>)
      %dma_wait3A_536 = arith.constant 6912 : i32
      %dma_wait3A_537 = tpu.memref_slice %arg3[%add3A_16, %dma_wait3A_536] : memref<192x36864xf32, #tpu.memory_space<hbm>> -> memref<1x2304xf32, #tpu.memory_space<hbm>>
      %dma_wait3A_538 = tpu.memref_squeeze %dma_wait3A_537 : memref<1x2304xf32, #tpu.memory_space<hbm>> -> memref<2304xf32, #tpu.memory_space<hbm>>
      %dma_wait3A_539 = arith.constant 6912 : i32
      %dma_wait3A_540 = tpu.memref_slice %arg3[%add3A_16, %dma_wait3A_539] : memref<192x36864xf32, #tpu.memory_space<hbm>> -> memref<1x2304xf32, #tpu.memory_space<hbm>>
      %dma_wait3A_541 = tpu.memref_squeeze %dma_wait3A_540 : memref<1x2304xf32, #tpu.memory_space<hbm>> -> memref<2304xf32, #tpu.memory_space<hbm>>
      tpu.wait_dma2 semaphore(%arg18 : memref<!tpu.dma_semaphore, #tpu.memory_space<semaphore_mem>>) src(%dma_wait3A_541 : memref<2304xf32, #tpu.memory_space<hbm>>) dst(%arg14 : memref<2304xf32, #tpu.memory_space<vmem>>)
      %parallel_loop3A_542 = arith.constant 0 : i32
      %parallel_loop3A_543 = arith.constant 144 : i32
      %parallel_loop3A_544 = arith.constant 1 : i32
      scf.for %parallel_loop3A_713 = %parallel_loop3A_542 to %parallel_loop3A_543 step %parallel_loop3A_544  : i32 {
        %parallel_loop3A_714 = arith.constant 16 : i32
        %parallel_loop3A_715 = arith.muli %parallel_loop3A_713, %parallel_loop3A_714 : i32
        %parallel_loop3A_716 = arith.constant 6912 : i32
        %parallel_loop3A_717 = arith.addi %parallel_loop3A_716, %parallel_loop3A_715 : i32
        %parallel_loop3A_718 = arith.index_cast %parallel_loop3A_717 : i32 to index
        %parallel_loop3A_719 = tpu.vector_load %arg6[%parallel_loop3A_718] {strides = array<i32>} : memref<36864xi32, #tpu.memory_space<vmem>>, vector<16xi32>,
        %parallel_loop3A_720 = arith.index_cast %parallel_loop3A_715 : i32 to index
        %parallel_loop3A_721 = tpu.vector_load %arg14[%parallel_loop3A_720] {strides = array<i32>} : memref<2304xf32, #tpu.memory_space<vmem>>, vector<16xf32>,
        %parallel_loop3A_722 = arith.constant 73728 : i32
        %parallel_loop3A_723 = vector.broadcast %parallel_loop3A_722 : i32 to vector<16xi32>
        %parallel_loop3A_724 = arith.subi %parallel_loop3A_719, %parallel_loop3A_723 : vector<16xi32>
        %parallel_loop3A_725 = arith.constant 73728 : i32
        %parallel_loop3A_726 = vector.broadcast %parallel_loop3A_725 : i32 to vector<16xi32>
        %parallel_loop3A_727 = arith.cmpi sge, %parallel_loop3A_719, %parallel_loop3A_726 : vector<16xi32>
        tpu.vector_store_idx %arg5[%parallel_loop3A_724], %parallel_loop3A_721 masked %parallel_loop3A_727 {add = true} : memref<73728xf32, #tpu.memory_space<vmem>>[vector<16xi32>], vector<16xf32>, vector<16xi1>
      } {sc.loop_unroll_factor = 8 : i64, sc.parallel_access}
      %dma_start3A_545 = arith.constant 16128 : i32
      %dma_start3A_546 = tpu.memref_slice %arg3[%add3A_16, %dma_start3A_545] : memref<192x36864xf32, #tpu.memory_space<hbm>> -> memref<1x2304xf32, #tpu.memory_space<hbm>>
      %dma_start3A_547 = tpu.memref_squeeze %dma_start3A_546 : memref<1x2304xf32, #tpu.memory_space<hbm>> -> memref<2304xf32, #tpu.memory_space<hbm>>
      %dma_start3A_548 = arith.constant 16128 : i32
      %dma_start3A_549 = tpu.memref_slice %arg3[%add3A_16, %dma_start3A_548] : memref<192x36864xf32, #tpu.memory_space<hbm>> -> memref<1x2304xf32, #tpu.memory_space<hbm>>
      %dma_start3A_550 = tpu.memref_squeeze %dma_start3A_549 : memref<1x2304xf32, #tpu.memory_space<hbm>> -> memref<2304xf32, #tpu.memory_space<hbm>>
      tpu.enqueue_dma source(%dma_start3A_550 : memref<2304xf32, #tpu.memory_space<hbm>>) target(%arg14 : memref<2304xf32, #tpu.memory_space<vmem>>) target_semaphore(%arg18 : memref<!tpu.dma_semaphore, #tpu.memory_space<semaphore_mem>>)
      %dma_wait3A_551 = arith.constant 9216 : i32
      %dma_wait3A_552 = tpu.memref_slice %arg3[%add3A_16, %dma_wait3A_551] : memref<192x36864xf32, #tpu.memory_space<hbm>> -> memref<1x2304xf32, #tpu.memory_space<hbm>>
      %dma_wait3A_553 = tpu.memref_squeeze %dma_wait3A_552 : memref<1x2304xf32, #tpu.memory_space<hbm>> -> memref<2304xf32, #tpu.memory_space<hbm>>
      %dma_wait3A_554 = arith.constant 9216 : i32
      %dma_wait3A_555 = tpu.memref_slice %arg3[%add3A_16, %dma_wait3A_554] : memref<192x36864xf32, #tpu.memory_space<hbm>> -> memref<1x2304xf32, #tpu.memory_space<hbm>>
      %dma_wait3A_556 = tpu.memref_squeeze %dma_wait3A_555 : memref<1x2304xf32, #tpu.memory_space<hbm>> -> memref<2304xf32, #tpu.memory_space<hbm>>
      tpu.wait_dma2 semaphore(%arg15 : memref<!tpu.dma_semaphore, #tpu.memory_space<semaphore_mem>>) src(%dma_wait3A_556 : memref<2304xf32, #tpu.memory_space<hbm>>) dst(%arg11 : memref<2304xf32, #tpu.memory_space<vmem>>)
      %parallel_loop3A_557 = arith.constant 0 : i32
      %parallel_loop3A_558 = arith.constant 144 : i32
      %parallel_loop3A_559 = arith.constant 1 : i32
      scf.for %parallel_loop3A_713 = %parallel_loop3A_557 to %parallel_loop3A_558 step %parallel_loop3A_559  : i32 {
        %parallel_loop3A_714 = arith.constant 16 : i32
        %parallel_loop3A_715 = arith.muli %parallel_loop3A_713, %parallel_loop3A_714 : i32
        %parallel_loop3A_716 = arith.constant 9216 : i32
        %parallel_loop3A_717 = arith.addi %parallel_loop3A_716, %parallel_loop3A_715 : i32
        %parallel_loop3A_718 = arith.index_cast %parallel_loop3A_717 : i32 to index
        %parallel_loop3A_719 = tpu.vector_load %arg6[%parallel_loop3A_718] {strides = array<i32>} : memref<36864xi32, #tpu.memory_space<vmem>>, vector<16xi32>,
        %parallel_loop3A_720 = arith.index_cast %parallel_loop3A_715 : i32 to index
        %parallel_loop3A_721 = tpu.vector_load %arg11[%parallel_loop3A_720] {strides = array<i32>} : memref<2304xf32, #tpu.memory_space<vmem>>, vector<16xf32>,
        %parallel_loop3A_722 = arith.constant 73728 : i32
        %parallel_loop3A_723 = vector.broadcast %parallel_loop3A_722 : i32 to vector<16xi32>
        %parallel_loop3A_724 = arith.subi %parallel_loop3A_719, %parallel_loop3A_723 : vector<16xi32>
        %parallel_loop3A_725 = arith.constant 73728 : i32
        %parallel_loop3A_726 = vector.broadcast %parallel_loop3A_725 : i32 to vector<16xi32>
        %parallel_loop3A_727 = arith.cmpi sge, %parallel_loop3A_719, %parallel_loop3A_726 : vector<16xi32>
        tpu.vector_store_idx %arg5[%parallel_loop3A_724], %parallel_loop3A_721 masked %parallel_loop3A_727 {add = true} : memref<73728xf32, #tpu.memory_space<vmem>>[vector<16xi32>], vector<16xf32>, vector<16xi1>
      } {sc.loop_unroll_factor = 8 : i64, sc.parallel_access}
      %dma_start3A_560 = arith.constant 18432 : i32
      %dma_start3A_561 = tpu.memref_slice %arg3[%add3A_16, %dma_start3A_560] : memref<192x36864xf32, #tpu.memory_space<hbm>> -> memref<1x2304xf32, #tpu.memory_space<hbm>>
      %dma_start3A_562 = tpu.memref_squeeze %dma_start3A_561 : memref<1x2304xf32, #tpu.memory_space<hbm>> -> memref<2304xf32, #tpu.memory_space<hbm>>
      %dma_start3A_563 = arith.constant 18432 : i32
      %dma_start3A_564 = tpu.memref_slice %arg3[%add3A_16, %dma_start3A_563] : memref<192x36864xf32, #tpu.memory_space<hbm>> -> memref<1x2304xf32, #tpu.memory_space<hbm>>
      %dma_start3A_565 = tpu.memref_squeeze %dma_start3A_564 : memref<1x2304xf32, #tpu.memory_space<hbm>> -> memref<2304xf32, #tpu.memory_space<hbm>>
      tpu.enqueue_dma source(%dma_start3A_565 : memref<2304xf32, #tpu.memory_space<hbm>>) target(%arg11 : memref<2304xf32, #tpu.memory_space<vmem>>) target_semaphore(%arg15 : memref<!tpu.dma_semaphore, #tpu.memory_space<semaphore_mem>>)
      %dma_wait3A_566 = arith.constant 11520 : i32
      %dma_wait3A_567 = tpu.memref_slice %arg3[%add3A_16, %dma_wait3A_566] : memref<192x36864xf32, #tpu.memory_space<hbm>> -> memref<1x2304xf32, #tpu.memory_space<hbm>>
      %dma_wait3A_568 = tpu.memref_squeeze %dma_wait3A_567 : memref<1x2304xf32, #tpu.memory_space<hbm>> -> memref<2304xf32, #tpu.memory_space<hbm>>
      %dma_wait3A_569 = arith.constant 11520 : i32
      %dma_wait3A_570 = tpu.memref_slice %arg3[%add3A_16, %dma_wait3A_569] : memref<192x36864xf32, #tpu.memory_space<hbm>> -> memref<1x2304xf32, #tpu.memory_space<hbm>>
      %dma_wait3A_571 = tpu.memref_squeeze %dma_wait3A_570 : memref<1x2304xf32, #tpu.memory_space<hbm>> -> memref<2304xf32, #tpu.memory_space<hbm>>
      tpu.wait_dma2 semaphore(%arg16 : memref<!tpu.dma_semaphore, #tpu.memory_space<semaphore_mem>>) src(%dma_wait3A_571 : memref<2304xf32, #tpu.memory_space<hbm>>) dst(%arg12 : memref<2304xf32, #tpu.memory_space<vmem>>)
      %parallel_loop3A_572 = arith.constant 0 : i32
      %parallel_loop3A_573 = arith.constant 144 : i32
      %parallel_loop3A_574 = arith.constant 1 : i32
      scf.for %parallel_loop3A_713 = %parallel_loop3A_572 to %parallel_loop3A_573 step %parallel_loop3A_574  : i32 {
        %parallel_loop3A_714 = arith.constant 16 : i32
        %parallel_loop3A_715 = arith.muli %parallel_loop3A_713, %parallel_loop3A_714 : i32
        %parallel_loop3A_716 = arith.constant 11520 : i32
        %parallel_loop3A_717 = arith.addi %parallel_loop3A_716, %parallel_loop3A_715 : i32
        %parallel_loop3A_718 = arith.index_cast %parallel_loop3A_717 : i32 to index
        %parallel_loop3A_719 = tpu.vector_load %arg6[%parallel_loop3A_718] {strides = array<i32>} : memref<36864xi32, #tpu.memory_space<vmem>>, vector<16xi32>,
        %parallel_loop3A_720 = arith.index_cast %parallel_loop3A_715 : i32 to index
        %parallel_loop3A_721 = tpu.vector_load %arg12[%parallel_loop3A_720] {strides = array<i32>} : memref<2304xf32, #tpu.memory_space<vmem>>, vector<16xf32>,
        %parallel_loop3A_722 = arith.constant 73728 : i32
        %parallel_loop3A_723 = vector.broadcast %parallel_loop3A_722 : i32 to vector<16xi32>
        %parallel_loop3A_724 = arith.subi %parallel_loop3A_719, %parallel_loop3A_723 : vector<16xi32>
        %parallel_loop3A_725 = arith.constant 73728 : i32
        %parallel_loop3A_726 = vector.broadcast %parallel_loop3A_725 : i32 to vector<16xi32>
        %parallel_loop3A_727 = arith.cmpi sge, %parallel_loop3A_719, %parallel_loop3A_726 : vector<16xi32>
        tpu.vector_store_idx %arg5[%parallel_loop3A_724], %parallel_loop3A_721 masked %parallel_loop3A_727 {add = true} : memref<73728xf32, #tpu.memory_space<vmem>>[vector<16xi32>], vector<16xf32>, vector<16xi1>
      } {sc.loop_unroll_factor = 8 : i64, sc.parallel_access}
      %dma_start3A_575 = arith.constant 20736 : i32
      %dma_start3A_576 = tpu.memref_slice %arg3[%add3A_16, %dma_start3A_575] : memref<192x36864xf32, #tpu.memory_space<hbm>> -> memref<1x2304xf32, #tpu.memory_space<hbm>>
      %dma_start3A_577 = tpu.memref_squeeze %dma_start3A_576 : memref<1x2304xf32, #tpu.memory_space<hbm>> -> memref<2304xf32, #tpu.memory_space<hbm>>
      %dma_start3A_578 = arith.constant 20736 : i32
      %dma_start3A_579 = tpu.memref_slice %arg3[%add3A_16, %dma_start3A_578] : memref<192x36864xf32, #tpu.memory_space<hbm>> -> memref<1x2304xf32, #tpu.memory_space<hbm>>
      %dma_start3A_580 = tpu.memref_squeeze %dma_start3A_579 : memref<1x2304xf32, #tpu.memory_space<hbm>> -> memref<2304xf32, #tpu.memory_space<hbm>>
      tpu.enqueue_dma source(%dma_start3A_580 : memref<2304xf32, #tpu.memory_space<hbm>>) target(%arg12 : memref<2304xf32, #tpu.memory_space<vmem>>) target_semaphore(%arg16 : memref<!tpu.dma_semaphore, #tpu.memory_space<semaphore_mem>>)
      %dma_wait3A_581 = arith.constant 13824 : i32
      %dma_wait3A_582 = tpu.memref_slice %arg3[%add3A_16, %dma_wait3A_581] : memref<192x36864xf32, #tpu.memory_space<hbm>> -> memref<1x2304xf32, #tpu.memory_space<hbm>>
      %dma_wait3A_583 = tpu.memref_squeeze %dma_wait3A_582 : memref<1x2304xf32, #tpu.memory_space<hbm>> -> memref<2304xf32, #tpu.memory_space<hbm>>
      %dma_wait3A_584 = arith.constant 13824 : i32
      %dma_wait3A_585 = tpu.memref_slice %arg3[%add3A_16, %dma_wait3A_584] : memref<192x36864xf32, #tpu.memory_space<hbm>> -> memref<1x2304xf32, #tpu.memory_space<hbm>>
      %dma_wait3A_586 = tpu.memref_squeeze %dma_wait3A_585 : memref<1x2304xf32, #tpu.memory_space<hbm>> -> memref<2304xf32, #tpu.memory_space<hbm>>
      tpu.wait_dma2 semaphore(%arg17 : memref<!tpu.dma_semaphore, #tpu.memory_space<semaphore_mem>>) src(%dma_wait3A_586 : memref<2304xf32, #tpu.memory_space<hbm>>) dst(%arg13 : memref<2304xf32, #tpu.memory_space<vmem>>)
      %parallel_loop3A_587 = arith.constant 0 : i32
      %parallel_loop3A_588 = arith.constant 144 : i32
      %parallel_loop3A_589 = arith.constant 1 : i32
      scf.for %parallel_loop3A_713 = %parallel_loop3A_587 to %parallel_loop3A_588 step %parallel_loop3A_589  : i32 {
        %parallel_loop3A_714 = arith.constant 16 : i32
        %parallel_loop3A_715 = arith.muli %parallel_loop3A_713, %parallel_loop3A_714 : i32
        %parallel_loop3A_716 = arith.constant 13824 : i32
        %parallel_loop3A_717 = arith.addi %parallel_loop3A_716, %parallel_loop3A_715 : i32
        %parallel_loop3A_718 = arith.index_cast %parallel_loop3A_717 : i32 to index
        %parallel_loop3A_719 = tpu.vector_load %arg6[%parallel_loop3A_718] {strides = array<i32>} : memref<36864xi32, #tpu.memory_space<vmem>>, vector<16xi32>,
        %parallel_loop3A_720 = arith.index_cast %parallel_loop3A_715 : i32 to index
        %parallel_loop3A_721 = tpu.vector_load %arg13[%parallel_loop3A_720] {strides = array<i32>} : memref<2304xf32, #tpu.memory_space<vmem>>, vector<16xf32>,
        %parallel_loop3A_722 = arith.constant 73728 : i32
        %parallel_loop3A_723 = vector.broadcast %parallel_loop3A_722 : i32 to vector<16xi32>
        %parallel_loop3A_724 = arith.subi %parallel_loop3A_719, %parallel_loop3A_723 : vector<16xi32>
        %parallel_loop3A_725 = arith.constant 73728 : i32
        %parallel_loop3A_726 = vector.broadcast %parallel_loop3A_725 : i32 to vector<16xi32>
        %parallel_loop3A_727 = arith.cmpi sge, %parallel_loop3A_719, %parallel_loop3A_726 : vector<16xi32>
        tpu.vector_store_idx %arg5[%parallel_loop3A_724], %parallel_loop3A_721 masked %parallel_loop3A_727 {add = true} : memref<73728xf32, #tpu.memory_space<vmem>>[vector<16xi32>], vector<16xf32>, vector<16xi1>
      } {sc.loop_unroll_factor = 8 : i64, sc.parallel_access}
      %dma_start3A_590 = arith.constant 23040 : i32
      %dma_start3A_591 = tpu.memref_slice %arg3[%add3A_16, %dma_start3A_590] : memref<192x36864xf32, #tpu.memory_space<hbm>> -> memref<1x2304xf32, #tpu.memory_space<hbm>>
      %dma_start3A_592 = tpu.memref_squeeze %dma_start3A_591 : memref<1x2304xf32, #tpu.memory_space<hbm>> -> memref<2304xf32, #tpu.memory_space<hbm>>
      %dma_start3A_593 = arith.constant 23040 : i32
      %dma_start3A_594 = tpu.memref_slice %arg3[%add3A_16, %dma_start3A_593] : memref<192x36864xf32, #tpu.memory_space<hbm>> -> memref<1x2304xf32, #tpu.memory_space<hbm>>
      %dma_start3A_595 = tpu.memref_squeeze %dma_start3A_594 : memref<1x2304xf32, #tpu.memory_space<hbm>> -> memref<2304xf32, #tpu.memory_space<hbm>>
      tpu.enqueue_dma source(%dma_start3A_595 : memref<2304xf32, #tpu.memory_space<hbm>>) target(%arg13 : memref<2304xf32, #tpu.memory_space<vmem>>) target_semaphore(%arg17 : memref<!tpu.dma_semaphore, #tpu.memory_space<semaphore_mem>>)
      %dma_wait3A_596 = arith.constant 16128 : i32
      %dma_wait3A_597 = tpu.memref_slice %arg3[%add3A_16, %dma_wait3A_596] : memref<192x36864xf32, #tpu.memory_space<hbm>> -> memref<1x2304xf32, #tpu.memory_space<hbm>>
      %dma_wait3A_598 = tpu.memref_squeeze %dma_wait3A_597 : memref<1x2304xf32, #tpu.memory_space<hbm>> -> memref<2304xf32, #tpu.memory_space<hbm>>
      %dma_wait3A_599 = arith.constant 16128 : i32
      %dma_wait3A_600 = tpu.memref_slice %arg3[%add3A_16, %dma_wait3A_599] : memref<192x36864xf32, #tpu.memory_space<hbm>> -> memref<1x2304xf32, #tpu.memory_space<hbm>>
      %dma_wait3A_601 = tpu.memref_squeeze %dma_wait3A_600 : memref<1x2304xf32, #tpu.memory_space<hbm>> -> memref<2304xf32, #tpu.memory_space<hbm>>
      tpu.wait_dma2 semaphore(%arg18 : memref<!tpu.dma_semaphore, #tpu.memory_space<semaphore_mem>>) src(%dma_wait3A_601 : memref<2304xf32, #tpu.memory_space<hbm>>) dst(%arg14 : memref<2304xf32, #tpu.memory_space<vmem>>)
      %parallel_loop3A_602 = arith.constant 0 : i32
      %parallel_loop3A_603 = arith.constant 144 : i32
      %parallel_loop3A_604 = arith.constant 1 : i32
      scf.for %parallel_loop3A_713 = %parallel_loop3A_602 to %parallel_loop3A_603 step %parallel_loop3A_604  : i32 {
        %parallel_loop3A_714 = arith.constant 16 : i32
        %parallel_loop3A_715 = arith.muli %parallel_loop3A_713, %parallel_loop3A_714 : i32
        %parallel_loop3A_716 = arith.constant 16128 : i32
        %parallel_loop3A_717 = arith.addi %parallel_loop3A_716, %parallel_loop3A_715 : i32
        %parallel_loop3A_718 = arith.index_cast %parallel_loop3A_717 : i32 to index
        %parallel_loop3A_719 = tpu.vector_load %arg6[%parallel_loop3A_718] {strides = array<i32>} : memref<36864xi32, #tpu.memory_space<vmem>>, vector<16xi32>,
        %parallel_loop3A_720 = arith.index_cast %parallel_loop3A_715 : i32 to index
        %parallel_loop3A_721 = tpu.vector_load %arg14[%parallel_loop3A_720] {strides = array<i32>} : memref<2304xf32, #tpu.memory_space<vmem>>, vector<16xf32>,
        %parallel_loop3A_722 = arith.constant 73728 : i32
        %parallel_loop3A_723 = vector.broadcast %parallel_loop3A_722 : i32 to vector<16xi32>
        %parallel_loop3A_724 = arith.subi %parallel_loop3A_719, %parallel_loop3A_723 : vector<16xi32>
        %parallel_loop3A_725 = arith.constant 73728 : i32
        %parallel_loop3A_726 = vector.broadcast %parallel_loop3A_725 : i32 to vector<16xi32>
        %parallel_loop3A_727 = arith.cmpi sge, %parallel_loop3A_719, %parallel_loop3A_726 : vector<16xi32>
        tpu.vector_store_idx %arg5[%parallel_loop3A_724], %parallel_loop3A_721 masked %parallel_loop3A_727 {add = true} : memref<73728xf32, #tpu.memory_space<vmem>>[vector<16xi32>], vector<16xf32>, vector<16xi1>
      } {sc.loop_unroll_factor = 8 : i64, sc.parallel_access}
      %dma_start3A_605 = arith.constant 25344 : i32
      %dma_start3A_606 = tpu.memref_slice %arg3[%add3A_16, %dma_start3A_605] : memref<192x36864xf32, #tpu.memory_space<hbm>> -> memref<1x2304xf32, #tpu.memory_space<hbm>>
      %dma_start3A_607 = tpu.memref_squeeze %dma_start3A_606 : memref<1x2304xf32, #tpu.memory_space<hbm>> -> memref<2304xf32, #tpu.memory_space<hbm>>
      %dma_start3A_608 = arith.constant 25344 : i32
      %dma_start3A_609 = tpu.memref_slice %arg3[%add3A_16, %dma_start3A_608] : memref<192x36864xf32, #tpu.memory_space<hbm>> -> memref<1x2304xf32, #tpu.memory_space<hbm>>
      %dma_start3A_610 = tpu.memref_squeeze %dma_start3A_609 : memref<1x2304xf32, #tpu.memory_space<hbm>> -> memref<2304xf32, #tpu.memory_space<hbm>>
      tpu.enqueue_dma source(%dma_start3A_610 : memref<2304xf32, #tpu.memory_space<hbm>>) target(%arg14 : memref<2304xf32, #tpu.memory_space<vmem>>) target_semaphore(%arg18 : memref<!tpu.dma_semaphore, #tpu.memory_space<semaphore_mem>>)
      %dma_wait3A_611 = arith.constant 18432 : i32
      %dma_wait3A_612 = tpu.memref_slice %arg3[%add3A_16, %dma_wait3A_611] : memref<192x36864xf32, #tpu.memory_space<hbm>> -> memref<1x2304xf32, #tpu.memory_space<hbm>>
      %dma_wait3A_613 = tpu.memref_squeeze %dma_wait3A_612 : memref<1x2304xf32, #tpu.memory_space<hbm>> -> memref<2304xf32, #tpu.memory_space<hbm>>
      %dma_wait3A_614 = arith.constant 18432 : i32
      %dma_wait3A_615 = tpu.memref_slice %arg3[%add3A_16, %dma_wait3A_614] : memref<192x36864xf32, #tpu.memory_space<hbm>> -> memref<1x2304xf32, #tpu.memory_space<hbm>>
      %dma_wait3A_616 = tpu.memref_squeeze %dma_wait3A_615 : memref<1x2304xf32, #tpu.memory_space<hbm>> -> memref<2304xf32, #tpu.memory_space<hbm>>
      tpu.wait_dma2 semaphore(%arg15 : memref<!tpu.dma_semaphore, #tpu.memory_space<semaphore_mem>>) src(%dma_wait3A_616 : memref<2304xf32, #tpu.memory_space<hbm>>) dst(%arg11 : memref<2304xf32, #tpu.memory_space<vmem>>)
      %parallel_loop3A_617 = arith.constant 0 : i32
      %parallel_loop3A_618 = arith.constant 144 : i32
      %parallel_loop3A_619 = arith.constant 1 : i32
      scf.for %parallel_loop3A_713 = %parallel_loop3A_617 to %parallel_loop3A_618 step %parallel_loop3A_619  : i32 {
        %parallel_loop3A_714 = arith.constant 16 : i32
        %parallel_loop3A_715 = arith.muli %parallel_loop3A_713, %parallel_loop3A_714 : i32
        %parallel_loop3A_716 = arith.constant 18432 : i32
        %parallel_loop3A_717 = arith.addi %parallel_loop3A_716, %parallel_loop3A_715 : i32
        %parallel_loop3A_718 = arith.index_cast %parallel_loop3A_717 : i32 to index
        %parallel_loop3A_719 = tpu.vector_load %arg6[%parallel_loop3A_718] {strides = array<i32>} : memref<36864xi32, #tpu.memory_space<vmem>>, vector<16xi32>,
        %parallel_loop3A_720 = arith.index_cast %parallel_loop3A_715 : i32 to index
        %parallel_loop3A_721 = tpu.vector_load %arg11[%parallel_loop3A_720] {strides = array<i32>} : memref<2304xf32, #tpu.memory_space<vmem>>, vector<16xf32>,
        %parallel_loop3A_722 = arith.constant 73728 : i32
        %parallel_loop3A_723 = vector.broadcast %parallel_loop3A_722 : i32 to vector<16xi32>
        %parallel_loop3A_724 = arith.subi %parallel_loop3A_719, %parallel_loop3A_723 : vector<16xi32>
        %parallel_loop3A_725 = arith.constant 73728 : i32
        %parallel_loop3A_726 = vector.broadcast %parallel_loop3A_725 : i32 to vector<16xi32>
        %parallel_loop3A_727 = arith.cmpi sge, %parallel_loop3A_719, %parallel_loop3A_726 : vector<16xi32>
        tpu.vector_store_idx %arg5[%parallel_loop3A_724], %parallel_loop3A_721 masked %parallel_loop3A_727 {add = true} : memref<73728xf32, #tpu.memory_space<vmem>>[vector<16xi32>], vector<16xf32>, vector<16xi1>
      } {sc.loop_unroll_factor = 8 : i64, sc.parallel_access}
      %dma_start3A_620 = arith.constant 27648 : i32
      %dma_start3A_621 = tpu.memref_slice %arg3[%add3A_16, %dma_start3A_620] : memref<192x36864xf32, #tpu.memory_space<hbm>> -> memref<1x2304xf32, #tpu.memory_space<hbm>>
      %dma_start3A_622 = tpu.memref_squeeze %dma_start3A_621 : memref<1x2304xf32, #tpu.memory_space<hbm>> -> memref<2304xf32, #tpu.memory_space<hbm>>
      %dma_start3A_623 = arith.constant 27648 : i32
      %dma_start3A_624 = tpu.memref_slice %arg3[%add3A_16, %dma_start3A_623] : memref<192x36864xf32, #tpu.memory_space<hbm>> -> memref<1x2304xf32, #tpu.memory_space<hbm>>
      %dma_start3A_625 = tpu.memref_squeeze %dma_start3A_624 : memref<1x2304xf32, #tpu.memory_space<hbm>> -> memref<2304xf32, #tpu.memory_space<hbm>>
      tpu.enqueue_dma source(%dma_start3A_625 : memref<2304xf32, #tpu.memory_space<hbm>>) target(%arg11 : memref<2304xf32, #tpu.memory_space<vmem>>) target_semaphore(%arg15 : memref<!tpu.dma_semaphore, #tpu.memory_space<semaphore_mem>>)
      %dma_wait3A_626 = arith.constant 20736 : i32
      %dma_wait3A_627 = tpu.memref_slice %arg3[%add3A_16, %dma_wait3A_626] : memref<192x36864xf32, #tpu.memory_space<hbm>> -> memref<1x2304xf32, #tpu.memory_space<hbm>>
      %dma_wait3A_628 = tpu.memref_squeeze %dma_wait3A_627 : memref<1x2304xf32, #tpu.memory_space<hbm>> -> memref<2304xf32, #tpu.memory_space<hbm>>
      %dma_wait3A_629 = arith.constant 20736 : i32
      %dma_wait3A_630 = tpu.memref_slice %arg3[%add3A_16, %dma_wait3A_629] : memref<192x36864xf32, #tpu.memory_space<hbm>> -> memref<1x2304xf32, #tpu.memory_space<hbm>>
      %dma_wait3A_631 = tpu.memref_squeeze %dma_wait3A_630 : memref<1x2304xf32, #tpu.memory_space<hbm>> -> memref<2304xf32, #tpu.memory_space<hbm>>
      tpu.wait_dma2 semaphore(%arg16 : memref<!tpu.dma_semaphore, #tpu.memory_space<semaphore_mem>>) src(%dma_wait3A_631 : memref<2304xf32, #tpu.memory_space<hbm>>) dst(%arg12 : memref<2304xf32, #tpu.memory_space<vmem>>)
      %parallel_loop3A_632 = arith.constant 0 : i32
      %parallel_loop3A_633 = arith.constant 144 : i32
      %parallel_loop3A_634 = arith.constant 1 : i32
      scf.for %parallel_loop3A_713 = %parallel_loop3A_632 to %parallel_loop3A_633 step %parallel_loop3A_634  : i32 {
        %parallel_loop3A_714 = arith.constant 16 : i32
        %parallel_loop3A_715 = arith.muli %parallel_loop3A_713, %parallel_loop3A_714 : i32
        %parallel_loop3A_716 = arith.constant 20736 : i32
        %parallel_loop3A_717 = arith.addi %parallel_loop3A_716, %parallel_loop3A_715 : i32
        %parallel_loop3A_718 = arith.index_cast %parallel_loop3A_717 : i32 to index
        %parallel_loop3A_719 = tpu.vector_load %arg6[%parallel_loop3A_718] {strides = array<i32>} : memref<36864xi32, #tpu.memory_space<vmem>>, vector<16xi32>,
        %parallel_loop3A_720 = arith.index_cast %parallel_loop3A_715 : i32 to index
        %parallel_loop3A_721 = tpu.vector_load %arg12[%parallel_loop3A_720] {strides = array<i32>} : memref<2304xf32, #tpu.memory_space<vmem>>, vector<16xf32>,
        %parallel_loop3A_722 = arith.constant 73728 : i32
        %parallel_loop3A_723 = vector.broadcast %parallel_loop3A_722 : i32 to vector<16xi32>
        %parallel_loop3A_724 = arith.subi %parallel_loop3A_719, %parallel_loop3A_723 : vector<16xi32>
        %parallel_loop3A_725 = arith.constant 73728 : i32
        %parallel_loop3A_726 = vector.broadcast %parallel_loop3A_725 : i32 to vector<16xi32>
        %parallel_loop3A_727 = arith.cmpi sge, %parallel_loop3A_719, %parallel_loop3A_726 : vector<16xi32>
        tpu.vector_store_idx %arg5[%parallel_loop3A_724], %parallel_loop3A_721 masked %parallel_loop3A_727 {add = true} : memref<73728xf32, #tpu.memory_space<vmem>>[vector<16xi32>], vector<16xf32>, vector<16xi1>
      } {sc.loop_unroll_factor = 8 : i64, sc.parallel_access}
      %dma_start3A_635 = arith.constant 29952 : i32
      %dma_start3A_636 = tpu.memref_slice %arg3[%add3A_16, %dma_start3A_635] : memref<192x36864xf32, #tpu.memory_space<hbm>> -> memref<1x2304xf32, #tpu.memory_space<hbm>>
      %dma_start3A_637 = tpu.memref_squeeze %dma_start3A_636 : memref<1x2304xf32, #tpu.memory_space<hbm>> -> memref<2304xf32, #tpu.memory_space<hbm>>
      %dma_start3A_638 = arith.constant 29952 : i32
      %dma_start3A_639 = tpu.memref_slice %arg3[%add3A_16, %dma_start3A_638] : memref<192x36864xf32, #tpu.memory_space<hbm>> -> memref<1x2304xf32, #tpu.memory_space<hbm>>
      %dma_start3A_640 = tpu.memref_squeeze %dma_start3A_639 : memref<1x2304xf32, #tpu.memory_space<hbm>> -> memref<2304xf32, #tpu.memory_space<hbm>>
      tpu.enqueue_dma source(%dma_start3A_640 : memref<2304xf32, #tpu.memory_space<hbm>>) target(%arg12 : memref<2304xf32, #tpu.memory_space<vmem>>) target_semaphore(%arg16 : memref<!tpu.dma_semaphore, #tpu.memory_space<semaphore_mem>>)
      %dma_wait3A_641 = arith.constant 23040 : i32
      %dma_wait3A_642 = tpu.memref_slice %arg3[%add3A_16, %dma_wait3A_641] : memref<192x36864xf32, #tpu.memory_space<hbm>> -> memref<1x2304xf32, #tpu.memory_space<hbm>>
      %dma_wait3A_643 = tpu.memref_squeeze %dma_wait3A_642 : memref<1x2304xf32, #tpu.memory_space<hbm>> -> memref<2304xf32, #tpu.memory_space<hbm>>
      %dma_wait3A_644 = arith.constant 23040 : i32
      %dma_wait3A_645 = tpu.memref_slice %arg3[%add3A_16, %dma_wait3A_644] : memref<192x36864xf32, #tpu.memory_space<hbm>> -> memref<1x2304xf32, #tpu.memory_space<hbm>>
      %dma_wait3A_646 = tpu.memref_squeeze %dma_wait3A_645 : memref<1x2304xf32, #tpu.memory_space<hbm>> -> memref<2304xf32, #tpu.memory_space<hbm>>
      tpu.wait_dma2 semaphore(%arg17 : memref<!tpu.dma_semaphore, #tpu.memory_space<semaphore_mem>>) src(%dma_wait3A_646 : memref<2304xf32, #tpu.memory_space<hbm>>) dst(%arg13 : memref<2304xf32, #tpu.memory_space<vmem>>)
      %parallel_loop3A_647 = arith.constant 0 : i32
      %parallel_loop3A_648 = arith.constant 144 : i32
      %parallel_loop3A_649 = arith.constant 1 : i32
      scf.for %parallel_loop3A_713 = %parallel_loop3A_647 to %parallel_loop3A_648 step %parallel_loop3A_649  : i32 {
        %parallel_loop3A_714 = arith.constant 16 : i32
        %parallel_loop3A_715 = arith.muli %parallel_loop3A_713, %parallel_loop3A_714 : i32
        %parallel_loop3A_716 = arith.constant 23040 : i32
        %parallel_loop3A_717 = arith.addi %parallel_loop3A_716, %parallel_loop3A_715 : i32
        %parallel_loop3A_718 = arith.index_cast %parallel_loop3A_717 : i32 to index
        %parallel_loop3A_719 = tpu.vector_load %arg6[%parallel_loop3A_718] {strides = array<i32>} : memref<36864xi32, #tpu.memory_space<vmem>>, vector<16xi32>,
        %parallel_loop3A_720 = arith.index_cast %parallel_loop3A_715 : i32 to index
        %parallel_loop3A_721 = tpu.vector_load %arg13[%parallel_loop3A_720] {strides = array<i32>} : memref<2304xf32, #tpu.memory_space<vmem>>, vector<16xf32>,
        %parallel_loop3A_722 = arith.constant 73728 : i32
        %parallel_loop3A_723 = vector.broadcast %parallel_loop3A_722 : i32 to vector<16xi32>
        %parallel_loop3A_724 = arith.subi %parallel_loop3A_719, %parallel_loop3A_723 : vector<16xi32>
        %parallel_loop3A_725 = arith.constant 73728 : i32
        %parallel_loop3A_726 = vector.broadcast %parallel_loop3A_725 : i32 to vector<16xi32>
        %parallel_loop3A_727 = arith.cmpi sge, %parallel_loop3A_719, %parallel_loop3A_726 : vector<16xi32>
        tpu.vector_store_idx %arg5[%parallel_loop3A_724], %parallel_loop3A_721 masked %parallel_loop3A_727 {add = true} : memref<73728xf32, #tpu.memory_space<vmem>>[vector<16xi32>], vector<16xf32>, vector<16xi1>
      } {sc.loop_unroll_factor = 8 : i64, sc.parallel_access}
      %dma_start3A_650 = arith.constant 32256 : i32
      %dma_start3A_651 = tpu.memref_slice %arg3[%add3A_16, %dma_start3A_650] : memref<192x36864xf32, #tpu.memory_space<hbm>> -> memref<1x2304xf32, #tpu.memory_space<hbm>>
      %dma_start3A_652 = tpu.memref_squeeze %dma_start3A_651 : memref<1x2304xf32, #tpu.memory_space<hbm>> -> memref<2304xf32, #tpu.memory_space<hbm>>
      %dma_start3A_653 = arith.constant 32256 : i32
      %dma_start3A_654 = tpu.memref_slice %arg3[%add3A_16, %dma_start3A_653] : memref<192x36864xf32, #tpu.memory_space<hbm>> -> memref<1x2304xf32, #tpu.memory_space<hbm>>
      %dma_start3A_655 = tpu.memref_squeeze %dma_start3A_654 : memref<1x2304xf32, #tpu.memory_space<hbm>> -> memref<2304xf32, #tpu.memory_space<hbm>>
      tpu.enqueue_dma source(%dma_start3A_655 : memref<2304xf32, #tpu.memory_space<hbm>>) target(%arg13 : memref<2304xf32, #tpu.memory_space<vmem>>) target_semaphore(%arg17 : memref<!tpu.dma_semaphore, #tpu.memory_space<semaphore_mem>>)
      %dma_wait3A_656 = arith.constant 25344 : i32
      %dma_wait3A_657 = tpu.memref_slice %arg3[%add3A_16, %dma_wait3A_656] : memref<192x36864xf32, #tpu.memory_space<hbm>> -> memref<1x2304xf32, #tpu.memory_space<hbm>>
      %dma_wait3A_658 = tpu.memref_squeeze %dma_wait3A_657 : memref<1x2304xf32, #tpu.memory_space<hbm>> -> memref<2304xf32, #tpu.memory_space<hbm>>
      %dma_wait3A_659 = arith.constant 25344 : i32
      %dma_wait3A_660 = tpu.memref_slice %arg3[%add3A_16, %dma_wait3A_659] : memref<192x36864xf32, #tpu.memory_space<hbm>> -> memref<1x2304xf32, #tpu.memory_space<hbm>>
      %dma_wait3A_661 = tpu.memref_squeeze %dma_wait3A_660 : memref<1x2304xf32, #tpu.memory_space<hbm>> -> memref<2304xf32, #tpu.memory_space<hbm>>
      tpu.wait_dma2 semaphore(%arg18 : memref<!tpu.dma_semaphore, #tpu.memory_space<semaphore_mem>>) src(%dma_wait3A_661 : memref<2304xf32, #tpu.memory_space<hbm>>) dst(%arg14 : memref<2304xf32, #tpu.memory_space<vmem>>)
      %parallel_loop3A_662 = arith.constant 0 : i32
      %parallel_loop3A_663 = arith.constant 144 : i32
      %parallel_loop3A_664 = arith.constant 1 : i32
      scf.for %parallel_loop3A_713 = %parallel_loop3A_662 to %parallel_loop3A_663 step %parallel_loop3A_664  : i32 {
        %parallel_loop3A_714 = arith.constant 16 : i32
        %parallel_loop3A_715 = arith.muli %parallel_loop3A_713, %parallel_loop3A_714 : i32
        %parallel_loop3A_716 = arith.constant 25344 : i32
        %parallel_loop3A_717 = arith.addi %parallel_loop3A_716, %parallel_loop3A_715 : i32
        %parallel_loop3A_718 = arith.index_cast %parallel_loop3A_717 : i32 to index
        %parallel_loop3A_719 = tpu.vector_load %arg6[%parallel_loop3A_718] {strides = array<i32>} : memref<36864xi32, #tpu.memory_space<vmem>>, vector<16xi32>,
        %parallel_loop3A_720 = arith.index_cast %parallel_loop3A_715 : i32 to index
        %parallel_loop3A_721 = tpu.vector_load %arg14[%parallel_loop3A_720] {strides = array<i32>} : memref<2304xf32, #tpu.memory_space<vmem>>, vector<16xf32>,
        %parallel_loop3A_722 = arith.constant 73728 : i32
        %parallel_loop3A_723 = vector.broadcast %parallel_loop3A_722 : i32 to vector<16xi32>
        %parallel_loop3A_724 = arith.subi %parallel_loop3A_719, %parallel_loop3A_723 : vector<16xi32>
        %parallel_loop3A_725 = arith.constant 73728 : i32
        %parallel_loop3A_726 = vector.broadcast %parallel_loop3A_725 : i32 to vector<16xi32>
        %parallel_loop3A_727 = arith.cmpi sge, %parallel_loop3A_719, %parallel_loop3A_726 : vector<16xi32>
        tpu.vector_store_idx %arg5[%parallel_loop3A_724], %parallel_loop3A_721 masked %parallel_loop3A_727 {add = true} : memref<73728xf32, #tpu.memory_space<vmem>>[vector<16xi32>], vector<16xf32>, vector<16xi1>
      } {sc.loop_unroll_factor = 8 : i64, sc.parallel_access}
      %dma_start3A_665 = arith.constant 34560 : i32
      %dma_start3A_666 = tpu.memref_slice %arg3[%add3A_16, %dma_start3A_665] : memref<192x36864xf32, #tpu.memory_space<hbm>> -> memref<1x2304xf32, #tpu.memory_space<hbm>>
      %dma_start3A_667 = tpu.memref_squeeze %dma_start3A_666 : memref<1x2304xf32, #tpu.memory_space<hbm>> -> memref<2304xf32, #tpu.memory_space<hbm>>
      %dma_start3A_668 = arith.constant 34560 : i32
      %dma_start3A_669 = tpu.memref_slice %arg3[%add3A_16, %dma_start3A_668] : memref<192x36864xf32, #tpu.memory_space<hbm>> -> memref<1x2304xf32, #tpu.memory_space<hbm>>
      %dma_start3A_670 = tpu.memref_squeeze %dma_start3A_669 : memref<1x2304xf32, #tpu.memory_space<hbm>> -> memref<2304xf32, #tpu.memory_space<hbm>>
      tpu.enqueue_dma source(%dma_start3A_670 : memref<2304xf32, #tpu.memory_space<hbm>>) target(%arg14 : memref<2304xf32, #tpu.memory_space<vmem>>) target_semaphore(%arg18 : memref<!tpu.dma_semaphore, #tpu.memory_space<semaphore_mem>>)
      %dma_wait3A_671 = arith.constant 27648 : i32
      %dma_wait3A_672 = tpu.memref_slice %arg3[%add3A_16, %dma_wait3A_671] : memref<192x36864xf32, #tpu.memory_space<hbm>> -> memref<1x2304xf32, #tpu.memory_space<hbm>>
      %dma_wait3A_673 = tpu.memref_squeeze %dma_wait3A_672 : memref<1x2304xf32, #tpu.memory_space<hbm>> -> memref<2304xf32, #tpu.memory_space<hbm>>
      %dma_wait3A_674 = arith.constant 27648 : i32
      %dma_wait3A_675 = tpu.memref_slice %arg3[%add3A_16, %dma_wait3A_674] : memref<192x36864xf32, #tpu.memory_space<hbm>> -> memref<1x2304xf32, #tpu.memory_space<hbm>>
      %dma_wait3A_676 = tpu.memref_squeeze %dma_wait3A_675 : memref<1x2304xf32, #tpu.memory_space<hbm>> -> memref<2304xf32, #tpu.memory_space<hbm>>
      tpu.wait_dma2 semaphore(%arg15 : memref<!tpu.dma_semaphore, #tpu.memory_space<semaphore_mem>>) src(%dma_wait3A_676 : memref<2304xf32, #tpu.memory_space<hbm>>) dst(%arg11 : memref<2304xf32, #tpu.memory_space<vmem>>)
      %parallel_loop3A_677 = arith.constant 0 : i32
      %parallel_loop3A_678 = arith.constant 144 : i32
      %parallel_loop3A_679 = arith.constant 1 : i32
      scf.for %parallel_loop3A_713 = %parallel_loop3A_677 to %parallel_loop3A_678 step %parallel_loop3A_679  : i32 {
        %parallel_loop3A_714 = arith.constant 16 : i32
        %parallel_loop3A_715 = arith.muli %parallel_loop3A_713, %parallel_loop3A_714 : i32
        %parallel_loop3A_716 = arith.constant 27648 : i32
        %parallel_loop3A_717 = arith.addi %parallel_loop3A_716, %parallel_loop3A_715 : i32
        %parallel_loop3A_718 = arith.index_cast %parallel_loop3A_717 : i32 to index
        %parallel_loop3A_719 = tpu.vector_load %arg6[%parallel_loop3A_718] {strides = array<i32>} : memref<36864xi32, #tpu.memory_space<vmem>>, vector<16xi32>,
        %parallel_loop3A_720 = arith.index_cast %parallel_loop3A_715 : i32 to index
        %parallel_loop3A_721 = tpu.vector_load %arg11[%parallel_loop3A_720] {strides = array<i32>} : memref<2304xf32, #tpu.memory_space<vmem>>, vector<16xf32>,
        %parallel_loop3A_722 = arith.constant 73728 : i32
        %parallel_loop3A_723 = vector.broadcast %parallel_loop3A_722 : i32 to vector<16xi32>
        %parallel_loop3A_724 = arith.subi %parallel_loop3A_719, %parallel_loop3A_723 : vector<16xi32>
        %parallel_loop3A_725 = arith.constant 73728 : i32
        %parallel_loop3A_726 = vector.broadcast %parallel_loop3A_725 : i32 to vector<16xi32>
        %parallel_loop3A_727 = arith.cmpi sge, %parallel_loop3A_719, %parallel_loop3A_726 : vector<16xi32>
        tpu.vector_store_idx %arg5[%parallel_loop3A_724], %parallel_loop3A_721 masked %parallel_loop3A_727 {add = true} : memref<73728xf32, #tpu.memory_space<vmem>>[vector<16xi32>], vector<16xf32>, vector<16xi1>
      } {sc.loop_unroll_factor = 8 : i64, sc.parallel_access}
      %dma_wait3A_680 = arith.constant 29952 : i32
      %dma_wait3A_681 = tpu.memref_slice %arg3[%add3A_16, %dma_wait3A_680] : memref<192x36864xf32, #tpu.memory_space<hbm>> -> memref<1x2304xf32, #tpu.memory_space<hbm>>
      %dma_wait3A_682 = tpu.memref_squeeze %dma_wait3A_681 : memref<1x2304xf32, #tpu.memory_space<hbm>> -> memref<2304xf32, #tpu.memory_space<hbm>>
      %dma_wait3A_683 = arith.constant 29952 : i32
      %dma_wait3A_684 = tpu.memref_slice %arg3[%add3A_16, %dma_wait3A_683] : memref<192x36864xf32, #tpu.memory_space<hbm>> -> memref<1x2304xf32, #tpu.memory_space<hbm>>
      %dma_wait3A_685 = tpu.memref_squeeze %dma_wait3A_684 : memref<1x2304xf32, #tpu.memory_space<hbm>> -> memref<2304xf32, #tpu.memory_space<hbm>>
      tpu.wait_dma2 semaphore(%arg16 : memref<!tpu.dma_semaphore, #tpu.memory_space<semaphore_mem>>) src(%dma_wait3A_685 : memref<2304xf32, #tpu.memory_space<hbm>>) dst(%arg12 : memref<2304xf32, #tpu.memory_space<vmem>>)
      %parallel_loop3A_686 = arith.constant 0 : i32
      %parallel_loop3A_687 = arith.constant 144 : i32
      %parallel_loop3A_688 = arith.constant 1 : i32
      scf.for %parallel_loop3A_713 = %parallel_loop3A_686 to %parallel_loop3A_687 step %parallel_loop3A_688  : i32 {
        %parallel_loop3A_714 = arith.constant 16 : i32
        %parallel_loop3A_715 = arith.muli %parallel_loop3A_713, %parallel_loop3A_714 : i32
        %parallel_loop3A_716 = arith.constant 29952 : i32
        %parallel_loop3A_717 = arith.addi %parallel_loop3A_716, %parallel_loop3A_715 : i32
        %parallel_loop3A_718 = arith.index_cast %parallel_loop3A_717 : i32 to index
        %parallel_loop3A_719 = tpu.vector_load %arg6[%parallel_loop3A_718] {strides = array<i32>} : memref<36864xi32, #tpu.memory_space<vmem>>, vector<16xi32>,
        %parallel_loop3A_720 = arith.index_cast %parallel_loop3A_715 : i32 to index
        %parallel_loop3A_721 = tpu.vector_load %arg12[%parallel_loop3A_720] {strides = array<i32>} : memref<2304xf32, #tpu.memory_space<vmem>>, vector<16xf32>,
        %parallel_loop3A_722 = arith.constant 73728 : i32
        %parallel_loop3A_723 = vector.broadcast %parallel_loop3A_722 : i32 to vector<16xi32>
        %parallel_loop3A_724 = arith.subi %parallel_loop3A_719, %parallel_loop3A_723 : vector<16xi32>
        %parallel_loop3A_725 = arith.constant 73728 : i32
        %parallel_loop3A_726 = vector.broadcast %parallel_loop3A_725 : i32 to vector<16xi32>
        %parallel_loop3A_727 = arith.cmpi sge, %parallel_loop3A_719, %parallel_loop3A_726 : vector<16xi32>
        tpu.vector_store_idx %arg5[%parallel_loop3A_724], %parallel_loop3A_721 masked %parallel_loop3A_727 {add = true} : memref<73728xf32, #tpu.memory_space<vmem>>[vector<16xi32>], vector<16xf32>, vector<16xi1>
      } {sc.loop_unroll_factor = 8 : i64, sc.parallel_access}
      %dma_wait3A_689 = arith.constant 32256 : i32
      %dma_wait3A_690 = tpu.memref_slice %arg3[%add3A_16, %dma_wait3A_689] : memref<192x36864xf32, #tpu.memory_space<hbm>> -> memref<1x2304xf32, #tpu.memory_space<hbm>>
      %dma_wait3A_691 = tpu.memref_squeeze %dma_wait3A_690 : memref<1x2304xf32, #tpu.memory_space<hbm>> -> memref<2304xf32, #tpu.memory_space<hbm>>
      %dma_wait3A_692 = arith.constant 32256 : i32
      %dma_wait3A_693 = tpu.memref_slice %arg3[%add3A_16, %dma_wait3A_692] : memref<192x36864xf32, #tpu.memory_space<hbm>> -> memref<1x2304xf32, #tpu.memory_space<hbm>>
      %dma_wait3A_694 = tpu.memref_squeeze %dma_wait3A_693 : memref<1x2304xf32, #tpu.memory_space<hbm>> -> memref<2304xf32, #tpu.memory_space<hbm>>
      tpu.wait_dma2 semaphore(%arg17 : memref<!tpu.dma_semaphore, #tpu.memory_space<semaphore_mem>>) src(%dma_wait3A_694 : memref<2304xf32, #tpu.memory_space<hbm>>) dst(%arg13 : memref<2304xf32, #tpu.memory_space<vmem>>)
      %parallel_loop3A_695 = arith.constant 0 : i32
      %parallel_loop3A_696 = arith.constant 144 : i32
      %parallel_loop3A_697 = arith.constant 1 : i32
      scf.for %parallel_loop3A_713 = %parallel_loop3A_695 to %parallel_loop3A_696 step %parallel_loop3A_697  : i32 {
        %parallel_loop3A_714 = arith.constant 16 : i32
        %parallel_loop3A_715 = arith.muli %parallel_loop3A_713, %parallel_loop3A_714 : i32
        %parallel_loop3A_716 = arith.constant 32256 : i32
        %parallel_loop3A_717 = arith.addi %parallel_loop3A_716, %parallel_loop3A_715 : i32
        %parallel_loop3A_718 = arith.index_cast %parallel_loop3A_717 : i32 to index
        %parallel_loop3A_719 = tpu.vector_load %arg6[%parallel_loop3A_718] {strides = array<i32>} : memref<36864xi32, #tpu.memory_space<vmem>>, vector<16xi32>,
        %parallel_loop3A_720 = arith.index_cast %parallel_loop3A_715 : i32 to index
        %parallel_loop3A_721 = tpu.vector_load %arg13[%parallel_loop3A_720] {strides = array<i32>} : memref<2304xf32, #tpu.memory_space<vmem>>, vector<16xf32>,
        %parallel_loop3A_722 = arith.constant 73728 : i32
        %parallel_loop3A_723 = vector.broadcast %parallel_loop3A_722 : i32 to vector<16xi32>
        %parallel_loop3A_724 = arith.subi %parallel_loop3A_719, %parallel_loop3A_723 : vector<16xi32>
        %parallel_loop3A_725 = arith.constant 73728 : i32
        %parallel_loop3A_726 = vector.broadcast %parallel_loop3A_725 : i32 to vector<16xi32>
        %parallel_loop3A_727 = arith.cmpi sge, %parallel_loop3A_719, %parallel_loop3A_726 : vector<16xi32>
        tpu.vector_store_idx %arg5[%parallel_loop3A_724], %parallel_loop3A_721 masked %parallel_loop3A_727 {add = true} : memref<73728xf32, #tpu.memory_space<vmem>>[vector<16xi32>], vector<16xf32>, vector<16xi1>
      } {sc.loop_unroll_factor = 8 : i64, sc.parallel_access}
      %dma_wait3A_698 = arith.constant 34560 : i32
      %dma_wait3A_699 = tpu.memref_slice %arg3[%add3A_16, %dma_wait3A_698] : memref<192x36864xf32, #tpu.memory_space<hbm>> -> memref<1x2304xf32, #tpu.memory_space<hbm>>
      %dma_wait3A_700 = tpu.memref_squeeze %dma_wait3A_699 : memref<1x2304xf32, #tpu.memory_space<hbm>> -> memref<2304xf32, #tpu.memory_space<hbm>>
      %dma_wait3A_701 = arith.constant 34560 : i32
      %dma_wait3A_702 = tpu.memref_slice %arg3[%add3A_16, %dma_wait3A_701] : memref<192x36864xf32, #tpu.memory_space<hbm>> -> memref<1x2304xf32, #tpu.memory_space<hbm>>
      %dma_wait3A_703 = tpu.memref_squeeze %dma_wait3A_702 : memref<1x2304xf32, #tpu.memory_space<hbm>> -> memref<2304xf32, #tpu.memory_space<hbm>>
      tpu.wait_dma2 semaphore(%arg18 : memref<!tpu.dma_semaphore, #tpu.memory_space<semaphore_mem>>) src(%dma_wait3A_703 : memref<2304xf32, #tpu.memory_space<hbm>>) dst(%arg14 : memref<2304xf32, #tpu.memory_space<vmem>>)
      %parallel_loop3A_704 = arith.constant 0 : i32
      %parallel_loop3A_705 = arith.constant 144 : i32
      %parallel_loop3A_706 = arith.constant 1 : i32
      scf.for %parallel_loop3A_713 = %parallel_loop3A_704 to %parallel_loop3A_705 step %parallel_loop3A_706  : i32 {
        %parallel_loop3A_714 = arith.constant 16 : i32
        %parallel_loop3A_715 = arith.muli %parallel_loop3A_713, %parallel_loop3A_714 : i32
        %parallel_loop3A_716 = arith.constant 34560 : i32
        %parallel_loop3A_717 = arith.addi %parallel_loop3A_716, %parallel_loop3A_715 : i32
        %parallel_loop3A_718 = arith.index_cast %parallel_loop3A_717 : i32 to index
        %parallel_loop3A_719 = tpu.vector_load %arg6[%parallel_loop3A_718] {strides = array<i32>} : memref<36864xi32, #tpu.memory_space<vmem>>, vector<16xi32>,
        %parallel_loop3A_720 = arith.index_cast %parallel_loop3A_715 : i32 to index
        %parallel_loop3A_721 = tpu.vector_load %arg14[%parallel_loop3A_720] {strides = array<i32>} : memref<2304xf32, #tpu.memory_space<vmem>>, vector<16xf32>,
        %parallel_loop3A_722 = arith.constant 73728 : i32
        %parallel_loop3A_723 = vector.broadcast %parallel_loop3A_722 : i32 to vector<16xi32>
        %parallel_loop3A_724 = arith.subi %parallel_loop3A_719, %parallel_loop3A_723 : vector<16xi32>
        %parallel_loop3A_725 = arith.constant 73728 : i32
        %parallel_loop3A_726 = vector.broadcast %parallel_loop3A_725 : i32 to vector<16xi32>
        %parallel_loop3A_727 = arith.cmpi sge, %parallel_loop3A_719, %parallel_loop3A_726 : vector<16xi32>
        tpu.vector_store_idx %arg5[%parallel_loop3A_724], %parallel_loop3A_721 masked %parallel_loop3A_727 {add = true} : memref<73728xf32, #tpu.memory_space<vmem>>[vector<16xi32>], vector<16xf32>, vector<16xi1>
      } {sc.loop_unroll_factor = 8 : i64, sc.parallel_access}
      %dma_start3A_707 = arith.constant 73728 : i32
      %dma_start3A_708 = tpu.memref_slice %arg4[%add3A_16, %dma_start3A_707] : memref<192x147456xf32, #tpu.memory_space<hbm>> -> memref<1x73728xf32, #tpu.memory_space<hbm>>
      %dma_start3A_709 = tpu.memref_squeeze %dma_start3A_708 : memref<1x73728xf32, #tpu.memory_space<hbm>> -> memref<73728xf32, #tpu.memory_space<hbm>>
      %dma_start3A_710 = arith.constant 73728 : i32
      %dma_start3A_711 = tpu.memref_slice %arg4[%add3A_16, %dma_start3A_710] : memref<192x147456xf32, #tpu.memory_space<hbm>> -> memref<1x73728xf32, #tpu.memory_space<hbm>>
      %dma_start3A_712 = tpu.memref_squeeze %dma_start3A_711 : memref<1x73728xf32, #tpu.memory_space<hbm>> -> memref<73728xf32, #tpu.memory_space<hbm>>
      tpu.enqueue_dma source(%arg5 : memref<73728xf32, #tpu.memory_space<vmem>>) target(%dma_start3A_712 : memref<73728xf32, #tpu.memory_space<hbm>>) target_semaphore(%arg19 : memref<!tpu.dma_semaphore, #tpu.memory_space<semaphore_mem>>)
    }
    %scan3A_6 = arith.constant 6 : i32
    %dma_wait3A = arith.constant 0 : i32
    %dma_wait3A_7 = arith.constant 0 : i32
    %dma_wait3A_8 = tpu.memref_slice %arg4[%dma_wait3A, %dma_wait3A_7] : memref<192x147456xf32, #tpu.memory_space<hbm>> -> memref<1x73728xf32, #tpu.memory_space<hbm>>
    %dma_wait3A_9 = tpu.memref_squeeze %dma_wait3A_8 : memref<1x73728xf32, #tpu.memory_space<hbm>> -> memref<73728xf32, #tpu.memory_space<hbm>>
    %dma_wait3A_10 = arith.constant 0 : i32
    %dma_wait3A_11 = tpu.memref_slice %arg4[%dma_wait3A, %dma_wait3A_10] : memref<192x147456xf32, #tpu.memory_space<hbm>> -> memref<1x73728xf32, #tpu.memory_space<hbm>>
    %dma_wait3A_12 = tpu.memref_squeeze %dma_wait3A_11 : memref<1x73728xf32, #tpu.memory_space<hbm>> -> memref<73728xf32, #tpu.memory_space<hbm>>
    tpu.wait_dma2 semaphore(%arg19 : memref<!tpu.dma_semaphore, #tpu.memory_space<semaphore_mem>>) src(%arg5 : memref<73728xf32, #tpu.memory_space<vmem>>) dst(%dma_wait3A_12 : memref<73728xf32, #tpu.memory_space<hbm>>)
    return
  }
}

</mosaic_0001>

<sc_bundles>
// kernel: kernel.3.cloned.1.call-start
scs
__scs_entry_jumppad:
0x0: {  	(pc) =	sbr.rel $0x88, $3  }
0x1: {  	(tag) =	ssettag $0x0;
	lr =	simm.s32 $0x1  }
0x2: {  	[smem:$0x3F9F] =	sst lr;
	_ =	strace $0xD0000000  }
0x3: {  	_ = 	snop  }
0x4: {  	_ = 	snop  }
0x5: {  	_ = 	snop  }
0x6: {  	_ = 	snop  }
0x7: {  	_ = 	snop  }
__scs_overlays_trampoline_lowered:
0x8: {  	[smem:$0x3FAE] =	sst s0  }
0x9: {  	[smem:$0x3FAF] =	sst s1  }
0xa: {  	[smem:$0x3FB0] =	sst s2  }
0xb: {  	[smem:$0x3FB1] =	sst s3  }
0xc: {  	[smem:$0x3FB2] =	sst s4  }
0xd: {  	[smem:$0x3FB3] =	sst s5  }
0xe: {  	[smem:$0x3FB4] =	sst s6  }
0xf: {  	[smem:$0x3FB5] =	sst s7  }
0x10: {  	[smem:$0x3FB6] =	sst s8  }
0x11: {  	[smem:$0x3FB7] =	sst s9;
	s0 =	simm.s32 @!p0 $0x0  }
0x12: {  	s1 =	sld [smem:$0x3F9D];
	s0 =	simm.s32 @p0 $0x1  }
0x13: {  	[smem:$0x3FB8] =	sst s0;
	s0 =	simm.s32 @!p1 $0x0  }
0x14: {  	s2 =	sld [smem:$0x3F9C];
	s0 =	simm.s32 @p1 $0x1  }
0x15: {  	[smem:$0x3FB9] =	sst s0;
	s0 =	simm.s32 @!p2 $0x0  }
0x16: {  	s3 =	sld [smem:$0x3FDB];
	s0 =	simm.s32 @p2 $0x1  }
0x17: {  	s4 =	simm.s32 $0x1BF5;
	[smem:$0x3FBB] =	sst s0  }
0x18: {  	s0 =	sld [smem:$0x3F9E];
	_ =	swait.ge [sflag:s4], $0x0  }
0x19: {  	s7 =	sld [smem:$0x3F9F]  }
0x1a: {  	s8 =	sadd.s32 $0xFFFFE003, lr  }
0x1b: {  	s9 =	sadd.s32 $0xFFFFFEF7, lr;
	s5 =	simm.s32 $0xFFFFFFFF;
	p2 =	slt.u32 s8, $0xFFFFF086  }
0x1c: {  	p1 =	slt.u32 s9, $0xF7A;
	s5 =	simm.s32 @!p2 $0x0  }
0x1d: {  	s5 =	simm.s32 @p1 $0x1;
	p0 =	seq.s32 s7, s2  }
0x1e: {  	s7 =	smul.u32 @!p0 $0xF7A, s2;
	p2 =	seq.s32 @!p0 s5, $0x0  }
0x1f: {  	s9 =	smul.u32 $0xF7A, s1;
	s8 =	simm.s32 @!p0 $0x1BF5;
	p2 =	por !p2, p0  }
0x20: {  	[sflag:s8] =	ssyncset.s32 @!p0 $0xFFFFF086;
	s6 =	sadd.s32 @!p0 s3, s7;
	s7 =	simm.s32 @!p0 $0x108  }
0x21: {  	s3 =	sadd.s32 s3, s9;
	s6 =	sadd.s32 @!p0 $0x88, s6;
	s7 =	simm.s32 @p2 $0x1082  }
0x22: {  	[simem:s7], [sflag:s8] =	dma.local @!p0 [hbm:s6], $0xF7A  }
0x23: {  	s9 =	sor.u32 $0xD0000000, s2;
	s6 =	simm.s32 $0x108;
	_ =	swait.ge @!p0 [sflag:s8], $0x0  }
0x24: {  	s3 =	sadd.s32 $0x88, s3;
	s6 =	simm.s32 @!p1 $0x1082;
	[sflag:s4] =	ssyncset.s32 $0xFFFFF086  }
0x25: {  	[simem:s6], [sflag:s4] =	dma.local [hbm:s3], $0xF7A  }
0x26: {  	[smem:$0x3F9F] =	sst s1;
	(tag) =	ssettag s2;
	_ =	strace s9  }
0x27: {  	s1 =	sld [smem:$0x3FAF]  }
0x28: {  	s2 =	sld [smem:$0x3FB0]  }
0x29: {  	s4 =	sld [smem:$0x3FB2]  }
0x2a: {  	p0 =	seq.s32 s5, $0x0;
	s5 =	sld [smem:$0x3FB3]  }
0x2b: {  	s6 =	sld [smem:$0x3FB4]  }
0x2c: {  	s7 =	sld [smem:$0x3FB5]  }
0x2d: {  	s3 =	simm.s32 $0x108;
	s8 =	sld [smem:$0x3FB6]  }
0x2e: {  	s3 =	simm.s32 @!p0 $0x1082;
	s9 =	sld [smem:$0x3FB7]  }
0x2f: {  	lr =	sadd.s32 s0, s3;
	s0 =	sld [smem:$0x3FAE]  }
0x30: {  	s3 =	sld [smem:$0x3FB1]  }
0x31: {  	[smem:$0x3FBA] =	sst s10  }
0x32: {  	s10 =	sld [smem:$0x3FB8];
	_ =	sdelay $0x3  }
0x33: {  	p0 =	seq.s32 s10, $0x1;
	s10 =	sld [smem:$0x3FBA];
	_ =	sdelay $0x3  }
0x34: {  	[smem:$0x3FBA] =	sst s10  }
0x35: {  	s10 =	sld [smem:$0x3FB9];
	_ =	sdelay $0x3  }
0x36: {  	p1 =	seq.s32 s10, $0x1;
	s10 =	sld [smem:$0x3FBA];
	_ =	sdelay $0x3  }
0x37: {  	[smem:$0x3FBA] =	sst s10  }
0x38: {  	s10 =	sld [smem:$0x3FBB]  }
0x39: {  	_ = 	snop;
	(pc) =	sbr.ind lr, $3  }
0x3a: {  	_ = 	snop  }
0x3b: {  	_ = 	snop  }
0x3c: {  	p2 =	seq.s32 s10, $0x1;
	s10 =	sld [smem:$0x3FBA]  }
0x3d: {  	_ =	shalt  }
0x3e: {  	_ =	shalt  }
0x3f: {  	_ =	shalt  }
0x40: {  	_ =	shalt  }
0x41: {  	_ =	shalt  }
0x42: {  	_ =	shalt  }
0x43: {  	_ =	shalt  }
0x44: {  	_ =	shalt  }
0x45: {  	_ =	shalt  }
0x46: {  	_ =	shalt  }
0x47: {  	_ =	shalt  }
0x48: {  	_ =	shalt  }
0x49: {  	_ =	shalt  }
0x4a: {  	_ =	shalt  }
0x4b: {  	_ =	shalt  }
0x4c: {  	_ =	shalt  }
0x4d: {  	_ =	shalt  }
0x4e: {  	_ =	shalt  }
0x4f: {  	_ =	shalt  }
0x50: {  	_ =	shalt  }
0x51: {  	_ =	shalt  }
0x52: {  	_ =	shalt  }
0x53: {  	_ =	shalt  }
0x54: {  	_ =	shalt  }
0x55: {  	_ =	shalt  }
0x56: {  	_ =	shalt  }
0x57: {  	_ =	shalt  }
0x58: {  	_ =	shalt  }
0x59: {  	_ =	shalt  }
0x5a: {  	_ =	shalt  }
0x5b: {  	_ =	shalt  }
0x5c: {  	_ =	shalt  }
0x5d: {  	_ =	shalt  }
0x5e: {  	_ =	shalt  }
0x5f: {  	_ =	shalt  }
0x60: {  	_ =	shalt  }
0x61: {  	_ =	shalt  }
0x62: {  	_ =	shalt  }
0x63: {  	_ =	shalt  }
0x64: {  	_ =	shalt  }
0x65: {  	_ =	shalt  }
0x66: {  	_ =	shalt  }
0x67: {  	_ =	shalt  }
0x68: {  	_ =	shalt  }
0x69: {  	_ =	shalt  }
0x6a: {  	_ =	shalt  }
0x6b: {  	_ =	shalt  }
0x6c: {  	_ =	shalt  }
0x6d: {  	_ =	shalt  }
0x6e: {  	_ =	shalt  }
0x6f: {  	_ =	shalt  }
0x70: {  	_ =	shalt  }
0x71: {  	_ =	shalt  }
0x72: {  	_ =	shalt  }
0x73: {  	_ =	shalt  }
0x74: {  	_ =	shalt  }
0x75: {  	_ =	shalt  }
0x76: {  	_ =	shalt  }
0x77: {  	_ =	shalt  }
0x78: {  	_ =	shalt  }
0x79: {  	_ =	shalt  }
0x7a: {  	_ =	shalt  }
0x7b: {  	_ =	shalt  }
0x7c: {  	_ =	shalt  }
0x7d: {  	_ =	shalt  }
0x7e: {  	_ =	shalt  }
0x7f: {  	_ =	shalt  }
0x80: {  	_ =	shalt  }
0x81: {  	_ =	shalt  }
0x82: {  	_ =	shalt  }
0x83: {  	_ =	shalt  }
0x84: {  	_ =	shalt  }
0x85: {  	_ =	shalt  }
0x86: {  	_ =	shalt  }
0x87: {  	_ =	shalt  }
.Lfunc_end0:
.L_simem_size_0:
called_computation.1_lowered:
.L_overlay_start_0:
0x88: {  	s2 =	sld [smem:$0x3FD9]  }
0x89: {  	s3 =	sld [smem:$0x3FFE];
	_ =	sdelay $0x1  }
0x8a: {  	s1 =	srdreg.scid  }
0x8b: {  	s0 =	sand.u32 $0x1, s1  }
0x8c: {  	s17 =	sshll.u32 s0, $0xA;
	s2 =	sadd.s32 s3, s2  }
0x8d: {  	s2 =	sadd.s32 s2, s17  }
0x8e: {  	[smem:$0x3FC6] =	sst s2  }
0x8f: {  	_ = 	snop  }
0x90: {  	s2 =	sld [smem:$0x3FD0];
	(tm) =	ssettm $0x1  }
0x91: {  	s18 =	sld [smem:$0x3FFB];
	_ =	sdelay $0x3  }
0x92: {  	_ =	strace s18  }
0x93: {  	s3 =	sld [smem:$0x3FFC];
	_ =	sdelay $0x3  }
0x94: {  	_ =	strace s3  }
0x95: {  	s3 =	sld [smem:$0x3FFD];
	_ =	sdelay $0x3  }
0x96: {  	_ =	strace s3  }
0x97: {  	_ =	strace $0x8FFFFFFF  }
0x98: {  	s19 =	sld [smem:$0x3FDB];
	_ =	sdelay $0x1  }
0x99: {  	s4 =	simm.s32 $_scs_section_size  }
0x9a: {  	s5 =	simm.s32 $_size__tile_overlayer_lowered;
	s6 =	simm.s32 $_tile_overlayer_lowered  }
0x9b: {  	s22 =	simm.s32 $0x1BFF;
	s21 =	sshll.u32 s6, $0x1;
	s3 =	sadd.s32 s4, s19  }
0x9c: {  	s7 =	simm.s32 $0x0;
	s20 =	sshll.u32 s5, $0x1;
	s5 =	sadd.s32 s21, s3  }
0x9d: {  	[timem:s7], [sflag:s22] =	dma.local [hbm:s5], s20  }
0x9e: {  	_ =	swait.ge [sflag:s22], s20  }
0x9f: {  	s4 =	ssub.s32 $0x0, s20;
	[sflag:s22] =	ssyncset.done $0x0  }
0xa0: {  	[sflag:s22] =	ssyncadd.s32 s4;
	_ =	sdelay $0x1  }
0xa1: {  	s23 =	simm.s32 $0x1B8B  }
0xa2: {  	_ =	swait.ge [sflag:s23], $0x1  }
0xa3: {  	[sflag:s23] =	ssyncset.done $0x0  }
0xa4: {  	s25 =	simm.s32 $0x1B8E;
	s24 =	sld [smem:$0x3FFE];
	[sflag:s23] =	ssyncadd.s32 $0xFFFFFFFF  }
0xa5: {  	s26 =	simm.s32 $execute0_lowered;
	[smem:$0x3FD2] =	sst s25  }
0xa6: {  	s5 =	sshll.u32 s26, $0x1;
	_ =	strace $0x80000046;
	[dreg:$0x1] =	wrdreg $0xFFFFFFFF  }
0xa7: {  	s28 =	simm.s32 $_size_execute0_lowered;
	s3 =	sadd.s32 s3, s5;
	[dreg:$0x0] =	wrdreg $0x0  }
0xa8: {  	s5 =	sshll.u32 s28, $0x1;
	[dreg:$0x2] =	wrdreg s3  }
0xa9: {  	[dreg:$0x3] =	wrdreg s5  }
0xaa: {  	[dreg:$0x4] =	wrdreg $0xC0  }
0xab: {  	_ =	task [dreg:s7], $0x5FFFF  }
0xac: {  	[dreg:$0x1] =	wrdreg $0xFFFFFFFF  }
0xad: {  	[dreg:$0x0] =	wrdreg $0x60  }
0xae: {  	[dreg:$0x2] =	wrdreg s2  }
0xaf: {  	[dreg:$0x3] =	wrdreg s24  }
0xb0: {  	[dreg:$0x4] =	wrdreg $0x9  }
0xb1: {  	_ =	task.clear_ibuf [dreg:s7], $0x5FFFF;
	_ =	strace $0x90000046  }
0xb2: {  	s29 =	simm.s32 $0x9;
	_ =	strace $0x80000048  }
0xb3: {  	_ =	swait.ge [sflag:s29], $0x1  }
0xb4: {  	[sflag:s29] =	ssyncadd.s32 $0xFFFFFFFF  }
0xb5: {  	_ =	strace $0x90000048  }
0xb6: {  	_ =	sfence  }
0xb7: {  	s30 =	sld [smem:$0x0];
	_ =	sdelay $0x2  }
0xb8: {  	s31 =	sshll.u32 s1, $0xD;
	s1 =	sshrl.u32 s1, $0x2  }
0xb9: {  	s3 =	sand.u32 $0x4000, s31;
	s1 =	sadd.s32 s1, s30  }
0xba: {  	s0 =	sor.u32 s3, s0;
	s1 =	sshll.u32 s1, $0x11  }
0xbb: {  	s0 =	sor.u32 s1, s0  }
0xbc: {  	s0 =	sadd.s32 $0x8F2B, s0  }
0xbd: {  	[sflag:s0] =	ssyncadd.remote.s32 $0x1  }
0xbe: {  	_ =	sfence.sel $0xFFFF  }
0xbf: {  	[dreg:$0x0] =	wrdreg $0xFFFFFFFF;
	(pc) =	sbr.abs _section_cstart, $3  }
0xc0: {  	[dreg:$0x1] =	wrdreg $0xFFFFFFFF  }
0xc1: {  	_ =	task.clear_ibuf [dreg:s7], $0x2FFFF;
	_ =	strace $0x9FFFFFFF  }
0xc2: {  	(tm) =	ssettm $0x7FFFFFFF  }
0xc3: {  	_ =	shalt  }
tec
execute0_lowered:
.L_overlay_start_1:
0x0: {  	(tag) =	ssettag $0x1  }
0x1: {  	s1 =	rddreg [dreg:$0x0]  }
0x2: {  	s0 =	rddreg [dreg:$0x1];
	s2 =	simm.s32 $0x0  }
0x3: {  	s3 =	srdreg.scid;
	s7 =	stileid.u32;
	s8 =	simm.s32 $0x80  }
0x4: {  	s9 =	simm.s32 $0x400;
	s16 =	simm.s32 $0x1D400;
	s17 =	simm.s32 $0x1B000  }
0x5: {  	s14 =	simm.s32 $0x1DD00;
	s25 =	simm.s32 $0x1B900;
	s26 =	simm.s32 $0x1E600  }
0x6: {  	s13 =	simm.s32 $0x1C200;
	s29 =	simm.s32 $0x1EF00;
	s31 =	simm.s32 $0x1CB00  }
0x7: {  	s18 =	simm.s32 $0x1;
	s19 =	simm.s32 $0x2;
	s20 =	simm.s32 $0x3  }
0x8: {  	[smem:$0x7FF] =	sst s2;
	s3 =	sand.u32 $0x1, s3;
	s7 =	sshll.u32 s7, $0x1  }
0x9: {  	s4 =	sadd.s32 $0x800, s0;
	s5 =	ssub.s32 $0x2, s3;
	s3 =	sor.u32 s3, s7  }
0xa: {  	s0 =	sadd.s32 $0xD8800, s0;
	s6 =	sshrl.u32 s5, $0x1;
	s3 =	smul.u32 $0x6, s3  }
0xb: {  	_ =	strace $0x80000047;
	[dreg:$0x3] =	wrdreg s0;
	s28 =	ssub.s32 s5, s6  }
0xc: {  	s21 =	simm.s32 $0x4;
	[dreg:$0x4] =	wrdreg s3;
	s0 =	smax.u32 s28, $0x1  }
0xd: {  	v0 =	vimm.f32 $0.0e+00;
	s30 =	simm.s32 $0x1C200;
	s5 =	simm.s32 $0x0;
	[dreg:$0x5] =	wrdreg s0  }
.LBB2_1:
0xe: {  	[dreg:$0x6] =	wrdreg s5;
	s24 =	simm.s32 $0x0  }
.LBB2_2:
0xf: {  	s0 =	rddreg [dreg:$0x4]  }
0x10: {  	s3 =	sadd.s32 s0, s24  }
0x11: {  	s0 =	sshrl.u32 s3, $0x3  }
0x12: {  	s3 =	sshll.u32 s3, $0x7;
	[dreg:$0x8] =	wrdreg s0;
	s0 =	smul.u32 $0x48000, s0  }
0x13: {  	s28 =	sand.u32 $0x380, s3  }
0x14: {  	s3 =	sor.u32 s28, s0  }
0x15: {  	s5 =	sshrl.u32 s3, $0x3  }
0x16: {  	s6 =	sadd.s32 s4, s5  }
0x17: {  	[tilespmem:s16], [sflag:$0x1] =	stream.strided.gather [hbm4b:s6+s8], $0x900, s9, s8, $0x38;
	[tilespmem:$0x1F800] =	vst v63  }
0x18: {  	s15 =	sadd.s32 s1, s5;
	s5 =	sor.u32 $0x900, s5  }
0x19: {  	[tilespmem:s17], [sflag:$0x1] =	stream.strided.gather [hbm4b:s15+s8], $0x900, s9, s8, $0x38;
	[tilespmem:$0x1F800] =	vst v63  }
0x1a: {  	s3 =	sadd.s32 $0x9000, s3;
	s22 =	sadd.s32 s4, s5  }
0x1b: {  	[tilespmem:s14], [sflag:$0x2] =	stream.strided.gather [hbm4b:s22+s8], $0x900, s9, s8, $0x38;
	[tilespmem:$0x1F800] =	vst v63  }
0x1c: {  	s3 =	sshrl.u32 s3, $0x3;
	s5 =	sadd.s32 s1, s5  }
0x1d: {  	[tilespmem:s25], [sflag:$0x2] =	stream.strided.gather [hbm4b:s5+s8], $0x900, s9, s8, $0x38;
	[tilespmem:$0x1F800] =	vst v63  }
0x1e: {  	[dreg:$0x7] =	wrdreg s6;
	s23 =	sadd.s32 s4, s3  }
0x1f: {  	[tilespmem:s26], [sflag:$0x3] =	stream.strided.gather [hbm4b:s23+s8], $0x900, s9, s8, $0x38;
	[tilespmem:$0x1F800] =	vst v63  }
0x20: {  	p0 =	seq.s32 s24, $0x0;
	s3 =	sadd.s32 s1, s3;
	[dreg:$0x9] =	wrdreg s22  }
0x21: {  	[tilespmem:s13], [sflag:$0x3] =	stream.strided.gather [hbm4b:s3+s8], $0x900, s9, s8, $0x38;
	[tilespmem:$0x1F800] =	vst v63  }
0x22: {  	[dreg:$0xa] =	wrdreg s23;
	s3 =	simm.s32 @!p0 $0x5  }
0x23: {  	_ =	swait.ge @!p0 [sflag:s3], $0x12000  }
0x24: {  	[sflag:s3] =	ssyncset.done @!p0 $0x0  }
0x25: {  	[sflag:s3] =	ssyncadd.s32 @!p0 $0xFFFEE000;
	s3 =	simm.s32 $0x40  }
0x26: {  	[tilespmem:s3+$0xFFFFFFC0] =	vst v0  }
0x27: {  	[tilespmem:s3+$0x30] =	vst v0  }
0x28: {  	[tilespmem:s3+$0x20] =	vst v0  }
0x29: {  	[tilespmem:s3+$0x10] =	vst v0  }
0x2a: {  	[tilespmem:s3+$0x0] =	vst v0  }
0x2b: {  	[tilespmem:s3+$0xFFFFFFF0] =	vst v0  }
0x2c: {  	s5 =	simm.s32 $0x0;
	[tilespmem:s3+$0xFFFFFFE0] =	vst v0  }
.LBB2_3:
0x2d: {  	s5 =	sadd.s32 $0x8, s5;
	[tilespmem:s3+$0xFFFFFFD0] =	vst v0;
	s3 =	sadd.s32 $0x80, s3  }
0x2e: {  	[tilespmem:s3+$0xFFFFFFC0] =	vst v0;
	p0 =	slt.u32 s5, $0x11F8  }
0x2f: {  	[tilespmem:s3+$0x30] =	vst v0  }
.Ltmp0:
0x30: {  	[tilespmem:s3+$0x20] =	vst v0;
	(pc) =	sbr.rel @p0 .LBB2_3-.Ltmp0, $4  }
0x31: {  	[tilespmem:s3+$0x10] =	vst v0  }
0x32: {  	[tilespmem:s3+$0x0] =	vst v0  }
0x33: {  	[tilespmem:s3+$0xFFFFFFF0] =	vst v0  }
0x34: {  	[tilespmem:s3+$0xFFFFFFE0] =	vst v0  }
0x35: {  	s15 =	sadd.s32 s28, s0  }
0x36: {  	s0 =	sadd.s32 $0xD800, s15  }
0x37: {  	s0 =	sshrl.u32 s0, $0x3  }
0x38: {  	[tilespmem:s3+$0xFFFFFFD0] =	vst v0;
	s22 =	sadd.s32 s4, s0  }
0x39: {  	[tilespmem:s29], [sflag:$0x4] =	stream.strided.gather [hbm4b:s22+s8], $0x900, s9, s8, $0x38;
	[tilespmem:$0x1F800] =	vst v63  }
0x3a: {  	s0 =	sadd.s32 s1, s0;
	[dreg:$0xb] =	wrdreg s22  }
0x3b: {  	[tilespmem:s31], [sflag:$0x4] =	stream.strided.gather [hbm4b:s0+s8], $0x900, s9, s8, $0x38;
	[tilespmem:$0x1F800] =	vst v63  }
0x3c: {  	_ =	swait.ge [sflag:s18], $0x900  }
0x3d: {  	[sflag:s18] =	ssyncset.done $0x0  }
0x3e: {  	[sflag:s18] =	ssyncadd.s32 $0xFFFFF700  }
0x3f: {  	_ =	swait.ge [sflag:s18], $0x900  }
0x40: {  	[sflag:s18] =	ssyncset.done $0x0  }
0x41: {  	s23 =	simm.s32 $0x1B040;
	[sflag:s18] =	ssyncadd.s32 $0xFFFFF700  }
0x42: {  	v1 =	vld [tilespmem:s23+$0x30]  }
0x43: {  	v2 =	vld [tilespmem:s23+$0xFFFFFFD0]  }
0x44: {  	v3 =	vld [tilespmem:s23+$0xFFFFFFE0]  }
0x45: {  	v4 =	vld [tilespmem:s23+$0xFFFFFFF0]  }
0x46: {  	v5 =	vld [tilespmem:s23+$0x0]  }
0x47: {  	v6 =	vld [tilespmem:s23+$0x10]  }
0x48: {  	v7 =	vld [tilespmem:s23+$0x20];
	v1 =	vshrl.u32 v1, $0x5;
	v2 =	vshrl.u32 v2, $0x5  }
0x49: {  	v3 =	vshrl.u32 v3, $0x5;
	v1 =	vcvt.s32.f32 v1;
	v2 =	vcvt.s32.f32 v2  }
0x4a: {  	v3 =	vcvt.s32.f32 v3  }
0x4b: {  	v4 =	vshrl.u32 v4, $0x5;
	v1 =	vmul.f32 $3.333333430e-01, v1;
	v9 =	vmul.f32 $3.333333430e-01, v2  }
0x4c: {  	v8 =	vld [tilespmem:s23+$0xFFFFFFC0];
	v2 =	vcvt.s32.f32 v4;
	v4 =	vshrl.u32 v5, $0x5;
	v5 =	vshrl.u32 v6, $0x5  }
0x4d: {  	v6 =	vshrl.u32 v7, $0x5;
	v3 =	vmul.f32 $3.333333430e-01, v3;
	v4 =	vcvt.s32.f32 v4  }
0x4e: {  	v5 =	vcvt.s32.f32 v5;
	v6 =	vcvt.s32.f32 v6  }
0x4f: {  	v1 =	vtrunc.f32 v1;
	v9 =	vtrunc.f32 v9  }
0x50: {  	v12 =	vtrunc.f32 v3;
	v7 =	vcvt.f32.s32 v1  }
0x51: {  	s0 =	simm.s32 $0x1D440;
	v1 =	vshrl.u32 v8, $0x5;
	v8 =	vmul.f32 $3.333333430e-01, v2;
	v10 =	vmul.f32 $3.333333430e-01, v4  }
0x52: {  	v11 =	vld [tilespmem:s0+$0x30];
	v5 =	vmul.f32 $3.333333430e-01, v5;
	v1 =	vcvt.s32.f32 v1;
	vm0 =	vlt.s32 v7, $0x12000  }
0x53: {  	v6 =	vmul.f32 $3.333333430e-01, v6;
	v2 =	vld [tilespmem:s0+$0xFFFFFFC0];
	v13 =	vtrunc.f32 v8  }
0x54: {  	v15 =	vtrunc.f32 v5;
	v5 =	vld [tilespmem:s0+$0xFFFFFFF0];
	v4 =	vmul.f32 $3.333333430e-01, v1  }
0x55: {  	v14 =	vtrunc.f32 v10;
	v16 =	vtrunc.f32 v6;
	v6 =	vld [tilespmem:s0+$0x0]  }
0x56: {  	s3 =	simm.s32 $0x12040;
	v10 =	vcvt.f32.s32 v12;
	v1 =	vld [tilespmem:s0+$0xFFFFFFD0];
	v3 =	vtrunc.f32 v4  }
0x57: {  	[tilespmem:s3+$0x30] =	vst v7;
	v12 =	vcvt.f32.s32 v13;
	v13 =	vld [tilespmem:s0+$0x20];
	v8 =	vcvt.f32.s32 v3  }
0x58: {  	vm5 =	vlt.s32 v10, $0x12000;
	v3 =	vcvt.f32.s32 v9;
	v9 =	vcvt.f32.s32 v14;
	[tilespmem:v7+s2+$0x0] =	vst.idx.add.f32.msk vm0, v11  }
0x59: {  	v4 =	vld [tilespmem:s0+$0xFFFFFFE0];
	vm4 =	vlt.s32 v12, $0x12000;
	v14 =	vcvt.f32.s32 v16;
	[tilespmem:s3+$0xFFFFFFC0] =	vst v8;
	v11 =	vcvt.f32.s32 v15  }
0x5a: {  	s5 =	simm.s32 $0x0;
	s6 =	simm.s32 $0x1B0C0;
	vm2 =	vlt.s32 v8, $0x12000;
	v7 =	vld [tilespmem:s0+$0x10];
	vm1 =	vlt.s32 v3, $0x12000;
	[tilespmem:s3+$0xFFFFFFD0] =	vst v3;
	vm3 =	vlt.s32 v9, $0x12000  }
.LBB2_5:
0x5b: {  	v15 =	vld [tilespmem:s6+$0x30];
	s5 =	sadd.s32 $0x8, s5;
	[tilespmem:s3+$0xFFFFFFE0] =	vst v10;
	vm6 =	vlt.s32 v11, $0x12000;
	vm0 =	vlt.s32 v14, $0x12000;
	v16 =	vmov v14  }
0x5c: {  	v14 =	vld [tilespmem:s6+$0xFFFFFFD0];
	p0 =	slt.u32 s5, $0x88;
	[tilespmem:s3+$0xFFFFFFF0] =	vst v12  }
0x5d: {  	v17 =	vld [tilespmem:s6+$0xFFFFFFE0];
	[tilespmem:s3+$0x0] =	vst v9  }
0x5e: {  	v18 =	vld [tilespmem:s6+$0xFFFFFFF0];
	[tilespmem:s3+$0x10] =	vst v11;
	v19 =	vmov v13  }
0x5f: {  	v13 =	vld [tilespmem:s6+$0x0];
	[tilespmem:s3+$0x20] =	vst v16  }
0x60: {  	v20 =	vld [tilespmem:s6+$0x10];
	v15 =	vshrl.u32 v15, $0x5  }
0x61: {  	v14 =	vshrl.u32 v14, $0x5;
	v21 =	vld [tilespmem:s6+$0x20];
	v15 =	vcvt.s32.f32 v15  }
0x62: {  	v22 =	vld [tilespmem:s6+$0xFFFFFFC0];
	v14 =	vcvt.s32.f32 v14;
	v17 =	vshrl.u32 v17, $0x5  }
0x63: {  	v17 =	vcvt.s32.f32 v17;
	v18 =	vshrl.u32 v18, $0x5;
	v15 =	vmul.f32 $3.333333430e-01, v15;
	[tilespmem:v8+s2+$0x0] =	vst.idx.add.f32.msk vm2, v2  }
0x64: {  	v8 =	vmul.f32 $3.333333430e-01, v14;
	v2 =	vcvt.s32.f32 v18;
	v13 =	vshrl.u32 v13, $0x5;
	[tilespmem:v10+s2+$0x0] =	vst.idx.add.f32.msk vm5, v4  }
0x65: {  	v4 =	vcvt.s32.f32 v13;
	v10 =	vshrl.u32 v20, $0x5;
	v13 =	vtrunc.f32 v15;
	[tilespmem:v12+s2+$0x0] =	vst.idx.add.f32.msk vm4, v5  }
0x66: {  	v5 =	vcvt.s32.f32 v10;
	v10 =	vshrl.u32 v21, $0x5;
	v12 =	vcvt.f32.s32 v13;
	[tilespmem:v9+s2+$0x0] =	vst.idx.add.f32.msk vm3, v6  }
0x67: {  	v9 =	vmul.f32 $3.333333430e-01, v17;
	v6 =	vshrl.u32 v22, $0x5;
	v10 =	vcvt.s32.f32 v10;
	[tilespmem:v11+s2+$0x0] =	vst.idx.add.f32.msk vm6, v7  }
0x68: {  	s0 =	sadd.s32 $0x80, s0;
	v7 =	vmul.f32 $3.333333430e-01, v2;
	v6 =	vcvt.s32.f32 v6;
	vm2 =	vlt.s32 v12, $0x12000;
	[tilespmem:v3+s2+$0x0] =	vst.idx.add.f32.msk vm1, v1  }
0x69: {  	v3 =	vmul.f32 $3.333333430e-01, v4;
	v11 =	vmul.f32 $3.333333430e-01, v5;
	v13 =	vld [tilespmem:s0+$0x30]  }
0x6a: {  	v2 =	vld [tilespmem:s0+$0xFFFFFFC0];
	v4 =	vmul.f32 $3.333333430e-01, v6;
	v6 =	vmul.f32 $3.333333430e-01, v10  }
0x6b: {  	v9 =	vtrunc.f32 v9;
	v10 =	vtrunc.f32 v8;
	v1 =	vld [tilespmem:s0+$0xFFFFFFD0]  }
0x6c: {  	s3 =	sadd.s32 $0x80, s3;
	v7 =	vtrunc.f32 v7;
	v8 =	vtrunc.f32 v4;
	v4 =	vld [tilespmem:s0+$0xFFFFFFE0]  }
0x6d: {  	v14 =	vtrunc.f32 v3;
	v11 =	vtrunc.f32 v11;
	v5 =	vld [tilespmem:s0+$0xFFFFFFF0];
	[tilespmem:s3+$0x30] =	vst v12  }
.Ltmp1:
0x6e: {  	v15 =	vtrunc.f32 v6;
	v8 =	vcvt.f32.s32 v8;
	[tilespmem:v12+s2+$0x0] =	vst.idx.add.f32.msk vm2, v13;
	(pc) =	sbr.rel @p0 .LBB2_5-.Ltmp1, $4  }
0x6f: {  	v3 =	vcvt.f32.s32 v10;
	v10 =	vcvt.f32.s32 v9;
	v6 =	vld [tilespmem:s0+$0x0]  }
0x70: {  	v9 =	vcvt.f32.s32 v14;
	v12 =	vcvt.f32.s32 v7;
	vm2 =	vlt.s32 v8, $0x12000;
	[tilespmem:s3+$0xFFFFFFC0] =	vst v8;
	v7 =	vld [tilespmem:s0+$0x10]  }
0x71: {  	v11 =	vcvt.f32.s32 v11;
	vm1 =	vlt.s32 v3, $0x12000;
	v14 =	vcvt.f32.s32 v15;
	[tilespmem:s3+$0xFFFFFFD0] =	vst v3;
	v13 =	vld [tilespmem:s0+$0x20]  }
0x72: {  	s6 =	sadd.s32 $0x80, s6;
	vm5 =	vlt.s32 v10, $0x12000;
	vm3 =	vlt.s32 v9, $0x12000;
	vm4 =	vlt.s32 v12, $0x12000;
	[tilespmem:v16+s2+$0x0] =	vst.idx.add.f32.msk vm0, v19  }
0x73: {  	[tilespmem:s3+$0xFFFFFFE0] =	vst v10  }
0x74: {  	[tilespmem:s3+$0xFFFFFFF0] =	vst v12  }
0x75: {  	[tilespmem:s3+$0x0] =	vst v9  }
0x76: {  	[tilespmem:s3+$0x10] =	vst v11  }
0x77: {  	vm0 =	vlt.s32 v11, $0x12000;
	[tilespmem:s3+$0x20] =	vst v14  }
0x78: {  	vm6 =	vlt.s32 v14, $0x12000;
	[tilespmem:v8+s2+$0x0] =	vst.idx.add.f32.msk vm2, v2  }
0x79: {  	[tilespmem:v3+s2+$0x0] =	vst.idx.add.f32.msk vm1, v1  }
0x7a: {  	[tilespmem:v10+s2+$0x0] =	vst.idx.add.f32.msk vm5, v4  }
0x7b: {  	[tilespmem:v12+s2+$0x0] =	vst.idx.add.f32.msk vm4, v5  }
0x7c: {  	s0 =	sadd.s32 $0x12000, s15;
	[tilespmem:v9+s2+$0x0] =	vst.idx.add.f32.msk vm3, v6  }
0x7d: {  	s22 =	sshrl.u32 s0, $0x3;
	[tilespmem:v11+s2+$0x0] =	vst.idx.add.f32.msk vm0, v7  }
0x7e: {  	s0 =	sadd.s32 s4, s22;
	[tilespmem:v14+s2+$0x0] =	vst.idx.add.f32.msk vm6, v13  }
0x7f: {  	[tilespmem:s16], [sflag:$0x1] =	stream.strided.gather [hbm4b:s0+s8], $0x900, s9, s8, $0x38;
	[tilespmem:$0x1F800] =	vst v63  }
0x80: {  	s3 =	sadd.s32 s1, s22  }
0x81: {  	[tilespmem:s17], [sflag:$0x1] =	stream.strided.gather [hbm4b:s3+s8], $0x900, s9, s8, $0x38;
	[tilespmem:$0x1F800] =	vst v63  }
0x82: {  	_ =	swait.ge [sflag:s19], $0x900  }
0x83: {  	[sflag:s19] =	ssyncset.done $0x0  }
0x84: {  	[sflag:s19] =	ssyncadd.s32 $0xFFFFF700  }
0x85: {  	_ =	swait.ge [sflag:s19], $0x900  }
0x86: {  	[sflag:s19] =	ssyncset.done $0x0  }
0x87: {  	s23 =	simm.s32 $0x1B940;
	[sflag:s19] =	ssyncadd.s32 $0xFFFFF700  }
0x88: {  	v1 =	vld [tilespmem:s23+$0x30]  }
0x89: {  	v2 =	vld [tilespmem:s23+$0xFFFFFFD0]  }
0x8a: {  	v3 =	vld [tilespmem:s23+$0xFFFFFFE0]  }
0x8b: {  	v4 =	vld [tilespmem:s23+$0xFFFFFFF0]  }
0x8c: {  	v5 =	vld [tilespmem:s23+$0x0]  }
0x8d: {  	v6 =	vld [tilespmem:s23+$0x10]  }
0x8e: {  	v7 =	vld [tilespmem:s23+$0x20]  }
0x8f: {  	v1 =	vshrl.u32 v1, $0x5  }
0x90: {  	v2 =	vshrl.u32 v2, $0x5;
	v3 =	vshrl.u32 v3, $0x5;
	v4 =	vshrl.u32 v4, $0x5  }
0x91: {  	v5 =	vshrl.u32 v5, $0x5;
	v1 =	vcvt.s32.f32 v1;
	v2 =	vcvt.s32.f32 v2  }
0x92: {  	v6 =	vshrl.u32 v6, $0x5;
	v3 =	vcvt.s32.f32 v3;
	v4 =	vcvt.s32.f32 v4  }
0x93: {  	v8 =	vld [tilespmem:s23+$0xFFFFFFC0];
	v7 =	vshrl.u32 v7, $0x5;
	v5 =	vcvt.s32.f32 v5;
	v6 =	vcvt.s32.f32 v6  }
0x94: {  	v7 =	vcvt.s32.f32 v7;
	v1 =	vmul.f32 $3.333333430e-01, v1  }
0x95: {  	v2 =	vmul.f32 $3.333333430e-01, v2;
	v3 =	vmul.f32 $3.333333430e-01, v3  }
0x96: {  	v4 =	vmul.f32 $3.333333430e-01, v4;
	v1 =	vtrunc.f32 v1  }
0x97: {  	v5 =	vmul.f32 $3.333333430e-01, v5;
	v9 =	vcvt.f32.s32 v1  }
0x98: {  	s3 =	simm.s32 $0x1DD40;
	v6 =	vmul.f32 $3.333333430e-01, v6;
	v7 =	vmul.f32 $3.333333430e-01, v7;
	v1 =	vshrl.u32 v8, $0x5  }
0x99: {  	v12 =	vtrunc.f32 v2;
	v2 =	vld [tilespmem:s3+$0xFFFFFFD0];
	v1 =	vcvt.s32.f32 v1;
	vm0 =	vlt.s32 v9, $0x12000  }
0x9a: {  	v13 =	vtrunc.f32 v3;
	v14 =	vtrunc.f32 v4;
	v8 =	vld [tilespmem:s3+$0x30]  }
0x9b: {  	v3 =	vld [tilespmem:s3+$0xFFFFFFE0];
	v15 =	vtrunc.f32 v5;
	v10 =	vmul.f32 $3.333333430e-01, v1  }
0x9c: {  	v16 =	vtrunc.f32 v6;
	v4 =	vld [tilespmem:s3+$0xFFFFFFF0];
	v17 =	vtrunc.f32 v7  }
0x9d: {  	s5 =	simm.s32 $0x12970;
	v5 =	vld [tilespmem:s3+$0x0];
	v12 =	vcvt.f32.s32 v12;
	v10 =	vtrunc.f32 v10  }
0x9e: {  	v6 =	vld [tilespmem:s3+$0x10];
	v7 =	vcvt.f32.s32 v15;
	[tilespmem:s5+$0x0] =	vst v9;
	v11 =	vcvt.f32.s32 v10  }
0x9f: {  	vm3 =	vlt.s32 v12, $0x12000;
	v10 =	vcvt.f32.s32 v14;
	[tilespmem:v9+s2+$0x0] =	vst.idx.add.f32.msk vm0, v8;
	v8 =	vcvt.f32.s32 v13  }
0xa0: {  	[tilespmem:s5+$0xFFFFFFA0] =	vst v12;
	vm2 =	vlt.s32 v7, $0x12000;
	v14 =	vcvt.f32.s32 v17;
	v9 =	vcvt.f32.s32 v16;
	v13 =	vld [tilespmem:s3+$0x20]  }
0xa1: {  	s6 =	simm.s32 $0x0;
	s7 =	simm.s32 $0x1B9C0;
	v1 =	vld [tilespmem:s3+$0xFFFFFFC0];
	vm1 =	vlt.s32 v11, $0x12000;
	[tilespmem:s5+$0xFFFFFF90] =	vst v11;
	vm4 =	vlt.s32 v10, $0x12000;
	vm5 =	vlt.s32 v8, $0x12000  }
.LBB2_7:
0xa2: {  	v15 =	vld [tilespmem:s7+$0x30];
	s6 =	sadd.s32 $0x8, s6;
	[tilespmem:s5+$0xFFFFFFB0] =	vst v8;
	vm6 =	vlt.s32 v9, $0x12000;
	vm0 =	vlt.s32 v14, $0x12000;
	v16 =	vmov v14  }
0xa3: {  	v14 =	vld [tilespmem:s7+$0xFFFFFFD0];
	p0 =	slt.u32 s6, $0x88;
	[tilespmem:s5+$0xFFFFFFC0] =	vst v10  }
0xa4: {  	v17 =	vld [tilespmem:s7+$0xFFFFFFE0];
	[tilespmem:s5+$0xFFFFFFD0] =	vst v7  }
0xa5: {  	v18 =	vld [tilespmem:s7+$0xFFFFFFF0];
	[tilespmem:s5+$0xFFFFFFE0] =	vst v9;
	v19 =	vmov v13  }
0xa6: {  	v13 =	vld [tilespmem:s7+$0x0];
	[tilespmem:s5+$0xFFFFFFF0] =	vst v16  }
0xa7: {  	v20 =	vld [tilespmem:s7+$0x10];
	v15 =	vshrl.u32 v15, $0x5  }
0xa8: {  	v14 =	vshrl.u32 v14, $0x5;
	v21 =	vld [tilespmem:s7+$0x20];
	v15 =	vcvt.s32.f32 v15  }
0xa9: {  	v22 =	vld [tilespmem:s7+$0xFFFFFFC0];
	v14 =	vcvt.s32.f32 v14;
	v17 =	vshrl.u32 v17, $0x5  }
0xaa: {  	v17 =	vcvt.s32.f32 v17;
	v18 =	vshrl.u32 v18, $0x5;
	v15 =	vmul.f32 $3.333333430e-01, v15;
	[tilespmem:v11+s2+$0x0] =	vst.idx.add.f32.msk vm1, v1  }
0xab: {  	v11 =	vmul.f32 $3.333333430e-01, v14;
	v1 =	vcvt.s32.f32 v18;
	v13 =	vshrl.u32 v13, $0x5;
	[tilespmem:v12+s2+$0x0] =	vst.idx.add.f32.msk vm3, v2  }
0xac: {  	v2 =	vcvt.s32.f32 v13;
	v12 =	vshrl.u32 v20, $0x5;
	v13 =	vtrunc.f32 v15;
	[tilespmem:v8+s2+$0x0] =	vst.idx.add.f32.msk vm5, v3  }
0xad: {  	v3 =	vcvt.s32.f32 v12;
	v8 =	vshrl.u32 v21, $0x5;
	v12 =	vcvt.f32.s32 v13;
	[tilespmem:v10+s2+$0x0] =	vst.idx.add.f32.msk vm4, v4  }
0xae: {  	v10 =	vmul.f32 $3.333333430e-01, v17;
	v4 =	vshrl.u32 v22, $0x5;
	v8 =	vcvt.s32.f32 v8;
	[tilespmem:v7+s2+$0x0] =	vst.idx.add.f32.msk vm2, v5  }
0xaf: {  	s3 =	sadd.s32 $0x80, s3;
	v5 =	vmul.f32 $3.333333430e-01, v1;
	v4 =	vcvt.s32.f32 v4;
	vm1 =	vlt.s32 v12, $0x12000;
	[tilespmem:v9+s2+$0x0] =	vst.idx.add.f32.msk vm6, v6  }
0xb0: {  	v6 =	vmul.f32 $3.333333430e-01, v2;
	v7 =	vmul.f32 $3.333333430e-01, v3;
	v9 =	vld [tilespmem:s3+$0x30]  }
0xb1: {  	v8 =	vmul.f32 $3.333333430e-01, v8;
	v1 =	vld [tilespmem:s3+$0xFFFFFFC0];
	v3 =	vmul.f32 $3.333333430e-01, v4  }
0xb2: {  	v13 =	vtrunc.f32 v11;
	v10 =	vtrunc.f32 v10;
	v2 =	vld [tilespmem:s3+$0xFFFFFFD0]  }
0xb3: {  	s5 =	sadd.s32 $0x80, s5;
	v14 =	vtrunc.f32 v5;
	v11 =	vtrunc.f32 v3;
	v3 =	vld [tilespmem:s3+$0xFFFFFFE0]  }
0xb4: {  	v6 =	vtrunc.f32 v6;
	v15 =	vtrunc.f32 v7;
	v4 =	vld [tilespmem:s3+$0xFFFFFFF0];
	[tilespmem:s5+$0x0] =	vst v12  }
.Ltmp2:
0xb5: {  	v17 =	vtrunc.f32 v8;
	v11 =	vcvt.f32.s32 v11;
	[tilespmem:v12+s2+$0x0] =	vst.idx.add.f32.msk vm1, v9;
	(pc) =	sbr.rel @p0 .LBB2_7-.Ltmp2, $4  }
0xb6: {  	v8 =	vcvt.f32.s32 v10;
	v12 =	vcvt.f32.s32 v13;
	v5 =	vld [tilespmem:s3+$0x0]  }
0xb7: {  	v10 =	vcvt.f32.s32 v14;
	v7 =	vcvt.f32.s32 v6;
	vm1 =	vlt.s32 v11, $0x12000;
	[tilespmem:s5+$0xFFFFFF90] =	vst v11;
	v6 =	vld [tilespmem:s3+$0x10]  }
0xb8: {  	v14 =	vcvt.f32.s32 v17;
	v9 =	vcvt.f32.s32 v15;
	vm3 =	vlt.s32 v12, $0x12000;
	[tilespmem:s5+$0xFFFFFFA0] =	vst v12;
	v13 =	vld [tilespmem:s3+$0x20]  }
0xb9: {  	s7 =	sadd.s32 $0x80, s7;
	vm5 =	vlt.s32 v8, $0x12000;
	vm4 =	vlt.s32 v10, $0x12000;
	vm2 =	vlt.s32 v7, $0x12000;
	[tilespmem:v16+s2+$0x0] =	vst.idx.add.f32.msk vm0, v19  }
0xba: {  	[tilespmem:s5+$0xFFFFFFB0] =	vst v8  }
0xbb: {  	[tilespmem:s5+$0xFFFFFFC0] =	vst v10  }
0xbc: {  	[tilespmem:s5+$0xFFFFFFD0] =	vst v7  }
0xbd: {  	[tilespmem:s5+$0xFFFFFFE0] =	vst v9  }
0xbe: {  	vm0 =	vlt.s32 v9, $0x12000;
	[tilespmem:s5+$0xFFFFFFF0] =	vst v14  }
0xbf: {  	vm6 =	vlt.s32 v14, $0x12000;
	[tilespmem:v11+s2+$0x0] =	vst.idx.add.f32.msk vm1, v1  }
0xc0: {  	[tilespmem:v12+s2+$0x0] =	vst.idx.add.f32.msk vm3, v2  }
0xc1: {  	[tilespmem:v8+s2+$0x0] =	vst.idx.add.f32.msk vm5, v3  }
0xc2: {  	[tilespmem:v10+s2+$0x0] =	vst.idx.add.f32.msk vm4, v4  }
0xc3: {  	s3 =	sadd.s32 $0x16800, s15;
	[tilespmem:v7+s2+$0x0] =	vst.idx.add.f32.msk vm2, v5  }
0xc4: {  	s22 =	sshrl.u32 s3, $0x3;
	[tilespmem:v9+s2+$0x0] =	vst.idx.add.f32.msk vm0, v6  }
0xc5: {  	s3 =	sadd.s32 s4, s22;
	[tilespmem:v14+s2+$0x0] =	vst.idx.add.f32.msk vm6, v13  }
0xc6: {  	[tilespmem:s14], [sflag:$0x2] =	stream.strided.gather [hbm4b:s3+s8], $0x900, s9, s8, $0x38;
	[tilespmem:$0x1F800] =	vst v63  }
0xc7: {  	s5 =	sadd.s32 s1, s22  }
0xc8: {  	[tilespmem:s25], [sflag:$0x2] =	stream.strided.gather [hbm4b:s5+s8], $0x900, s9, s8, $0x38;
	[tilespmem:$0x1F800] =	vst v63  }
0xc9: {  	_ =	swait.ge [sflag:s20], $0x900  }
0xca: {  	[sflag:s20] =	ssyncset.done $0x0  }
0xcb: {  	[sflag:s20] =	ssyncadd.s32 $0xFFFFF700  }
0xcc: {  	_ =	swait.ge [sflag:s20], $0x900  }
0xcd: {  	[sflag:s20] =	ssyncset.done $0x0  }
0xce: {  	s23 =	simm.s32 $0x1C240;
	[sflag:s20] =	ssyncadd.s32 $0xFFFFF700  }
0xcf: {  	v1 =	vld [tilespmem:s23+$0x30]  }
0xd0: {  	v2 =	vld [tilespmem:s23+$0xFFFFFFD0]  }
0xd1: {  	v3 =	vld [tilespmem:s23+$0xFFFFFFE0]  }
0xd2: {  	v4 =	vld [tilespmem:s23+$0xFFFFFFF0]  }
0xd3: {  	v5 =	vld [tilespmem:s23+$0x0]  }
0xd4: {  	v6 =	vld [tilespmem:s23+$0x10]  }
0xd5: {  	v7 =	vld [tilespmem:s23+$0x20]  }
0xd6: {  	v1 =	vshrl.u32 v1, $0x5  }
0xd7: {  	v2 =	vshrl.u32 v2, $0x5;
	v3 =	vshrl.u32 v3, $0x5;
	v4 =	vshrl.u32 v4, $0x5  }
0xd8: {  	v5 =	vshrl.u32 v5, $0x5;
	v1 =	vcvt.s32.f32 v1;
	v2 =	vcvt.s32.f32 v2  }
0xd9: {  	v6 =	vshrl.u32 v6, $0x5;
	v3 =	vcvt.s32.f32 v3;
	v4 =	vcvt.s32.f32 v4  }
0xda: {  	v8 =	vld [tilespmem:s23+$0xFFFFFFC0];
	v7 =	vshrl.u32 v7, $0x5;
	v5 =	vcvt.s32.f32 v5;
	v6 =	vcvt.s32.f32 v6  }
0xdb: {  	v7 =	vcvt.s32.f32 v7;
	v1 =	vmul.f32 $3.333333430e-01, v1  }
0xdc: {  	v2 =	vmul.f32 $3.333333430e-01, v2;
	v3 =	vmul.f32 $3.333333430e-01, v3  }
0xdd: {  	v4 =	vmul.f32 $3.333333430e-01, v4;
	v1 =	vtrunc.f32 v1  }
0xde: {  	v5 =	vmul.f32 $3.333333430e-01, v5;
	v9 =	vcvt.f32.s32 v1  }
0xdf: {  	s5 =	simm.s32 $0x1E640;
	v6 =	vmul.f32 $3.333333430e-01, v6;
	v7 =	vmul.f32 $3.333333430e-01, v7;
	v1 =	vshrl.u32 v8, $0x5  }
0xe0: {  	v12 =	vtrunc.f32 v2;
	v2 =	vld [tilespmem:s5+$0xFFFFFFD0];
	v1 =	vcvt.s32.f32 v1;
	vm0 =	vlt.s32 v9, $0x12000  }
0xe1: {  	v13 =	vtrunc.f32 v3;
	v14 =	vtrunc.f32 v4;
	v8 =	vld [tilespmem:s5+$0x30]  }
0xe2: {  	v3 =	vld [tilespmem:s5+$0xFFFFFFE0];
	v15 =	vtrunc.f32 v5;
	v10 =	vmul.f32 $3.333333430e-01, v1  }
0xe3: {  	v16 =	vtrunc.f32 v6;
	v4 =	vld [tilespmem:s5+$0xFFFFFFF0];
	v17 =	vtrunc.f32 v7  }
0xe4: {  	s6 =	simm.s32 $0x13270;
	v5 =	vld [tilespmem:s5+$0x0];
	v12 =	vcvt.f32.s32 v12;
	v10 =	vtrunc.f32 v10  }
0xe5: {  	v6 =	vld [tilespmem:s5+$0x10];
	v7 =	vcvt.f32.s32 v15;
	[tilespmem:s6+$0x0] =	vst v9;
	v11 =	vcvt.f32.s32 v10  }
0xe6: {  	vm3 =	vlt.s32 v12, $0x12000;
	v10 =	vcvt.f32.s32 v14;
	[tilespmem:v9+s2+$0x0] =	vst.idx.add.f32.msk vm0, v8;
	v8 =	vcvt.f32.s32 v13  }
0xe7: {  	[tilespmem:s6+$0xFFFFFFA0] =	vst v12;
	vm2 =	vlt.s32 v7, $0x12000;
	v14 =	vcvt.f32.s32 v17;
	v9 =	vcvt.f32.s32 v16;
	v13 =	vld [tilespmem:s5+$0x20]  }
0xe8: {  	s7 =	simm.s32 $0x0;
	s10 =	simm.s32 $0x1C2C0;
	v1 =	vld [tilespmem:s5+$0xFFFFFFC0];
	vm1 =	vlt.s32 v11, $0x12000;
	[tilespmem:s6+$0xFFFFFF90] =	vst v11;
	vm4 =	vlt.s32 v10, $0x12000;
	vm5 =	vlt.s32 v8, $0x12000  }
.LBB2_9:
0xe9: {  	v15 =	vld [tilespmem:s10+$0x30];
	s7 =	sadd.s32 $0x8, s7;
	[tilespmem:s6+$0xFFFFFFB0] =	vst v8;
	vm6 =	vlt.s32 v9, $0x12000;
	vm0 =	vlt.s32 v14, $0x12000;
	v16 =	vmov v14  }
0xea: {  	v14 =	vld [tilespmem:s10+$0xFFFFFFD0];
	p0 =	slt.u32 s7, $0x88;
	[tilespmem:s6+$0xFFFFFFC0] =	vst v10  }
0xeb: {  	v17 =	vld [tilespmem:s10+$0xFFFFFFE0];
	[tilespmem:s6+$0xFFFFFFD0] =	vst v7  }
0xec: {  	v18 =	vld [tilespmem:s10+$0xFFFFFFF0];
	[tilespmem:s6+$0xFFFFFFE0] =	vst v9;
	v19 =	vmov v13  }
0xed: {  	v13 =	vld [tilespmem:s10+$0x0];
	[tilespmem:s6+$0xFFFFFFF0] =	vst v16  }
0xee: {  	v20 =	vld [tilespmem:s10+$0x10];
	v15 =	vshrl.u32 v15, $0x5  }
0xef: {  	v14 =	vshrl.u32 v14, $0x5;
	v21 =	vld [tilespmem:s10+$0x20];
	v15 =	vcvt.s32.f32 v15  }
0xf0: {  	v22 =	vld [tilespmem:s10+$0xFFFFFFC0];
	v14 =	vcvt.s32.f32 v14;
	v17 =	vshrl.u32 v17, $0x5  }
0xf1: {  	v17 =	vcvt.s32.f32 v17;
	v18 =	vshrl.u32 v18, $0x5;
	v15 =	vmul.f32 $3.333333430e-01, v15;
	[tilespmem:v11+s2+$0x0] =	vst.idx.add.f32.msk vm1, v1  }
0xf2: {  	v11 =	vmul.f32 $3.333333430e-01, v14;
	v1 =	vcvt.s32.f32 v18;
	v13 =	vshrl.u32 v13, $0x5;
	[tilespmem:v12+s2+$0x0] =	vst.idx.add.f32.msk vm3, v2  }
0xf3: {  	v2 =	vcvt.s32.f32 v13;
	v12 =	vshrl.u32 v20, $0x5;
	v13 =	vtrunc.f32 v15;
	[tilespmem:v8+s2+$0x0] =	vst.idx.add.f32.msk vm5, v3  }
0xf4: {  	v3 =	vcvt.s32.f32 v12;
	v8 =	vshrl.u32 v21, $0x5;
	v12 =	vcvt.f32.s32 v13;
	[tilespmem:v10+s2+$0x0] =	vst.idx.add.f32.msk vm4, v4  }
0xf5: {  	v10 =	vmul.f32 $3.333333430e-01, v17;
	v4 =	vshrl.u32 v22, $0x5;
	v8 =	vcvt.s32.f32 v8;
	[tilespmem:v7+s2+$0x0] =	vst.idx.add.f32.msk vm2, v5  }
0xf6: {  	s5 =	sadd.s32 $0x80, s5;
	v5 =	vmul.f32 $3.333333430e-01, v1;
	v4 =	vcvt.s32.f32 v4;
	vm1 =	vlt.s32 v12, $0x12000;
	[tilespmem:v9+s2+$0x0] =	vst.idx.add.f32.msk vm6, v6  }
0xf7: {  	v6 =	vmul.f32 $3.333333430e-01, v2;
	v7 =	vmul.f32 $3.333333430e-01, v3;
	v9 =	vld [tilespmem:s5+$0x30]  }
0xf8: {  	v8 =	vmul.f32 $3.333333430e-01, v8;
	v1 =	vld [tilespmem:s5+$0xFFFFFFC0];
	v3 =	vmul.f32 $3.333333430e-01, v4  }
0xf9: {  	v13 =	vtrunc.f32 v11;
	v10 =	vtrunc.f32 v10;
	v2 =	vld [tilespmem:s5+$0xFFFFFFD0]  }
0xfa: {  	s6 =	sadd.s32 $0x80, s6;
	v14 =	vtrunc.f32 v5;
	v11 =	vtrunc.f32 v3;
	v3 =	vld [tilespmem:s5+$0xFFFFFFE0]  }
0xfb: {  	v6 =	vtrunc.f32 v6;
	v15 =	vtrunc.f32 v7;
	v4 =	vld [tilespmem:s5+$0xFFFFFFF0];
	[tilespmem:s6+$0x0] =	vst v12  }
.Ltmp3:
0xfc: {  	v17 =	vtrunc.f32 v8;
	v11 =	vcvt.f32.s32 v11;
	[tilespmem:v12+s2+$0x0] =	vst.idx.add.f32.msk vm1, v9;
	(pc) =	sbr.rel @p0 .LBB2_9-.Ltmp3, $4  }
0xfd: {  	v8 =	vcvt.f32.s32 v10;
	v12 =	vcvt.f32.s32 v13;
	v5 =	vld [tilespmem:s5+$0x0]  }
0xfe: {  	v10 =	vcvt.f32.s32 v14;
	v7 =	vcvt.f32.s32 v6;
	vm1 =	vlt.s32 v11, $0x12000;
	[tilespmem:s6+$0xFFFFFF90] =	vst v11;
	v6 =	vld [tilespmem:s5+$0x10]  }
0xff: {  	v14 =	vcvt.f32.s32 v17;
	v9 =	vcvt.f32.s32 v15;
	vm3 =	vlt.s32 v12, $0x12000;
	[tilespmem:s6+$0xFFFFFFA0] =	vst v12;
	v13 =	vld [tilespmem:s5+$0x20]  }
0x100: {  	s10 =	sadd.s32 $0x80, s10;
	vm5 =	vlt.s32 v8, $0x12000;
	vm4 =	vlt.s32 v10, $0x12000;
	vm2 =	vlt.s32 v7, $0x12000;
	[tilespmem:v16+s2+$0x0] =	vst.idx.add.f32.msk vm0, v19  }
0x101: {  	[tilespmem:s6+$0xFFFFFFB0] =	vst v8  }
0x102: {  	[tilespmem:s6+$0xFFFFFFC0] =	vst v10  }
0x103: {  	[tilespmem:s6+$0xFFFFFFD0] =	vst v7  }
0x104: {  	[tilespmem:s6+$0xFFFFFFE0] =	vst v9  }
0x105: {  	vm0 =	vlt.s32 v9, $0x12000;
	[tilespmem:s6+$0xFFFFFFF0] =	vst v14  }
0x106: {  	vm6 =	vlt.s32 v14, $0x12000;
	[tilespmem:v11+s2+$0x0] =	vst.idx.add.f32.msk vm1, v1  }
0x107: {  	[tilespmem:v12+s2+$0x0] =	vst.idx.add.f32.msk vm3, v2  }
0x108: {  	[tilespmem:v8+s2+$0x0] =	vst.idx.add.f32.msk vm5, v3  }
0x109: {  	[tilespmem:v10+s2+$0x0] =	vst.idx.add.f32.msk vm4, v4  }
0x10a: {  	s5 =	sadd.s32 $0x1B000, s15;
	[tilespmem:v7+s2+$0x0] =	vst.idx.add.f32.msk vm2, v5  }
0x10b: {  	s5 =	sshrl.u32 s5, $0x3;
	[tilespmem:v9+s2+$0x0] =	vst.idx.add.f32.msk vm0, v6  }
0x10c: {  	s7 =	sadd.s32 s4, s5;
	[tilespmem:v14+s2+$0x0] =	vst.idx.add.f32.msk vm6, v13  }
0x10d: {  	[tilespmem:s26], [sflag:$0x3] =	stream.strided.gather [hbm4b:s7+s8], $0x900, s9, s8, $0x38;
	[tilespmem:$0x1F800] =	vst v63  }
0x10e: {  	s5 =	sadd.s32 s1, s5  }
0x10f: {  	[tilespmem:s13], [sflag:$0x3] =	stream.strided.gather [hbm4b:s5+s8], $0x900, s9, s8, $0x38;
	[tilespmem:$0x1F800] =	vst v63  }
0x110: {  	_ =	swait.ge [sflag:s21], $0x900  }
0x111: {  	[sflag:s21] =	ssyncset.done $0x0  }
0x112: {  	[sflag:s21] =	ssyncadd.s32 $0xFFFFF700  }
0x113: {  	_ =	swait.ge [sflag:s21], $0x900  }
0x114: {  	[sflag:s21] =	ssyncset.done $0x0  }
0x115: {  	s23 =	simm.s32 $0x1CB40;
	[sflag:s21] =	ssyncadd.s32 $0xFFFFF700  }
0x116: {  	v1 =	vld [tilespmem:s23+$0x30]  }
0x117: {  	v2 =	vld [tilespmem:s23+$0xFFFFFFD0]  }
0x118: {  	v3 =	vld [tilespmem:s23+$0xFFFFFFE0]  }
0x119: {  	v4 =	vld [tilespmem:s23+$0xFFFFFFF0]  }
0x11a: {  	v5 =	vld [tilespmem:s23+$0x0]  }
0x11b: {  	v6 =	vld [tilespmem:s23+$0x10]  }
0x11c: {  	v7 =	vld [tilespmem:s23+$0x20]  }
0x11d: {  	v1 =	vshrl.u32 v1, $0x5  }
0x11e: {  	v2 =	vshrl.u32 v2, $0x5;
	v3 =	vshrl.u32 v3, $0x5;
	v4 =	vshrl.u32 v4, $0x5  }
0x11f: {  	v5 =	vshrl.u32 v5, $0x5;
	v1 =	vcvt.s32.f32 v1;
	v2 =	vcvt.s32.f32 v2  }
0x120: {  	v6 =	vshrl.u32 v6, $0x5;
	v3 =	vcvt.s32.f32 v3;
	v4 =	vcvt.s32.f32 v4  }
0x121: {  	v8 =	vld [tilespmem:s23+$0xFFFFFFC0];
	v7 =	vshrl.u32 v7, $0x5;
	v5 =	vcvt.s32.f32 v5;
	v6 =	vcvt.s32.f32 v6  }
0x122: {  	v7 =	vcvt.s32.f32 v7;
	v1 =	vmul.f32 $3.333333430e-01, v1  }
0x123: {  	v2 =	vmul.f32 $3.333333430e-01, v2;
	v3 =	vmul.f32 $3.333333430e-01, v3  }
0x124: {  	v4 =	vmul.f32 $3.333333430e-01, v4;
	v1 =	vtrunc.f32 v1  }
0x125: {  	v5 =	vmul.f32 $3.333333430e-01, v5;
	v9 =	vcvt.f32.s32 v1  }
0x126: {  	s5 =	simm.s32 $0x1EF40;
	v6 =	vmul.f32 $3.333333430e-01, v6;
	v7 =	vmul.f32 $3.333333430e-01, v7;
	v1 =	vshrl.u32 v8, $0x5  }
0x127: {  	v12 =	vtrunc.f32 v2;
	v2 =	vld [tilespmem:s5+$0xFFFFFFD0];
	v1 =	vcvt.s32.f32 v1;
	vm0 =	vlt.s32 v9, $0x12000  }
0x128: {  	v13 =	vtrunc.f32 v3;
	v14 =	vtrunc.f32 v4;
	v8 =	vld [tilespmem:s5+$0x30]  }
0x129: {  	v3 =	vld [tilespmem:s5+$0xFFFFFFE0];
	v15 =	vtrunc.f32 v5;
	v10 =	vmul.f32 $3.333333430e-01, v1  }
0x12a: {  	v16 =	vtrunc.f32 v6;
	v4 =	vld [tilespmem:s5+$0xFFFFFFF0];
	v17 =	vtrunc.f32 v7  }
0x12b: {  	s6 =	simm.s32 $0x13B70;
	v5 =	vld [tilespmem:s5+$0x0];
	v12 =	vcvt.f32.s32 v12;
	v10 =	vtrunc.f32 v10  }
0x12c: {  	v6 =	vld [tilespmem:s5+$0x10];
	v7 =	vcvt.f32.s32 v15;
	[tilespmem:s6+$0x0] =	vst v9;
	v11 =	vcvt.f32.s32 v10  }
0x12d: {  	vm3 =	vlt.s32 v12, $0x12000;
	v10 =	vcvt.f32.s32 v14;
	[tilespmem:v9+s2+$0x0] =	vst.idx.add.f32.msk vm0, v8;
	v8 =	vcvt.f32.s32 v13  }
0x12e: {  	[tilespmem:s6+$0xFFFFFFA0] =	vst v12;
	vm2 =	vlt.s32 v7, $0x12000;
	v14 =	vcvt.f32.s32 v17;
	v9 =	vcvt.f32.s32 v16;
	v13 =	vld [tilespmem:s5+$0x20]  }
0x12f: {  	s10 =	simm.s32 $0x0;
	s11 =	simm.s32 $0x1CBC0;
	v1 =	vld [tilespmem:s5+$0xFFFFFFC0];
	vm1 =	vlt.s32 v11, $0x12000;
	[tilespmem:s6+$0xFFFFFF90] =	vst v11;
	vm4 =	vlt.s32 v10, $0x12000;
	vm5 =	vlt.s32 v8, $0x12000  }
.LBB2_11:
0x130: {  	v15 =	vld [tilespmem:s11+$0x30];
	s10 =	sadd.s32 $0x8, s10;
	[tilespmem:s6+$0xFFFFFFB0] =	vst v8;
	vm6 =	vlt.s32 v9, $0x12000;
	vm0 =	vlt.s32 v14, $0x12000;
	v16 =	vmov v14  }
0x131: {  	v14 =	vld [tilespmem:s11+$0xFFFFFFD0];
	p0 =	slt.u32 s10, $0x88;
	[tilespmem:s6+$0xFFFFFFC0] =	vst v10  }
0x132: {  	v17 =	vld [tilespmem:s11+$0xFFFFFFE0];
	[tilespmem:s6+$0xFFFFFFD0] =	vst v7  }
0x133: {  	v18 =	vld [tilespmem:s11+$0xFFFFFFF0];
	[tilespmem:s6+$0xFFFFFFE0] =	vst v9;
	v19 =	vmov v13  }
0x134: {  	v13 =	vld [tilespmem:s11+$0x0];
	[tilespmem:s6+$0xFFFFFFF0] =	vst v16  }
0x135: {  	v20 =	vld [tilespmem:s11+$0x10];
	v15 =	vshrl.u32 v15, $0x5  }
0x136: {  	v14 =	vshrl.u32 v14, $0x5;
	v21 =	vld [tilespmem:s11+$0x20];
	v15 =	vcvt.s32.f32 v15  }
0x137: {  	v22 =	vld [tilespmem:s11+$0xFFFFFFC0];
	v14 =	vcvt.s32.f32 v14;
	v17 =	vshrl.u32 v17, $0x5  }
0x138: {  	v17 =	vcvt.s32.f32 v17;
	v18 =	vshrl.u32 v18, $0x5;
	v15 =	vmul.f32 $3.333333430e-01, v15;
	[tilespmem:v11+s2+$0x0] =	vst.idx.add.f32.msk vm1, v1  }
0x139: {  	v11 =	vmul.f32 $3.333333430e-01, v14;
	v1 =	vcvt.s32.f32 v18;
	v13 =	vshrl.u32 v13, $0x5;
	[tilespmem:v12+s2+$0x0] =	vst.idx.add.f32.msk vm3, v2  }
0x13a: {  	v2 =	vcvt.s32.f32 v13;
	v12 =	vshrl.u32 v20, $0x5;
	v13 =	vtrunc.f32 v15;
	[tilespmem:v8+s2+$0x0] =	vst.idx.add.f32.msk vm5, v3  }
0x13b: {  	v3 =	vcvt.s32.f32 v12;
	v8 =	vshrl.u32 v21, $0x5;
	v12 =	vcvt.f32.s32 v13;
	[tilespmem:v10+s2+$0x0] =	vst.idx.add.f32.msk vm4, v4  }
0x13c: {  	v10 =	vmul.f32 $3.333333430e-01, v17;
	v4 =	vshrl.u32 v22, $0x5;
	v8 =	vcvt.s32.f32 v8;
	[tilespmem:v7+s2+$0x0] =	vst.idx.add.f32.msk vm2, v5  }
0x13d: {  	s5 =	sadd.s32 $0x80, s5;
	v5 =	vmul.f32 $3.333333430e-01, v1;
	v4 =	vcvt.s32.f32 v4;
	vm1 =	vlt.s32 v12, $0x12000;
	[tilespmem:v9+s2+$0x0] =	vst.idx.add.f32.msk vm6, v6  }
0x13e: {  	v6 =	vmul.f32 $3.333333430e-01, v2;
	v7 =	vmul.f32 $3.333333430e-01, v3;
	v9 =	vld [tilespmem:s5+$0x30]  }
0x13f: {  	v8 =	vmul.f32 $3.333333430e-01, v8;
	v1 =	vld [tilespmem:s5+$0xFFFFFFC0];
	v3 =	vmul.f32 $3.333333430e-01, v4  }
0x140: {  	v13 =	vtrunc.f32 v11;
	v10 =	vtrunc.f32 v10;
	v2 =	vld [tilespmem:s5+$0xFFFFFFD0]  }
0x141: {  	s6 =	sadd.s32 $0x80, s6;
	v14 =	vtrunc.f32 v5;
	v11 =	vtrunc.f32 v3;
	v3 =	vld [tilespmem:s5+$0xFFFFFFE0]  }
0x142: {  	v6 =	vtrunc.f32 v6;
	v15 =	vtrunc.f32 v7;
	v4 =	vld [tilespmem:s5+$0xFFFFFFF0];
	[tilespmem:s6+$0x0] =	vst v12  }
.Ltmp4:
0x143: {  	v17 =	vtrunc.f32 v8;
	v11 =	vcvt.f32.s32 v11;
	[tilespmem:v12+s2+$0x0] =	vst.idx.add.f32.msk vm1, v9;
	(pc) =	sbr.rel @p0 .LBB2_11-.Ltmp4, $4  }
0x144: {  	v8 =	vcvt.f32.s32 v10;
	v12 =	vcvt.f32.s32 v13;
	v5 =	vld [tilespmem:s5+$0x0]  }
0x145: {  	v10 =	vcvt.f32.s32 v14;
	v7 =	vcvt.f32.s32 v6;
	vm1 =	vlt.s32 v11, $0x12000;
	[tilespmem:s6+$0xFFFFFF90] =	vst v11;
	v6 =	vld [tilespmem:s5+$0x10]  }
0x146: {  	v14 =	vcvt.f32.s32 v17;
	v9 =	vcvt.f32.s32 v15;
	vm3 =	vlt.s32 v12, $0x12000;
	[tilespmem:s6+$0xFFFFFFA0] =	vst v12;
	v13 =	vld [tilespmem:s5+$0x20]  }
0x147: {  	s11 =	sadd.s32 $0x80, s11;
	vm5 =	vlt.s32 v8, $0x12000;
	vm4 =	vlt.s32 v10, $0x12000;
	vm2 =	vlt.s32 v7, $0x12000;
	[tilespmem:v16+s2+$0x0] =	vst.idx.add.f32.msk vm0, v19  }
0x148: {  	[tilespmem:s6+$0xFFFFFFB0] =	vst v8  }
0x149: {  	[tilespmem:s6+$0xFFFFFFC0] =	vst v10  }
0x14a: {  	[tilespmem:s6+$0xFFFFFFD0] =	vst v7  }
0x14b: {  	[tilespmem:s6+$0xFFFFFFE0] =	vst v9  }
0x14c: {  	vm0 =	vlt.s32 v9, $0x12000;
	[tilespmem:s6+$0xFFFFFFF0] =	vst v14  }
0x14d: {  	vm6 =	vlt.s32 v14, $0x12000;
	[tilespmem:v11+s2+$0x0] =	vst.idx.add.f32.msk vm1, v1  }
0x14e: {  	[tilespmem:v12+s2+$0x0] =	vst.idx.add.f32.msk vm3, v2  }
0x14f: {  	[tilespmem:v8+s2+$0x0] =	vst.idx.add.f32.msk vm5, v3  }
0x150: {  	[tilespmem:v10+s2+$0x0] =	vst.idx.add.f32.msk vm4, v4  }
0x151: {  	s5 =	sadd.s32 $0x1F800, s15;
	[tilespmem:v7+s2+$0x0] =	vst.idx.add.f32.msk vm2, v5  }
0x152: {  	s5 =	sshrl.u32 s5, $0x3;
	[tilespmem:v9+s2+$0x0] =	vst.idx.add.f32.msk vm0, v6  }
0x153: {  	s23 =	sadd.s32 s4, s5;
	[tilespmem:v14+s2+$0x0] =	vst.idx.add.f32.msk vm6, v13  }
0x154: {  	[tilespmem:s29], [sflag:$0x4] =	stream.strided.gather [hbm4b:s23+s8], $0x900, s9, s8, $0x38;
	[tilespmem:$0x1F800] =	vst v63  }
0x155: {  	s5 =	sadd.s32 s1, s5  }
0x156: {  	[tilespmem:s31], [sflag:$0x4] =	stream.strided.gather [hbm4b:s5+s8], $0x900, s9, s8, $0x38;
	[tilespmem:$0x1F800] =	vst v63  }
0x157: {  	_ =	swait.ge [sflag:s18], $0x900  }
0x158: {  	[sflag:s18] =	ssyncset.done $0x0  }
0x159: {  	[sflag:s18] =	ssyncadd.s32 $0xFFFFF700  }
0x15a: {  	_ =	swait.ge [sflag:s18], $0x900  }
0x15b: {  	[sflag:s18] =	ssyncset.done $0x0  }
0x15c: {  	s31 =	simm.s32 $0x1B040;
	[sflag:s18] =	ssyncadd.s32 $0xFFFFF700  }
0x15d: {  	v1 =	vld [tilespmem:s31+$0x30]  }
0x15e: {  	v2 =	vld [tilespmem:s31+$0xFFFFFFD0]  }
0x15f: {  	v3 =	vld [tilespmem:s31+$0xFFFFFFE0]  }
0x160: {  	v4 =	vld [tilespmem:s31+$0xFFFFFFF0]  }
0x161: {  	v5 =	vld [tilespmem:s31+$0x0]  }
0x162: {  	v6 =	vld [tilespmem:s31+$0x10]  }
0x163: {  	v7 =	vld [tilespmem:s31+$0x20]  }
0x164: {  	v1 =	vshrl.u32 v1, $0x5  }
0x165: {  	v2 =	vshrl.u32 v2, $0x5;
	v3 =	vshrl.u32 v3, $0x5;
	v4 =	vshrl.u32 v4, $0x5  }
0x166: {  	v5 =	vshrl.u32 v5, $0x5;
	v1 =	vcvt.s32.f32 v1;
	v2 =	vcvt.s32.f32 v2  }
0x167: {  	v6 =	vshrl.u32 v6, $0x5;
	v3 =	vcvt.s32.f32 v3;
	v4 =	vcvt.s32.f32 v4  }
0x168: {  	v8 =	vld [tilespmem:s31+$0xFFFFFFC0];
	v7 =	vshrl.u32 v7, $0x5;
	v5 =	vcvt.s32.f32 v5;
	v6 =	vcvt.s32.f32 v6  }
0x169: {  	v7 =	vcvt.s32.f32 v7;
	v1 =	vmul.f32 $3.333333430e-01, v1  }
0x16a: {  	v2 =	vmul.f32 $3.333333430e-01, v2;
	v3 =	vmul.f32 $3.333333430e-01, v3  }
0x16b: {  	v4 =	vmul.f32 $3.333333430e-01, v4;
	v1 =	vtrunc.f32 v1  }
0x16c: {  	v5 =	vmul.f32 $3.333333430e-01, v5;
	v9 =	vcvt.f32.s32 v1  }
0x16d: {  	s5 =	simm.s32 $0x1D440;
	v6 =	vmul.f32 $3.333333430e-01, v6;
	v7 =	vmul.f32 $3.333333430e-01, v7;
	v1 =	vshrl.u32 v8, $0x5  }
0x16e: {  	v12 =	vtrunc.f32 v2;
	v2 =	vld [tilespmem:s5+$0xFFFFFFD0];
	v1 =	vcvt.s32.f32 v1;
	vm0 =	vlt.s32 v9, $0x12000  }
0x16f: {  	v13 =	vtrunc.f32 v3;
	v14 =	vtrunc.f32 v4;
	v8 =	vld [tilespmem:s5+$0x30]  }
0x170: {  	v3 =	vld [tilespmem:s5+$0xFFFFFFE0];
	v15 =	vtrunc.f32 v5;
	v10 =	vmul.f32 $3.333333430e-01, v1  }
0x171: {  	v16 =	vtrunc.f32 v6;
	v4 =	vld [tilespmem:s5+$0xFFFFFFF0];
	v17 =	vtrunc.f32 v7  }
0x172: {  	s6 =	simm.s32 $0x14470;
	v5 =	vld [tilespmem:s5+$0x0];
	v12 =	vcvt.f32.s32 v12;
	v10 =	vtrunc.f32 v10  }
0x173: {  	v6 =	vld [tilespmem:s5+$0x10];
	v7 =	vcvt.f32.s32 v15;
	[tilespmem:s6+$0x0] =	vst v9;
	v11 =	vcvt.f32.s32 v10  }
0x174: {  	vm3 =	vlt.s32 v12, $0x12000;
	v10 =	vcvt.f32.s32 v14;
	[tilespmem:v9+s2+$0x0] =	vst.idx.add.f32.msk vm0, v8;
	v8 =	vcvt.f32.s32 v13  }
0x175: {  	[tilespmem:s6+$0xFFFFFFA0] =	vst v12;
	vm2 =	vlt.s32 v7, $0x12000;
	v14 =	vcvt.f32.s32 v17;
	v9 =	vcvt.f32.s32 v16;
	v13 =	vld [tilespmem:s5+$0x20]  }
0x176: {  	s10 =	simm.s32 $0x0;
	s11 =	simm.s32 $0x1B0C0;
	v1 =	vld [tilespmem:s5+$0xFFFFFFC0];
	vm1 =	vlt.s32 v11, $0x12000;
	[tilespmem:s6+$0xFFFFFF90] =	vst v11;
	vm4 =	vlt.s32 v10, $0x12000;
	vm5 =	vlt.s32 v8, $0x12000  }
.LBB2_13:
0x177: {  	v15 =	vld [tilespmem:s11+$0x30];
	s10 =	sadd.s32 $0x8, s10;
	[tilespmem:s6+$0xFFFFFFB0] =	vst v8;
	vm6 =	vlt.s32 v9, $0x12000;
	vm0 =	vlt.s32 v14, $0x12000;
	v16 =	vmov v14  }
0x178: {  	v14 =	vld [tilespmem:s11+$0xFFFFFFD0];
	p0 =	slt.u32 s10, $0x88;
	[tilespmem:s6+$0xFFFFFFC0] =	vst v10  }
0x179: {  	v17 =	vld [tilespmem:s11+$0xFFFFFFE0];
	[tilespmem:s6+$0xFFFFFFD0] =	vst v7  }
0x17a: {  	v18 =	vld [tilespmem:s11+$0xFFFFFFF0];
	[tilespmem:s6+$0xFFFFFFE0] =	vst v9;
	v19 =	vmov v13  }
0x17b: {  	v13 =	vld [tilespmem:s11+$0x0];
	[tilespmem:s6+$0xFFFFFFF0] =	vst v16  }
0x17c: {  	v20 =	vld [tilespmem:s11+$0x10];
	v15 =	vshrl.u32 v15, $0x5  }
0x17d: {  	v14 =	vshrl.u32 v14, $0x5;
	v21 =	vld [tilespmem:s11+$0x20];
	v15 =	vcvt.s32.f32 v15  }
0x17e: {  	v22 =	vld [tilespmem:s11+$0xFFFFFFC0];
	v14 =	vcvt.s32.f32 v14;
	v17 =	vshrl.u32 v17, $0x5  }
0x17f: {  	v17 =	vcvt.s32.f32 v17;
	v18 =	vshrl.u32 v18, $0x5;
	v15 =	vmul.f32 $3.333333430e-01, v15;
	[tilespmem:v11+s2+$0x0] =	vst.idx.add.f32.msk vm1, v1  }
0x180: {  	v11 =	vmul.f32 $3.333333430e-01, v14;
	v1 =	vcvt.s32.f32 v18;
	v13 =	vshrl.u32 v13, $0x5;
	[tilespmem:v12+s2+$0x0] =	vst.idx.add.f32.msk vm3, v2  }
0x181: {  	v2 =	vcvt.s32.f32 v13;
	v12 =	vshrl.u32 v20, $0x5;
	v13 =	vtrunc.f32 v15;
	[tilespmem:v8+s2+$0x0] =	vst.idx.add.f32.msk vm5, v3  }
0x182: {  	v3 =	vcvt.s32.f32 v12;
	v8 =	vshrl.u32 v21, $0x5;
	v12 =	vcvt.f32.s32 v13;
	[tilespmem:v10+s2+$0x0] =	vst.idx.add.f32.msk vm4, v4  }
0x183: {  	v10 =	vmul.f32 $3.333333430e-01, v17;
	v4 =	vshrl.u32 v22, $0x5;
	v8 =	vcvt.s32.f32 v8;
	[tilespmem:v7+s2+$0x0] =	vst.idx.add.f32.msk vm2, v5  }
0x184: {  	s5 =	sadd.s32 $0x80, s5;
	v5 =	vmul.f32 $3.333333430e-01, v1;
	v4 =	vcvt.s32.f32 v4;
	vm1 =	vlt.s32 v12, $0x12000;
	[tilespmem:v9+s2+$0x0] =	vst.idx.add.f32.msk vm6, v6  }
0x185: {  	v6 =	vmul.f32 $3.333333430e-01, v2;
	v7 =	vmul.f32 $3.333333430e-01, v3;
	v9 =	vld [tilespmem:s5+$0x30]  }
0x186: {  	v8 =	vmul.f32 $3.333333430e-01, v8;
	v1 =	vld [tilespmem:s5+$0xFFFFFFC0];
	v3 =	vmul.f32 $3.333333430e-01, v4  }
0x187: {  	v13 =	vtrunc.f32 v11;
	v10 =	vtrunc.f32 v10;
	v2 =	vld [tilespmem:s5+$0xFFFFFFD0]  }
0x188: {  	s6 =	sadd.s32 $0x80, s6;
	v14 =	vtrunc.f32 v5;
	v11 =	vtrunc.f32 v3;
	v3 =	vld [tilespmem:s5+$0xFFFFFFE0]  }
0x189: {  	v6 =	vtrunc.f32 v6;
	v15 =	vtrunc.f32 v7;
	v4 =	vld [tilespmem:s5+$0xFFFFFFF0];
	[tilespmem:s6+$0x0] =	vst v12  }
.Ltmp5:
0x18a: {  	v17 =	vtrunc.f32 v8;
	v11 =	vcvt.f32.s32 v11;
	[tilespmem:v12+s2+$0x0] =	vst.idx.add.f32.msk vm1, v9;
	(pc) =	sbr.rel @p0 .LBB2_13-.Ltmp5, $4  }
0x18b: {  	v8 =	vcvt.f32.s32 v10;
	v12 =	vcvt.f32.s32 v13;
	v5 =	vld [tilespmem:s5+$0x0]  }
0x18c: {  	v10 =	vcvt.f32.s32 v14;
	v7 =	vcvt.f32.s32 v6;
	vm1 =	vlt.s32 v11, $0x12000;
	[tilespmem:s6+$0xFFFFFF90] =	vst v11;
	v6 =	vld [tilespmem:s5+$0x10]  }
0x18d: {  	v14 =	vcvt.f32.s32 v17;
	v9 =	vcvt.f32.s32 v15;
	vm3 =	vlt.s32 v12, $0x12000;
	[tilespmem:s6+$0xFFFFFFA0] =	vst v12;
	v13 =	vld [tilespmem:s5+$0x20]  }
0x18e: {  	s11 =	sadd.s32 $0x80, s11;
	vm5 =	vlt.s32 v8, $0x12000;
	vm4 =	vlt.s32 v10, $0x12000;
	vm2 =	vlt.s32 v7, $0x12000;
	[tilespmem:v16+s2+$0x0] =	vst.idx.add.f32.msk vm0, v19  }
0x18f: {  	[tilespmem:s6+$0xFFFFFFB0] =	vst v8  }
0x190: {  	[tilespmem:s6+$0xFFFFFFC0] =	vst v10  }
0x191: {  	[tilespmem:s6+$0xFFFFFFD0] =	vst v7  }
0x192: {  	[tilespmem:s6+$0xFFFFFFE0] =	vst v9  }
0x193: {  	vm0 =	vlt.s32 v9, $0x12000;
	[tilespmem:s6+$0xFFFFFFF0] =	vst v14  }
0x194: {  	vm6 =	vlt.s32 v14, $0x12000;
	[tilespmem:v11+s2+$0x0] =	vst.idx.add.f32.msk vm1, v1  }
0x195: {  	[tilespmem:v12+s2+$0x0] =	vst.idx.add.f32.msk vm3, v2  }
0x196: {  	[tilespmem:v8+s2+$0x0] =	vst.idx.add.f32.msk vm5, v3  }
0x197: {  	[tilespmem:v10+s2+$0x0] =	vst.idx.add.f32.msk vm4, v4  }
0x198: {  	s5 =	sadd.s32 $0x24000, s15;
	[tilespmem:v7+s2+$0x0] =	vst.idx.add.f32.msk vm2, v5  }
0x199: {  	s5 =	sshrl.u32 s5, $0x3;
	[tilespmem:v9+s2+$0x0] =	vst.idx.add.f32.msk vm0, v6  }
0x19a: {  	s6 =	sadd.s32 s4, s5;
	[tilespmem:v14+s2+$0x0] =	vst.idx.add.f32.msk vm6, v13  }
0x19b: {  	[tilespmem:s16], [sflag:$0x1] =	stream.strided.gather [hbm4b:s6+s8], $0x900, s9, s8, $0x38;
	[tilespmem:$0x1F800] =	vst v63  }
0x19c: {  	s5 =	sadd.s32 s1, s5  }
0x19d: {  	[tilespmem:s17], [sflag:$0x1] =	stream.strided.gather [hbm4b:s5+s8], $0x900, s9, s8, $0x38;
	[tilespmem:$0x1F800] =	vst v63  }
0x19e: {  	_ =	swait.ge [sflag:s19], $0x900  }
0x19f: {  	[sflag:s19] =	ssyncset.done $0x0  }
0x1a0: {  	[sflag:s19] =	ssyncadd.s32 $0xFFFFF700  }
0x1a1: {  	_ =	swait.ge [sflag:s19], $0x900  }
0x1a2: {  	[sflag:s19] =	ssyncset.done $0x0  }
0x1a3: {  	s31 =	simm.s32 $0x1B940;
	[sflag:s19] =	ssyncadd.s32 $0xFFFFF700  }
0x1a4: {  	v1 =	vld [tilespmem:s31+$0x30]  }
0x1a5: {  	v2 =	vld [tilespmem:s31+$0xFFFFFFD0]  }
0x1a6: {  	v3 =	vld [tilespmem:s31+$0xFFFFFFE0]  }
0x1a7: {  	v4 =	vld [tilespmem:s31+$0xFFFFFFF0]  }
0x1a8: {  	v5 =	vld [tilespmem:s31+$0x0]  }
0x1a9: {  	v6 =	vld [tilespmem:s31+$0x10]  }
0x1aa: {  	v7 =	vld [tilespmem:s31+$0x20]  }
0x1ab: {  	v1 =	vshrl.u32 v1, $0x5  }
0x1ac: {  	v2 =	vshrl.u32 v2, $0x5;
	v3 =	vshrl.u32 v3, $0x5;
	v4 =	vshrl.u32 v4, $0x5  }
0x1ad: {  	v5 =	vshrl.u32 v5, $0x5;
	v1 =	vcvt.s32.f32 v1;
	v2 =	vcvt.s32.f32 v2  }
0x1ae: {  	v6 =	vshrl.u32 v6, $0x5;
	v3 =	vcvt.s32.f32 v3;
	v4 =	vcvt.s32.f32 v4  }
0x1af: {  	v8 =	vld [tilespmem:s31+$0xFFFFFFC0];
	v7 =	vshrl.u32 v7, $0x5;
	v5 =	vcvt.s32.f32 v5;
	v6 =	vcvt.s32.f32 v6  }
0x1b0: {  	v7 =	vcvt.s32.f32 v7;
	v1 =	vmul.f32 $3.333333430e-01, v1  }
0x1b1: {  	v2 =	vmul.f32 $3.333333430e-01, v2;
	v3 =	vmul.f32 $3.333333430e-01, v3  }
0x1b2: {  	v4 =	vmul.f32 $3.333333430e-01, v4;
	v1 =	vtrunc.f32 v1  }
0x1b3: {  	v5 =	vmul.f32 $3.333333430e-01, v5;
	v9 =	vcvt.f32.s32 v1  }
0x1b4: {  	s5 =	simm.s32 $0x1DD40;
	v6 =	vmul.f32 $3.333333430e-01, v6;
	v7 =	vmul.f32 $3.333333430e-01, v7;
	v1 =	vshrl.u32 v8, $0x5  }
0x1b5: {  	v12 =	vtrunc.f32 v2;
	v2 =	vld [tilespmem:s5+$0xFFFFFFD0];
	v1 =	vcvt.s32.f32 v1;
	vm0 =	vlt.s32 v9, $0x12000  }
0x1b6: {  	v13 =	vtrunc.f32 v3;
	v14 =	vtrunc.f32 v4;
	v8 =	vld [tilespmem:s5+$0x30]  }
0x1b7: {  	v3 =	vld [tilespmem:s5+$0xFFFFFFE0];
	v15 =	vtrunc.f32 v5;
	v10 =	vmul.f32 $3.333333430e-01, v1  }
0x1b8: {  	v16 =	vtrunc.f32 v6;
	v4 =	vld [tilespmem:s5+$0xFFFFFFF0];
	v17 =	vtrunc.f32 v7  }
0x1b9: {  	s10 =	simm.s32 $0x14D70;
	v5 =	vld [tilespmem:s5+$0x0];
	v12 =	vcvt.f32.s32 v12;
	v10 =	vtrunc.f32 v10  }
0x1ba: {  	v6 =	vld [tilespmem:s5+$0x10];
	v7 =	vcvt.f32.s32 v15;
	[tilespmem:s10+$0x0] =	vst v9;
	v11 =	vcvt.f32.s32 v10  }
0x1bb: {  	vm3 =	vlt.s32 v12, $0x12000;
	v10 =	vcvt.f32.s32 v14;
	[tilespmem:v9+s2+$0x0] =	vst.idx.add.f32.msk vm0, v8;
	v8 =	vcvt.f32.s32 v13  }
0x1bc: {  	[tilespmem:s10+$0xFFFFFFA0] =	vst v12;
	vm2 =	vlt.s32 v7, $0x12000;
	v14 =	vcvt.f32.s32 v17;
	v9 =	vcvt.f32.s32 v16;
	v13 =	vld [tilespmem:s5+$0x20]  }
0x1bd: {  	s11 =	simm.s32 $0x0;
	s12 =	simm.s32 $0x1B9C0;
	v1 =	vld [tilespmem:s5+$0xFFFFFFC0];
	vm1 =	vlt.s32 v11, $0x12000;
	[tilespmem:s10+$0xFFFFFF90] =	vst v11;
	vm4 =	vlt.s32 v10, $0x12000;
	vm5 =	vlt.s32 v8, $0x12000  }
.LBB2_15:
0x1be: {  	v15 =	vld [tilespmem:s12+$0x30];
	s11 =	sadd.s32 $0x8, s11;
	[tilespmem:s10+$0xFFFFFFB0] =	vst v8;
	vm6 =	vlt.s32 v9, $0x12000;
	vm0 =	vlt.s32 v14, $0x12000;
	v16 =	vmov v14  }
0x1bf: {  	v14 =	vld [tilespmem:s12+$0xFFFFFFD0];
	p0 =	slt.u32 s11, $0x88;
	[tilespmem:s10+$0xFFFFFFC0] =	vst v10  }
0x1c0: {  	v17 =	vld [tilespmem:s12+$0xFFFFFFE0];
	[tilespmem:s10+$0xFFFFFFD0] =	vst v7  }
0x1c1: {  	v18 =	vld [tilespmem:s12+$0xFFFFFFF0];
	[tilespmem:s10+$0xFFFFFFE0] =	vst v9;
	v19 =	vmov v13  }
0x1c2: {  	v13 =	vld [tilespmem:s12+$0x0];
	[tilespmem:s10+$0xFFFFFFF0] =	vst v16  }
0x1c3: {  	v20 =	vld [tilespmem:s12+$0x10];
	v15 =	vshrl.u32 v15, $0x5  }
0x1c4: {  	v14 =	vshrl.u32 v14, $0x5;
	v21 =	vld [tilespmem:s12+$0x20];
	v15 =	vcvt.s32.f32 v15  }
0x1c5: {  	v22 =	vld [tilespmem:s12+$0xFFFFFFC0];
	v14 =	vcvt.s32.f32 v14;
	v17 =	vshrl.u32 v17, $0x5  }
0x1c6: {  	v17 =	vcvt.s32.f32 v17;
	v18 =	vshrl.u32 v18, $0x5;
	v15 =	vmul.f32 $3.333333430e-01, v15;
	[tilespmem:v11+s2+$0x0] =	vst.idx.add.f32.msk vm1, v1  }
0x1c7: {  	v11 =	vmul.f32 $3.333333430e-01, v14;
	v1 =	vcvt.s32.f32 v18;
	v13 =	vshrl.u32 v13, $0x5;
	[tilespmem:v12+s2+$0x0] =	vst.idx.add.f32.msk vm3, v2  }
0x1c8: {  	v2 =	vcvt.s32.f32 v13;
	v12 =	vshrl.u32 v20, $0x5;
	v13 =	vtrunc.f32 v15;
	[tilespmem:v8+s2+$0x0] =	vst.idx.add.f32.msk vm5, v3  }
0x1c9: {  	v3 =	vcvt.s32.f32 v12;
	v8 =	vshrl.u32 v21, $0x5;
	v12 =	vcvt.f32.s32 v13;
	[tilespmem:v10+s2+$0x0] =	vst.idx.add.f32.msk vm4, v4  }
0x1ca: {  	v10 =	vmul.f32 $3.333333430e-01, v17;
	v4 =	vshrl.u32 v22, $0x5;
	v8 =	vcvt.s32.f32 v8;
	[tilespmem:v7+s2+$0x0] =	vst.idx.add.f32.msk vm2, v5  }
0x1cb: {  	s5 =	sadd.s32 $0x80, s5;
	v5 =	vmul.f32 $3.333333430e-01, v1;
	v4 =	vcvt.s32.f32 v4;
	vm1 =	vlt.s32 v12, $0x12000;
	[tilespmem:v9+s2+$0x0] =	vst.idx.add.f32.msk vm6, v6  }
0x1cc: {  	v6 =	vmul.f32 $3.333333430e-01, v2;
	v7 =	vmul.f32 $3.333333430e-01, v3;
	v9 =	vld [tilespmem:s5+$0x30]  }
0x1cd: {  	v8 =	vmul.f32 $3.333333430e-01, v8;
	v1 =	vld [tilespmem:s5+$0xFFFFFFC0];
	v3 =	vmul.f32 $3.333333430e-01, v4  }
0x1ce: {  	v13 =	vtrunc.f32 v11;
	v10 =	vtrunc.f32 v10;
	v2 =	vld [tilespmem:s5+$0xFFFFFFD0]  }
0x1cf: {  	s10 =	sadd.s32 $0x80, s10;
	v14 =	vtrunc.f32 v5;
	v11 =	vtrunc.f32 v3;
	v3 =	vld [tilespmem:s5+$0xFFFFFFE0]  }
0x1d0: {  	v6 =	vtrunc.f32 v6;
	v15 =	vtrunc.f32 v7;
	v4 =	vld [tilespmem:s5+$0xFFFFFFF0];
	[tilespmem:s10+$0x0] =	vst v12  }
.Ltmp6:
0x1d1: {  	v17 =	vtrunc.f32 v8;
	v11 =	vcvt.f32.s32 v11;
	[tilespmem:v12+s2+$0x0] =	vst.idx.add.f32.msk vm1, v9;
	(pc) =	sbr.rel @p0 .LBB2_15-.Ltmp6, $4  }
0x1d2: {  	v8 =	vcvt.f32.s32 v10;
	v12 =	vcvt.f32.s32 v13;
	v5 =	vld [tilespmem:s5+$0x0]  }
0x1d3: {  	v10 =	vcvt.f32.s32 v14;
	v7 =	vcvt.f32.s32 v6;
	vm1 =	vlt.s32 v11, $0x12000;
	[tilespmem:s10+$0xFFFFFF90] =	vst v11;
	v6 =	vld [tilespmem:s5+$0x10]  }
0x1d4: {  	v14 =	vcvt.f32.s32 v17;
	v9 =	vcvt.f32.s32 v15;
	vm3 =	vlt.s32 v12, $0x12000;
	[tilespmem:s10+$0xFFFFFFA0] =	vst v12;
	v13 =	vld [tilespmem:s5+$0x20]  }
0x1d5: {  	s12 =	sadd.s32 $0x80, s12;
	vm5 =	vlt.s32 v8, $0x12000;
	vm4 =	vlt.s32 v10, $0x12000;
	vm2 =	vlt.s32 v7, $0x12000;
	[tilespmem:v16+s2+$0x0] =	vst.idx.add.f32.msk vm0, v19  }
0x1d6: {  	[tilespmem:s10+$0xFFFFFFB0] =	vst v8  }
0x1d7: {  	[tilespmem:s10+$0xFFFFFFC0] =	vst v10  }
0x1d8: {  	[tilespmem:s10+$0xFFFFFFD0] =	vst v7  }
0x1d9: {  	[tilespmem:s10+$0xFFFFFFE0] =	vst v9  }
0x1da: {  	vm0 =	vlt.s32 v9, $0x12000;
	[tilespmem:s10+$0xFFFFFFF0] =	vst v14  }
0x1db: {  	vm6 =	vlt.s32 v14, $0x12000;
	[tilespmem:v11+s2+$0x0] =	vst.idx.add.f32.msk vm1, v1  }
0x1dc: {  	[tilespmem:v12+s2+$0x0] =	vst.idx.add.f32.msk vm3, v2  }
0x1dd: {  	[tilespmem:v8+s2+$0x0] =	vst.idx.add.f32.msk vm5, v3  }
0x1de: {  	[tilespmem:v10+s2+$0x0] =	vst.idx.add.f32.msk vm4, v4  }
0x1df: {  	s5 =	sadd.s32 $0x28800, s15;
	[tilespmem:v7+s2+$0x0] =	vst.idx.add.f32.msk vm2, v5  }
0x1e0: {  	s5 =	sshrl.u32 s5, $0x3;
	[tilespmem:v9+s2+$0x0] =	vst.idx.add.f32.msk vm0, v6  }
0x1e1: {  	s22 =	sadd.s32 s4, s5;
	[tilespmem:v14+s2+$0x0] =	vst.idx.add.f32.msk vm6, v13  }
0x1e2: {  	[tilespmem:s14], [sflag:$0x2] =	stream.strided.gather [hbm4b:s22+s8], $0x900, s9, s8, $0x38;
	[tilespmem:$0x1F800] =	vst v63  }
0x1e3: {  	s5 =	sadd.s32 s1, s5  }
0x1e4: {  	[tilespmem:s25], [sflag:$0x2] =	stream.strided.gather [hbm4b:s5+s8], $0x900, s9, s8, $0x38;
	[tilespmem:$0x1F800] =	vst v63  }
0x1e5: {  	_ =	swait.ge [sflag:s20], $0x900  }
0x1e6: {  	[sflag:s20] =	ssyncset.done $0x0  }
0x1e7: {  	[sflag:s20] =	ssyncadd.s32 $0xFFFFF700  }
0x1e8: {  	_ =	swait.ge [sflag:s20], $0x900  }
0x1e9: {  	[sflag:s20] =	ssyncset.done $0x0  }
0x1ea: {  	s29 =	simm.s32 $0x1C240;
	[sflag:s20] =	ssyncadd.s32 $0xFFFFF700  }
0x1eb: {  	v1 =	vld [tilespmem:s29+$0x30]  }
0x1ec: {  	v2 =	vld [tilespmem:s29+$0xFFFFFFD0]  }
0x1ed: {  	v3 =	vld [tilespmem:s29+$0xFFFFFFE0]  }
0x1ee: {  	v4 =	vld [tilespmem:s29+$0xFFFFFFF0]  }
0x1ef: {  	v5 =	vld [tilespmem:s29+$0x0]  }
0x1f0: {  	v6 =	vld [tilespmem:s29+$0x10]  }
0x1f1: {  	v7 =	vld [tilespmem:s29+$0x20]  }
0x1f2: {  	v1 =	vshrl.u32 v1, $0x5  }
0x1f3: {  	v2 =	vshrl.u32 v2, $0x5;
	v3 =	vshrl.u32 v3, $0x5;
	v4 =	vshrl.u32 v4, $0x5  }
0x1f4: {  	v5 =	vshrl.u32 v5, $0x5;
	v1 =	vcvt.s32.f32 v1;
	v2 =	vcvt.s32.f32 v2  }
0x1f5: {  	v6 =	vshrl.u32 v6, $0x5;
	v3 =	vcvt.s32.f32 v3;
	v4 =	vcvt.s32.f32 v4  }
0x1f6: {  	v8 =	vld [tilespmem:s29+$0xFFFFFFC0];
	v7 =	vshrl.u32 v7, $0x5;
	v5 =	vcvt.s32.f32 v5;
	v6 =	vcvt.s32.f32 v6  }
0x1f7: {  	v7 =	vcvt.s32.f32 v7;
	v1 =	vmul.f32 $3.333333430e-01, v1  }
0x1f8: {  	v2 =	vmul.f32 $3.333333430e-01, v2;
	v3 =	vmul.f32 $3.333333430e-01, v3  }
0x1f9: {  	v4 =	vmul.f32 $3.333333430e-01, v4;
	v1 =	vtrunc.f32 v1  }
0x1fa: {  	v5 =	vmul.f32 $3.333333430e-01, v5;
	v9 =	vcvt.f32.s32 v1  }
0x1fb: {  	s5 =	simm.s32 $0x1E640;
	v6 =	vmul.f32 $3.333333430e-01, v6;
	v7 =	vmul.f32 $3.333333430e-01, v7;
	v1 =	vshrl.u32 v8, $0x5  }
0x1fc: {  	v12 =	vtrunc.f32 v2;
	v2 =	vld [tilespmem:s5+$0xFFFFFFD0];
	v1 =	vcvt.s32.f32 v1;
	vm0 =	vlt.s32 v9, $0x12000  }
0x1fd: {  	v13 =	vtrunc.f32 v3;
	v14 =	vtrunc.f32 v4;
	v8 =	vld [tilespmem:s5+$0x30]  }
0x1fe: {  	v3 =	vld [tilespmem:s5+$0xFFFFFFE0];
	v15 =	vtrunc.f32 v5;
	v10 =	vmul.f32 $3.333333430e-01, v1  }
0x1ff: {  	v16 =	vtrunc.f32 v6;
	v4 =	vld [tilespmem:s5+$0xFFFFFFF0];
	v17 =	vtrunc.f32 v7  }
0x200: {  	s10 =	simm.s32 $0x15670;
	v5 =	vld [tilespmem:s5+$0x0];
	v12 =	vcvt.f32.s32 v12;
	v10 =	vtrunc.f32 v10  }
0x201: {  	v6 =	vld [tilespmem:s5+$0x10];
	v7 =	vcvt.f32.s32 v15;
	[tilespmem:s10+$0x0] =	vst v9;
	v11 =	vcvt.f32.s32 v10  }
0x202: {  	vm3 =	vlt.s32 v12, $0x12000;
	v10 =	vcvt.f32.s32 v14;
	[tilespmem:v9+s2+$0x0] =	vst.idx.add.f32.msk vm0, v8;
	v8 =	vcvt.f32.s32 v13  }
0x203: {  	[tilespmem:s10+$0xFFFFFFA0] =	vst v12;
	vm2 =	vlt.s32 v7, $0x12000;
	v14 =	vcvt.f32.s32 v17;
	v9 =	vcvt.f32.s32 v16;
	v13 =	vld [tilespmem:s5+$0x20]  }
0x204: {  	s31 =	simm.s32 $0x1EF00;
	s11 =	simm.s32 $0x0;
	s12 =	simm.s32 $0x1C2C0;
	v1 =	vld [tilespmem:s5+$0xFFFFFFC0];
	vm1 =	vlt.s32 v11, $0x12000;
	[tilespmem:s10+$0xFFFFFF90] =	vst v11;
	vm4 =	vlt.s32 v10, $0x12000;
	vm5 =	vlt.s32 v8, $0x12000  }
.LBB2_17:
0x205: {  	v15 =	vld [tilespmem:s12+$0x30];
	s11 =	sadd.s32 $0x8, s11;
	[tilespmem:s10+$0xFFFFFFB0] =	vst v8;
	vm6 =	vlt.s32 v9, $0x12000;
	vm0 =	vlt.s32 v14, $0x12000;
	v16 =	vmov v14  }
0x206: {  	v14 =	vld [tilespmem:s12+$0xFFFFFFD0];
	p0 =	slt.u32 s11, $0x88;
	[tilespmem:s10+$0xFFFFFFC0] =	vst v10  }
0x207: {  	v17 =	vld [tilespmem:s12+$0xFFFFFFE0];
	[tilespmem:s10+$0xFFFFFFD0] =	vst v7  }
0x208: {  	v18 =	vld [tilespmem:s12+$0xFFFFFFF0];
	[tilespmem:s10+$0xFFFFFFE0] =	vst v9;
	v19 =	vmov v13  }
0x209: {  	v13 =	vld [tilespmem:s12+$0x0];
	[tilespmem:s10+$0xFFFFFFF0] =	vst v16  }
0x20a: {  	v20 =	vld [tilespmem:s12+$0x10];
	v15 =	vshrl.u32 v15, $0x5  }
0x20b: {  	v14 =	vshrl.u32 v14, $0x5;
	v21 =	vld [tilespmem:s12+$0x20];
	v15 =	vcvt.s32.f32 v15  }
0x20c: {  	v22 =	vld [tilespmem:s12+$0xFFFFFFC0];
	v14 =	vcvt.s32.f32 v14;
	v17 =	vshrl.u32 v17, $0x5  }
0x20d: {  	v17 =	vcvt.s32.f32 v17;
	v18 =	vshrl.u32 v18, $0x5;
	v15 =	vmul.f32 $3.333333430e-01, v15;
	[tilespmem:v11+s2+$0x0] =	vst.idx.add.f32.msk vm1, v1  }
0x20e: {  	v11 =	vmul.f32 $3.333333430e-01, v14;
	v1 =	vcvt.s32.f32 v18;
	v13 =	vshrl.u32 v13, $0x5;
	[tilespmem:v12+s2+$0x0] =	vst.idx.add.f32.msk vm3, v2  }
0x20f: {  	v2 =	vcvt.s32.f32 v13;
	v12 =	vshrl.u32 v20, $0x5;
	v13 =	vtrunc.f32 v15;
	[tilespmem:v8+s2+$0x0] =	vst.idx.add.f32.msk vm5, v3  }
0x210: {  	v3 =	vcvt.s32.f32 v12;
	v8 =	vshrl.u32 v21, $0x5;
	v12 =	vcvt.f32.s32 v13;
	[tilespmem:v10+s2+$0x0] =	vst.idx.add.f32.msk vm4, v4  }
0x211: {  	v10 =	vmul.f32 $3.333333430e-01, v17;
	v4 =	vshrl.u32 v22, $0x5;
	v8 =	vcvt.s32.f32 v8;
	[tilespmem:v7+s2+$0x0] =	vst.idx.add.f32.msk vm2, v5  }
0x212: {  	s5 =	sadd.s32 $0x80, s5;
	v5 =	vmul.f32 $3.333333430e-01, v1;
	v4 =	vcvt.s32.f32 v4;
	vm1 =	vlt.s32 v12, $0x12000;
	[tilespmem:v9+s2+$0x0] =	vst.idx.add.f32.msk vm6, v6  }
0x213: {  	v6 =	vmul.f32 $3.333333430e-01, v2;
	v7 =	vmul.f32 $3.333333430e-01, v3;
	v9 =	vld [tilespmem:s5+$0x30]  }
0x214: {  	v8 =	vmul.f32 $3.333333430e-01, v8;
	v1 =	vld [tilespmem:s5+$0xFFFFFFC0];
	v3 =	vmul.f32 $3.333333430e-01, v4  }
0x215: {  	v13 =	vtrunc.f32 v11;
	v10 =	vtrunc.f32 v10;
	v2 =	vld [tilespmem:s5+$0xFFFFFFD0]  }
0x216: {  	s10 =	sadd.s32 $0x80, s10;
	v14 =	vtrunc.f32 v5;
	v11 =	vtrunc.f32 v3;
	v3 =	vld [tilespmem:s5+$0xFFFFFFE0]  }
0x217: {  	v6 =	vtrunc.f32 v6;
	v15 =	vtrunc.f32 v7;
	v4 =	vld [tilespmem:s5+$0xFFFFFFF0];
	[tilespmem:s10+$0x0] =	vst v12  }
.Ltmp7:
0x218: {  	v17 =	vtrunc.f32 v8;
	v11 =	vcvt.f32.s32 v11;
	[tilespmem:v12+s2+$0x0] =	vst.idx.add.f32.msk vm1, v9;
	(pc) =	sbr.rel @p0 .LBB2_17-.Ltmp7, $4  }
0x219: {  	v8 =	vcvt.f32.s32 v10;
	v12 =	vcvt.f32.s32 v13;
	v5 =	vld [tilespmem:s5+$0x0]  }
0x21a: {  	v10 =	vcvt.f32.s32 v14;
	v7 =	vcvt.f32.s32 v6;
	vm1 =	vlt.s32 v11, $0x12000;
	[tilespmem:s10+$0xFFFFFF90] =	vst v11;
	v6 =	vld [tilespmem:s5+$0x10]  }
0x21b: {  	v14 =	vcvt.f32.s32 v17;
	v9 =	vcvt.f32.s32 v15;
	vm3 =	vlt.s32 v12, $0x12000;
	[tilespmem:s10+$0xFFFFFFA0] =	vst v12;
	v13 =	vld [tilespmem:s5+$0x20]  }
0x21c: {  	s12 =	sadd.s32 $0x80, s12;
	vm5 =	vlt.s32 v8, $0x12000;
	vm4 =	vlt.s32 v10, $0x12000;
	vm2 =	vlt.s32 v7, $0x12000;
	[tilespmem:v16+s2+$0x0] =	vst.idx.add.f32.msk vm0, v19  }
0x21d: {  	[tilespmem:s10+$0xFFFFFFB0] =	vst v8  }
0x21e: {  	[tilespmem:s10+$0xFFFFFFC0] =	vst v10  }
0x21f: {  	[tilespmem:s10+$0xFFFFFFD0] =	vst v7  }
0x220: {  	[tilespmem:s10+$0xFFFFFFE0] =	vst v9  }
0x221: {  	vm0 =	vlt.s32 v9, $0x12000;
	[tilespmem:s10+$0xFFFFFFF0] =	vst v14  }
0x222: {  	vm6 =	vlt.s32 v14, $0x12000;
	[tilespmem:v11+s2+$0x0] =	vst.idx.add.f32.msk vm1, v1  }
0x223: {  	[tilespmem:v12+s2+$0x0] =	vst.idx.add.f32.msk vm3, v2  }
0x224: {  	[tilespmem:v8+s2+$0x0] =	vst.idx.add.f32.msk vm5, v3  }
0x225: {  	[tilespmem:v10+s2+$0x0] =	vst.idx.add.f32.msk vm4, v4  }
0x226: {  	s5 =	sadd.s32 $0x2D000, s15;
	[tilespmem:v7+s2+$0x0] =	vst.idx.add.f32.msk vm2, v5  }
0x227: {  	s14 =	sshrl.u32 s5, $0x3;
	[tilespmem:v9+s2+$0x0] =	vst.idx.add.f32.msk vm0, v6  }
0x228: {  	s5 =	sadd.s32 s4, s14;
	[tilespmem:v14+s2+$0x0] =	vst.idx.add.f32.msk vm6, v13  }
0x229: {  	[tilespmem:s26], [sflag:$0x3] =	stream.strided.gather [hbm4b:s5+s8], $0x900, s9, s8, $0x38;
	[tilespmem:$0x1F800] =	vst v63  }
0x22a: {  	s10 =	sadd.s32 s1, s14  }
0x22b: {  	[tilespmem:s13], [sflag:$0x3] =	stream.strided.gather [hbm4b:s10+s8], $0x900, s9, s8, $0x38;
	[tilespmem:$0x1F800] =	vst v63  }
0x22c: {  	_ =	swait.ge [sflag:s21], $0x900  }
0x22d: {  	[sflag:s21] =	ssyncset.done $0x0  }
0x22e: {  	[sflag:s21] =	ssyncadd.s32 $0xFFFFF700  }
0x22f: {  	_ =	swait.ge [sflag:s21], $0x900  }
0x230: {  	[sflag:s21] =	ssyncset.done $0x0  }
0x231: {  	s26 =	simm.s32 $0x1CB40;
	[sflag:s21] =	ssyncadd.s32 $0xFFFFF700  }
0x232: {  	v1 =	vld [tilespmem:s26+$0x30]  }
0x233: {  	v2 =	vld [tilespmem:s26+$0xFFFFFFD0]  }
0x234: {  	v3 =	vld [tilespmem:s26+$0xFFFFFFE0]  }
0x235: {  	v4 =	vld [tilespmem:s26+$0xFFFFFFF0]  }
0x236: {  	v5 =	vld [tilespmem:s26+$0x0]  }
0x237: {  	v6 =	vld [tilespmem:s26+$0x10]  }
0x238: {  	v7 =	vld [tilespmem:s26+$0x20]  }
0x239: {  	v1 =	vshrl.u32 v1, $0x5  }
0x23a: {  	v2 =	vshrl.u32 v2, $0x5;
	v3 =	vshrl.u32 v3, $0x5;
	v4 =	vshrl.u32 v4, $0x5  }
0x23b: {  	v5 =	vshrl.u32 v5, $0x5;
	v1 =	vcvt.s32.f32 v1;
	v2 =	vcvt.s32.f32 v2  }
0x23c: {  	v6 =	vshrl.u32 v6, $0x5;
	v3 =	vcvt.s32.f32 v3;
	v4 =	vcvt.s32.f32 v4  }
0x23d: {  	v8 =	vld [tilespmem:s26+$0xFFFFFFC0];
	v7 =	vshrl.u32 v7, $0x5;
	v5 =	vcvt.s32.f32 v5;
	v6 =	vcvt.s32.f32 v6  }
0x23e: {  	v7 =	vcvt.s32.f32 v7;
	v1 =	vmul.f32 $3.333333430e-01, v1  }
0x23f: {  	v2 =	vmul.f32 $3.333333430e-01, v2;
	v3 =	vmul.f32 $3.333333430e-01, v3  }
0x240: {  	v4 =	vmul.f32 $3.333333430e-01, v4;
	v1 =	vtrunc.f32 v1  }
0x241: {  	v5 =	vmul.f32 $3.333333430e-01, v5;
	v9 =	vcvt.f32.s32 v1  }
0x242: {  	s10 =	simm.s32 $0x1EF40;
	v6 =	vmul.f32 $3.333333430e-01, v6;
	v7 =	vmul.f32 $3.333333430e-01, v7;
	v1 =	vshrl.u32 v8, $0x5  }
0x243: {  	v12 =	vtrunc.f32 v2;
	v2 =	vld [tilespmem:s10+$0xFFFFFFD0];
	v1 =	vcvt.s32.f32 v1;
	vm0 =	vlt.s32 v9, $0x12000  }
0x244: {  	v13 =	vtrunc.f32 v3;
	v14 =	vtrunc.f32 v4;
	v8 =	vld [tilespmem:s10+$0x30]  }
0x245: {  	v3 =	vld [tilespmem:s10+$0xFFFFFFE0];
	v15 =	vtrunc.f32 v5;
	v10 =	vmul.f32 $3.333333430e-01, v1  }
0x246: {  	v16 =	vtrunc.f32 v6;
	v4 =	vld [tilespmem:s10+$0xFFFFFFF0];
	v17 =	vtrunc.f32 v7  }
0x247: {  	s11 =	simm.s32 $0x15F70;
	v5 =	vld [tilespmem:s10+$0x0];
	v12 =	vcvt.f32.s32 v12;
	v10 =	vtrunc.f32 v10  }
0x248: {  	v6 =	vld [tilespmem:s10+$0x10];
	v7 =	vcvt.f32.s32 v15;
	[tilespmem:s11+$0x0] =	vst v9;
	v11 =	vcvt.f32.s32 v10  }
0x249: {  	vm3 =	vlt.s32 v12, $0x12000;
	v10 =	vcvt.f32.s32 v14;
	[tilespmem:v9+s2+$0x0] =	vst.idx.add.f32.msk vm0, v8;
	v8 =	vcvt.f32.s32 v13  }
0x24a: {  	[tilespmem:s11+$0xFFFFFFA0] =	vst v12;
	vm2 =	vlt.s32 v7, $0x12000;
	v14 =	vcvt.f32.s32 v17;
	v9 =	vcvt.f32.s32 v16;
	v13 =	vld [tilespmem:s10+$0x20]  }
0x24b: {  	s29 =	simm.s32 $0x1E600;
	s12 =	simm.s32 $0x0;
	s13 =	simm.s32 $0x1CBC0;
	v1 =	vld [tilespmem:s10+$0xFFFFFFC0];
	vm1 =	vlt.s32 v11, $0x12000;
	[tilespmem:s11+$0xFFFFFF90] =	vst v11;
	vm4 =	vlt.s32 v10, $0x12000;
	vm5 =	vlt.s32 v8, $0x12000  }
.LBB2_19:
0x24c: {  	v15 =	vld [tilespmem:s13+$0x30];
	s12 =	sadd.s32 $0x8, s12;
	[tilespmem:s11+$0xFFFFFFB0] =	vst v8;
	vm6 =	vlt.s32 v9, $0x12000;
	vm0 =	vlt.s32 v14, $0x12000;
	v16 =	vmov v14  }
0x24d: {  	v14 =	vld [tilespmem:s13+$0xFFFFFFD0];
	p0 =	slt.u32 s12, $0x88;
	[tilespmem:s11+$0xFFFFFFC0] =	vst v10  }
0x24e: {  	v17 =	vld [tilespmem:s13+$0xFFFFFFE0];
	[tilespmem:s11+$0xFFFFFFD0] =	vst v7  }
0x24f: {  	v18 =	vld [tilespmem:s13+$0xFFFFFFF0];
	[tilespmem:s11+$0xFFFFFFE0] =	vst v9;
	v19 =	vmov v13  }
0x250: {  	v13 =	vld [tilespmem:s13+$0x0];
	[tilespmem:s11+$0xFFFFFFF0] =	vst v16  }
0x251: {  	v20 =	vld [tilespmem:s13+$0x10];
	v15 =	vshrl.u32 v15, $0x5  }
0x252: {  	v14 =	vshrl.u32 v14, $0x5;
	v21 =	vld [tilespmem:s13+$0x20];
	v15 =	vcvt.s32.f32 v15  }
0x253: {  	v22 =	vld [tilespmem:s13+$0xFFFFFFC0];
	v14 =	vcvt.s32.f32 v14;
	v17 =	vshrl.u32 v17, $0x5  }
0x254: {  	v17 =	vcvt.s32.f32 v17;
	v18 =	vshrl.u32 v18, $0x5;
	v15 =	vmul.f32 $3.333333430e-01, v15;
	[tilespmem:v11+s2+$0x0] =	vst.idx.add.f32.msk vm1, v1  }
0x255: {  	v11 =	vmul.f32 $3.333333430e-01, v14;
	v1 =	vcvt.s32.f32 v18;
	v13 =	vshrl.u32 v13, $0x5;
	[tilespmem:v12+s2+$0x0] =	vst.idx.add.f32.msk vm3, v2  }
0x256: {  	v2 =	vcvt.s32.f32 v13;
	v12 =	vshrl.u32 v20, $0x5;
	v13 =	vtrunc.f32 v15;
	[tilespmem:v8+s2+$0x0] =	vst.idx.add.f32.msk vm5, v3  }
0x257: {  	v3 =	vcvt.s32.f32 v12;
	v8 =	vshrl.u32 v21, $0x5;
	v12 =	vcvt.f32.s32 v13;
	[tilespmem:v10+s2+$0x0] =	vst.idx.add.f32.msk vm4, v4  }
0x258: {  	v10 =	vmul.f32 $3.333333430e-01, v17;
	v4 =	vshrl.u32 v22, $0x5;
	v8 =	vcvt.s32.f32 v8;
	[tilespmem:v7+s2+$0x0] =	vst.idx.add.f32.msk vm2, v5  }
0x259: {  	s10 =	sadd.s32 $0x80, s10;
	v5 =	vmul.f32 $3.333333430e-01, v1;
	v4 =	vcvt.s32.f32 v4;
	vm1 =	vlt.s32 v12, $0x12000;
	[tilespmem:v9+s2+$0x0] =	vst.idx.add.f32.msk vm6, v6  }
0x25a: {  	v6 =	vmul.f32 $3.333333430e-01, v2;
	v7 =	vmul.f32 $3.333333430e-01, v3;
	v9 =	vld [tilespmem:s10+$0x30]  }
0x25b: {  	v8 =	vmul.f32 $3.333333430e-01, v8;
	v1 =	vld [tilespmem:s10+$0xFFFFFFC0];
	v3 =	vmul.f32 $3.333333430e-01, v4  }
0x25c: {  	v13 =	vtrunc.f32 v11;
	v10 =	vtrunc.f32 v10;
	v2 =	vld [tilespmem:s10+$0xFFFFFFD0]  }
0x25d: {  	s11 =	sadd.s32 $0x80, s11;
	v14 =	vtrunc.f32 v5;
	v11 =	vtrunc.f32 v3;
	v3 =	vld [tilespmem:s10+$0xFFFFFFE0]  }
0x25e: {  	v6 =	vtrunc.f32 v6;
	v15 =	vtrunc.f32 v7;
	v4 =	vld [tilespmem:s10+$0xFFFFFFF0];
	[tilespmem:s11+$0x0] =	vst v12  }
.Ltmp8:
0x25f: {  	v17 =	vtrunc.f32 v8;
	v11 =	vcvt.f32.s32 v11;
	[tilespmem:v12+s2+$0x0] =	vst.idx.add.f32.msk vm1, v9;
	(pc) =	sbr.rel @p0 .LBB2_19-.Ltmp8, $4  }
0x260: {  	v8 =	vcvt.f32.s32 v10;
	v12 =	vcvt.f32.s32 v13;
	v5 =	vld [tilespmem:s10+$0x0]  }
0x261: {  	v10 =	vcvt.f32.s32 v14;
	v7 =	vcvt.f32.s32 v6;
	vm1 =	vlt.s32 v11, $0x12000;
	[tilespmem:s11+$0xFFFFFF90] =	vst v11;
	v6 =	vld [tilespmem:s10+$0x10]  }
0x262: {  	v14 =	vcvt.f32.s32 v17;
	v9 =	vcvt.f32.s32 v15;
	vm3 =	vlt.s32 v12, $0x12000;
	[tilespmem:s11+$0xFFFFFFA0] =	vst v12;
	v13 =	vld [tilespmem:s10+$0x20]  }
0x263: {  	s13 =	sadd.s32 $0x80, s13;
	vm5 =	vlt.s32 v8, $0x12000;
	vm4 =	vlt.s32 v10, $0x12000;
	vm2 =	vlt.s32 v7, $0x12000;
	[tilespmem:v16+s2+$0x0] =	vst.idx.add.f32.msk vm0, v19  }
0x264: {  	[tilespmem:s11+$0xFFFFFFB0] =	vst v8  }
0x265: {  	[tilespmem:s11+$0xFFFFFFC0] =	vst v10  }
0x266: {  	[tilespmem:s11+$0xFFFFFFD0] =	vst v7  }
0x267: {  	[tilespmem:s11+$0xFFFFFFE0] =	vst v9  }
0x268: {  	vm0 =	vlt.s32 v9, $0x12000;
	[tilespmem:s11+$0xFFFFFFF0] =	vst v14  }
0x269: {  	vm6 =	vlt.s32 v14, $0x12000;
	[tilespmem:v11+s2+$0x0] =	vst.idx.add.f32.msk vm1, v1  }
0x26a: {  	[tilespmem:v12+s2+$0x0] =	vst.idx.add.f32.msk vm3, v2  }
0x26b: {  	[tilespmem:v8+s2+$0x0] =	vst.idx.add.f32.msk vm5, v3  }
0x26c: {  	[tilespmem:v10+s2+$0x0] =	vst.idx.add.f32.msk vm4, v4  }
0x26d: {  	s10 =	sadd.s32 $0x31800, s15;
	[tilespmem:v7+s2+$0x0] =	vst.idx.add.f32.msk vm2, v5  }
0x26e: {  	s10 =	sshrl.u32 s10, $0x3;
	[tilespmem:v9+s2+$0x0] =	vst.idx.add.f32.msk vm0, v6  }
0x26f: {  	s11 =	sadd.s32 s4, s10;
	[tilespmem:v14+s2+$0x0] =	vst.idx.add.f32.msk vm6, v13  }
0x270: {  	[tilespmem:s31], [sflag:$0x4] =	stream.strided.gather [hbm4b:s11+s8], $0x900, s9, s8, $0x38;
	[tilespmem:$0x1F800] =	vst v63  }
0x271: {  	s10 =	sadd.s32 s1, s10;
	s31 =	simm.s32 $0x1CB00  }
0x272: {  	[tilespmem:s31], [sflag:$0x4] =	stream.strided.gather [hbm4b:s10+s8], $0x900, s9, s8, $0x38;
	[tilespmem:$0x1F800] =	vst v63  }
0x273: {  	_ =	swait.ge [sflag:s18], $0x900  }
0x274: {  	[sflag:s18] =	ssyncset.done $0x0  }
0x275: {  	[sflag:s18] =	ssyncadd.s32 $0xFFFFF700  }
0x276: {  	_ =	swait.ge [sflag:s18], $0x900  }
0x277: {  	[sflag:s18] =	ssyncset.done $0x0  }
0x278: {  	s10 =	simm.s32 $0x0;
	[sflag:s18] =	ssyncadd.s32 $0xFFFFF700  }
0x279: {  	v1 =	vld [tilespmem:s10+$0x1B060];
	_ =	sdelay $0x1  }
0x27a: {  	v2 =	vld [tilespmem:s10+$0x1B040];
	_ =	sdelay $0x2  }
0x27b: {  	v3 =	vld [tilespmem:s10+$0x1B050];
	v1 =	vshrl.u32 v1, $0x5  }
0x27c: {  	v5 =	vld [tilespmem:s10+$0x1B000];
	v1 =	vcvt.s32.f32 v1  }
0x27d: {  	v4 =	vld [tilespmem:s10+$0x1B070];
	v2 =	vshrl.u32 v2, $0x5  }
0x27e: {  	v6 =	vld [tilespmem:s10+$0x1B030];
	v2 =	vcvt.s32.f32 v2;
	v7 =	vmul.f32 $3.333333430e-01, v1;
	_ =	sdelay $0x1  }
0x27f: {  	v12 =	vld [tilespmem:s10+$0x1B020];
	v8 =	vmul.f32 $3.333333430e-01, v2;
	v2 =	vshrl.u32 v3, $0x5;
	v3 =	vtrunc.f32 v7  }
0x280: {  	v5 =	vshrl.u32 v5, $0x5;
	v9 =	vcvt.s32.f32 v2;
	v7 =	vld [tilespmem:s10+$0x1B010];
	v13 =	vcvt.f32.s32 v3  }
0x281: {  	v14 =	vld [tilespmem:s10+$0x1D460];
	v8 =	vtrunc.f32 v8;
	v3 =	vshrl.u32 v4, $0x5;
	v4 =	vcvt.s32.f32 v5  }
0x282: {  	v1 =	vld [tilespmem:s10+$0x1D440];
	v5 =	vshrl.u32 v6, $0x5;
	v9 =	vmul.f32 $3.333333430e-01, v9;
	vm1 =	vlt.s32 v13, $0x12000  }
0x283: {  	v2 =	vld [tilespmem:s10+$0x1D420];
	v6 =	vcvt.s32.f32 v3;
	v5 =	vcvt.s32.f32 v5  }
0x284: {  	v3 =	vld [tilespmem:s10+$0x1D410];
	v11 =	vmul.f32 $3.333333430e-01, v4;
	v9 =	vtrunc.f32 v9  }
0x285: {  	v4 =	vld [tilespmem:s10+$0x1D450];
	v15 =	vmul.f32 $3.333333430e-01, v5;
	v10 =	vshrl.u32 v7, $0x5;
	v7 =	vcvt.f32.s32 v8  }
0x286: {  	[tilespmem:s10+$0x16860] =	vst v13;
	v5 =	vld [tilespmem:s10+$0x1D470];
	v16 =	vmul.f32 $3.333333430e-01, v6;
	v8 =	vtrunc.f32 v11  }
0x287: {  	v12 =	vshrl.u32 v12, $0x5;
	v6 =	vld [tilespmem:s10+$0x1D430];
	v10 =	vcvt.s32.f32 v10;
	v11 =	vtrunc.f32 v15;
	[tilespmem:s10+$0x16840] =	vst v7  }
0x288: {  	s26 =	simm.s32 $0x1DD00;
	s12 =	simm.s32 $0x0;
	s13 =	simm.s32 $0x200;
	v8 =	vcvt.f32.s32 v8;
	vm0 =	vlt.s32 v7, $0x12000;
	[tilespmem:v13+s2+$0x0] =	vst.idx.add.f32.msk vm1, v14;
	v13 =	vtrunc.f32 v16  }
.LBB2_21:
0x289: {  	s14 =	sshra.s32 s13, $0x2;
	s12 =	sadd.s32 $0x8, s12;
	v14 =	vld [tilespmem:s10+$0x1D400];
	v9 =	vcvt.f32.s32 v9;
	v13 =	vcvt.f32.s32 v13  }
0x28a: {  	v12 =	vcvt.s32.f32 v12;
	v11 =	vcvt.f32.s32 v11;
	v15 =	vld [tilespmem:s14+$0x1B040];
	p0 =	slt.u32 s12, $0x88;
	[tilespmem:s10+$0x16800] =	vst v8  }
0x28b: {  	v10 =	vmul.f32 $3.333333430e-01, v10;
	vm2 =	vlt.s32 v8, $0x12000;
	v16 =	vld [tilespmem:s14+$0x1B060];
	[tilespmem:s10+$0x16870] =	vst v13;
	vm1 =	vlt.s32 v13, $0x12000  }
0x28c: {  	v12 =	vmul.f32 $3.333333430e-01, v12;
	vm3 =	vlt.s32 v11, $0x12000;
	v17 =	vld [tilespmem:s14+$0x1B050];
	[tilespmem:s10+$0x16830] =	vst v11  }
0x28d: {  	v10 =	vtrunc.f32 v10;
	v18 =	vld [tilespmem:s14+$0x1B070];
	[tilespmem:s10+$0x16850] =	vst v9  }
0x28e: {  	v10 =	vcvt.f32.s32 v10;
	v12 =	vtrunc.f32 v12;
	[tilespmem:v7+s2+$0x0] =	vst.idx.add.f32.msk vm0, v1  }
0x28f: {  	v7 =	vcvt.f32.s32 v12;
	vm0 =	vlt.s32 v9, $0x12000;
	v1 =	vld [tilespmem:s14+$0x1D440]  }
0x290: {  	vm4 =	vlt.s32 v10, $0x12000;
	v12 =	vld [tilespmem:s14+$0x1B030];
	[tilespmem:s10+$0x16810] =	vst v10  }
0x291: {  	v16 =	vshrl.u32 v16, $0x5;
	[tilespmem:v8+s2+$0x0] =	vst.idx.add.f32.msk vm2, v14;
	vm2 =	vlt.s32 v7, $0x12000  }
0x292: {  	v14 =	vcvt.s32.f32 v16;
	v8 =	vld [tilespmem:s14+$0x1B000];
	[tilespmem:s10+$0x16820] =	vst v7;
	s10 =	smov.u32 s14  }
0x293: {  	v15 =	vshrl.u32 v15, $0x5;
	[tilespmem:v11+s2+$0x0] =	vst.idx.add.f32.msk vm3, v6  }
0x294: {  	v6 =	vcvt.s32.f32 v15;
	[tilespmem:v13+s2+$0x0] =	vst.idx.add.f32.msk vm1, v5  }
0x295: {  	v5 =	vmul.f32 $3.333333430e-01, v14;
	[tilespmem:v9+s2+$0x0] =	vst.idx.add.f32.msk vm0, v4  }
0x296: {  	v4 =	vmul.f32 $3.333333430e-01, v6;
	v6 =	vshrl.u32 v17, $0x5;
	[tilespmem:v10+s2+$0x0] =	vst.idx.add.f32.msk vm4, v3  }
0x297: {  	v3 =	vtrunc.f32 v5;
	v5 =	vshrl.u32 v18, $0x5;
	[tilespmem:v7+s2+$0x0] =	vst.idx.add.f32.msk vm2, v2  }
0x298: {  	v6 =	vcvt.s32.f32 v6;
	v2 =	vshrl.u32 v8, $0x5;
	v13 =	vcvt.f32.s32 v3;
	v7 =	vld [tilespmem:s10+$0x1B010]  }
0x299: {  	v8 =	vshrl.u32 v12, $0x5;
	v11 =	vcvt.s32.f32 v5;
	v3 =	vcvt.s32.f32 v2;
	v2 =	vld [tilespmem:s10+$0x1D420]  }
0x29a: {  	v5 =	vmul.f32 $3.333333430e-01, v6;
	vm1 =	vlt.s32 v13, $0x12000;
	v12 =	vld [tilespmem:s10+$0x1B020];
	[tilespmem:s10+$0x16860] =	vst v13  }
0x29b: {  	v4 =	vtrunc.f32 v4;
	v6 =	vcvt.s32.f32 v8;
	v14 =	vld [tilespmem:s10+$0x1D460]  }
.Ltmp9:
0x29c: {  	v8 =	vmul.f32 $3.333333430e-01, v3;
	v9 =	vtrunc.f32 v5;
	v3 =	vld [tilespmem:s10+$0x1D410];
	(pc) =	sbr.rel @p0 .LBB2_21-.Ltmp9, $4  }
0x29d: {  	v15 =	vmul.f32 $3.333333430e-01, v6;
	v5 =	vshrl.u32 v7, $0x5;
	v7 =	vcvt.f32.s32 v4;
	v4 =	vld [tilespmem:s10+$0x1D450]  }
0x29e: {  	v16 =	vmul.f32 $3.333333430e-01, v11;
	v10 =	vcvt.s32.f32 v5;
	v5 =	vld [tilespmem:s10+$0x1D470]  }
0x29f: {  	v8 =	vtrunc.f32 v8;
	v11 =	vtrunc.f32 v15;
	v6 =	vld [tilespmem:s10+$0x1D430];
	[tilespmem:s10+$0x16840] =	vst v7;
	vm0 =	vlt.s32 v7, $0x12000  }
0x2a0: {  	s13 =	sadd.s32 $0x200, s13;
	v8 =	vcvt.f32.s32 v8;
	v12 =	vshrl.u32 v12, $0x5;
	[tilespmem:v13+s2+$0x0] =	vst.idx.add.f32.msk vm1, v14;
	v13 =	vtrunc.f32 v16  }
0x2a1: {  	_ =	sdelay $0x3  }
0x2a2: {  	v13 =	vcvt.f32.s32 v13;
	v12 =	vcvt.s32.f32 v12  }
0x2a3: {  	v11 =	vcvt.f32.s32 v11;
	v10 =	vmul.f32 $3.333333430e-01, v10;
	[tilespmem:v7+s2+$0x0] =	vst.idx.add.f32.msk vm0, v1;
	vm1 =	vlt.s32 v8, $0x12000  }
0x2a4: {  	v14 =	vld [tilespmem:s10+$0x1D400];
	[tilespmem:s10+$0x16800] =	vst v8;
	v12 =	vmul.f32 $3.333333430e-01, v12  }
0x2a5: {  	v9 =	vcvt.f32.s32 v9;
	[tilespmem:s10+$0x16870] =	vst v13;
	vm2 =	vlt.s32 v11, $0x12000;
	v10 =	vtrunc.f32 v10  }
0x2a6: {  	[tilespmem:s10+$0x16830] =	vst v11;
	vm3 =	vlt.s32 v13, $0x12000;
	v10 =	vcvt.f32.s32 v10;
	v12 =	vtrunc.f32 v12  }
0x2a7: {  	[tilespmem:s10+$0x16850] =	vst v9;
	vm0 =	vlt.s32 v9, $0x12000;
	v1 =	vcvt.f32.s32 v12  }
0x2a8: {  	[tilespmem:s10+$0x16810] =	vst v10;
	vm4 =	vlt.s32 v10, $0x12000  }
0x2a9: {  	[tilespmem:v8+s2+$0x0] =	vst.idx.add.f32.msk vm1, v14;
	vm1 =	vlt.s32 v1, $0x12000  }
0x2aa: {  	[tilespmem:s10+$0x16820] =	vst v1  }
0x2ab: {  	[tilespmem:v11+s2+$0x0] =	vst.idx.add.f32.msk vm2, v6  }
0x2ac: {  	[tilespmem:v13+s2+$0x0] =	vst.idx.add.f32.msk vm3, v5  }
0x2ad: {  	s14 =	sadd.s32 $0x36000, s15;
	[tilespmem:v9+s2+$0x0] =	vst.idx.add.f32.msk vm0, v4  }
0x2ae: {  	s10 =	sshrl.u32 s14, $0x3;
	[tilespmem:v10+s2+$0x0] =	vst.idx.add.f32.msk vm4, v3  }
0x2af: {  	s13 =	sadd.s32 s4, s10;
	[tilespmem:v1+s2+$0x0] =	vst.idx.add.f32.msk vm1, v2  }
0x2b0: {  	[tilespmem:s16], [sflag:$0x1] =	stream.strided.gather [hbm4b:s13+s8], $0x900, s9, s8, $0x38;
	[tilespmem:$0x1F800] =	vst v63  }
0x2b1: {  	s10 =	sadd.s32 s1, s10  }
0x2b2: {  	[tilespmem:s17], [sflag:$0x1] =	stream.strided.gather [hbm4b:s10+s8], $0x900, s9, s8, $0x38;
	[tilespmem:$0x1F800] =	vst v63  }
0x2b3: {  	_ =	swait.ge [sflag:s19], $0x900  }
0x2b4: {  	[sflag:s19] =	ssyncset.done $0x0  }
0x2b5: {  	[sflag:s19] =	ssyncadd.s32 $0xFFFFF700  }
0x2b6: {  	_ =	swait.ge [sflag:s19], $0x900  }
0x2b7: {  	[sflag:s19] =	ssyncset.done $0x0  }
0x2b8: {  	s10 =	simm.s32 $0x0;
	[sflag:s19] =	ssyncadd.s32 $0xFFFFF700  }
0x2b9: {  	v1 =	vld [tilespmem:s10+$0x1B960];
	_ =	sdelay $0x1  }
0x2ba: {  	v2 =	vld [tilespmem:s10+$0x1B940];
	_ =	sdelay $0x2  }
0x2bb: {  	v3 =	vld [tilespmem:s10+$0x1B950];
	v1 =	vshrl.u32 v1, $0x5  }
0x2bc: {  	v5 =	vld [tilespmem:s10+$0x1B900];
	v1 =	vcvt.s32.f32 v1  }
0x2bd: {  	v4 =	vld [tilespmem:s10+$0x1B970];
	v2 =	vshrl.u32 v2, $0x5  }
0x2be: {  	v6 =	vld [tilespmem:s10+$0x1B930];
	v2 =	vcvt.s32.f32 v2;
	v7 =	vmul.f32 $3.333333430e-01, v1;
	_ =	sdelay $0x1  }
0x2bf: {  	v12 =	vld [tilespmem:s10+$0x1B920];
	v8 =	vmul.f32 $3.333333430e-01, v2;
	v2 =	vshrl.u32 v3, $0x5;
	v3 =	vtrunc.f32 v7  }
0x2c0: {  	v5 =	vshrl.u32 v5, $0x5;
	v9 =	vcvt.s32.f32 v2;
	v7 =	vld [tilespmem:s10+$0x1B910];
	v13 =	vcvt.f32.s32 v3  }
0x2c1: {  	v14 =	vld [tilespmem:s10+$0x1DD60];
	v8 =	vtrunc.f32 v8;
	v3 =	vshrl.u32 v4, $0x5;
	v4 =	vcvt.s32.f32 v5  }
0x2c2: {  	v1 =	vld [tilespmem:s10+$0x1DD40];
	v5 =	vshrl.u32 v6, $0x5;
	v9 =	vmul.f32 $3.333333430e-01, v9;
	vm1 =	vlt.s32 v13, $0x12000  }
0x2c3: {  	v2 =	vld [tilespmem:s10+$0x1DD20];
	v6 =	vcvt.s32.f32 v3;
	v5 =	vcvt.s32.f32 v5  }
0x2c4: {  	v3 =	vld [tilespmem:s10+$0x1DD10];
	v11 =	vmul.f32 $3.333333430e-01, v4;
	v9 =	vtrunc.f32 v9  }
0x2c5: {  	v4 =	vld [tilespmem:s10+$0x1DD50];
	v15 =	vmul.f32 $3.333333430e-01, v5;
	v10 =	vshrl.u32 v7, $0x5;
	v7 =	vcvt.f32.s32 v8  }
0x2c6: {  	[tilespmem:s10+$0x17160] =	vst v13;
	v5 =	vld [tilespmem:s10+$0x1DD70];
	v16 =	vmul.f32 $3.333333430e-01, v6;
	v8 =	vtrunc.f32 v11  }
0x2c7: {  	v12 =	vshrl.u32 v12, $0x5;
	v6 =	vld [tilespmem:s10+$0x1DD30];
	v10 =	vcvt.s32.f32 v10;
	v11 =	vtrunc.f32 v15;
	[tilespmem:s10+$0x17140] =	vst v7  }
0x2c8: {  	s12 =	simm.s32 $0x0;
	s14 =	simm.s32 $0x200;
	v8 =	vcvt.f32.s32 v8;
	vm0 =	vlt.s32 v7, $0x12000;
	[tilespmem:v13+s2+$0x0] =	vst.idx.add.f32.msk vm1, v14;
	v13 =	vtrunc.f32 v16  }
.LBB2_23:
0x2c9: {  	s16 =	sshra.s32 s14, $0x2;
	s12 =	sadd.s32 $0x8, s12;
	v14 =	vld [tilespmem:s10+$0x1DD00];
	v9 =	vcvt.f32.s32 v9;
	v13 =	vcvt.f32.s32 v13  }
0x2ca: {  	v12 =	vcvt.s32.f32 v12;
	v11 =	vcvt.f32.s32 v11;
	v15 =	vld [tilespmem:s16+$0x1B940];
	p0 =	slt.u32 s12, $0x88;
	[tilespmem:s10+$0x17100] =	vst v8  }
0x2cb: {  	v10 =	vmul.f32 $3.333333430e-01, v10;
	vm2 =	vlt.s32 v8, $0x12000;
	v16 =	vld [tilespmem:s16+$0x1B960];
	[tilespmem:s10+$0x17170] =	vst v13;
	vm1 =	vlt.s32 v13, $0x12000  }
0x2cc: {  	v12 =	vmul.f32 $3.333333430e-01, v12;
	vm3 =	vlt.s32 v11, $0x12000;
	v17 =	vld [tilespmem:s16+$0x1B950];
	[tilespmem:s10+$0x17130] =	vst v11  }
0x2cd: {  	v10 =	vtrunc.f32 v10;
	v18 =	vld [tilespmem:s16+$0x1B970];
	[tilespmem:s10+$0x17150] =	vst v9  }
0x2ce: {  	v10 =	vcvt.f32.s32 v10;
	v12 =	vtrunc.f32 v12;
	[tilespmem:v7+s2+$0x0] =	vst.idx.add.f32.msk vm0, v1  }
0x2cf: {  	v7 =	vcvt.f32.s32 v12;
	vm0 =	vlt.s32 v9, $0x12000;
	v1 =	vld [tilespmem:s16+$0x1DD40]  }
0x2d0: {  	vm4 =	vlt.s32 v10, $0x12000;
	v12 =	vld [tilespmem:s16+$0x1B930];
	[tilespmem:s10+$0x17110] =	vst v10  }
0x2d1: {  	v16 =	vshrl.u32 v16, $0x5;
	[tilespmem:v8+s2+$0x0] =	vst.idx.add.f32.msk vm2, v14;
	vm2 =	vlt.s32 v7, $0x12000  }
0x2d2: {  	v14 =	vcvt.s32.f32 v16;
	v8 =	vld [tilespmem:s16+$0x1B900];
	[tilespmem:s10+$0x17120] =	vst v7;
	s10 =	smov.u32 s16  }
0x2d3: {  	v15 =	vshrl.u32 v15, $0x5;
	[tilespmem:v11+s2+$0x0] =	vst.idx.add.f32.msk vm3, v6  }
0x2d4: {  	v6 =	vcvt.s32.f32 v15;
	[tilespmem:v13+s2+$0x0] =	vst.idx.add.f32.msk vm1, v5  }
0x2d5: {  	v5 =	vmul.f32 $3.333333430e-01, v14;
	[tilespmem:v9+s2+$0x0] =	vst.idx.add.f32.msk vm0, v4  }
0x2d6: {  	v4 =	vmul.f32 $3.333333430e-01, v6;
	v6 =	vshrl.u32 v17, $0x5;
	[tilespmem:v10+s2+$0x0] =	vst.idx.add.f32.msk vm4, v3  }
0x2d7: {  	v3 =	vtrunc.f32 v5;
	v5 =	vshrl.u32 v18, $0x5;
	[tilespmem:v7+s2+$0x0] =	vst.idx.add.f32.msk vm2, v2  }
0x2d8: {  	v6 =	vcvt.s32.f32 v6;
	v2 =	vshrl.u32 v8, $0x5;
	v13 =	vcvt.f32.s32 v3;
	v7 =	vld [tilespmem:s10+$0x1B910]  }
0x2d9: {  	v8 =	vshrl.u32 v12, $0x5;
	v11 =	vcvt.s32.f32 v5;
	v3 =	vcvt.s32.f32 v2;
	v2 =	vld [tilespmem:s10+$0x1DD20]  }
0x2da: {  	v5 =	vmul.f32 $3.333333430e-01, v6;
	vm1 =	vlt.s32 v13, $0x12000;
	v12 =	vld [tilespmem:s10+$0x1B920];
	[tilespmem:s10+$0x17160] =	vst v13  }
0x2db: {  	v4 =	vtrunc.f32 v4;
	v6 =	vcvt.s32.f32 v8;
	v14 =	vld [tilespmem:s10+$0x1DD60]  }
.Ltmp10:
0x2dc: {  	v8 =	vmul.f32 $3.333333430e-01, v3;
	v9 =	vtrunc.f32 v5;
	v3 =	vld [tilespmem:s10+$0x1DD10];
	(pc) =	sbr.rel @p0 .LBB2_23-.Ltmp10, $4  }
0x2dd: {  	v15 =	vmul.f32 $3.333333430e-01, v6;
	v5 =	vshrl.u32 v7, $0x5;
	v7 =	vcvt.f32.s32 v4;
	v4 =	vld [tilespmem:s10+$0x1DD50]  }
0x2de: {  	v16 =	vmul.f32 $3.333333430e-01, v11;
	v10 =	vcvt.s32.f32 v5;
	v5 =	vld [tilespmem:s10+$0x1DD70]  }
0x2df: {  	v8 =	vtrunc.f32 v8;
	v11 =	vtrunc.f32 v15;
	v6 =	vld [tilespmem:s10+$0x1DD30];
	[tilespmem:s10+$0x17140] =	vst v7;
	vm0 =	vlt.s32 v7, $0x12000  }
0x2e0: {  	s14 =	sadd.s32 $0x200, s14;
	v8 =	vcvt.f32.s32 v8;
	v12 =	vshrl.u32 v12, $0x5;
	[tilespmem:v13+s2+$0x0] =	vst.idx.add.f32.msk vm1, v14;
	v13 =	vtrunc.f32 v16  }
0x2e1: {  	_ =	sdelay $0x3  }
0x2e2: {  	v13 =	vcvt.f32.s32 v13;
	v12 =	vcvt.s32.f32 v12  }
0x2e3: {  	v11 =	vcvt.f32.s32 v11;
	v10 =	vmul.f32 $3.333333430e-01, v10;
	[tilespmem:v7+s2+$0x0] =	vst.idx.add.f32.msk vm0, v1;
	vm1 =	vlt.s32 v8, $0x12000  }
0x2e4: {  	v14 =	vld [tilespmem:s10+$0x1DD00];
	[tilespmem:s10+$0x17100] =	vst v8;
	v12 =	vmul.f32 $3.333333430e-01, v12  }
0x2e5: {  	v9 =	vcvt.f32.s32 v9;
	[tilespmem:s10+$0x17170] =	vst v13;
	vm2 =	vlt.s32 v11, $0x12000;
	v10 =	vtrunc.f32 v10  }
0x2e6: {  	[tilespmem:s10+$0x17130] =	vst v11;
	vm3 =	vlt.s32 v13, $0x12000;
	v10 =	vcvt.f32.s32 v10;
	v12 =	vtrunc.f32 v12  }
0x2e7: {  	[tilespmem:s10+$0x17150] =	vst v9;
	vm0 =	vlt.s32 v9, $0x12000;
	v1 =	vcvt.f32.s32 v12  }
0x2e8: {  	[tilespmem:s10+$0x17110] =	vst v10;
	vm4 =	vlt.s32 v10, $0x12000  }
0x2e9: {  	[tilespmem:v8+s2+$0x0] =	vst.idx.add.f32.msk vm1, v14;
	vm1 =	vlt.s32 v1, $0x12000  }
0x2ea: {  	[tilespmem:s10+$0x17120] =	vst v1  }
0x2eb: {  	[tilespmem:v11+s2+$0x0] =	vst.idx.add.f32.msk vm2, v6  }
0x2ec: {  	[tilespmem:v13+s2+$0x0] =	vst.idx.add.f32.msk vm3, v5  }
0x2ed: {  	s17 =	sadd.s32 $0x3A800, s15;
	[tilespmem:v9+s2+$0x0] =	vst.idx.add.f32.msk vm0, v4  }
0x2ee: {  	s10 =	sshrl.u32 s17, $0x3;
	[tilespmem:v10+s2+$0x0] =	vst.idx.add.f32.msk vm4, v3  }
0x2ef: {  	s17 =	sadd.s32 s4, s10;
	[tilespmem:v1+s2+$0x0] =	vst.idx.add.f32.msk vm1, v2  }
0x2f0: {  	[tilespmem:s26], [sflag:$0x2] =	stream.strided.gather [hbm4b:s17+s8], $0x900, s9, s8, $0x38;
	[tilespmem:$0x1F800] =	vst v63  }
0x2f1: {  	s10 =	sadd.s32 s1, s10  }
0x2f2: {  	[tilespmem:s25], [sflag:$0x2] =	stream.strided.gather [hbm4b:s10+s8], $0x900, s9, s8, $0x38;
	[tilespmem:$0x1F800] =	vst v63  }
0x2f3: {  	_ =	swait.ge [sflag:s20], $0x900  }
0x2f4: {  	[sflag:s20] =	ssyncset.done $0x0  }
0x2f5: {  	[sflag:s20] =	ssyncadd.s32 $0xFFFFF700  }
0x2f6: {  	_ =	swait.ge [sflag:s20], $0x900  }
0x2f7: {  	[sflag:s20] =	ssyncset.done $0x0  }
0x2f8: {  	s10 =	simm.s32 $0x0;
	[sflag:s20] =	ssyncadd.s32 $0xFFFFF700  }
0x2f9: {  	v1 =	vld [tilespmem:s10+$0x1C260];
	_ =	sdelay $0x1  }
0x2fa: {  	v2 =	vld [tilespmem:s10+$0x1C240];
	_ =	sdelay $0x2  }
0x2fb: {  	v3 =	vld [tilespmem:s10+$0x1C250];
	v1 =	vshrl.u32 v1, $0x5  }
0x2fc: {  	v5 =	vld [tilespmem:s10+$0x1C200];
	v1 =	vcvt.s32.f32 v1  }
0x2fd: {  	v4 =	vld [tilespmem:s10+$0x1C270];
	v2 =	vshrl.u32 v2, $0x5  }
0x2fe: {  	v6 =	vld [tilespmem:s10+$0x1C230];
	v2 =	vcvt.s32.f32 v2;
	v7 =	vmul.f32 $3.333333430e-01, v1;
	_ =	sdelay $0x1  }
0x2ff: {  	v12 =	vld [tilespmem:s10+$0x1C220];
	v8 =	vmul.f32 $3.333333430e-01, v2;
	v2 =	vshrl.u32 v3, $0x5;
	v3 =	vtrunc.f32 v7  }
0x300: {  	v5 =	vshrl.u32 v5, $0x5;
	v9 =	vcvt.s32.f32 v2;
	v7 =	vld [tilespmem:s10+$0x1C210];
	v13 =	vcvt.f32.s32 v3  }
0x301: {  	v14 =	vld [tilespmem:s10+$0x1E660];
	v8 =	vtrunc.f32 v8;
	v3 =	vshrl.u32 v4, $0x5;
	v4 =	vcvt.s32.f32 v5  }
0x302: {  	v1 =	vld [tilespmem:s10+$0x1E640];
	v5 =	vshrl.u32 v6, $0x5;
	v9 =	vmul.f32 $3.333333430e-01, v9;
	vm1 =	vlt.s32 v13, $0x12000  }
0x303: {  	v2 =	vld [tilespmem:s10+$0x1E620];
	v6 =	vcvt.s32.f32 v3;
	v5 =	vcvt.s32.f32 v5  }
0x304: {  	v3 =	vld [tilespmem:s10+$0x1E610];
	v11 =	vmul.f32 $3.333333430e-01, v4;
	v9 =	vtrunc.f32 v9  }
0x305: {  	v4 =	vld [tilespmem:s10+$0x1E650];
	v15 =	vmul.f32 $3.333333430e-01, v5;
	v10 =	vshrl.u32 v7, $0x5;
	v7 =	vcvt.f32.s32 v8  }
0x306: {  	[tilespmem:s10+$0x17A60] =	vst v13;
	v5 =	vld [tilespmem:s10+$0x1E670];
	v16 =	vmul.f32 $3.333333430e-01, v6;
	v8 =	vtrunc.f32 v11  }
0x307: {  	v12 =	vshrl.u32 v12, $0x5;
	v6 =	vld [tilespmem:s10+$0x1E630];
	v10 =	vcvt.s32.f32 v10;
	v11 =	vtrunc.f32 v15;
	[tilespmem:s10+$0x17A40] =	vst v7  }
0x308: {  	s12 =	simm.s32 $0x0;
	s14 =	simm.s32 $0x200;
	v8 =	vcvt.f32.s32 v8;
	vm0 =	vlt.s32 v7, $0x12000;
	[tilespmem:v13+s2+$0x0] =	vst.idx.add.f32.msk vm1, v14;
	v13 =	vtrunc.f32 v16  }
.LBB2_25:
0x309: {  	s16 =	sshra.s32 s14, $0x2;
	s12 =	sadd.s32 $0x8, s12;
	v14 =	vld [tilespmem:s10+$0x1E600];
	v9 =	vcvt.f32.s32 v9;
	v13 =	vcvt.f32.s32 v13  }
0x30a: {  	v12 =	vcvt.s32.f32 v12;
	v11 =	vcvt.f32.s32 v11;
	v15 =	vld [tilespmem:s16+$0x1C240];
	p0 =	slt.u32 s12, $0x88;
	[tilespmem:s10+$0x17A00] =	vst v8  }
0x30b: {  	v10 =	vmul.f32 $3.333333430e-01, v10;
	vm2 =	vlt.s32 v8, $0x12000;
	v16 =	vld [tilespmem:s16+$0x1C260];
	[tilespmem:s10+$0x17A70] =	vst v13;
	vm1 =	vlt.s32 v13, $0x12000  }
0x30c: {  	v12 =	vmul.f32 $3.333333430e-01, v12;
	vm3 =	vlt.s32 v11, $0x12000;
	v17 =	vld [tilespmem:s16+$0x1C250];
	[tilespmem:s10+$0x17A30] =	vst v11  }
0x30d: {  	v10 =	vtrunc.f32 v10;
	v18 =	vld [tilespmem:s16+$0x1C270];
	[tilespmem:s10+$0x17A50] =	vst v9  }
0x30e: {  	v10 =	vcvt.f32.s32 v10;
	v12 =	vtrunc.f32 v12;
	[tilespmem:v7+s2+$0x0] =	vst.idx.add.f32.msk vm0, v1  }
0x30f: {  	v7 =	vcvt.f32.s32 v12;
	vm0 =	vlt.s32 v9, $0x12000;
	v1 =	vld [tilespmem:s16+$0x1E640]  }
0x310: {  	vm4 =	vlt.s32 v10, $0x12000;
	v12 =	vld [tilespmem:s16+$0x1C230];
	[tilespmem:s10+$0x17A10] =	vst v10  }
0x311: {  	v16 =	vshrl.u32 v16, $0x5;
	[tilespmem:v8+s2+$0x0] =	vst.idx.add.f32.msk vm2, v14;
	vm2 =	vlt.s32 v7, $0x12000  }
0x312: {  	v14 =	vcvt.s32.f32 v16;
	v8 =	vld [tilespmem:s16+$0x1C200];
	[tilespmem:s10+$0x17A20] =	vst v7;
	s10 =	smov.u32 s16  }
0x313: {  	v15 =	vshrl.u32 v15, $0x5;
	[tilespmem:v11+s2+$0x0] =	vst.idx.add.f32.msk vm3, v6  }
0x314: {  	v6 =	vcvt.s32.f32 v15;
	[tilespmem:v13+s2+$0x0] =	vst.idx.add.f32.msk vm1, v5  }
0x315: {  	v5 =	vmul.f32 $3.333333430e-01, v14;
	[tilespmem:v9+s2+$0x0] =	vst.idx.add.f32.msk vm0, v4  }
0x316: {  	v4 =	vmul.f32 $3.333333430e-01, v6;
	v6 =	vshrl.u32 v17, $0x5;
	[tilespmem:v10+s2+$0x0] =	vst.idx.add.f32.msk vm4, v3  }
0x317: {  	v3 =	vtrunc.f32 v5;
	v5 =	vshrl.u32 v18, $0x5;
	[tilespmem:v7+s2+$0x0] =	vst.idx.add.f32.msk vm2, v2  }
0x318: {  	v6 =	vcvt.s32.f32 v6;
	v2 =	vshrl.u32 v8, $0x5;
	v13 =	vcvt.f32.s32 v3;
	v7 =	vld [tilespmem:s10+$0x1C210]  }
0x319: {  	v8 =	vshrl.u32 v12, $0x5;
	v11 =	vcvt.s32.f32 v5;
	v3 =	vcvt.s32.f32 v2;
	v2 =	vld [tilespmem:s10+$0x1E620]  }
0x31a: {  	v5 =	vmul.f32 $3.333333430e-01, v6;
	vm1 =	vlt.s32 v13, $0x12000;
	v12 =	vld [tilespmem:s10+$0x1C220];
	[tilespmem:s10+$0x17A60] =	vst v13  }
0x31b: {  	v4 =	vtrunc.f32 v4;
	v6 =	vcvt.s32.f32 v8;
	v14 =	vld [tilespmem:s10+$0x1E660]  }
.Ltmp11:
0x31c: {  	v8 =	vmul.f32 $3.333333430e-01, v3;
	v9 =	vtrunc.f32 v5;
	v3 =	vld [tilespmem:s10+$0x1E610];
	(pc) =	sbr.rel @p0 .LBB2_25-.Ltmp11, $4  }
0x31d: {  	v15 =	vmul.f32 $3.333333430e-01, v6;
	v5 =	vshrl.u32 v7, $0x5;
	v7 =	vcvt.f32.s32 v4;
	v4 =	vld [tilespmem:s10+$0x1E650]  }
0x31e: {  	v16 =	vmul.f32 $3.333333430e-01, v11;
	v10 =	vcvt.s32.f32 v5;
	v5 =	vld [tilespmem:s10+$0x1E670]  }
0x31f: {  	v8 =	vtrunc.f32 v8;
	v11 =	vtrunc.f32 v15;
	v6 =	vld [tilespmem:s10+$0x1E630];
	[tilespmem:s10+$0x17A40] =	vst v7;
	vm0 =	vlt.s32 v7, $0x12000  }
0x320: {  	s14 =	sadd.s32 $0x200, s14;
	v8 =	vcvt.f32.s32 v8;
	v12 =	vshrl.u32 v12, $0x5;
	[tilespmem:v13+s2+$0x0] =	vst.idx.add.f32.msk vm1, v14;
	v13 =	vtrunc.f32 v16  }
0x321: {  	_ =	sdelay $0x3  }
0x322: {  	v13 =	vcvt.f32.s32 v13;
	v12 =	vcvt.s32.f32 v12  }
0x323: {  	v11 =	vcvt.f32.s32 v11;
	v10 =	vmul.f32 $3.333333430e-01, v10;
	[tilespmem:v7+s2+$0x0] =	vst.idx.add.f32.msk vm0, v1;
	vm1 =	vlt.s32 v8, $0x12000  }
0x324: {  	v14 =	vld [tilespmem:s10+$0x1E600];
	[tilespmem:s10+$0x17A00] =	vst v8;
	v12 =	vmul.f32 $3.333333430e-01, v12  }
0x325: {  	v9 =	vcvt.f32.s32 v9;
	[tilespmem:s10+$0x17A70] =	vst v13;
	vm2 =	vlt.s32 v11, $0x12000;
	v10 =	vtrunc.f32 v10  }
0x326: {  	[tilespmem:s10+$0x17A30] =	vst v11;
	vm3 =	vlt.s32 v13, $0x12000;
	v10 =	vcvt.f32.s32 v10;
	v12 =	vtrunc.f32 v12  }
0x327: {  	[tilespmem:s10+$0x17A50] =	vst v9;
	vm0 =	vlt.s32 v9, $0x12000;
	v1 =	vcvt.f32.s32 v12  }
0x328: {  	[tilespmem:s10+$0x17A10] =	vst v10;
	vm4 =	vlt.s32 v10, $0x12000  }
0x329: {  	[tilespmem:v8+s2+$0x0] =	vst.idx.add.f32.msk vm1, v14;
	vm1 =	vlt.s32 v1, $0x12000  }
0x32a: {  	[tilespmem:s10+$0x17A20] =	vst v1  }
0x32b: {  	[tilespmem:v11+s2+$0x0] =	vst.idx.add.f32.msk vm2, v6  }
0x32c: {  	[tilespmem:v13+s2+$0x0] =	vst.idx.add.f32.msk vm3, v5  }
0x32d: {  	s25 =	sadd.s32 $0x3F000, s15;
	[tilespmem:v9+s2+$0x0] =	vst.idx.add.f32.msk vm0, v4  }
0x32e: {  	s12 =	sshrl.u32 s25, $0x3;
	[tilespmem:v10+s2+$0x0] =	vst.idx.add.f32.msk vm4, v3  }
0x32f: {  	s10 =	sadd.s32 s4, s12;
	[tilespmem:v1+s2+$0x0] =	vst.idx.add.f32.msk vm1, v2  }
0x330: {  	[tilespmem:s29], [sflag:$0x3] =	stream.strided.gather [hbm4b:s10+s8], $0x900, s9, s8, $0x38;
	[tilespmem:$0x1F800] =	vst v63  }
0x331: {  	s12 =	sadd.s32 s1, s12  }
0x332: {  	[tilespmem:s30], [sflag:$0x3] =	stream.strided.gather [hbm4b:s12+s8], $0x900, s9, s8, $0x38;
	[tilespmem:$0x1F800] =	vst v63  }
0x333: {  	_ =	swait.ge [sflag:s21], $0x900  }
0x334: {  	[sflag:s21] =	ssyncset.done $0x0  }
0x335: {  	[sflag:s21] =	ssyncadd.s32 $0xFFFFF700  }
0x336: {  	_ =	swait.ge [sflag:s21], $0x900  }
0x337: {  	[sflag:s21] =	ssyncset.done $0x0  }
0x338: {  	s12 =	simm.s32 $0x0;
	[sflag:s21] =	ssyncadd.s32 $0xFFFFF700  }
0x339: {  	v1 =	vld [tilespmem:s12+$0x1CB60];
	_ =	sdelay $0x1  }
0x33a: {  	v2 =	vld [tilespmem:s12+$0x1CB40];
	_ =	sdelay $0x2  }
0x33b: {  	v3 =	vld [tilespmem:s12+$0x1CB50];
	v1 =	vshrl.u32 v1, $0x5  }
0x33c: {  	v5 =	vld [tilespmem:s12+$0x1CB00];
	v1 =	vcvt.s32.f32 v1  }
0x33d: {  	v4 =	vld [tilespmem:s12+$0x1CB70];
	v2 =	vshrl.u32 v2, $0x5  }
0x33e: {  	v6 =	vld [tilespmem:s12+$0x1CB30];
	v2 =	vcvt.s32.f32 v2;
	v7 =	vmul.f32 $3.333333430e-01, v1;
	_ =	sdelay $0x1  }
0x33f: {  	v12 =	vld [tilespmem:s12+$0x1CB20];
	v8 =	vmul.f32 $3.333333430e-01, v2;
	v2 =	vshrl.u32 v3, $0x5;
	v3 =	vtrunc.f32 v7  }
0x340: {  	v5 =	vshrl.u32 v5, $0x5;
	v9 =	vcvt.s32.f32 v2;
	v7 =	vld [tilespmem:s12+$0x1CB10];
	v13 =	vcvt.f32.s32 v3  }
0x341: {  	v14 =	vld [tilespmem:s12+$0x1EF60];
	v8 =	vtrunc.f32 v8;
	v3 =	vshrl.u32 v4, $0x5;
	v4 =	vcvt.s32.f32 v5  }
0x342: {  	v1 =	vld [tilespmem:s12+$0x1EF40];
	v5 =	vshrl.u32 v6, $0x5;
	v9 =	vmul.f32 $3.333333430e-01, v9;
	vm1 =	vlt.s32 v13, $0x12000  }
0x343: {  	v2 =	vld [tilespmem:s12+$0x1EF20];
	v6 =	vcvt.s32.f32 v3;
	v5 =	vcvt.s32.f32 v5  }
0x344: {  	v3 =	vld [tilespmem:s12+$0x1EF10];
	v11 =	vmul.f32 $3.333333430e-01, v4;
	v9 =	vtrunc.f32 v9  }
0x345: {  	v4 =	vld [tilespmem:s12+$0x1EF50];
	v15 =	vmul.f32 $3.333333430e-01, v5;
	v10 =	vshrl.u32 v7, $0x5;
	v7 =	vcvt.f32.s32 v8  }
0x346: {  	[tilespmem:s12+$0x18360] =	vst v13;
	v5 =	vld [tilespmem:s12+$0x1EF70];
	v16 =	vmul.f32 $3.333333430e-01, v6;
	v8 =	vtrunc.f32 v11  }
0x347: {  	v12 =	vshrl.u32 v12, $0x5;
	v6 =	vld [tilespmem:s12+$0x1EF30];
	v10 =	vcvt.s32.f32 v10;
	v11 =	vtrunc.f32 v15;
	[tilespmem:s12+$0x18340] =	vst v7  }
0x348: {  	s14 =	simm.s32 $0x0;
	s16 =	simm.s32 $0x200;
	v8 =	vcvt.f32.s32 v8;
	vm0 =	vlt.s32 v7, $0x12000;
	[tilespmem:v13+s2+$0x0] =	vst.idx.add.f32.msk vm1, v14;
	v13 =	vtrunc.f32 v16  }
.LBB2_27:
0x349: {  	s25 =	sshra.s32 s16, $0x2;
	s14 =	sadd.s32 $0x8, s14;
	v14 =	vld [tilespmem:s12+$0x1EF00];
	v9 =	vcvt.f32.s32 v9;
	v13 =	vcvt.f32.s32 v13  }
0x34a: {  	v12 =	vcvt.s32.f32 v12;
	v11 =	vcvt.f32.s32 v11;
	v15 =	vld [tilespmem:s25+$0x1CB40];
	p0 =	slt.u32 s14, $0x88;
	[tilespmem:s12+$0x18300] =	vst v8  }
0x34b: {  	v10 =	vmul.f32 $3.333333430e-01, v10;
	vm2 =	vlt.s32 v8, $0x12000;
	v16 =	vld [tilespmem:s25+$0x1CB60];
	[tilespmem:s12+$0x18370] =	vst v13;
	vm1 =	vlt.s32 v13, $0x12000  }
0x34c: {  	v12 =	vmul.f32 $3.333333430e-01, v12;
	vm3 =	vlt.s32 v11, $0x12000;
	v17 =	vld [tilespmem:s25+$0x1CB50];
	[tilespmem:s12+$0x18330] =	vst v11  }
0x34d: {  	v10 =	vtrunc.f32 v10;
	v18 =	vld [tilespmem:s25+$0x1CB70];
	[tilespmem:s12+$0x18350] =	vst v9  }
0x34e: {  	v10 =	vcvt.f32.s32 v10;
	v12 =	vtrunc.f32 v12;
	[tilespmem:v7+s2+$0x0] =	vst.idx.add.f32.msk vm0, v1  }
0x34f: {  	v7 =	vcvt.f32.s32 v12;
	vm0 =	vlt.s32 v9, $0x12000;
	v1 =	vld [tilespmem:s25+$0x1EF40]  }
0x350: {  	vm4 =	vlt.s32 v10, $0x12000;
	v12 =	vld [tilespmem:s25+$0x1CB30];
	[tilespmem:s12+$0x18310] =	vst v10  }
0x351: {  	v16 =	vshrl.u32 v16, $0x5;
	[tilespmem:v8+s2+$0x0] =	vst.idx.add.f32.msk vm2, v14;
	vm2 =	vlt.s32 v7, $0x12000  }
0x352: {  	v14 =	vcvt.s32.f32 v16;
	v8 =	vld [tilespmem:s25+$0x1CB00];
	[tilespmem:s12+$0x18320] =	vst v7;
	s12 =	smov.u32 s25  }
0x353: {  	v15 =	vshrl.u32 v15, $0x5;
	[tilespmem:v11+s2+$0x0] =	vst.idx.add.f32.msk vm3, v6  }
0x354: {  	v6 =	vcvt.s32.f32 v15;
	[tilespmem:v13+s2+$0x0] =	vst.idx.add.f32.msk vm1, v5  }
0x355: {  	v5 =	vmul.f32 $3.333333430e-01, v14;
	[tilespmem:v9+s2+$0x0] =	vst.idx.add.f32.msk vm0, v4  }
0x356: {  	v4 =	vmul.f32 $3.333333430e-01, v6;
	v6 =	vshrl.u32 v17, $0x5;
	[tilespmem:v10+s2+$0x0] =	vst.idx.add.f32.msk vm4, v3  }
0x357: {  	v3 =	vtrunc.f32 v5;
	v5 =	vshrl.u32 v18, $0x5;
	[tilespmem:v7+s2+$0x0] =	vst.idx.add.f32.msk vm2, v2  }
0x358: {  	v6 =	vcvt.s32.f32 v6;
	v2 =	vshrl.u32 v8, $0x5;
	v13 =	vcvt.f32.s32 v3;
	v7 =	vld [tilespmem:s12+$0x1CB10]  }
0x359: {  	v8 =	vshrl.u32 v12, $0x5;
	v11 =	vcvt.s32.f32 v5;
	v3 =	vcvt.s32.f32 v2;
	v2 =	vld [tilespmem:s12+$0x1EF20]  }
0x35a: {  	v5 =	vmul.f32 $3.333333430e-01, v6;
	vm1 =	vlt.s32 v13, $0x12000;
	v12 =	vld [tilespmem:s12+$0x1CB20];
	[tilespmem:s12+$0x18360] =	vst v13  }
0x35b: {  	v4 =	vtrunc.f32 v4;
	v6 =	vcvt.s32.f32 v8;
	v14 =	vld [tilespmem:s12+$0x1EF60]  }
.Ltmp12:
0x35c: {  	v8 =	vmul.f32 $3.333333430e-01, v3;
	v9 =	vtrunc.f32 v5;
	v3 =	vld [tilespmem:s12+$0x1EF10];
	(pc) =	sbr.rel @p0 .LBB2_27-.Ltmp12, $4  }
0x35d: {  	v15 =	vmul.f32 $3.333333430e-01, v6;
	v5 =	vshrl.u32 v7, $0x5;
	v7 =	vcvt.f32.s32 v4;
	v4 =	vld [tilespmem:s12+$0x1EF50]  }
0x35e: {  	v16 =	vmul.f32 $3.333333430e-01, v11;
	v10 =	vcvt.s32.f32 v5;
	v5 =	vld [tilespmem:s12+$0x1EF70]  }
0x35f: {  	v8 =	vtrunc.f32 v8;
	v11 =	vtrunc.f32 v15;
	v6 =	vld [tilespmem:s12+$0x1EF30];
	[tilespmem:s12+$0x18340] =	vst v7;
	vm0 =	vlt.s32 v7, $0x12000  }
0x360: {  	s16 =	sadd.s32 $0x200, s16;
	v8 =	vcvt.f32.s32 v8;
	v12 =	vshrl.u32 v12, $0x5;
	[tilespmem:v13+s2+$0x0] =	vst.idx.add.f32.msk vm1, v14;
	v13 =	vtrunc.f32 v16  }
0x361: {  	_ =	sdelay $0x3  }
0x362: {  	v13 =	vcvt.f32.s32 v13;
	v12 =	vcvt.s32.f32 v12  }
0x363: {  	v11 =	vcvt.f32.s32 v11;
	v10 =	vmul.f32 $3.333333430e-01, v10;
	[tilespmem:v7+s2+$0x0] =	vst.idx.add.f32.msk vm0, v1;
	vm1 =	vlt.s32 v8, $0x12000  }
0x364: {  	v14 =	vld [tilespmem:s12+$0x1EF00];
	[tilespmem:s12+$0x18300] =	vst v8;
	v12 =	vmul.f32 $3.333333430e-01, v12  }
0x365: {  	v9 =	vcvt.f32.s32 v9;
	[tilespmem:s12+$0x18370] =	vst v13;
	vm2 =	vlt.s32 v11, $0x12000;
	v10 =	vtrunc.f32 v10  }
0x366: {  	[tilespmem:s12+$0x18330] =	vst v11;
	vm3 =	vlt.s32 v13, $0x12000;
	v10 =	vcvt.f32.s32 v10;
	v12 =	vtrunc.f32 v12  }
0x367: {  	[tilespmem:s12+$0x18350] =	vst v9;
	vm0 =	vlt.s32 v9, $0x12000;
	v1 =	vcvt.f32.s32 v12  }
0x368: {  	[tilespmem:s12+$0x18310] =	vst v10;
	vm4 =	vlt.s32 v10, $0x12000  }
0x369: {  	[tilespmem:v8+s2+$0x0] =	vst.idx.add.f32.msk vm1, v14;
	vm1 =	vlt.s32 v1, $0x12000  }
0x36a: {  	[tilespmem:s12+$0x18320] =	vst v1  }
0x36b: {  	[tilespmem:v11+s2+$0x0] =	vst.idx.add.f32.msk vm2, v6  }
0x36c: {  	[tilespmem:v13+s2+$0x0] =	vst.idx.add.f32.msk vm3, v5  }
0x36d: {  	s25 =	sadd.s32 $0x43800, s15;
	[tilespmem:v9+s2+$0x0] =	vst.idx.add.f32.msk vm0, v4  }
0x36e: {  	s12 =	sshrl.u32 s25, $0x3;
	[tilespmem:v10+s2+$0x0] =	vst.idx.add.f32.msk vm4, v3  }
0x36f: {  	s29 =	simm.s32 $0x1EF00;
	s15 =	sadd.s32 s4, s12;
	[tilespmem:v1+s2+$0x0] =	vst.idx.add.f32.msk vm1, v2  }
0x370: {  	[tilespmem:s29], [sflag:$0x4] =	stream.strided.gather [hbm4b:s15+s8], $0x900, s9, s8, $0x38;
	[tilespmem:$0x1F800] =	vst v63  }
0x371: {  	s12 =	sadd.s32 s1, s12  }
0x372: {  	[tilespmem:s31], [sflag:$0x4] =	stream.strided.gather [hbm4b:s12+s8], $0x900, s9, s8, $0x38;
	[tilespmem:$0x1F800] =	vst v63  }
0x373: {  	_ =	swait.ge [sflag:s18], $0x900  }
0x374: {  	[sflag:s18] =	ssyncset.done $0x0  }
0x375: {  	[sflag:s18] =	ssyncadd.s32 $0xFFFFF700  }
0x376: {  	_ =	swait.ge [sflag:s18], $0x900  }
0x377: {  	[sflag:s18] =	ssyncset.done $0x0  }
0x378: {  	s12 =	simm.s32 $0x0;
	[sflag:s18] =	ssyncadd.s32 $0xFFFFF700  }
0x379: {  	v1 =	vld [tilespmem:s12+$0x1B060];
	_ =	sdelay $0x1  }
0x37a: {  	v2 =	vld [tilespmem:s12+$0x1B040];
	_ =	sdelay $0x2  }
0x37b: {  	v3 =	vld [tilespmem:s12+$0x1B050];
	v1 =	vshrl.u32 v1, $0x5  }
0x37c: {  	v5 =	vld [tilespmem:s12+$0x1B000];
	v1 =	vcvt.s32.f32 v1  }
0x37d: {  	v4 =	vld [tilespmem:s12+$0x1B070];
	v2 =	vshrl.u32 v2, $0x5  }
0x37e: {  	v6 =	vld [tilespmem:s12+$0x1B030];
	v2 =	vcvt.s32.f32 v2;
	v7 =	vmul.f32 $3.333333430e-01, v1;
	_ =	sdelay $0x1  }
0x37f: {  	v12 =	vld [tilespmem:s12+$0x1B020];
	v8 =	vmul.f32 $3.333333430e-01, v2;
	v2 =	vshrl.u32 v3, $0x5;
	v3 =	vtrunc.f32 v7  }
0x380: {  	v5 =	vshrl.u32 v5, $0x5;
	v9 =	vcvt.s32.f32 v2;
	v7 =	vld [tilespmem:s12+$0x1B010];
	v13 =	vcvt.f32.s32 v3  }
0x381: {  	v14 =	vld [tilespmem:s12+$0x1D460];
	v8 =	vtrunc.f32 v8;
	v3 =	vshrl.u32 v4, $0x5;
	v4 =	vcvt.s32.f32 v5  }
0x382: {  	v1 =	vld [tilespmem:s12+$0x1D440];
	v5 =	vshrl.u32 v6, $0x5;
	v9 =	vmul.f32 $3.333333430e-01, v9;
	vm1 =	vlt.s32 v13, $0x12000  }
0x383: {  	v2 =	vld [tilespmem:s12+$0x1D420];
	v6 =	vcvt.s32.f32 v3;
	v5 =	vcvt.s32.f32 v5  }
0x384: {  	v3 =	vld [tilespmem:s12+$0x1D410];
	v11 =	vmul.f32 $3.333333430e-01, v4;
	v9 =	vtrunc.f32 v9  }
0x385: {  	v4 =	vld [tilespmem:s12+$0x1D450];
	v15 =	vmul.f32 $3.333333430e-01, v5;
	v10 =	vshrl.u32 v7, $0x5;
	v7 =	vcvt.f32.s32 v8  }
0x386: {  	[tilespmem:s12+$0x18C60] =	vst v13;
	v5 =	vld [tilespmem:s12+$0x1D470];
	v16 =	vmul.f32 $3.333333430e-01, v6;
	v8 =	vtrunc.f32 v11  }
0x387: {  	v12 =	vshrl.u32 v12, $0x5;
	v6 =	vld [tilespmem:s12+$0x1D430];
	v10 =	vcvt.s32.f32 v10;
	v11 =	vtrunc.f32 v15;
	[tilespmem:s12+$0x18C40] =	vst v7  }
0x388: {  	s14 =	simm.s32 $0x0;
	s16 =	simm.s32 $0x200;
	v8 =	vcvt.f32.s32 v8;
	vm0 =	vlt.s32 v7, $0x12000;
	[tilespmem:v13+s2+$0x0] =	vst.idx.add.f32.msk vm1, v14;
	v13 =	vtrunc.f32 v16  }
.LBB2_29:
0x389: {  	s25 =	sshra.s32 s16, $0x2;
	s14 =	sadd.s32 $0x8, s14;
	v14 =	vld [tilespmem:s12+$0x1D400];
	v9 =	vcvt.f32.s32 v9;
	v13 =	vcvt.f32.s32 v13  }
0x38a: {  	v12 =	vcvt.s32.f32 v12;
	v11 =	vcvt.f32.s32 v11;
	v15 =	vld [tilespmem:s25+$0x1B040];
	p0 =	slt.u32 s14, $0x88;
	[tilespmem:s12+$0x18C00] =	vst v8  }
0x38b: {  	v10 =	vmul.f32 $3.333333430e-01, v10;
	vm2 =	vlt.s32 v8, $0x12000;
	v16 =	vld [tilespmem:s25+$0x1B060];
	[tilespmem:s12+$0x18C70] =	vst v13;
	vm1 =	vlt.s32 v13, $0x12000  }
0x38c: {  	v12 =	vmul.f32 $3.333333430e-01, v12;
	vm3 =	vlt.s32 v11, $0x12000;
	v17 =	vld [tilespmem:s25+$0x1B050];
	[tilespmem:s12+$0x18C30] =	vst v11  }
0x38d: {  	v10 =	vtrunc.f32 v10;
	v18 =	vld [tilespmem:s25+$0x1B070];
	[tilespmem:s12+$0x18C50] =	vst v9  }
0x38e: {  	v10 =	vcvt.f32.s32 v10;
	v12 =	vtrunc.f32 v12;
	[tilespmem:v7+s2+$0x0] =	vst.idx.add.f32.msk vm0, v1  }
0x38f: {  	v7 =	vcvt.f32.s32 v12;
	vm0 =	vlt.s32 v9, $0x12000;
	v1 =	vld [tilespmem:s25+$0x1D440]  }
0x390: {  	vm4 =	vlt.s32 v10, $0x12000;
	v12 =	vld [tilespmem:s25+$0x1B030];
	[tilespmem:s12+$0x18C10] =	vst v10  }
0x391: {  	v16 =	vshrl.u32 v16, $0x5;
	[tilespmem:v8+s2+$0x0] =	vst.idx.add.f32.msk vm2, v14;
	vm2 =	vlt.s32 v7, $0x12000  }
0x392: {  	v14 =	vcvt.s32.f32 v16;
	v8 =	vld [tilespmem:s25+$0x1B000];
	[tilespmem:s12+$0x18C20] =	vst v7;
	s12 =	smov.u32 s25  }
0x393: {  	v15 =	vshrl.u32 v15, $0x5;
	[tilespmem:v11+s2+$0x0] =	vst.idx.add.f32.msk vm3, v6  }
0x394: {  	v6 =	vcvt.s32.f32 v15;
	[tilespmem:v13+s2+$0x0] =	vst.idx.add.f32.msk vm1, v5  }
0x395: {  	v5 =	vmul.f32 $3.333333430e-01, v14;
	[tilespmem:v9+s2+$0x0] =	vst.idx.add.f32.msk vm0, v4  }
0x396: {  	v4 =	vmul.f32 $3.333333430e-01, v6;
	v6 =	vshrl.u32 v17, $0x5;
	[tilespmem:v10+s2+$0x0] =	vst.idx.add.f32.msk vm4, v3  }
0x397: {  	v3 =	vtrunc.f32 v5;
	v5 =	vshrl.u32 v18, $0x5;
	[tilespmem:v7+s2+$0x0] =	vst.idx.add.f32.msk vm2, v2  }
0x398: {  	v6 =	vcvt.s32.f32 v6;
	v2 =	vshrl.u32 v8, $0x5;
	v13 =	vcvt.f32.s32 v3;
	v7 =	vld [tilespmem:s12+$0x1B010]  }
0x399: {  	v8 =	vshrl.u32 v12, $0x5;
	v11 =	vcvt.s32.f32 v5;
	v3 =	vcvt.s32.f32 v2;
	v2 =	vld [tilespmem:s12+$0x1D420]  }
0x39a: {  	v5 =	vmul.f32 $3.333333430e-01, v6;
	vm1 =	vlt.s32 v13, $0x12000;
	v12 =	vld [tilespmem:s12+$0x1B020];
	[tilespmem:s12+$0x18C60] =	vst v13  }
0x39b: {  	v4 =	vtrunc.f32 v4;
	v6 =	vcvt.s32.f32 v8;
	v14 =	vld [tilespmem:s12+$0x1D460]  }
.Ltmp13:
0x39c: {  	v8 =	vmul.f32 $3.333333430e-01, v3;
	v9 =	vtrunc.f32 v5;
	v3 =	vld [tilespmem:s12+$0x1D410];
	(pc) =	sbr.rel @p0 .LBB2_29-.Ltmp13, $4  }
0x39d: {  	v15 =	vmul.f32 $3.333333430e-01, v6;
	v5 =	vshrl.u32 v7, $0x5;
	v7 =	vcvt.f32.s32 v4;
	v4 =	vld [tilespmem:s12+$0x1D450]  }
0x39e: {  	v16 =	vmul.f32 $3.333333430e-01, v11;
	v10 =	vcvt.s32.f32 v5;
	v5 =	vld [tilespmem:s12+$0x1D470]  }
0x39f: {  	v8 =	vtrunc.f32 v8;
	v11 =	vtrunc.f32 v15;
	v6 =	vld [tilespmem:s12+$0x1D430];
	[tilespmem:s12+$0x18C40] =	vst v7;
	vm0 =	vlt.s32 v7, $0x12000  }
0x3a0: {  	s16 =	sadd.s32 $0x200, s16;
	v8 =	vcvt.f32.s32 v8;
	v12 =	vshrl.u32 v12, $0x5;
	[tilespmem:v13+s2+$0x0] =	vst.idx.add.f32.msk vm1, v14;
	v13 =	vtrunc.f32 v16  }
0x3a1: {  	_ =	sdelay $0x3  }
0x3a2: {  	v13 =	vcvt.f32.s32 v13;
	v12 =	vcvt.s32.f32 v12  }
0x3a3: {  	v11 =	vcvt.f32.s32 v11;
	v10 =	vmul.f32 $3.333333430e-01, v10;
	[tilespmem:v7+s2+$0x0] =	vst.idx.add.f32.msk vm0, v1;
	vm1 =	vlt.s32 v8, $0x12000  }
0x3a4: {  	v14 =	vld [tilespmem:s12+$0x1D400];
	[tilespmem:s12+$0x18C00] =	vst v8;
	v12 =	vmul.f32 $3.333333430e-01, v12  }
0x3a5: {  	v9 =	vcvt.f32.s32 v9;
	[tilespmem:s12+$0x18C70] =	vst v13;
	vm2 =	vlt.s32 v11, $0x12000;
	v10 =	vtrunc.f32 v10  }
0x3a6: {  	[tilespmem:s12+$0x18C30] =	vst v11;
	vm3 =	vlt.s32 v13, $0x12000;
	v10 =	vcvt.f32.s32 v10;
	v12 =	vtrunc.f32 v12  }
0x3a7: {  	[tilespmem:s12+$0x18C50] =	vst v9;
	vm0 =	vlt.s32 v9, $0x12000;
	v1 =	vcvt.f32.s32 v12  }
0x3a8: {  	[tilespmem:s12+$0x18C10] =	vst v10;
	vm4 =	vlt.s32 v10, $0x12000  }
0x3a9: {  	[tilespmem:v8+s2+$0x0] =	vst.idx.add.f32.msk vm1, v14;
	vm1 =	vlt.s32 v1, $0x12000  }
0x3aa: {  	[tilespmem:s12+$0x18C20] =	vst v1  }
0x3ab: {  	[tilespmem:v11+s2+$0x0] =	vst.idx.add.f32.msk vm2, v6  }
0x3ac: {  	[tilespmem:v13+s2+$0x0] =	vst.idx.add.f32.msk vm3, v5  }
0x3ad: {  	[tilespmem:v9+s2+$0x0] =	vst.idx.add.f32.msk vm0, v4  }
0x3ae: {  	[tilespmem:v10+s2+$0x0] =	vst.idx.add.f32.msk vm4, v3  }
0x3af: {  	[tilespmem:v1+s2+$0x0] =	vst.idx.add.f32.msk vm1, v2  }
0x3b0: {  	_ =	swait.ge [sflag:s19], $0x900  }
0x3b1: {  	[sflag:s19] =	ssyncset.done $0x0  }
0x3b2: {  	[sflag:s19] =	ssyncadd.s32 $0xFFFFF700  }
0x3b3: {  	_ =	swait.ge [sflag:s19], $0x900  }
0x3b4: {  	[sflag:s19] =	ssyncset.done $0x0  }
0x3b5: {  	s12 =	simm.s32 $0x0;
	[sflag:s19] =	ssyncadd.s32 $0xFFFFF700  }
0x3b6: {  	v1 =	vld [tilespmem:s12+$0x1B960];
	_ =	sdelay $0x1  }
0x3b7: {  	v2 =	vld [tilespmem:s12+$0x1B940];
	_ =	sdelay $0x2  }
0x3b8: {  	v3 =	vld [tilespmem:s12+$0x1B950];
	v1 =	vshrl.u32 v1, $0x5  }
0x3b9: {  	v5 =	vld [tilespmem:s12+$0x1B900];
	v1 =	vcvt.s32.f32 v1  }
0x3ba: {  	v4 =	vld [tilespmem:s12+$0x1B970];
	v2 =	vshrl.u32 v2, $0x5  }
0x3bb: {  	v6 =	vld [tilespmem:s12+$0x1B930];
	v2 =	vcvt.s32.f32 v2;
	v7 =	vmul.f32 $3.333333430e-01, v1;
	_ =	sdelay $0x1  }
0x3bc: {  	v12 =	vld [tilespmem:s12+$0x1B920];
	v8 =	vmul.f32 $3.333333430e-01, v2;
	v2 =	vshrl.u32 v3, $0x5;
	v3 =	vtrunc.f32 v7  }
0x3bd: {  	v5 =	vshrl.u32 v5, $0x5;
	v9 =	vcvt.s32.f32 v2;
	v7 =	vld [tilespmem:s12+$0x1B910];
	v13 =	vcvt.f32.s32 v3  }
0x3be: {  	v14 =	vld [tilespmem:s12+$0x1DD60];
	v8 =	vtrunc.f32 v8;
	v3 =	vshrl.u32 v4, $0x5;
	v4 =	vcvt.s32.f32 v5  }
0x3bf: {  	v1 =	vld [tilespmem:s12+$0x1DD40];
	v5 =	vshrl.u32 v6, $0x5;
	v9 =	vmul.f32 $3.333333430e-01, v9;
	vm1 =	vlt.s32 v13, $0x12000  }
0x3c0: {  	v2 =	vld [tilespmem:s12+$0x1DD20];
	v6 =	vcvt.s32.f32 v3;
	v5 =	vcvt.s32.f32 v5  }
0x3c1: {  	v3 =	vld [tilespmem:s12+$0x1DD10];
	v11 =	vmul.f32 $3.333333430e-01, v4;
	v9 =	vtrunc.f32 v9  }
0x3c2: {  	v4 =	vld [tilespmem:s12+$0x1DD50];
	v15 =	vmul.f32 $3.333333430e-01, v5;
	v10 =	vshrl.u32 v7, $0x5;
	v7 =	vcvt.f32.s32 v8  }
0x3c3: {  	[tilespmem:s12+$0x19560] =	vst v13;
	v5 =	vld [tilespmem:s12+$0x1DD70];
	v16 =	vmul.f32 $3.333333430e-01, v6;
	v8 =	vtrunc.f32 v11  }
0x3c4: {  	v12 =	vshrl.u32 v12, $0x5;
	v6 =	vld [tilespmem:s12+$0x1DD30];
	v10 =	vcvt.s32.f32 v10;
	v11 =	vtrunc.f32 v15;
	[tilespmem:s12+$0x19540] =	vst v7  }
0x3c5: {  	s14 =	simm.s32 $0x0;
	s16 =	simm.s32 $0x200;
	v8 =	vcvt.f32.s32 v8;
	vm0 =	vlt.s32 v7, $0x12000;
	[tilespmem:v13+s2+$0x0] =	vst.idx.add.f32.msk vm1, v14;
	v13 =	vtrunc.f32 v16  }
.LBB2_31:
0x3c6: {  	s25 =	sshra.s32 s16, $0x2;
	s14 =	sadd.s32 $0x8, s14;
	v14 =	vld [tilespmem:s12+$0x1DD00];
	v9 =	vcvt.f32.s32 v9;
	v13 =	vcvt.f32.s32 v13  }
0x3c7: {  	v12 =	vcvt.s32.f32 v12;
	v11 =	vcvt.f32.s32 v11;
	v15 =	vld [tilespmem:s25+$0x1B940];
	p0 =	slt.u32 s14, $0x88;
	[tilespmem:s12+$0x19500] =	vst v8  }
0x3c8: {  	v10 =	vmul.f32 $3.333333430e-01, v10;
	vm2 =	vlt.s32 v8, $0x12000;
	v16 =	vld [tilespmem:s25+$0x1B960];
	[tilespmem:s12+$0x19570] =	vst v13;
	vm1 =	vlt.s32 v13, $0x12000  }
0x3c9: {  	v12 =	vmul.f32 $3.333333430e-01, v12;
	vm3 =	vlt.s32 v11, $0x12000;
	v17 =	vld [tilespmem:s25+$0x1B950];
	[tilespmem:s12+$0x19530] =	vst v11  }
0x3ca: {  	v10 =	vtrunc.f32 v10;
	v18 =	vld [tilespmem:s25+$0x1B970];
	[tilespmem:s12+$0x19550] =	vst v9  }
0x3cb: {  	v10 =	vcvt.f32.s32 v10;
	v12 =	vtrunc.f32 v12;
	[tilespmem:v7+s2+$0x0] =	vst.idx.add.f32.msk vm0, v1  }
0x3cc: {  	v7 =	vcvt.f32.s32 v12;
	vm0 =	vlt.s32 v9, $0x12000;
	v1 =	vld [tilespmem:s25+$0x1DD40]  }
0x3cd: {  	vm4 =	vlt.s32 v10, $0x12000;
	v12 =	vld [tilespmem:s25+$0x1B930];
	[tilespmem:s12+$0x19510] =	vst v10  }
0x3ce: {  	v16 =	vshrl.u32 v16, $0x5;
	[tilespmem:v8+s2+$0x0] =	vst.idx.add.f32.msk vm2, v14;
	vm2 =	vlt.s32 v7, $0x12000  }
0x3cf: {  	v14 =	vcvt.s32.f32 v16;
	v8 =	vld [tilespmem:s25+$0x1B900];
	[tilespmem:s12+$0x19520] =	vst v7;
	s12 =	smov.u32 s25  }
0x3d0: {  	v15 =	vshrl.u32 v15, $0x5;
	[tilespmem:v11+s2+$0x0] =	vst.idx.add.f32.msk vm3, v6  }
0x3d1: {  	v6 =	vcvt.s32.f32 v15;
	[tilespmem:v13+s2+$0x0] =	vst.idx.add.f32.msk vm1, v5  }
0x3d2: {  	v5 =	vmul.f32 $3.333333430e-01, v14;
	[tilespmem:v9+s2+$0x0] =	vst.idx.add.f32.msk vm0, v4  }
0x3d3: {  	v4 =	vmul.f32 $3.333333430e-01, v6;
	v6 =	vshrl.u32 v17, $0x5;
	[tilespmem:v10+s2+$0x0] =	vst.idx.add.f32.msk vm4, v3  }
0x3d4: {  	v3 =	vtrunc.f32 v5;
	v5 =	vshrl.u32 v18, $0x5;
	[tilespmem:v7+s2+$0x0] =	vst.idx.add.f32.msk vm2, v2  }
0x3d5: {  	v6 =	vcvt.s32.f32 v6;
	v2 =	vshrl.u32 v8, $0x5;
	v13 =	vcvt.f32.s32 v3;
	v7 =	vld [tilespmem:s12+$0x1B910]  }
0x3d6: {  	v8 =	vshrl.u32 v12, $0x5;
	v11 =	vcvt.s32.f32 v5;
	v3 =	vcvt.s32.f32 v2;
	v2 =	vld [tilespmem:s12+$0x1DD20]  }
0x3d7: {  	v5 =	vmul.f32 $3.333333430e-01, v6;
	vm1 =	vlt.s32 v13, $0x12000;
	v12 =	vld [tilespmem:s12+$0x1B920];
	[tilespmem:s12+$0x19560] =	vst v13  }
0x3d8: {  	v4 =	vtrunc.f32 v4;
	v6 =	vcvt.s32.f32 v8;
	v14 =	vld [tilespmem:s12+$0x1DD60]  }
.Ltmp14:
0x3d9: {  	v8 =	vmul.f32 $3.333333430e-01, v3;
	v9 =	vtrunc.f32 v5;
	v3 =	vld [tilespmem:s12+$0x1DD10];
	(pc) =	sbr.rel @p0 .LBB2_31-.Ltmp14, $4  }
0x3da: {  	v15 =	vmul.f32 $3.333333430e-01, v6;
	v5 =	vshrl.u32 v7, $0x5;
	v7 =	vcvt.f32.s32 v4;
	v4 =	vld [tilespmem:s12+$0x1DD50]  }
0x3db: {  	v16 =	vmul.f32 $3.333333430e-01, v11;
	v10 =	vcvt.s32.f32 v5;
	v5 =	vld [tilespmem:s12+$0x1DD70]  }
0x3dc: {  	v8 =	vtrunc.f32 v8;
	v11 =	vtrunc.f32 v15;
	v6 =	vld [tilespmem:s12+$0x1DD30];
	[tilespmem:s12+$0x19540] =	vst v7;
	vm0 =	vlt.s32 v7, $0x12000  }
0x3dd: {  	s16 =	sadd.s32 $0x200, s16;
	v8 =	vcvt.f32.s32 v8;
	v12 =	vshrl.u32 v12, $0x5;
	[tilespmem:v13+s2+$0x0] =	vst.idx.add.f32.msk vm1, v14;
	v13 =	vtrunc.f32 v16  }
0x3de: {  	_ =	sdelay $0x3  }
0x3df: {  	v13 =	vcvt.f32.s32 v13;
	v12 =	vcvt.s32.f32 v12  }
0x3e0: {  	v11 =	vcvt.f32.s32 v11;
	v10 =	vmul.f32 $3.333333430e-01, v10;
	[tilespmem:v7+s2+$0x0] =	vst.idx.add.f32.msk vm0, v1;
	vm1 =	vlt.s32 v8, $0x12000  }
0x3e1: {  	v14 =	vld [tilespmem:s12+$0x1DD00];
	[tilespmem:s12+$0x19500] =	vst v8;
	v12 =	vmul.f32 $3.333333430e-01, v12  }
0x3e2: {  	v9 =	vcvt.f32.s32 v9;
	[tilespmem:s12+$0x19570] =	vst v13;
	vm2 =	vlt.s32 v11, $0x12000;
	v10 =	vtrunc.f32 v10  }
0x3e3: {  	[tilespmem:s12+$0x19530] =	vst v11;
	vm3 =	vlt.s32 v13, $0x12000;
	v10 =	vcvt.f32.s32 v10;
	v12 =	vtrunc.f32 v12  }
0x3e4: {  	[tilespmem:s12+$0x19550] =	vst v9;
	vm0 =	vlt.s32 v9, $0x12000;
	v1 =	vcvt.f32.s32 v12  }
0x3e5: {  	[tilespmem:s12+$0x19510] =	vst v10;
	vm4 =	vlt.s32 v10, $0x12000  }
0x3e6: {  	[tilespmem:v8+s2+$0x0] =	vst.idx.add.f32.msk vm1, v14;
	vm1 =	vlt.s32 v1, $0x12000  }
0x3e7: {  	[tilespmem:s12+$0x19520] =	vst v1  }
0x3e8: {  	[tilespmem:v11+s2+$0x0] =	vst.idx.add.f32.msk vm2, v6  }
0x3e9: {  	[tilespmem:v13+s2+$0x0] =	vst.idx.add.f32.msk vm3, v5  }
0x3ea: {  	[tilespmem:v9+s2+$0x0] =	vst.idx.add.f32.msk vm0, v4  }
0x3eb: {  	[tilespmem:v10+s2+$0x0] =	vst.idx.add.f32.msk vm4, v3  }
0x3ec: {  	[tilespmem:v1+s2+$0x0] =	vst.idx.add.f32.msk vm1, v2  }
0x3ed: {  	_ =	swait.ge [sflag:s20], $0x900  }
0x3ee: {  	[sflag:s20] =	ssyncset.done $0x0  }
0x3ef: {  	[sflag:s20] =	ssyncadd.s32 $0xFFFFF700  }
0x3f0: {  	_ =	swait.ge [sflag:s20], $0x900  }
0x3f1: {  	[sflag:s20] =	ssyncset.done $0x0  }
0x3f2: {  	s12 =	simm.s32 $0x0;
	[sflag:s20] =	ssyncadd.s32 $0xFFFFF700  }
0x3f3: {  	v1 =	vld [tilespmem:s12+$0x1C260];
	_ =	sdelay $0x1  }
0x3f4: {  	v2 =	vld [tilespmem:s12+$0x1C240];
	_ =	sdelay $0x2  }
0x3f5: {  	v3 =	vld [tilespmem:s12+$0x1C250];
	v1 =	vshrl.u32 v1, $0x5  }
0x3f6: {  	v5 =	vld [tilespmem:s12+$0x1C200];
	v1 =	vcvt.s32.f32 v1  }
0x3f7: {  	v4 =	vld [tilespmem:s12+$0x1C270];
	v2 =	vshrl.u32 v2, $0x5  }
0x3f8: {  	v6 =	vld [tilespmem:s12+$0x1C230];
	v2 =	vcvt.s32.f32 v2;
	v7 =	vmul.f32 $3.333333430e-01, v1;
	_ =	sdelay $0x1  }
0x3f9: {  	v12 =	vld [tilespmem:s12+$0x1C220];
	v8 =	vmul.f32 $3.333333430e-01, v2;
	v2 =	vshrl.u32 v3, $0x5;
	v3 =	vtrunc.f32 v7  }
0x3fa: {  	v5 =	vshrl.u32 v5, $0x5;
	v9 =	vcvt.s32.f32 v2;
	v7 =	vld [tilespmem:s12+$0x1C210];
	v13 =	vcvt.f32.s32 v3  }
0x3fb: {  	v14 =	vld [tilespmem:s12+$0x1E660];
	v8 =	vtrunc.f32 v8;
	v3 =	vshrl.u32 v4, $0x5;
	v4 =	vcvt.s32.f32 v5  }
0x3fc: {  	v1 =	vld [tilespmem:s12+$0x1E640];
	v5 =	vshrl.u32 v6, $0x5;
	v9 =	vmul.f32 $3.333333430e-01, v9;
	vm1 =	vlt.s32 v13, $0x12000  }
0x3fd: {  	v2 =	vld [tilespmem:s12+$0x1E620];
	v6 =	vcvt.s32.f32 v3;
	v5 =	vcvt.s32.f32 v5  }
0x3fe: {  	v3 =	vld [tilespmem:s12+$0x1E610];
	v11 =	vmul.f32 $3.333333430e-01, v4;
	v9 =	vtrunc.f32 v9  }
0x3ff: {  	v4 =	vld [tilespmem:s12+$0x1E650];
	v15 =	vmul.f32 $3.333333430e-01, v5;
	v10 =	vshrl.u32 v7, $0x5;
	v7 =	vcvt.f32.s32 v8  }
0x400: {  	[tilespmem:s12+$0x19E60] =	vst v13;
	v5 =	vld [tilespmem:s12+$0x1E670];
	v16 =	vmul.f32 $3.333333430e-01, v6;
	v8 =	vtrunc.f32 v11  }
0x401: {  	v12 =	vshrl.u32 v12, $0x5;
	v6 =	vld [tilespmem:s12+$0x1E630];
	v10 =	vcvt.s32.f32 v10;
	v11 =	vtrunc.f32 v15;
	[tilespmem:s12+$0x19E40] =	vst v7  }
0x402: {  	s14 =	simm.s32 $0x0;
	s16 =	simm.s32 $0x200;
	v8 =	vcvt.f32.s32 v8;
	vm0 =	vlt.s32 v7, $0x12000;
	[tilespmem:v13+s2+$0x0] =	vst.idx.add.f32.msk vm1, v14;
	v13 =	vtrunc.f32 v16  }
.LBB2_33:
0x403: {  	s25 =	sshra.s32 s16, $0x2;
	s14 =	sadd.s32 $0x8, s14;
	v14 =	vld [tilespmem:s12+$0x1E600];
	v9 =	vcvt.f32.s32 v9;
	v13 =	vcvt.f32.s32 v13  }
0x404: {  	v12 =	vcvt.s32.f32 v12;
	v11 =	vcvt.f32.s32 v11;
	v15 =	vld [tilespmem:s25+$0x1C240];
	p0 =	slt.u32 s14, $0x88;
	[tilespmem:s12+$0x19E00] =	vst v8  }
0x405: {  	v10 =	vmul.f32 $3.333333430e-01, v10;
	vm2 =	vlt.s32 v8, $0x12000;
	v16 =	vld [tilespmem:s25+$0x1C260];
	[tilespmem:s12+$0x19E70] =	vst v13;
	vm1 =	vlt.s32 v13, $0x12000  }
0x406: {  	v12 =	vmul.f32 $3.333333430e-01, v12;
	vm3 =	vlt.s32 v11, $0x12000;
	v17 =	vld [tilespmem:s25+$0x1C250];
	[tilespmem:s12+$0x19E30] =	vst v11  }
0x407: {  	v10 =	vtrunc.f32 v10;
	v18 =	vld [tilespmem:s25+$0x1C270];
	[tilespmem:s12+$0x19E50] =	vst v9  }
0x408: {  	v10 =	vcvt.f32.s32 v10;
	v12 =	vtrunc.f32 v12;
	[tilespmem:v7+s2+$0x0] =	vst.idx.add.f32.msk vm0, v1  }
0x409: {  	v7 =	vcvt.f32.s32 v12;
	vm0 =	vlt.s32 v9, $0x12000;
	v1 =	vld [tilespmem:s25+$0x1E640]  }
0x40a: {  	vm4 =	vlt.s32 v10, $0x12000;
	v12 =	vld [tilespmem:s25+$0x1C230];
	[tilespmem:s12+$0x19E10] =	vst v10  }
0x40b: {  	v16 =	vshrl.u32 v16, $0x5;
	[tilespmem:v8+s2+$0x0] =	vst.idx.add.f32.msk vm2, v14;
	vm2 =	vlt.s32 v7, $0x12000  }
0x40c: {  	v14 =	vcvt.s32.f32 v16;
	v8 =	vld [tilespmem:s25+$0x1C200];
	[tilespmem:s12+$0x19E20] =	vst v7;
	s12 =	smov.u32 s25  }
0x40d: {  	v15 =	vshrl.u32 v15, $0x5;
	[tilespmem:v11+s2+$0x0] =	vst.idx.add.f32.msk vm3, v6  }
0x40e: {  	v6 =	vcvt.s32.f32 v15;
	[tilespmem:v13+s2+$0x0] =	vst.idx.add.f32.msk vm1, v5  }
0x40f: {  	v5 =	vmul.f32 $3.333333430e-01, v14;
	[tilespmem:v9+s2+$0x0] =	vst.idx.add.f32.msk vm0, v4  }
0x410: {  	v4 =	vmul.f32 $3.333333430e-01, v6;
	v6 =	vshrl.u32 v17, $0x5;
	[tilespmem:v10+s2+$0x0] =	vst.idx.add.f32.msk vm4, v3  }
0x411: {  	v3 =	vtrunc.f32 v5;
	v5 =	vshrl.u32 v18, $0x5;
	[tilespmem:v7+s2+$0x0] =	vst.idx.add.f32.msk vm2, v2  }
0x412: {  	v6 =	vcvt.s32.f32 v6;
	v2 =	vshrl.u32 v8, $0x5;
	v13 =	vcvt.f32.s32 v3;
	v7 =	vld [tilespmem:s12+$0x1C210]  }
0x413: {  	v8 =	vshrl.u32 v12, $0x5;
	v11 =	vcvt.s32.f32 v5;
	v3 =	vcvt.s32.f32 v2;
	v2 =	vld [tilespmem:s12+$0x1E620]  }
0x414: {  	v5 =	vmul.f32 $3.333333430e-01, v6;
	vm1 =	vlt.s32 v13, $0x12000;
	v12 =	vld [tilespmem:s12+$0x1C220];
	[tilespmem:s12+$0x19E60] =	vst v13  }
0x415: {  	v4 =	vtrunc.f32 v4;
	v6 =	vcvt.s32.f32 v8;
	v14 =	vld [tilespmem:s12+$0x1E660]  }
.Ltmp15:
0x416: {  	v8 =	vmul.f32 $3.333333430e-01, v3;
	v9 =	vtrunc.f32 v5;
	v3 =	vld [tilespmem:s12+$0x1E610];
	(pc) =	sbr.rel @p0 .LBB2_33-.Ltmp15, $4  }
0x417: {  	v15 =	vmul.f32 $3.333333430e-01, v6;
	v5 =	vshrl.u32 v7, $0x5;
	v7 =	vcvt.f32.s32 v4;
	v4 =	vld [tilespmem:s12+$0x1E650]  }
0x418: {  	v16 =	vmul.f32 $3.333333430e-01, v11;
	v10 =	vcvt.s32.f32 v5;
	v5 =	vld [tilespmem:s12+$0x1E670]  }
0x419: {  	v8 =	vtrunc.f32 v8;
	v11 =	vtrunc.f32 v15;
	v6 =	vld [tilespmem:s12+$0x1E630];
	[tilespmem:s12+$0x19E40] =	vst v7;
	vm0 =	vlt.s32 v7, $0x12000  }
0x41a: {  	s16 =	sadd.s32 $0x200, s16;
	v8 =	vcvt.f32.s32 v8;
	v12 =	vshrl.u32 v12, $0x5;
	[tilespmem:v13+s2+$0x0] =	vst.idx.add.f32.msk vm1, v14;
	v13 =	vtrunc.f32 v16  }
0x41b: {  	_ =	sdelay $0x3  }
0x41c: {  	v13 =	vcvt.f32.s32 v13;
	v12 =	vcvt.s32.f32 v12  }
0x41d: {  	v11 =	vcvt.f32.s32 v11;
	v10 =	vmul.f32 $3.333333430e-01, v10;
	[tilespmem:v7+s2+$0x0] =	vst.idx.add.f32.msk vm0, v1;
	vm1 =	vlt.s32 v8, $0x12000  }
0x41e: {  	v14 =	vld [tilespmem:s12+$0x1E600];
	[tilespmem:s12+$0x19E00] =	vst v8;
	v12 =	vmul.f32 $3.333333430e-01, v12  }
0x41f: {  	v9 =	vcvt.f32.s32 v9;
	[tilespmem:s12+$0x19E70] =	vst v13;
	vm2 =	vlt.s32 v11, $0x12000;
	v10 =	vtrunc.f32 v10  }
0x420: {  	[tilespmem:s12+$0x19E30] =	vst v11;
	vm3 =	vlt.s32 v13, $0x12000;
	v10 =	vcvt.f32.s32 v10;
	v12 =	vtrunc.f32 v12  }
0x421: {  	[tilespmem:s12+$0x19E50] =	vst v9;
	vm0 =	vlt.s32 v9, $0x12000;
	v1 =	vcvt.f32.s32 v12  }
0x422: {  	[tilespmem:s12+$0x19E10] =	vst v10;
	vm4 =	vlt.s32 v10, $0x12000  }
0x423: {  	[tilespmem:v8+s2+$0x0] =	vst.idx.add.f32.msk vm1, v14;
	vm1 =	vlt.s32 v1, $0x12000  }
0x424: {  	[tilespmem:s12+$0x19E20] =	vst v1  }
0x425: {  	[tilespmem:v11+s2+$0x0] =	vst.idx.add.f32.msk vm2, v6  }
0x426: {  	[tilespmem:v13+s2+$0x0] =	vst.idx.add.f32.msk vm3, v5  }
0x427: {  	[tilespmem:v9+s2+$0x0] =	vst.idx.add.f32.msk vm0, v4  }
0x428: {  	[tilespmem:v10+s2+$0x0] =	vst.idx.add.f32.msk vm4, v3  }
0x429: {  	[tilespmem:v1+s2+$0x0] =	vst.idx.add.f32.msk vm1, v2  }
0x42a: {  	_ =	swait.ge [sflag:s21], $0x900  }
0x42b: {  	[sflag:s21] =	ssyncset.done $0x0  }
0x42c: {  	[sflag:s21] =	ssyncadd.s32 $0xFFFFF700  }
0x42d: {  	_ =	swait.ge [sflag:s21], $0x900  }
0x42e: {  	[sflag:s21] =	ssyncset.done $0x0  }
0x42f: {  	s12 =	simm.s32 $0x0;
	[sflag:s21] =	ssyncadd.s32 $0xFFFFF700  }
0x430: {  	v1 =	vld [tilespmem:s12+$0x1CB60];
	_ =	sdelay $0x1  }
0x431: {  	v2 =	vld [tilespmem:s12+$0x1CB40];
	_ =	sdelay $0x2  }
0x432: {  	v3 =	vld [tilespmem:s12+$0x1CB50];
	v1 =	vshrl.u32 v1, $0x5  }
0x433: {  	v5 =	vld [tilespmem:s12+$0x1CB00];
	v1 =	vcvt.s32.f32 v1  }
0x434: {  	v4 =	vld [tilespmem:s12+$0x1CB70];
	v2 =	vshrl.u32 v2, $0x5  }
0x435: {  	v6 =	vld [tilespmem:s12+$0x1CB30];
	v2 =	vcvt.s32.f32 v2;
	v7 =	vmul.f32 $3.333333430e-01, v1;
	_ =	sdelay $0x1  }
0x436: {  	v12 =	vld [tilespmem:s12+$0x1CB20];
	v8 =	vmul.f32 $3.333333430e-01, v2;
	v2 =	vshrl.u32 v3, $0x5;
	v3 =	vtrunc.f32 v7  }
0x437: {  	v5 =	vshrl.u32 v5, $0x5;
	v9 =	vcvt.s32.f32 v2;
	v7 =	vld [tilespmem:s12+$0x1CB10];
	v13 =	vcvt.f32.s32 v3  }
0x438: {  	v14 =	vld [tilespmem:s12+$0x1EF60];
	v8 =	vtrunc.f32 v8;
	v3 =	vshrl.u32 v4, $0x5;
	v4 =	vcvt.s32.f32 v5  }
0x439: {  	v1 =	vld [tilespmem:s12+$0x1EF40];
	v5 =	vshrl.u32 v6, $0x5;
	v9 =	vmul.f32 $3.333333430e-01, v9;
	vm1 =	vlt.s32 v13, $0x12000  }
0x43a: {  	v2 =	vld [tilespmem:s12+$0x1EF20];
	v6 =	vcvt.s32.f32 v3;
	v5 =	vcvt.s32.f32 v5  }
0x43b: {  	v3 =	vld [tilespmem:s12+$0x1EF10];
	v11 =	vmul.f32 $3.333333430e-01, v4;
	v9 =	vtrunc.f32 v9  }
0x43c: {  	v4 =	vld [tilespmem:s12+$0x1EF50];
	v15 =	vmul.f32 $3.333333430e-01, v5;
	v10 =	vshrl.u32 v7, $0x5;
	v7 =	vcvt.f32.s32 v8  }
0x43d: {  	[tilespmem:s12+$0x1A760] =	vst v13;
	v5 =	vld [tilespmem:s12+$0x1EF70];
	v16 =	vmul.f32 $3.333333430e-01, v6;
	v8 =	vtrunc.f32 v11  }
0x43e: {  	v12 =	vshrl.u32 v12, $0x5;
	v6 =	vld [tilespmem:s12+$0x1EF30];
	v10 =	vcvt.s32.f32 v10;
	v11 =	vtrunc.f32 v15;
	[tilespmem:s12+$0x1A740] =	vst v7  }
0x43f: {  	s14 =	simm.s32 $0x0;
	s16 =	simm.s32 $0x200;
	v8 =	vcvt.f32.s32 v8;
	vm0 =	vlt.s32 v7, $0x12000;
	[tilespmem:v13+s2+$0x0] =	vst.idx.add.f32.msk vm1, v14;
	v13 =	vtrunc.f32 v16  }
.LBB2_35:
0x440: {  	s25 =	sshra.s32 s16, $0x2;
	s14 =	sadd.s32 $0x8, s14;
	v14 =	vld [tilespmem:s12+$0x1EF00];
	v9 =	vcvt.f32.s32 v9;
	v13 =	vcvt.f32.s32 v13  }
0x441: {  	v12 =	vcvt.s32.f32 v12;
	v11 =	vcvt.f32.s32 v11;
	v15 =	vld [tilespmem:s25+$0x1CB40];
	p0 =	slt.u32 s14, $0x88;
	[tilespmem:s12+$0x1A700] =	vst v8  }
0x442: {  	v10 =	vmul.f32 $3.333333430e-01, v10;
	vm2 =	vlt.s32 v8, $0x12000;
	v16 =	vld [tilespmem:s25+$0x1CB60];
	[tilespmem:s12+$0x1A770] =	vst v13;
	vm1 =	vlt.s32 v13, $0x12000  }
0x443: {  	v12 =	vmul.f32 $3.333333430e-01, v12;
	vm3 =	vlt.s32 v11, $0x12000;
	v17 =	vld [tilespmem:s25+$0x1CB50];
	[tilespmem:s12+$0x1A730] =	vst v11  }
0x444: {  	v10 =	vtrunc.f32 v10;
	v18 =	vld [tilespmem:s25+$0x1CB70];
	[tilespmem:s12+$0x1A750] =	vst v9  }
0x445: {  	v10 =	vcvt.f32.s32 v10;
	v12 =	vtrunc.f32 v12;
	[tilespmem:v7+s2+$0x0] =	vst.idx.add.f32.msk vm0, v1  }
0x446: {  	v7 =	vcvt.f32.s32 v12;
	vm0 =	vlt.s32 v9, $0x12000;
	v1 =	vld [tilespmem:s25+$0x1EF40]  }
0x447: {  	vm4 =	vlt.s32 v10, $0x12000;
	v12 =	vld [tilespmem:s25+$0x1CB30];
	[tilespmem:s12+$0x1A710] =	vst v10  }
0x448: {  	v16 =	vshrl.u32 v16, $0x5;
	[tilespmem:v8+s2+$0x0] =	vst.idx.add.f32.msk vm2, v14;
	vm2 =	vlt.s32 v7, $0x12000  }
0x449: {  	v14 =	vcvt.s32.f32 v16;
	v8 =	vld [tilespmem:s25+$0x1CB00];
	[tilespmem:s12+$0x1A720] =	vst v7;
	s12 =	smov.u32 s25  }
0x44a: {  	v15 =	vshrl.u32 v15, $0x5;
	[tilespmem:v11+s2+$0x0] =	vst.idx.add.f32.msk vm3, v6  }
0x44b: {  	v6 =	vcvt.s32.f32 v15;
	[tilespmem:v13+s2+$0x0] =	vst.idx.add.f32.msk vm1, v5  }
0x44c: {  	v5 =	vmul.f32 $3.333333430e-01, v14;
	[tilespmem:v9+s2+$0x0] =	vst.idx.add.f32.msk vm0, v4  }
0x44d: {  	v4 =	vmul.f32 $3.333333430e-01, v6;
	v6 =	vshrl.u32 v17, $0x5;
	[tilespmem:v10+s2+$0x0] =	vst.idx.add.f32.msk vm4, v3  }
0x44e: {  	v3 =	vtrunc.f32 v5;
	v5 =	vshrl.u32 v18, $0x5;
	[tilespmem:v7+s2+$0x0] =	vst.idx.add.f32.msk vm2, v2  }
0x44f: {  	v6 =	vcvt.s32.f32 v6;
	v2 =	vshrl.u32 v8, $0x5;
	v13 =	vcvt.f32.s32 v3;
	v7 =	vld [tilespmem:s12+$0x1CB10]  }
0x450: {  	v8 =	vshrl.u32 v12, $0x5;
	v11 =	vcvt.s32.f32 v5;
	v3 =	vcvt.s32.f32 v2;
	v2 =	vld [tilespmem:s12+$0x1EF20]  }
0x451: {  	v5 =	vmul.f32 $3.333333430e-01, v6;
	vm1 =	vlt.s32 v13, $0x12000;
	v12 =	vld [tilespmem:s12+$0x1CB20];
	[tilespmem:s12+$0x1A760] =	vst v13  }
0x452: {  	v4 =	vtrunc.f32 v4;
	v6 =	vcvt.s32.f32 v8;
	v14 =	vld [tilespmem:s12+$0x1EF60]  }
.Ltmp16:
0x453: {  	v8 =	vmul.f32 $3.333333430e-01, v3;
	v9 =	vtrunc.f32 v5;
	v3 =	vld [tilespmem:s12+$0x1EF10];
	(pc) =	sbr.rel @p0 .LBB2_35-.Ltmp16, $4  }
0x454: {  	v15 =	vmul.f32 $3.333333430e-01, v6;
	v5 =	vshrl.u32 v7, $0x5;
	v7 =	vcvt.f32.s32 v4;
	v4 =	vld [tilespmem:s12+$0x1EF50]  }
0x455: {  	v16 =	vmul.f32 $3.333333430e-01, v11;
	v10 =	vcvt.s32.f32 v5;
	v5 =	vld [tilespmem:s12+$0x1EF70]  }
0x456: {  	v8 =	vtrunc.f32 v8;
	v11 =	vtrunc.f32 v15;
	v6 =	vld [tilespmem:s12+$0x1EF30];
	[tilespmem:s12+$0x1A740] =	vst v7;
	vm0 =	vlt.s32 v7, $0x12000  }
0x457: {  	s16 =	sadd.s32 $0x200, s16;
	v8 =	vcvt.f32.s32 v8;
	v12 =	vshrl.u32 v12, $0x5;
	[tilespmem:v13+s2+$0x0] =	vst.idx.add.f32.msk vm1, v14;
	v13 =	vtrunc.f32 v16  }
0x458: {  	_ =	sdelay $0x3  }
0x459: {  	v13 =	vcvt.f32.s32 v13;
	v12 =	vcvt.s32.f32 v12  }
0x45a: {  	v11 =	vcvt.f32.s32 v11;
	v10 =	vmul.f32 $3.333333430e-01, v10;
	[tilespmem:v7+s2+$0x0] =	vst.idx.add.f32.msk vm0, v1;
	vm1 =	vlt.s32 v8, $0x12000  }
0x45b: {  	v14 =	vld [tilespmem:s12+$0x1EF00];
	[tilespmem:s12+$0x1A700] =	vst v8;
	v12 =	vmul.f32 $3.333333430e-01, v12  }
0x45c: {  	v9 =	vcvt.f32.s32 v9;
	[tilespmem:s12+$0x1A770] =	vst v13;
	vm2 =	vlt.s32 v11, $0x12000;
	v10 =	vtrunc.f32 v10  }
0x45d: {  	[tilespmem:s12+$0x1A730] =	vst v11;
	vm3 =	vlt.s32 v13, $0x12000;
	v10 =	vcvt.f32.s32 v10;
	v12 =	vtrunc.f32 v12  }
0x45e: {  	[tilespmem:s12+$0x1A750] =	vst v9;
	vm14 =	vlt.s32 v9, $0x12000;
	v1 =	vcvt.f32.s32 v12  }
0x45f: {  	[tilespmem:s12+$0x1A710] =	vst v10;
	vm4 =	vlt.s32 v10, $0x12000  }
0x460: {  	[tilespmem:v8+s2+$0x0] =	vst.idx.add.f32.msk vm1, v14;
	vm15 =	vlt.s32 v1, $0x12000  }
0x461: {  	[tilespmem:s12+$0x1A720] =	vst v1  }
0x462: {  	[tilespmem:v11+s2+$0x0] =	vst.idx.add.f32.msk vm2, v6  }
0x463: {  	s12 =	rddreg [dreg:$0x8];
	[tilespmem:v13+s2+$0x0] =	vst.idx.add.f32.msk vm3, v5  }
0x464: {  	[tilespmem:v9+s2+$0x0] =	vst.idx.add.f32.msk vm14, v4;
	s12 =	smul.u32 $0x120000, s12  }
0x465: {  	[tilespmem:v10+s2+$0x0] =	vst.idx.add.f32.msk vm4, v3  }
0x466: {  	s14 =	sor.u32 s28, s12;
	[tilespmem:v1+s2+$0x0] =	vst.idx.add.f32.msk vm15, v2  }
0x467: {  	s12 =	sshrl.u32 s14, $0x3;
	s16 =	rddreg [dreg:$0x3]  }
0x468: {  	s12 =	sadd.s32 s16, s12  }
0x469: {  	[hbm4b:s12+s8] =	stream.strided.scatter [tilespmem:s2], [sflag:$0x5], $0x12000, s9, s8, $0x38;
	[tilespmem:$0x1F800] =	vst v63  }
0x46a: {  	s28 =	simm.s32 $0x1D400;
	s25 =	rddreg [dreg:$0x7]  }
0x46b: {  	[tilespmem:s28], [sflag:$0x1] =	stream.strided.gather [hbm4b:s25+s8], $0x900, s9, s8, $0x38;
	[tilespmem:$0x1F800] =	vst v63  }
0x46c: {  	s28 =	rddreg [dreg:$0x9]  }
0x46d: {  	[tilespmem:s26], [sflag:$0x2] =	stream.strided.gather [hbm4b:s28+s8], $0x900, s9, s8, $0x38;
	[tilespmem:$0x1F800] =	vst v63  }
0x46e: {  	s25 =	rddreg [dreg:$0xa];
	s26 =	simm.s32 $0x1E600;
	s28 =	simm.s32 $0x5  }
0x46f: {  	[tilespmem:s26], [sflag:$0x3] =	stream.strided.gather [hbm4b:s25+s8], $0x900, s9, s8, $0x38;
	[tilespmem:$0x1F800] =	vst v63  }
0x470: {  	_ =	swait.ge [sflag:s28], $0x12000  }
0x471: {  	[sflag:s28] =	ssyncset.done $0x0  }
0x472: {  	s12 =	simm.s32 $0x40;
	[sflag:s28] =	ssyncadd.s32 $0xFFFEE000  }
0x473: {  	[tilespmem:s12+$0xFFFFFFC0] =	vst v0  }
0x474: {  	[tilespmem:s12+$0x30] =	vst v0  }
0x475: {  	[tilespmem:s12+$0x20] =	vst v0  }
0x476: {  	[tilespmem:s12+$0x10] =	vst v0  }
0x477: {  	s14 =	sadd.s32 $0x90000, s14;
	[tilespmem:s12+$0x0] =	vst v0  }
0x478: {  	s14 =	sshrl.u32 s14, $0x3;
	[tilespmem:s12+$0xFFFFFFF0] =	vst v0  }
0x479: {  	s25 =	sadd.s32 s16, s14;
	s14 =	simm.s32 $0x0;
	[tilespmem:s12+$0xFFFFFFE0] =	vst v0  }
.LBB2_37:
0x47a: {  	s14 =	sadd.s32 $0x8, s14;
	[tilespmem:s12+$0xFFFFFFD0] =	vst v0;
	s12 =	sadd.s32 $0x80, s12  }
0x47b: {  	[tilespmem:s12+$0xFFFFFFC0] =	vst v0;
	p0 =	slt.u32 s14, $0x11F8  }
0x47c: {  	[tilespmem:s12+$0x30] =	vst v0  }
.Ltmp17:
0x47d: {  	[tilespmem:s12+$0x20] =	vst v0;
	(pc) =	sbr.rel @p0 .LBB2_37-.Ltmp17, $4  }
0x47e: {  	[tilespmem:s12+$0x10] =	vst v0  }
0x47f: {  	[tilespmem:s12+$0x0] =	vst v0  }
0x480: {  	[tilespmem:s12+$0xFFFFFFF0] =	vst v0  }
0x481: {  	[tilespmem:s12+$0xFFFFFFE0] =	vst v0  }
0x482: {  	[tilespmem:s12+$0xFFFFFFD0] =	vst v0  }
0x483: {  	s12 =	rddreg [dreg:$0xb]  }
0x484: {  	[tilespmem:s29], [sflag:$0x4] =	stream.strided.gather [hbm4b:s12+s8], $0x900, s9, s8, $0x38;
	[tilespmem:$0x1F800] =	vst v63  }
0x485: {  	_ =	swait.ge [sflag:s18], $0x900  }
0x486: {  	[sflag:s18] =	ssyncset.done $0x0  }
0x487: {  	s14 =	simm.s32 $0x12040;
	[sflag:s18] =	ssyncadd.s32 $0xFFFFF700  }
0x488: {  	v1 =	vld [tilespmem:s14+$0x30]  }
0x489: {  	v2 =	vld [tilespmem:s14+$0xFFFFFFD0]  }
0x48a: {  	v3 =	vld [tilespmem:s14+$0xFFFFFFE0]  }
0x48b: {  	v4 =	vld [tilespmem:s14+$0xFFFFFFF0]  }
0x48c: {  	v5 =	vld [tilespmem:s14+$0x0]  }
0x48d: {  	v6 =	vld [tilespmem:s14+$0x10]  }
0x48e: {  	s12 =	simm.s32 $0x1D440;
	v9 =	vld [tilespmem:s14+$0xFFFFFFC0]  }
0x48f: {  	v7 =	vld [tilespmem:s12+$0x30];
	vm0 =	vgt.s32 v1, $0x11FFF  }
0x490: {  	v8 =	vld [tilespmem:s14+$0x20];
	v1 =	vadd.s32 $0xFFFEE000, v1  }
0x491: {  	v10 =	vld [tilespmem:s12+$0xFFFFFFC0]  }
0x492: {  	v11 =	vld [tilespmem:s12+$0xFFFFFFD0]  }
0x493: {  	v63 =	vld [tilespmem:s12+$0xFFFFFFF0];
	vm2 =	vgt.s32 v9, $0x11FFF  }
0x494: {  	v12 =	vld [tilespmem:s12+$0x0];
	vm1 =	vgt.s32 v2, $0x11FFF;
	v9 =	vadd.s32 $0xFFFEE000, v9  }
0x495: {  	vm3 =	vgt.s32 v4, $0x11FFF;
	[tilespmem:v1+s2+$0x0] =	vst.idx.add.f32.msk vm0, v7;
	v1 =	vadd.s32 $0xFFFEE000, v2  }
0x496: {  	v13 =	vld [tilespmem:s12+$0x10];
	v4 =	vadd.s32 $0xFFFEE000, v4;
	vm4 =	vgt.s32 v5, $0x11FFF  }
0x497: {  	v14 =	vld [tilespmem:s12+$0x20];
	v5 =	vadd.s32 $0xFFFEE000, v5;
	vm5 =	vgt.s32 v6, $0x11FFF  }
0x498: {  	vm15 =	vgt.s32 v3, $0x11FFF;
	v6 =	vadd.s32 $0xFFFEE000, v6;
	v2 =	vld [tilespmem:s12+$0xFFFFFFE0]  }
0x499: {  	v3 =	vadd.s32 $0xFFFEE000, v3;
	vm6 =	vgt.s32 v8, $0x11FFF;
	[tilespmem:v9+s2+$0x0] =	vst.idx.add.f32.msk vm2, v10  }
0x49a: {  	[tilespmem:v1+s2+$0x0] =	vst.idx.add.f32.msk vm1, v11;
	v1 =	vadd.s32 $0xFFFEE000, v8  }
0x49b: {  	[tilespmem:v4+s2+$0x0] =	vst.idx.add.f32.msk vm3, v63  }
0x49c: {  	[tilespmem:v5+s2+$0x0] =	vst.idx.add.f32.msk vm4, v12  }
0x49d: {  	[tilespmem:v6+s2+$0x0] =	vst.idx.add.f32.msk vm5, v13  }
0x49e: {  	[tilespmem:v3+s2+$0x0] =	vst.idx.add.f32.msk vm15, v2  }
0x49f: {  	s16 =	simm.s32 $0x120C0;
	s14 =	simm.s32 $0x0;
	[tilespmem:v1+s2+$0x0] =	vst.idx.add.f32.msk vm6, v14  }
.LBB2_39:
0x4a0: {  	v1 =	vld [tilespmem:s16+$0x30];
	s14 =	sadd.s32 $0x8, s14  }
0x4a1: {  	v2 =	vld [tilespmem:s16+$0xFFFFFFD0];
	p0 =	slt.u32 s14, $0x88  }
0x4a2: {  	v3 =	vld [tilespmem:s16+$0xFFFFFFE0]  }
0x4a3: {  	v4 =	vld [tilespmem:s16+$0xFFFFFFF0]  }
0x4a4: {  	v5 =	vld [tilespmem:s16+$0x0]  }
0x4a5: {  	s12 =	sadd.s32 $0x80, s12;
	v6 =	vld [tilespmem:s16+$0x10];
	vm3 =	vgt.s32 v1, $0x11FFF  }
0x4a6: {  	v1 =	vadd.s32 $0xFFFEE000, v1;
	vm0 =	vgt.s32 v2, $0x11FFF;
	v2 =	vadd.s32 $0xFFFEE000, v2;
	v7 =	vld [tilespmem:s12+$0x30]  }
0x4a7: {  	vm1 =	vgt.s32 v3, $0x11FFF;
	v3 =	vadd.s32 $0xFFFEE000, v3;
	v8 =	vld [tilespmem:s16+$0x20]  }
0x4a8: {  	v9 =	vld [tilespmem:s16+$0xFFFFFFC0];
	vm2 =	vgt.s32 v4, $0x11FFF;
	v4 =	vadd.s32 $0xFFFEE000, v4  }
0x4a9: {  	v10 =	vld [tilespmem:s12+$0xFFFFFFC0];
	vm4 =	vgt.s32 v5, $0x11FFF;
	v5 =	vadd.s32 $0xFFFEE000, v5  }
0x4aa: {  	v11 =	vld [tilespmem:s12+$0xFFFFFFD0];
	vm5 =	vgt.s32 v6, $0x11FFF;
	v6 =	vadd.s32 $0xFFFEE000, v6  }
0x4ab: {  	[tilespmem:v1+s2+$0x0] =	vst.idx.add.f32.msk vm3, v7  }
0x4ac: {  	v1 =	vld [tilespmem:s12+$0xFFFFFFE0];
	vm3 =	vgt.s32 v8, $0x11FFF;
	v7 =	vadd.s32 $0xFFFEE000, v8  }
0x4ad: {  	vm6 =	vgt.s32 v9, $0x11FFF;
	v8 =	vadd.s32 $0xFFFEE000, v9;
	v9 =	vld [tilespmem:s12+$0xFFFFFFF0]  }
0x4ae: {  	v12 =	vld [tilespmem:s12+$0x0]  }
0x4af: {  	v13 =	vld [tilespmem:s12+$0x10]  }
0x4b0: {  	v14 =	vld [tilespmem:s12+$0x20]  }
0x4b1: {  	[tilespmem:v2+s2+$0x0] =	vst.idx.add.f32.msk vm0, v11  }
0x4b2: {  	[tilespmem:v3+s2+$0x0] =	vst.idx.add.f32.msk vm1, v1  }
.Ltmp18:
0x4b3: {  	[tilespmem:v8+s2+$0x0] =	vst.idx.add.f32.msk vm6, v10;
	(pc) =	sbr.rel @p0 .LBB2_39-.Ltmp18, $4  }
0x4b4: {  	[tilespmem:v4+s2+$0x0] =	vst.idx.add.f32.msk vm2, v9  }
0x4b5: {  	[tilespmem:v5+s2+$0x0] =	vst.idx.add.f32.msk vm4, v12  }
0x4b6: {  	[tilespmem:v6+s2+$0x0] =	vst.idx.add.f32.msk vm5, v13  }
0x4b7: {  	s16 =	sadd.s32 $0x80, s16;
	[tilespmem:v7+s2+$0x0] =	vst.idx.add.f32.msk vm3, v14  }
0x4b8: {  	s16 =	simm.s32 $0x1D400  }
0x4b9: {  	[tilespmem:s16], [sflag:$0x1] =	stream.strided.gather [hbm4b:s0+s8], $0x900, s9, s8, $0x38;
	[tilespmem:$0x1F800] =	vst v63  }
0x4ba: {  	_ =	swait.ge [sflag:s19], $0x900  }
0x4bb: {  	[sflag:s19] =	ssyncset.done $0x0  }
0x4bc: {  	s12 =	simm.s32 $0x12970;
	[sflag:s19] =	ssyncadd.s32 $0xFFFFF700  }
0x4bd: {  	v1 =	vld [tilespmem:s12+$0x0]  }
0x4be: {  	v2 =	vld [tilespmem:s12+$0xFFFFFFA0]  }
0x4bf: {  	v3 =	vld [tilespmem:s12+$0xFFFFFFB0]  }
0x4c0: {  	v4 =	vld [tilespmem:s12+$0xFFFFFFC0]  }
0x4c1: {  	v5 =	vld [tilespmem:s12+$0xFFFFFFD0]  }
0x4c2: {  	v6 =	vld [tilespmem:s12+$0xFFFFFFE0]  }
0x4c3: {  	s0 =	simm.s32 $0x1DD40;
	v9 =	vld [tilespmem:s12+$0xFFFFFF90]  }
0x4c4: {  	v7 =	vld [tilespmem:s0+$0x30];
	vm0 =	vgt.s32 v1, $0x11FFF  }
0x4c5: {  	v8 =	vld [tilespmem:s12+$0xFFFFFFF0];
	v1 =	vadd.s32 $0xFFFEE000, v1  }
0x4c6: {  	v10 =	vld [tilespmem:s0+$0xFFFFFFC0]  }
0x4c7: {  	v11 =	vld [tilespmem:s0+$0xFFFFFFD0]  }
0x4c8: {  	v63 =	vld [tilespmem:s0+$0xFFFFFFF0];
	vm2 =	vgt.s32 v9, $0x11FFF  }
0x4c9: {  	v12 =	vld [tilespmem:s0+$0x0];
	vm1 =	vgt.s32 v2, $0x11FFF;
	v9 =	vadd.s32 $0xFFFEE000, v9  }
0x4ca: {  	vm3 =	vgt.s32 v4, $0x11FFF;
	[tilespmem:v1+s2+$0x0] =	vst.idx.add.f32.msk vm0, v7;
	v1 =	vadd.s32 $0xFFFEE000, v2  }
0x4cb: {  	v13 =	vld [tilespmem:s0+$0x10];
	v4 =	vadd.s32 $0xFFFEE000, v4;
	vm4 =	vgt.s32 v5, $0x11FFF  }
0x4cc: {  	v14 =	vld [tilespmem:s0+$0x20];
	v5 =	vadd.s32 $0xFFFEE000, v5;
	vm5 =	vgt.s32 v6, $0x11FFF  }
0x4cd: {  	vm15 =	vgt.s32 v3, $0x11FFF;
	v6 =	vadd.s32 $0xFFFEE000, v6;
	v2 =	vld [tilespmem:s0+$0xFFFFFFE0]  }
0x4ce: {  	v3 =	vadd.s32 $0xFFFEE000, v3;
	vm6 =	vgt.s32 v8, $0x11FFF;
	[tilespmem:v9+s2+$0x0] =	vst.idx.add.f32.msk vm2, v10  }
0x4cf: {  	[tilespmem:v1+s2+$0x0] =	vst.idx.add.f32.msk vm1, v11;
	v1 =	vadd.s32 $0xFFFEE000, v8  }
0x4d0: {  	[tilespmem:v4+s2+$0x0] =	vst.idx.add.f32.msk vm3, v63  }
0x4d1: {  	[tilespmem:v5+s2+$0x0] =	vst.idx.add.f32.msk vm4, v12  }
0x4d2: {  	[tilespmem:v6+s2+$0x0] =	vst.idx.add.f32.msk vm5, v13  }
0x4d3: {  	[tilespmem:v3+s2+$0x0] =	vst.idx.add.f32.msk vm15, v2  }
0x4d4: {  	s14 =	simm.s32 $0x129F0;
	s12 =	simm.s32 $0x0;
	[tilespmem:v1+s2+$0x0] =	vst.idx.add.f32.msk vm6, v14  }
.LBB2_41:
0x4d5: {  	v1 =	vld [tilespmem:s14+$0x0];
	s12 =	sadd.s32 $0x8, s12  }
0x4d6: {  	v2 =	vld [tilespmem:s14+$0xFFFFFFA0];
	p0 =	slt.u32 s12, $0x88  }
0x4d7: {  	v3 =	vld [tilespmem:s14+$0xFFFFFFB0]  }
0x4d8: {  	v4 =	vld [tilespmem:s14+$0xFFFFFFC0]  }
0x4d9: {  	v5 =	vld [tilespmem:s14+$0xFFFFFFD0]  }
0x4da: {  	s0 =	sadd.s32 $0x80, s0;
	v6 =	vld [tilespmem:s14+$0xFFFFFFE0];
	vm3 =	vgt.s32 v1, $0x11FFF  }
0x4db: {  	v1 =	vadd.s32 $0xFFFEE000, v1;
	vm0 =	vgt.s32 v2, $0x11FFF;
	v2 =	vadd.s32 $0xFFFEE000, v2;
	v7 =	vld [tilespmem:s0+$0x30]  }
0x4dc: {  	vm1 =	vgt.s32 v3, $0x11FFF;
	v3 =	vadd.s32 $0xFFFEE000, v3;
	v8 =	vld [tilespmem:s14+$0xFFFFFFF0]  }
0x4dd: {  	v9 =	vld [tilespmem:s14+$0xFFFFFF90];
	vm2 =	vgt.s32 v4, $0x11FFF;
	v4 =	vadd.s32 $0xFFFEE000, v4  }
0x4de: {  	v10 =	vld [tilespmem:s0+$0xFFFFFFC0];
	vm4 =	vgt.s32 v5, $0x11FFF;
	v5 =	vadd.s32 $0xFFFEE000, v5  }
0x4df: {  	v11 =	vld [tilespmem:s0+$0xFFFFFFD0];
	vm5 =	vgt.s32 v6, $0x11FFF;
	v6 =	vadd.s32 $0xFFFEE000, v6  }
0x4e0: {  	[tilespmem:v1+s2+$0x0] =	vst.idx.add.f32.msk vm3, v7  }
0x4e1: {  	v1 =	vld [tilespmem:s0+$0xFFFFFFE0];
	vm3 =	vgt.s32 v8, $0x11FFF;
	v7 =	vadd.s32 $0xFFFEE000, v8  }
0x4e2: {  	vm6 =	vgt.s32 v9, $0x11FFF;
	v8 =	vadd.s32 $0xFFFEE000, v9;
	v9 =	vld [tilespmem:s0+$0xFFFFFFF0]  }
0x4e3: {  	v12 =	vld [tilespmem:s0+$0x0]  }
0x4e4: {  	v13 =	vld [tilespmem:s0+$0x10]  }
0x4e5: {  	v14 =	vld [tilespmem:s0+$0x20]  }
0x4e6: {  	[tilespmem:v2+s2+$0x0] =	vst.idx.add.f32.msk vm0, v11  }
0x4e7: {  	[tilespmem:v3+s2+$0x0] =	vst.idx.add.f32.msk vm1, v1  }
.Ltmp19:
0x4e8: {  	[tilespmem:v8+s2+$0x0] =	vst.idx.add.f32.msk vm6, v10;
	(pc) =	sbr.rel @p0 .LBB2_41-.Ltmp19, $4  }
0x4e9: {  	[tilespmem:v4+s2+$0x0] =	vst.idx.add.f32.msk vm2, v9  }
0x4ea: {  	[tilespmem:v5+s2+$0x0] =	vst.idx.add.f32.msk vm4, v12  }
0x4eb: {  	[tilespmem:v6+s2+$0x0] =	vst.idx.add.f32.msk vm5, v13  }
0x4ec: {  	s14 =	sadd.s32 $0x80, s14;
	[tilespmem:v7+s2+$0x0] =	vst.idx.add.f32.msk vm3, v14  }
0x4ed: {  	s14 =	simm.s32 $0x1DD00  }
0x4ee: {  	[tilespmem:s14], [sflag:$0x2] =	stream.strided.gather [hbm4b:s3+s8], $0x900, s9, s8, $0x38;
	[tilespmem:$0x1F800] =	vst v63  }
0x4ef: {  	_ =	swait.ge [sflag:s20], $0x900  }
0x4f0: {  	[sflag:s20] =	ssyncset.done $0x0  }
0x4f1: {  	s28 =	simm.s32 $0x13270;
	[sflag:s20] =	ssyncadd.s32 $0xFFFFF700  }
0x4f2: {  	v1 =	vld [tilespmem:s28+$0x0]  }
0x4f3: {  	v2 =	vld [tilespmem:s28+$0xFFFFFFA0]  }
0x4f4: {  	v3 =	vld [tilespmem:s28+$0xFFFFFFB0]  }
0x4f5: {  	v4 =	vld [tilespmem:s28+$0xFFFFFFC0]  }
0x4f6: {  	v5 =	vld [tilespmem:s28+$0xFFFFFFD0]  }
0x4f7: {  	v6 =	vld [tilespmem:s28+$0xFFFFFFE0]  }
0x4f8: {  	s0 =	simm.s32 $0x1E640;
	v9 =	vld [tilespmem:s28+$0xFFFFFF90]  }
0x4f9: {  	v7 =	vld [tilespmem:s0+$0x30];
	vm0 =	vgt.s32 v1, $0x11FFF  }
0x4fa: {  	v8 =	vld [tilespmem:s28+$0xFFFFFFF0];
	v1 =	vadd.s32 $0xFFFEE000, v1  }
0x4fb: {  	v10 =	vld [tilespmem:s0+$0xFFFFFFC0]  }
0x4fc: {  	v11 =	vld [tilespmem:s0+$0xFFFFFFD0]  }
0x4fd: {  	v63 =	vld [tilespmem:s0+$0xFFFFFFF0];
	vm2 =	vgt.s32 v9, $0x11FFF  }
0x4fe: {  	v12 =	vld [tilespmem:s0+$0x0];
	vm1 =	vgt.s32 v2, $0x11FFF;
	v9 =	vadd.s32 $0xFFFEE000, v9  }
0x4ff: {  	vm3 =	vgt.s32 v4, $0x11FFF;
	[tilespmem:v1+s2+$0x0] =	vst.idx.add.f32.msk vm0, v7;
	v1 =	vadd.s32 $0xFFFEE000, v2  }
0x500: {  	v13 =	vld [tilespmem:s0+$0x10];
	v4 =	vadd.s32 $0xFFFEE000, v4;
	vm4 =	vgt.s32 v5, $0x11FFF  }
0x501: {  	v14 =	vld [tilespmem:s0+$0x20];
	v5 =	vadd.s32 $0xFFFEE000, v5;
	vm5 =	vgt.s32 v6, $0x11FFF  }
0x502: {  	vm15 =	vgt.s32 v3, $0x11FFF;
	v6 =	vadd.s32 $0xFFFEE000, v6;
	v2 =	vld [tilespmem:s0+$0xFFFFFFE0]  }
0x503: {  	v3 =	vadd.s32 $0xFFFEE000, v3;
	vm6 =	vgt.s32 v8, $0x11FFF;
	[tilespmem:v9+s2+$0x0] =	vst.idx.add.f32.msk vm2, v10  }
0x504: {  	[tilespmem:v1+s2+$0x0] =	vst.idx.add.f32.msk vm1, v11;
	v1 =	vadd.s32 $0xFFFEE000, v8  }
0x505: {  	[tilespmem:v4+s2+$0x0] =	vst.idx.add.f32.msk vm3, v63  }
0x506: {  	[tilespmem:v5+s2+$0x0] =	vst.idx.add.f32.msk vm4, v12  }
0x507: {  	[tilespmem:v6+s2+$0x0] =	vst.idx.add.f32.msk vm5, v13  }
0x508: {  	[tilespmem:v3+s2+$0x0] =	vst.idx.add.f32.msk vm15, v2  }
0x509: {  	s12 =	simm.s32 $0x132F0;
	s3 =	simm.s32 $0x0;
	[tilespmem:v1+s2+$0x0] =	vst.idx.add.f32.msk vm6, v14  }
.LBB2_43:
0x50a: {  	v1 =	vld [tilespmem:s12+$0x0];
	s3 =	sadd.s32 $0x8, s3  }
0x50b: {  	v2 =	vld [tilespmem:s12+$0xFFFFFFA0];
	p0 =	slt.u32 s3, $0x88  }
0x50c: {  	v3 =	vld [tilespmem:s12+$0xFFFFFFB0]  }
0x50d: {  	v4 =	vld [tilespmem:s12+$0xFFFFFFC0]  }
0x50e: {  	v5 =	vld [tilespmem:s12+$0xFFFFFFD0]  }
0x50f: {  	s0 =	sadd.s32 $0x80, s0;
	v6 =	vld [tilespmem:s12+$0xFFFFFFE0];
	vm3 =	vgt.s32 v1, $0x11FFF  }
0x510: {  	v1 =	vadd.s32 $0xFFFEE000, v1;
	vm0 =	vgt.s32 v2, $0x11FFF;
	v2 =	vadd.s32 $0xFFFEE000, v2;
	v7 =	vld [tilespmem:s0+$0x30]  }
0x511: {  	vm1 =	vgt.s32 v3, $0x11FFF;
	v3 =	vadd.s32 $0xFFFEE000, v3;
	v8 =	vld [tilespmem:s12+$0xFFFFFFF0]  }
0x512: {  	v9 =	vld [tilespmem:s12+$0xFFFFFF90];
	vm2 =	vgt.s32 v4, $0x11FFF;
	v4 =	vadd.s32 $0xFFFEE000, v4  }
0x513: {  	v10 =	vld [tilespmem:s0+$0xFFFFFFC0];
	vm4 =	vgt.s32 v5, $0x11FFF;
	v5 =	vadd.s32 $0xFFFEE000, v5  }
0x514: {  	v11 =	vld [tilespmem:s0+$0xFFFFFFD0];
	vm5 =	vgt.s32 v6, $0x11FFF;
	v6 =	vadd.s32 $0xFFFEE000, v6  }
0x515: {  	[tilespmem:v1+s2+$0x0] =	vst.idx.add.f32.msk vm3, v7  }
0x516: {  	v1 =	vld [tilespmem:s0+$0xFFFFFFE0];
	vm3 =	vgt.s32 v8, $0x11FFF;
	v7 =	vadd.s32 $0xFFFEE000, v8  }
0x517: {  	vm6 =	vgt.s32 v9, $0x11FFF;
	v8 =	vadd.s32 $0xFFFEE000, v9;
	v9 =	vld [tilespmem:s0+$0xFFFFFFF0]  }
0x518: {  	v12 =	vld [tilespmem:s0+$0x0]  }
0x519: {  	v13 =	vld [tilespmem:s0+$0x10]  }
0x51a: {  	v14 =	vld [tilespmem:s0+$0x20]  }
0x51b: {  	[tilespmem:v2+s2+$0x0] =	vst.idx.add.f32.msk vm0, v11  }
0x51c: {  	[tilespmem:v3+s2+$0x0] =	vst.idx.add.f32.msk vm1, v1  }
.Ltmp20:
0x51d: {  	[tilespmem:v8+s2+$0x0] =	vst.idx.add.f32.msk vm6, v10;
	(pc) =	sbr.rel @p0 .LBB2_43-.Ltmp20, $4  }
0x51e: {  	[tilespmem:v4+s2+$0x0] =	vst.idx.add.f32.msk vm2, v9  }
0x51f: {  	[tilespmem:v5+s2+$0x0] =	vst.idx.add.f32.msk vm4, v12  }
0x520: {  	[tilespmem:v6+s2+$0x0] =	vst.idx.add.f32.msk vm5, v13  }
0x521: {  	s12 =	sadd.s32 $0x80, s12;
	[tilespmem:v7+s2+$0x0] =	vst.idx.add.f32.msk vm3, v14  }
0x522: {  	[tilespmem:s26], [sflag:$0x3] =	stream.strided.gather [hbm4b:s7+s8], $0x900, s9, s8, $0x38;
	[tilespmem:$0x1F800] =	vst v63  }
0x523: {  	_ =	swait.ge [sflag:s21], $0x900  }
0x524: {  	[sflag:s21] =	ssyncset.done $0x0  }
0x525: {  	s3 =	simm.s32 $0x13B70;
	[sflag:s21] =	ssyncadd.s32 $0xFFFFF700  }
0x526: {  	v1 =	vld [tilespmem:s3+$0x0]  }
0x527: {  	v2 =	vld [tilespmem:s3+$0xFFFFFFA0]  }
0x528: {  	v3 =	vld [tilespmem:s3+$0xFFFFFFB0]  }
0x529: {  	v4 =	vld [tilespmem:s3+$0xFFFFFFC0]  }
0x52a: {  	v5 =	vld [tilespmem:s3+$0xFFFFFFD0]  }
0x52b: {  	v6 =	vld [tilespmem:s3+$0xFFFFFFE0]  }
0x52c: {  	s0 =	simm.s32 $0x1EF40;
	v9 =	vld [tilespmem:s3+$0xFFFFFF90]  }
0x52d: {  	v7 =	vld [tilespmem:s0+$0x30];
	vm0 =	vgt.s32 v1, $0x11FFF  }
0x52e: {  	v8 =	vld [tilespmem:s3+$0xFFFFFFF0];
	v1 =	vadd.s32 $0xFFFEE000, v1  }
0x52f: {  	v10 =	vld [tilespmem:s0+$0xFFFFFFC0]  }
0x530: {  	v11 =	vld [tilespmem:s0+$0xFFFFFFD0]  }
0x531: {  	v63 =	vld [tilespmem:s0+$0xFFFFFFF0];
	vm2 =	vgt.s32 v9, $0x11FFF  }
0x532: {  	v12 =	vld [tilespmem:s0+$0x0];
	vm1 =	vgt.s32 v2, $0x11FFF;
	v9 =	vadd.s32 $0xFFFEE000, v9  }
0x533: {  	vm3 =	vgt.s32 v4, $0x11FFF;
	[tilespmem:v1+s2+$0x0] =	vst.idx.add.f32.msk vm0, v7;
	v1 =	vadd.s32 $0xFFFEE000, v2  }
0x534: {  	v13 =	vld [tilespmem:s0+$0x10];
	v4 =	vadd.s32 $0xFFFEE000, v4;
	vm4 =	vgt.s32 v5, $0x11FFF  }
0x535: {  	v14 =	vld [tilespmem:s0+$0x20];
	v5 =	vadd.s32 $0xFFFEE000, v5;
	vm5 =	vgt.s32 v6, $0x11FFF  }
0x536: {  	vm15 =	vgt.s32 v3, $0x11FFF;
	v6 =	vadd.s32 $0xFFFEE000, v6;
	v2 =	vld [tilespmem:s0+$0xFFFFFFE0]  }
0x537: {  	v3 =	vadd.s32 $0xFFFEE000, v3;
	vm6 =	vgt.s32 v8, $0x11FFF;
	[tilespmem:v9+s2+$0x0] =	vst.idx.add.f32.msk vm2, v10  }
0x538: {  	[tilespmem:v1+s2+$0x0] =	vst.idx.add.f32.msk vm1, v11;
	v1 =	vadd.s32 $0xFFFEE000, v8  }
0x539: {  	[tilespmem:v4+s2+$0x0] =	vst.idx.add.f32.msk vm3, v63  }
0x53a: {  	[tilespmem:v5+s2+$0x0] =	vst.idx.add.f32.msk vm4, v12  }
0x53b: {  	[tilespmem:v6+s2+$0x0] =	vst.idx.add.f32.msk vm5, v13  }
0x53c: {  	[tilespmem:v3+s2+$0x0] =	vst.idx.add.f32.msk vm15, v2  }
0x53d: {  	s7 =	simm.s32 $0x13BF0;
	s3 =	simm.s32 $0x0;
	[tilespmem:v1+s2+$0x0] =	vst.idx.add.f32.msk vm6, v14  }
.LBB2_45:
0x53e: {  	v1 =	vld [tilespmem:s7+$0x0];
	s3 =	sadd.s32 $0x8, s3  }
0x53f: {  	v2 =	vld [tilespmem:s7+$0xFFFFFFA0];
	p0 =	slt.u32 s3, $0x88  }
0x540: {  	v3 =	vld [tilespmem:s7+$0xFFFFFFB0]  }
0x541: {  	v4 =	vld [tilespmem:s7+$0xFFFFFFC0]  }
0x542: {  	v5 =	vld [tilespmem:s7+$0xFFFFFFD0]  }
0x543: {  	s0 =	sadd.s32 $0x80, s0;
	v6 =	vld [tilespmem:s7+$0xFFFFFFE0];
	vm3 =	vgt.s32 v1, $0x11FFF  }
0x544: {  	v1 =	vadd.s32 $0xFFFEE000, v1;
	vm0 =	vgt.s32 v2, $0x11FFF;
	v2 =	vadd.s32 $0xFFFEE000, v2;
	v7 =	vld [tilespmem:s0+$0x30]  }
0x545: {  	vm1 =	vgt.s32 v3, $0x11FFF;
	v3 =	vadd.s32 $0xFFFEE000, v3;
	v8 =	vld [tilespmem:s7+$0xFFFFFFF0]  }
0x546: {  	v9 =	vld [tilespmem:s7+$0xFFFFFF90];
	vm2 =	vgt.s32 v4, $0x11FFF;
	v4 =	vadd.s32 $0xFFFEE000, v4  }
0x547: {  	v10 =	vld [tilespmem:s0+$0xFFFFFFC0];
	vm4 =	vgt.s32 v5, $0x11FFF;
	v5 =	vadd.s32 $0xFFFEE000, v5  }
0x548: {  	v11 =	vld [tilespmem:s0+$0xFFFFFFD0];
	vm5 =	vgt.s32 v6, $0x11FFF;
	v6 =	vadd.s32 $0xFFFEE000, v6  }
0x549: {  	[tilespmem:v1+s2+$0x0] =	vst.idx.add.f32.msk vm3, v7  }
0x54a: {  	v1 =	vld [tilespmem:s0+$0xFFFFFFE0];
	vm3 =	vgt.s32 v8, $0x11FFF;
	v7 =	vadd.s32 $0xFFFEE000, v8  }
0x54b: {  	vm6 =	vgt.s32 v9, $0x11FFF;
	v8 =	vadd.s32 $0xFFFEE000, v9;
	v9 =	vld [tilespmem:s0+$0xFFFFFFF0]  }
0x54c: {  	v12 =	vld [tilespmem:s0+$0x0]  }
0x54d: {  	v13 =	vld [tilespmem:s0+$0x10]  }
0x54e: {  	v14 =	vld [tilespmem:s0+$0x20]  }
0x54f: {  	[tilespmem:v2+s2+$0x0] =	vst.idx.add.f32.msk vm0, v11  }
0x550: {  	[tilespmem:v3+s2+$0x0] =	vst.idx.add.f32.msk vm1, v1  }
.Ltmp21:
0x551: {  	[tilespmem:v8+s2+$0x0] =	vst.idx.add.f32.msk vm6, v10;
	(pc) =	sbr.rel @p0 .LBB2_45-.Ltmp21, $4  }
0x552: {  	[tilespmem:v4+s2+$0x0] =	vst.idx.add.f32.msk vm2, v9  }
0x553: {  	[tilespmem:v5+s2+$0x0] =	vst.idx.add.f32.msk vm4, v12  }
0x554: {  	[tilespmem:v6+s2+$0x0] =	vst.idx.add.f32.msk vm5, v13  }
0x555: {  	s7 =	sadd.s32 $0x80, s7;
	[tilespmem:v7+s2+$0x0] =	vst.idx.add.f32.msk vm3, v14  }
0x556: {  	[tilespmem:s29], [sflag:$0x4] =	stream.strided.gather [hbm4b:s23+s8], $0x900, s9, s8, $0x38;
	[tilespmem:$0x1F800] =	vst v63  }
0x557: {  	_ =	swait.ge [sflag:s18], $0x900  }
0x558: {  	[sflag:s18] =	ssyncset.done $0x0  }
0x559: {  	s3 =	simm.s32 $0x14470;
	[sflag:s18] =	ssyncadd.s32 $0xFFFFF700  }
0x55a: {  	v1 =	vld [tilespmem:s3+$0x0]  }
0x55b: {  	v2 =	vld [tilespmem:s3+$0xFFFFFFA0]  }
0x55c: {  	v3 =	vld [tilespmem:s3+$0xFFFFFFB0]  }
0x55d: {  	v4 =	vld [tilespmem:s3+$0xFFFFFFC0]  }
0x55e: {  	v5 =	vld [tilespmem:s3+$0xFFFFFFD0]  }
0x55f: {  	v6 =	vld [tilespmem:s3+$0xFFFFFFE0]  }
0x560: {  	s0 =	simm.s32 $0x1D440;
	v9 =	vld [tilespmem:s3+$0xFFFFFF90]  }
0x561: {  	v7 =	vld [tilespmem:s0+$0x30];
	vm0 =	vgt.s32 v1, $0x11FFF  }
0x562: {  	v8 =	vld [tilespmem:s3+$0xFFFFFFF0];
	v1 =	vadd.s32 $0xFFFEE000, v1  }
0x563: {  	v10 =	vld [tilespmem:s0+$0xFFFFFFC0]  }
0x564: {  	v11 =	vld [tilespmem:s0+$0xFFFFFFD0]  }
0x565: {  	v63 =	vld [tilespmem:s0+$0xFFFFFFF0];
	vm2 =	vgt.s32 v9, $0x11FFF  }
0x566: {  	v12 =	vld [tilespmem:s0+$0x0];
	vm1 =	vgt.s32 v2, $0x11FFF;
	v9 =	vadd.s32 $0xFFFEE000, v9  }
0x567: {  	vm3 =	vgt.s32 v4, $0x11FFF;
	[tilespmem:v1+s2+$0x0] =	vst.idx.add.f32.msk vm0, v7;
	v1 =	vadd.s32 $0xFFFEE000, v2  }
0x568: {  	v13 =	vld [tilespmem:s0+$0x10];
	v4 =	vadd.s32 $0xFFFEE000, v4;
	vm4 =	vgt.s32 v5, $0x11FFF  }
0x569: {  	v14 =	vld [tilespmem:s0+$0x20];
	v5 =	vadd.s32 $0xFFFEE000, v5;
	vm5 =	vgt.s32 v6, $0x11FFF  }
0x56a: {  	vm15 =	vgt.s32 v3, $0x11FFF;
	v6 =	vadd.s32 $0xFFFEE000, v6;
	v2 =	vld [tilespmem:s0+$0xFFFFFFE0]  }
0x56b: {  	v3 =	vadd.s32 $0xFFFEE000, v3;
	vm6 =	vgt.s32 v8, $0x11FFF;
	[tilespmem:v9+s2+$0x0] =	vst.idx.add.f32.msk vm2, v10  }
0x56c: {  	[tilespmem:v1+s2+$0x0] =	vst.idx.add.f32.msk vm1, v11;
	v1 =	vadd.s32 $0xFFFEE000, v8  }
0x56d: {  	[tilespmem:v4+s2+$0x0] =	vst.idx.add.f32.msk vm3, v63  }
0x56e: {  	[tilespmem:v5+s2+$0x0] =	vst.idx.add.f32.msk vm4, v12  }
0x56f: {  	[tilespmem:v6+s2+$0x0] =	vst.idx.add.f32.msk vm5, v13  }
0x570: {  	[tilespmem:v3+s2+$0x0] =	vst.idx.add.f32.msk vm15, v2  }
0x571: {  	s7 =	simm.s32 $0x144F0;
	s3 =	simm.s32 $0x0;
	[tilespmem:v1+s2+$0x0] =	vst.idx.add.f32.msk vm6, v14  }
.LBB2_47:
0x572: {  	v1 =	vld [tilespmem:s7+$0x0];
	s3 =	sadd.s32 $0x8, s3  }
0x573: {  	v2 =	vld [tilespmem:s7+$0xFFFFFFA0];
	p0 =	slt.u32 s3, $0x88  }
0x574: {  	v3 =	vld [tilespmem:s7+$0xFFFFFFB0]  }
0x575: {  	v4 =	vld [tilespmem:s7+$0xFFFFFFC0]  }
0x576: {  	v5 =	vld [tilespmem:s7+$0xFFFFFFD0]  }
0x577: {  	s0 =	sadd.s32 $0x80, s0;
	v6 =	vld [tilespmem:s7+$0xFFFFFFE0];
	vm3 =	vgt.s32 v1, $0x11FFF  }
0x578: {  	v1 =	vadd.s32 $0xFFFEE000, v1;
	vm0 =	vgt.s32 v2, $0x11FFF;
	v2 =	vadd.s32 $0xFFFEE000, v2;
	v7 =	vld [tilespmem:s0+$0x30]  }
0x579: {  	vm1 =	vgt.s32 v3, $0x11FFF;
	v3 =	vadd.s32 $0xFFFEE000, v3;
	v8 =	vld [tilespmem:s7+$0xFFFFFFF0]  }
0x57a: {  	v9 =	vld [tilespmem:s7+$0xFFFFFF90];
	vm2 =	vgt.s32 v4, $0x11FFF;
	v4 =	vadd.s32 $0xFFFEE000, v4  }
0x57b: {  	v10 =	vld [tilespmem:s0+$0xFFFFFFC0];
	vm4 =	vgt.s32 v5, $0x11FFF;
	v5 =	vadd.s32 $0xFFFEE000, v5  }
0x57c: {  	v11 =	vld [tilespmem:s0+$0xFFFFFFD0];
	vm5 =	vgt.s32 v6, $0x11FFF;
	v6 =	vadd.s32 $0xFFFEE000, v6  }
0x57d: {  	[tilespmem:v1+s2+$0x0] =	vst.idx.add.f32.msk vm3, v7  }
0x57e: {  	v1 =	vld [tilespmem:s0+$0xFFFFFFE0];
	vm3 =	vgt.s32 v8, $0x11FFF;
	v7 =	vadd.s32 $0xFFFEE000, v8  }
0x57f: {  	vm6 =	vgt.s32 v9, $0x11FFF;
	v8 =	vadd.s32 $0xFFFEE000, v9;
	v9 =	vld [tilespmem:s0+$0xFFFFFFF0]  }
0x580: {  	v12 =	vld [tilespmem:s0+$0x0]  }
0x581: {  	v13 =	vld [tilespmem:s0+$0x10]  }
0x582: {  	v14 =	vld [tilespmem:s0+$0x20]  }
0x583: {  	[tilespmem:v2+s2+$0x0] =	vst.idx.add.f32.msk vm0, v11  }
0x584: {  	[tilespmem:v3+s2+$0x0] =	vst.idx.add.f32.msk vm1, v1  }
.Ltmp22:
0x585: {  	[tilespmem:v8+s2+$0x0] =	vst.idx.add.f32.msk vm6, v10;
	(pc) =	sbr.rel @p0 .LBB2_47-.Ltmp22, $4  }
0x586: {  	[tilespmem:v4+s2+$0x0] =	vst.idx.add.f32.msk vm2, v9  }
0x587: {  	[tilespmem:v5+s2+$0x0] =	vst.idx.add.f32.msk vm4, v12  }
0x588: {  	[tilespmem:v6+s2+$0x0] =	vst.idx.add.f32.msk vm5, v13  }
0x589: {  	s7 =	sadd.s32 $0x80, s7;
	[tilespmem:v7+s2+$0x0] =	vst.idx.add.f32.msk vm3, v14  }
0x58a: {  	[tilespmem:s16], [sflag:$0x1] =	stream.strided.gather [hbm4b:s6+s8], $0x900, s9, s8, $0x38;
	[tilespmem:$0x1F800] =	vst v63  }
0x58b: {  	_ =	swait.ge [sflag:s19], $0x900  }
0x58c: {  	[sflag:s19] =	ssyncset.done $0x0  }
0x58d: {  	s3 =	simm.s32 $0x14D70;
	[sflag:s19] =	ssyncadd.s32 $0xFFFFF700  }
0x58e: {  	v1 =	vld [tilespmem:s3+$0x0]  }
0x58f: {  	v2 =	vld [tilespmem:s3+$0xFFFFFFA0]  }
0x590: {  	v3 =	vld [tilespmem:s3+$0xFFFFFFB0]  }
0x591: {  	v4 =	vld [tilespmem:s3+$0xFFFFFFC0]  }
0x592: {  	v5 =	vld [tilespmem:s3+$0xFFFFFFD0]  }
0x593: {  	v6 =	vld [tilespmem:s3+$0xFFFFFFE0]  }
0x594: {  	s0 =	simm.s32 $0x1DD40;
	v9 =	vld [tilespmem:s3+$0xFFFFFF90]  }
0x595: {  	v7 =	vld [tilespmem:s0+$0x30];
	vm0 =	vgt.s32 v1, $0x11FFF  }
0x596: {  	v8 =	vld [tilespmem:s3+$0xFFFFFFF0];
	v1 =	vadd.s32 $0xFFFEE000, v1  }
0x597: {  	v10 =	vld [tilespmem:s0+$0xFFFFFFC0]  }
0x598: {  	v11 =	vld [tilespmem:s0+$0xFFFFFFD0]  }
0x599: {  	v63 =	vld [tilespmem:s0+$0xFFFFFFF0];
	vm2 =	vgt.s32 v9, $0x11FFF  }
0x59a: {  	v12 =	vld [tilespmem:s0+$0x0];
	vm1 =	vgt.s32 v2, $0x11FFF;
	v9 =	vadd.s32 $0xFFFEE000, v9  }
0x59b: {  	vm3 =	vgt.s32 v4, $0x11FFF;
	[tilespmem:v1+s2+$0x0] =	vst.idx.add.f32.msk vm0, v7;
	v1 =	vadd.s32 $0xFFFEE000, v2  }
0x59c: {  	v13 =	vld [tilespmem:s0+$0x10];
	v4 =	vadd.s32 $0xFFFEE000, v4;
	vm4 =	vgt.s32 v5, $0x11FFF  }
0x59d: {  	v14 =	vld [tilespmem:s0+$0x20];
	v5 =	vadd.s32 $0xFFFEE000, v5;
	vm5 =	vgt.s32 v6, $0x11FFF  }
0x59e: {  	vm15 =	vgt.s32 v3, $0x11FFF;
	v6 =	vadd.s32 $0xFFFEE000, v6;
	v2 =	vld [tilespmem:s0+$0xFFFFFFE0]  }
0x59f: {  	v3 =	vadd.s32 $0xFFFEE000, v3;
	vm6 =	vgt.s32 v8, $0x11FFF;
	[tilespmem:v9+s2+$0x0] =	vst.idx.add.f32.msk vm2, v10  }
0x5a0: {  	[tilespmem:v1+s2+$0x0] =	vst.idx.add.f32.msk vm1, v11;
	v1 =	vadd.s32 $0xFFFEE000, v8  }
0x5a1: {  	[tilespmem:v4+s2+$0x0] =	vst.idx.add.f32.msk vm3, v63  }
0x5a2: {  	[tilespmem:v5+s2+$0x0] =	vst.idx.add.f32.msk vm4, v12  }
0x5a3: {  	[tilespmem:v6+s2+$0x0] =	vst.idx.add.f32.msk vm5, v13  }
0x5a4: {  	[tilespmem:v3+s2+$0x0] =	vst.idx.add.f32.msk vm15, v2  }
0x5a5: {  	s6 =	simm.s32 $0x14DF0;
	s3 =	simm.s32 $0x0;
	[tilespmem:v1+s2+$0x0] =	vst.idx.add.f32.msk vm6, v14  }
.LBB2_49:
0x5a6: {  	v1 =	vld [tilespmem:s6+$0x0];
	s3 =	sadd.s32 $0x8, s3  }
0x5a7: {  	v2 =	vld [tilespmem:s6+$0xFFFFFFA0];
	p0 =	slt.u32 s3, $0x88  }
0x5a8: {  	v3 =	vld [tilespmem:s6+$0xFFFFFFB0]  }
0x5a9: {  	v4 =	vld [tilespmem:s6+$0xFFFFFFC0]  }
0x5aa: {  	v5 =	vld [tilespmem:s6+$0xFFFFFFD0]  }
0x5ab: {  	s0 =	sadd.s32 $0x80, s0;
	v6 =	vld [tilespmem:s6+$0xFFFFFFE0];
	vm3 =	vgt.s32 v1, $0x11FFF  }
0x5ac: {  	v1 =	vadd.s32 $0xFFFEE000, v1;
	vm0 =	vgt.s32 v2, $0x11FFF;
	v2 =	vadd.s32 $0xFFFEE000, v2;
	v7 =	vld [tilespmem:s0+$0x30]  }
0x5ad: {  	vm1 =	vgt.s32 v3, $0x11FFF;
	v3 =	vadd.s32 $0xFFFEE000, v3;
	v8 =	vld [tilespmem:s6+$0xFFFFFFF0]  }
0x5ae: {  	v9 =	vld [tilespmem:s6+$0xFFFFFF90];
	vm2 =	vgt.s32 v4, $0x11FFF;
	v4 =	vadd.s32 $0xFFFEE000, v4  }
0x5af: {  	v10 =	vld [tilespmem:s0+$0xFFFFFFC0];
	vm4 =	vgt.s32 v5, $0x11FFF;
	v5 =	vadd.s32 $0xFFFEE000, v5  }
0x5b0: {  	v11 =	vld [tilespmem:s0+$0xFFFFFFD0];
	vm5 =	vgt.s32 v6, $0x11FFF;
	v6 =	vadd.s32 $0xFFFEE000, v6  }
0x5b1: {  	[tilespmem:v1+s2+$0x0] =	vst.idx.add.f32.msk vm3, v7  }
0x5b2: {  	v1 =	vld [tilespmem:s0+$0xFFFFFFE0];
	vm3 =	vgt.s32 v8, $0x11FFF;
	v7 =	vadd.s32 $0xFFFEE000, v8  }
0x5b3: {  	vm6 =	vgt.s32 v9, $0x11FFF;
	v8 =	vadd.s32 $0xFFFEE000, v9;
	v9 =	vld [tilespmem:s0+$0xFFFFFFF0]  }
0x5b4: {  	v12 =	vld [tilespmem:s0+$0x0]  }
0x5b5: {  	v13 =	vld [tilespmem:s0+$0x10]  }
0x5b6: {  	v14 =	vld [tilespmem:s0+$0x20]  }
0x5b7: {  	[tilespmem:v2+s2+$0x0] =	vst.idx.add.f32.msk vm0, v11  }
0x5b8: {  	[tilespmem:v3+s2+$0x0] =	vst.idx.add.f32.msk vm1, v1  }
.Ltmp23:
0x5b9: {  	[tilespmem:v8+s2+$0x0] =	vst.idx.add.f32.msk vm6, v10;
	(pc) =	sbr.rel @p0 .LBB2_49-.Ltmp23, $4  }
0x5ba: {  	[tilespmem:v4+s2+$0x0] =	vst.idx.add.f32.msk vm2, v9  }
0x5bb: {  	[tilespmem:v5+s2+$0x0] =	vst.idx.add.f32.msk vm4, v12  }
0x5bc: {  	[tilespmem:v6+s2+$0x0] =	vst.idx.add.f32.msk vm5, v13  }
0x5bd: {  	s6 =	sadd.s32 $0x80, s6;
	[tilespmem:v7+s2+$0x0] =	vst.idx.add.f32.msk vm3, v14  }
0x5be: {  	[tilespmem:s14], [sflag:$0x2] =	stream.strided.gather [hbm4b:s22+s8], $0x900, s9, s8, $0x38;
	[tilespmem:$0x1F800] =	vst v63  }
0x5bf: {  	_ =	swait.ge [sflag:s20], $0x900  }
0x5c0: {  	[sflag:s20] =	ssyncset.done $0x0  }
0x5c1: {  	s3 =	simm.s32 $0x15670;
	[sflag:s20] =	ssyncadd.s32 $0xFFFFF700  }
0x5c2: {  	v1 =	vld [tilespmem:s3+$0x0]  }
0x5c3: {  	v2 =	vld [tilespmem:s3+$0xFFFFFFA0]  }
0x5c4: {  	v3 =	vld [tilespmem:s3+$0xFFFFFFB0]  }
0x5c5: {  	v4 =	vld [tilespmem:s3+$0xFFFFFFC0]  }
0x5c6: {  	v5 =	vld [tilespmem:s3+$0xFFFFFFD0]  }
0x5c7: {  	v6 =	vld [tilespmem:s3+$0xFFFFFFE0]  }
0x5c8: {  	s0 =	simm.s32 $0x1E640;
	v9 =	vld [tilespmem:s3+$0xFFFFFF90]  }
0x5c9: {  	v7 =	vld [tilespmem:s0+$0x30];
	vm0 =	vgt.s32 v1, $0x11FFF  }
0x5ca: {  	v8 =	vld [tilespmem:s3+$0xFFFFFFF0];
	v1 =	vadd.s32 $0xFFFEE000, v1  }
0x5cb: {  	v10 =	vld [tilespmem:s0+$0xFFFFFFC0]  }
0x5cc: {  	v11 =	vld [tilespmem:s0+$0xFFFFFFD0]  }
0x5cd: {  	v63 =	vld [tilespmem:s0+$0xFFFFFFF0];
	vm2 =	vgt.s32 v9, $0x11FFF  }
0x5ce: {  	v12 =	vld [tilespmem:s0+$0x0];
	vm1 =	vgt.s32 v2, $0x11FFF;
	v9 =	vadd.s32 $0xFFFEE000, v9  }
0x5cf: {  	vm3 =	vgt.s32 v4, $0x11FFF;
	[tilespmem:v1+s2+$0x0] =	vst.idx.add.f32.msk vm0, v7;
	v1 =	vadd.s32 $0xFFFEE000, v2  }
0x5d0: {  	v13 =	vld [tilespmem:s0+$0x10];
	v4 =	vadd.s32 $0xFFFEE000, v4;
	vm4 =	vgt.s32 v5, $0x11FFF  }
0x5d1: {  	v14 =	vld [tilespmem:s0+$0x20];
	v5 =	vadd.s32 $0xFFFEE000, v5;
	vm5 =	vgt.s32 v6, $0x11FFF  }
0x5d2: {  	vm15 =	vgt.s32 v3, $0x11FFF;
	v6 =	vadd.s32 $0xFFFEE000, v6;
	v2 =	vld [tilespmem:s0+$0xFFFFFFE0]  }
0x5d3: {  	v3 =	vadd.s32 $0xFFFEE000, v3;
	vm6 =	vgt.s32 v8, $0x11FFF;
	[tilespmem:v9+s2+$0x0] =	vst.idx.add.f32.msk vm2, v10  }
0x5d4: {  	[tilespmem:v1+s2+$0x0] =	vst.idx.add.f32.msk vm1, v11;
	v1 =	vadd.s32 $0xFFFEE000, v8  }
0x5d5: {  	[tilespmem:v4+s2+$0x0] =	vst.idx.add.f32.msk vm3, v63  }
0x5d6: {  	[tilespmem:v5+s2+$0x0] =	vst.idx.add.f32.msk vm4, v12  }
0x5d7: {  	[tilespmem:v6+s2+$0x0] =	vst.idx.add.f32.msk vm5, v13  }
0x5d8: {  	[tilespmem:v3+s2+$0x0] =	vst.idx.add.f32.msk vm15, v2  }
0x5d9: {  	s6 =	simm.s32 $0x156F0;
	s3 =	simm.s32 $0x0;
	[tilespmem:v1+s2+$0x0] =	vst.idx.add.f32.msk vm6, v14  }
.LBB2_51:
0x5da: {  	v1 =	vld [tilespmem:s6+$0x0];
	s3 =	sadd.s32 $0x8, s3  }
0x5db: {  	v2 =	vld [tilespmem:s6+$0xFFFFFFA0];
	p0 =	slt.u32 s3, $0x88  }
0x5dc: {  	v3 =	vld [tilespmem:s6+$0xFFFFFFB0]  }
0x5dd: {  	v4 =	vld [tilespmem:s6+$0xFFFFFFC0]  }
0x5de: {  	v5 =	vld [tilespmem:s6+$0xFFFFFFD0]  }
0x5df: {  	s0 =	sadd.s32 $0x80, s0;
	v6 =	vld [tilespmem:s6+$0xFFFFFFE0];
	vm3 =	vgt.s32 v1, $0x11FFF  }
0x5e0: {  	v1 =	vadd.s32 $0xFFFEE000, v1;
	vm0 =	vgt.s32 v2, $0x11FFF;
	v2 =	vadd.s32 $0xFFFEE000, v2;
	v7 =	vld [tilespmem:s0+$0x30]  }
0x5e1: {  	vm1 =	vgt.s32 v3, $0x11FFF;
	v3 =	vadd.s32 $0xFFFEE000, v3;
	v8 =	vld [tilespmem:s6+$0xFFFFFFF0]  }
0x5e2: {  	v9 =	vld [tilespmem:s6+$0xFFFFFF90];
	vm2 =	vgt.s32 v4, $0x11FFF;
	v4 =	vadd.s32 $0xFFFEE000, v4  }
0x5e3: {  	v10 =	vld [tilespmem:s0+$0xFFFFFFC0];
	vm4 =	vgt.s32 v5, $0x11FFF;
	v5 =	vadd.s32 $0xFFFEE000, v5  }
0x5e4: {  	v11 =	vld [tilespmem:s0+$0xFFFFFFD0];
	vm5 =	vgt.s32 v6, $0x11FFF;
	v6 =	vadd.s32 $0xFFFEE000, v6  }
0x5e5: {  	[tilespmem:v1+s2+$0x0] =	vst.idx.add.f32.msk vm3, v7  }
0x5e6: {  	v1 =	vld [tilespmem:s0+$0xFFFFFFE0];
	vm3 =	vgt.s32 v8, $0x11FFF;
	v7 =	vadd.s32 $0xFFFEE000, v8  }
0x5e7: {  	vm6 =	vgt.s32 v9, $0x11FFF;
	v8 =	vadd.s32 $0xFFFEE000, v9;
	v9 =	vld [tilespmem:s0+$0xFFFFFFF0]  }
0x5e8: {  	v12 =	vld [tilespmem:s0+$0x0]  }
0x5e9: {  	v13 =	vld [tilespmem:s0+$0x10]  }
0x5ea: {  	v14 =	vld [tilespmem:s0+$0x20]  }
0x5eb: {  	[tilespmem:v2+s2+$0x0] =	vst.idx.add.f32.msk vm0, v11  }
0x5ec: {  	[tilespmem:v3+s2+$0x0] =	vst.idx.add.f32.msk vm1, v1  }
.Ltmp24:
0x5ed: {  	[tilespmem:v8+s2+$0x0] =	vst.idx.add.f32.msk vm6, v10;
	(pc) =	sbr.rel @p0 .LBB2_51-.Ltmp24, $4  }
0x5ee: {  	[tilespmem:v4+s2+$0x0] =	vst.idx.add.f32.msk vm2, v9  }
0x5ef: {  	[tilespmem:v5+s2+$0x0] =	vst.idx.add.f32.msk vm4, v12  }
0x5f0: {  	[tilespmem:v6+s2+$0x0] =	vst.idx.add.f32.msk vm5, v13  }
0x5f1: {  	s6 =	sadd.s32 $0x80, s6;
	[tilespmem:v7+s2+$0x0] =	vst.idx.add.f32.msk vm3, v14  }
0x5f2: {  	[tilespmem:s26], [sflag:$0x3] =	stream.strided.gather [hbm4b:s5+s8], $0x900, s9, s8, $0x38;
	[tilespmem:$0x1F800] =	vst v63  }
0x5f3: {  	_ =	swait.ge [sflag:s21], $0x900  }
0x5f4: {  	[sflag:s21] =	ssyncset.done $0x0  }
0x5f5: {  	s3 =	simm.s32 $0x15F70;
	[sflag:s21] =	ssyncadd.s32 $0xFFFFF700  }
0x5f6: {  	v1 =	vld [tilespmem:s3+$0x0]  }
0x5f7: {  	v2 =	vld [tilespmem:s3+$0xFFFFFFA0]  }
0x5f8: {  	v3 =	vld [tilespmem:s3+$0xFFFFFFB0]  }
0x5f9: {  	v4 =	vld [tilespmem:s3+$0xFFFFFFC0]  }
0x5fa: {  	v5 =	vld [tilespmem:s3+$0xFFFFFFD0]  }
0x5fb: {  	v6 =	vld [tilespmem:s3+$0xFFFFFFE0]  }
0x5fc: {  	s0 =	simm.s32 $0x1EF40;
	v9 =	vld [tilespmem:s3+$0xFFFFFF90]  }
0x5fd: {  	v7 =	vld [tilespmem:s0+$0x30];
	vm0 =	vgt.s32 v1, $0x11FFF  }
0x5fe: {  	v8 =	vld [tilespmem:s3+$0xFFFFFFF0];
	v1 =	vadd.s32 $0xFFFEE000, v1  }
0x5ff: {  	v10 =	vld [tilespmem:s0+$0xFFFFFFC0]  }
0x600: {  	v11 =	vld [tilespmem:s0+$0xFFFFFFD0]  }
0x601: {  	v63 =	vld [tilespmem:s0+$0xFFFFFFF0];
	vm2 =	vgt.s32 v9, $0x11FFF  }
0x602: {  	v12 =	vld [tilespmem:s0+$0x0];
	vm1 =	vgt.s32 v2, $0x11FFF;
	v9 =	vadd.s32 $0xFFFEE000, v9  }
0x603: {  	vm3 =	vgt.s32 v4, $0x11FFF;
	[tilespmem:v1+s2+$0x0] =	vst.idx.add.f32.msk vm0, v7;
	v1 =	vadd.s32 $0xFFFEE000, v2  }
0x604: {  	v13 =	vld [tilespmem:s0+$0x10];
	v4 =	vadd.s32 $0xFFFEE000, v4;
	vm4 =	vgt.s32 v5, $0x11FFF  }
0x605: {  	v14 =	vld [tilespmem:s0+$0x20];
	v5 =	vadd.s32 $0xFFFEE000, v5;
	vm5 =	vgt.s32 v6, $0x11FFF  }
0x606: {  	vm15 =	vgt.s32 v3, $0x11FFF;
	v6 =	vadd.s32 $0xFFFEE000, v6;
	v2 =	vld [tilespmem:s0+$0xFFFFFFE0]  }
0x607: {  	v3 =	vadd.s32 $0xFFFEE000, v3;
	vm6 =	vgt.s32 v8, $0x11FFF;
	[tilespmem:v9+s2+$0x0] =	vst.idx.add.f32.msk vm2, v10  }
0x608: {  	[tilespmem:v1+s2+$0x0] =	vst.idx.add.f32.msk vm1, v11;
	v1 =	vadd.s32 $0xFFFEE000, v8  }
0x609: {  	[tilespmem:v4+s2+$0x0] =	vst.idx.add.f32.msk vm3, v63  }
0x60a: {  	[tilespmem:v5+s2+$0x0] =	vst.idx.add.f32.msk vm4, v12  }
0x60b: {  	[tilespmem:v6+s2+$0x0] =	vst.idx.add.f32.msk vm5, v13  }
0x60c: {  	[tilespmem:v3+s2+$0x0] =	vst.idx.add.f32.msk vm15, v2  }
0x60d: {  	s5 =	simm.s32 $0x15FF0;
	s3 =	simm.s32 $0x0;
	[tilespmem:v1+s2+$0x0] =	vst.idx.add.f32.msk vm6, v14  }
.LBB2_53:
0x60e: {  	v1 =	vld [tilespmem:s5+$0x0];
	s3 =	sadd.s32 $0x8, s3  }
0x60f: {  	v2 =	vld [tilespmem:s5+$0xFFFFFFA0];
	p0 =	slt.u32 s3, $0x88  }
0x610: {  	v3 =	vld [tilespmem:s5+$0xFFFFFFB0]  }
0x611: {  	v4 =	vld [tilespmem:s5+$0xFFFFFFC0]  }
0x612: {  	v5 =	vld [tilespmem:s5+$0xFFFFFFD0]  }
0x613: {  	s0 =	sadd.s32 $0x80, s0;
	v6 =	vld [tilespmem:s5+$0xFFFFFFE0];
	vm3 =	vgt.s32 v1, $0x11FFF  }
0x614: {  	v1 =	vadd.s32 $0xFFFEE000, v1;
	vm0 =	vgt.s32 v2, $0x11FFF;
	v2 =	vadd.s32 $0xFFFEE000, v2;
	v7 =	vld [tilespmem:s0+$0x30]  }
0x615: {  	vm1 =	vgt.s32 v3, $0x11FFF;
	v3 =	vadd.s32 $0xFFFEE000, v3;
	v8 =	vld [tilespmem:s5+$0xFFFFFFF0]  }
0x616: {  	v9 =	vld [tilespmem:s5+$0xFFFFFF90];
	vm2 =	vgt.s32 v4, $0x11FFF;
	v4 =	vadd.s32 $0xFFFEE000, v4  }
0x617: {  	v10 =	vld [tilespmem:s0+$0xFFFFFFC0];
	vm4 =	vgt.s32 v5, $0x11FFF;
	v5 =	vadd.s32 $0xFFFEE000, v5  }
0x618: {  	v11 =	vld [tilespmem:s0+$0xFFFFFFD0];
	vm5 =	vgt.s32 v6, $0x11FFF;
	v6 =	vadd.s32 $0xFFFEE000, v6  }
0x619: {  	[tilespmem:v1+s2+$0x0] =	vst.idx.add.f32.msk vm3, v7  }
0x61a: {  	v1 =	vld [tilespmem:s0+$0xFFFFFFE0];
	vm3 =	vgt.s32 v8, $0x11FFF;
	v7 =	vadd.s32 $0xFFFEE000, v8  }
0x61b: {  	vm6 =	vgt.s32 v9, $0x11FFF;
	v8 =	vadd.s32 $0xFFFEE000, v9;
	v9 =	vld [tilespmem:s0+$0xFFFFFFF0]  }
0x61c: {  	v12 =	vld [tilespmem:s0+$0x0]  }
0x61d: {  	v13 =	vld [tilespmem:s0+$0x10]  }
0x61e: {  	v14 =	vld [tilespmem:s0+$0x20]  }
0x61f: {  	[tilespmem:v2+s2+$0x0] =	vst.idx.add.f32.msk vm0, v11  }
0x620: {  	[tilespmem:v3+s2+$0x0] =	vst.idx.add.f32.msk vm1, v1  }
.Ltmp25:
0x621: {  	[tilespmem:v8+s2+$0x0] =	vst.idx.add.f32.msk vm6, v10;
	(pc) =	sbr.rel @p0 .LBB2_53-.Ltmp25, $4  }
0x622: {  	[tilespmem:v4+s2+$0x0] =	vst.idx.add.f32.msk vm2, v9  }
0x623: {  	[tilespmem:v5+s2+$0x0] =	vst.idx.add.f32.msk vm4, v12  }
0x624: {  	[tilespmem:v6+s2+$0x0] =	vst.idx.add.f32.msk vm5, v13  }
0x625: {  	s5 =	sadd.s32 $0x80, s5;
	[tilespmem:v7+s2+$0x0] =	vst.idx.add.f32.msk vm3, v14  }
0x626: {  	[tilespmem:s29], [sflag:$0x4] =	stream.strided.gather [hbm4b:s11+s8], $0x900, s9, s8, $0x38;
	[tilespmem:$0x1F800] =	vst v63  }
0x627: {  	_ =	swait.ge [sflag:s18], $0x900  }
0x628: {  	[sflag:s18] =	ssyncset.done $0x0  }
0x629: {  	s0 =	simm.s32 $0x0;
	[sflag:s18] =	ssyncadd.s32 $0xFFFFF700  }
0x62a: {  	v1 =	vld [tilespmem:s0+$0x16870]  }
0x62b: {  	v2 =	vld [tilespmem:s0+$0x16800]  }
0x62c: {  	v3 =	vld [tilespmem:s0+$0x16810]  }
0x62d: {  	v4 =	vld [tilespmem:s0+$0x16820]  }
0x62e: {  	v5 =	vld [tilespmem:s0+$0x16830]  }
0x62f: {  	v6 =	vld [tilespmem:s0+$0x16840]  }
0x630: {  	v7 =	vld [tilespmem:s0+$0x1D470]  }
0x631: {  	v8 =	vld [tilespmem:s0+$0x16850]  }
0x632: {  	v9 =	vld [tilespmem:s0+$0x16860]  }
0x633: {  	v10 =	vld [tilespmem:s0+$0x1D400];
	vm0 =	vgt.s32 v1, $0x11FFF  }
0x634: {  	v11 =	vld [tilespmem:s0+$0x1D410];
	v1 =	vadd.s32 $0xFFFEE000, v1  }
0x635: {  	v63 =	vld [tilespmem:s0+$0x1D420];
	vm2 =	vgt.s32 v4, $0x11FFF  }
0x636: {  	v12 =	vld [tilespmem:s0+$0x1D430];
	vm1 =	vgt.s32 v2, $0x11FFF;
	v4 =	vadd.s32 $0xFFFEE000, v4  }
0x637: {  	v13 =	vld [tilespmem:s0+$0x1D440];
	v2 =	vadd.s32 $0xFFFEE000, v2;
	vm3 =	vgt.s32 v5, $0x11FFF  }
0x638: {  	v14 =	vld [tilespmem:s0+$0x1D450];
	v5 =	vadd.s32 $0xFFFEE000, v5;
	vm4 =	vgt.s32 v6, $0x11FFF  }
0x639: {  	v6 =	vadd.s32 $0xFFFEE000, v6;
	vm5 =	vgt.s32 v8, $0x11FFF;
	[tilespmem:v1+s2+$0x0] =	vst.idx.add.f32.msk vm0, v7  }
0x63a: {  	v8 =	vadd.s32 $0xFFFEE000, v8;
	vm0 =	vgt.s32 v3, $0x11FFF;
	v1 =	vld [tilespmem:s0+$0x1D460]  }
0x63b: {  	v3 =	vadd.s32 $0xFFFEE000, v3;
	[tilespmem:v4+s2+$0x0] =	vst.idx.add.f32.msk vm2, v63;
	vm2 =	vgt.s32 v9, $0x11FFF  }
0x63c: {  	[tilespmem:v2+s2+$0x0] =	vst.idx.add.f32.msk vm1, v10;
	v2 =	vadd.s32 $0xFFFEE000, v9  }
0x63d: {  	[tilespmem:v5+s2+$0x0] =	vst.idx.add.f32.msk vm3, v12  }
0x63e: {  	[tilespmem:v6+s2+$0x0] =	vst.idx.add.f32.msk vm4, v13  }
0x63f: {  	[tilespmem:v8+s2+$0x0] =	vst.idx.add.f32.msk vm5, v14  }
0x640: {  	s3 =	simm.s32 $0x200;
	s0 =	simm.s32 $0x0;
	[tilespmem:v3+s2+$0x0] =	vst.idx.add.f32.msk vm0, v11  }
.LBB2_55:
0x641: {  	s5 =	sshra.s32 s3, $0x2;
	s0 =	sadd.s32 $0x8, s0;
	[tilespmem:v2+s2+$0x0] =	vst.idx.add.f32.msk vm2, v1  }
0x642: {  	v1 =	vld [tilespmem:s5+$0x16870];
	p0 =	slt.u32 s0, $0x88  }
0x643: {  	v2 =	vld [tilespmem:s5+$0x16800]  }
0x644: {  	v3 =	vld [tilespmem:s5+$0x16810]  }
0x645: {  	v4 =	vld [tilespmem:s5+$0x16820]  }
0x646: {  	v5 =	vld [tilespmem:s5+$0x16830]  }
0x647: {  	v6 =	vld [tilespmem:s5+$0x16840];
	vm2 =	vgt.s32 v1, $0x11FFF  }
0x648: {  	v1 =	vadd.s32 $0xFFFEE000, v1;
	vm0 =	vgt.s32 v2, $0x11FFF;
	v7 =	vadd.s32 $0xFFFEE000, v2;
	v2 =	vld [tilespmem:s5+$0x1D470]  }
0x649: {  	vm1 =	vgt.s32 v3, $0x11FFF;
	v3 =	vadd.s32 $0xFFFEE000, v3;
	v8 =	vld [tilespmem:s5+$0x16850]  }
0x64a: {  	vm3 =	vgt.s32 v4, $0x11FFF;
	v4 =	vadd.s32 $0xFFFEE000, v4;
	v9 =	vld [tilespmem:s5+$0x16860]  }
0x64b: {  	v10 =	vld [tilespmem:s5+$0x1D400];
	vm4 =	vgt.s32 v5, $0x11FFF;
	v5 =	vadd.s32 $0xFFFEE000, v5  }
0x64c: {  	v11 =	vld [tilespmem:s5+$0x1D410];
	vm5 =	vgt.s32 v6, $0x11FFF;
	v6 =	vadd.s32 $0xFFFEE000, v6  }
0x64d: {  	[tilespmem:v1+s2+$0x0] =	vst.idx.add.f32.msk vm2, v2  }
0x64e: {  	v12 =	vld [tilespmem:s5+$0x1D420];
	vm6 =	vgt.s32 v8, $0x11FFF;
	v8 =	vadd.s32 $0xFFFEE000, v8  }
0x64f: {  	v13 =	vld [tilespmem:s5+$0x1D430];
	vm2 =	vgt.s32 v9, $0x11FFF;
	v2 =	vadd.s32 $0xFFFEE000, v9  }
0x650: {  	v9 =	vld [tilespmem:s5+$0x1D440]  }
0x651: {  	v14 =	vld [tilespmem:s5+$0x1D450]  }
0x652: {  	v1 =	vld [tilespmem:s5+$0x1D460]  }
0x653: {  	[tilespmem:v7+s2+$0x0] =	vst.idx.add.f32.msk vm0, v10  }
.Ltmp26:
0x654: {  	[tilespmem:v3+s2+$0x0] =	vst.idx.add.f32.msk vm1, v11;
	(pc) =	sbr.rel @p0 .LBB2_55-.Ltmp26, $4  }
0x655: {  	[tilespmem:v4+s2+$0x0] =	vst.idx.add.f32.msk vm3, v12  }
0x656: {  	[tilespmem:v5+s2+$0x0] =	vst.idx.add.f32.msk vm4, v13  }
0x657: {  	[tilespmem:v6+s2+$0x0] =	vst.idx.add.f32.msk vm5, v9  }
0x658: {  	s3 =	sadd.s32 $0x200, s3;
	[tilespmem:v8+s2+$0x0] =	vst.idx.add.f32.msk vm6, v14  }
0x659: {  	_ =	sdelay $0x4  }
0x65a: {  	[tilespmem:v2+s2+$0x0] =	vst.idx.add.f32.msk vm2, v1  }
0x65b: {  	[tilespmem:s16], [sflag:$0x1] =	stream.strided.gather [hbm4b:s13+s8], $0x900, s9, s8, $0x38;
	[tilespmem:$0x1F800] =	vst v63  }
0x65c: {  	_ =	swait.ge [sflag:s19], $0x900  }
0x65d: {  	[sflag:s19] =	ssyncset.done $0x0  }
0x65e: {  	s0 =	simm.s32 $0x0;
	[sflag:s19] =	ssyncadd.s32 $0xFFFFF700  }
0x65f: {  	v1 =	vld [tilespmem:s0+$0x17170]  }
0x660: {  	v2 =	vld [tilespmem:s0+$0x17100]  }
0x661: {  	v3 =	vld [tilespmem:s0+$0x17110]  }
0x662: {  	v4 =	vld [tilespmem:s0+$0x17120]  }
0x663: {  	v5 =	vld [tilespmem:s0+$0x17130]  }
0x664: {  	v6 =	vld [tilespmem:s0+$0x17140]  }
0x665: {  	v7 =	vld [tilespmem:s0+$0x1DD70]  }
0x666: {  	v8 =	vld [tilespmem:s0+$0x17150]  }
0x667: {  	v9 =	vld [tilespmem:s0+$0x17160]  }
0x668: {  	v10 =	vld [tilespmem:s0+$0x1DD00];
	vm0 =	vgt.s32 v1, $0x11FFF  }
0x669: {  	v11 =	vld [tilespmem:s0+$0x1DD10];
	v1 =	vadd.s32 $0xFFFEE000, v1  }
0x66a: {  	v63 =	vld [tilespmem:s0+$0x1DD20];
	vm2 =	vgt.s32 v4, $0x11FFF  }
0x66b: {  	v12 =	vld [tilespmem:s0+$0x1DD30];
	vm1 =	vgt.s32 v2, $0x11FFF;
	v4 =	vadd.s32 $0xFFFEE000, v4  }
0x66c: {  	v13 =	vld [tilespmem:s0+$0x1DD40];
	v2 =	vadd.s32 $0xFFFEE000, v2;
	vm3 =	vgt.s32 v5, $0x11FFF  }
0x66d: {  	v14 =	vld [tilespmem:s0+$0x1DD50];
	v5 =	vadd.s32 $0xFFFEE000, v5;
	vm4 =	vgt.s32 v6, $0x11FFF  }
0x66e: {  	v6 =	vadd.s32 $0xFFFEE000, v6;
	vm5 =	vgt.s32 v8, $0x11FFF;
	[tilespmem:v1+s2+$0x0] =	vst.idx.add.f32.msk vm0, v7  }
0x66f: {  	v8 =	vadd.s32 $0xFFFEE000, v8;
	vm0 =	vgt.s32 v3, $0x11FFF;
	v1 =	vld [tilespmem:s0+$0x1DD60]  }
0x670: {  	v3 =	vadd.s32 $0xFFFEE000, v3;
	[tilespmem:v4+s2+$0x0] =	vst.idx.add.f32.msk vm2, v63;
	vm2 =	vgt.s32 v9, $0x11FFF  }
0x671: {  	[tilespmem:v2+s2+$0x0] =	vst.idx.add.f32.msk vm1, v10;
	v2 =	vadd.s32 $0xFFFEE000, v9  }
0x672: {  	[tilespmem:v5+s2+$0x0] =	vst.idx.add.f32.msk vm3, v12  }
0x673: {  	[tilespmem:v6+s2+$0x0] =	vst.idx.add.f32.msk vm4, v13  }
0x674: {  	[tilespmem:v8+s2+$0x0] =	vst.idx.add.f32.msk vm5, v14  }
0x675: {  	s3 =	simm.s32 $0x200;
	s0 =	simm.s32 $0x0;
	[tilespmem:v3+s2+$0x0] =	vst.idx.add.f32.msk vm0, v11  }
.LBB2_57:
0x676: {  	s5 =	sshra.s32 s3, $0x2;
	s0 =	sadd.s32 $0x8, s0;
	[tilespmem:v2+s2+$0x0] =	vst.idx.add.f32.msk vm2, v1  }
0x677: {  	v1 =	vld [tilespmem:s5+$0x17170];
	p0 =	slt.u32 s0, $0x88  }
0x678: {  	v2 =	vld [tilespmem:s5+$0x17100]  }
0x679: {  	v3 =	vld [tilespmem:s5+$0x17110]  }
0x67a: {  	v4 =	vld [tilespmem:s5+$0x17120]  }
0x67b: {  	v5 =	vld [tilespmem:s5+$0x17130]  }
0x67c: {  	v6 =	vld [tilespmem:s5+$0x17140];
	vm2 =	vgt.s32 v1, $0x11FFF  }
0x67d: {  	v1 =	vadd.s32 $0xFFFEE000, v1;
	vm0 =	vgt.s32 v2, $0x11FFF;
	v7 =	vadd.s32 $0xFFFEE000, v2;
	v2 =	vld [tilespmem:s5+$0x1DD70]  }
0x67e: {  	vm1 =	vgt.s32 v3, $0x11FFF;
	v3 =	vadd.s32 $0xFFFEE000, v3;
	v8 =	vld [tilespmem:s5+$0x17150]  }
0x67f: {  	vm3 =	vgt.s32 v4, $0x11FFF;
	v4 =	vadd.s32 $0xFFFEE000, v4;
	v9 =	vld [tilespmem:s5+$0x17160]  }
0x680: {  	v10 =	vld [tilespmem:s5+$0x1DD00];
	vm4 =	vgt.s32 v5, $0x11FFF;
	v5 =	vadd.s32 $0xFFFEE000, v5  }
0x681: {  	v11 =	vld [tilespmem:s5+$0x1DD10];
	vm5 =	vgt.s32 v6, $0x11FFF;
	v6 =	vadd.s32 $0xFFFEE000, v6  }
0x682: {  	[tilespmem:v1+s2+$0x0] =	vst.idx.add.f32.msk vm2, v2  }
0x683: {  	v12 =	vld [tilespmem:s5+$0x1DD20];
	vm6 =	vgt.s32 v8, $0x11FFF;
	v8 =	vadd.s32 $0xFFFEE000, v8  }
0x684: {  	v13 =	vld [tilespmem:s5+$0x1DD30];
	vm2 =	vgt.s32 v9, $0x11FFF;
	v2 =	vadd.s32 $0xFFFEE000, v9  }
0x685: {  	v9 =	vld [tilespmem:s5+$0x1DD40]  }
0x686: {  	v14 =	vld [tilespmem:s5+$0x1DD50]  }
0x687: {  	v1 =	vld [tilespmem:s5+$0x1DD60]  }
0x688: {  	[tilespmem:v7+s2+$0x0] =	vst.idx.add.f32.msk vm0, v10  }
.Ltmp27:
0x689: {  	[tilespmem:v3+s2+$0x0] =	vst.idx.add.f32.msk vm1, v11;
	(pc) =	sbr.rel @p0 .LBB2_57-.Ltmp27, $4  }
0x68a: {  	[tilespmem:v4+s2+$0x0] =	vst.idx.add.f32.msk vm3, v12  }
0x68b: {  	[tilespmem:v5+s2+$0x0] =	vst.idx.add.f32.msk vm4, v13  }
0x68c: {  	[tilespmem:v6+s2+$0x0] =	vst.idx.add.f32.msk vm5, v9  }
0x68d: {  	s3 =	sadd.s32 $0x200, s3;
	[tilespmem:v8+s2+$0x0] =	vst.idx.add.f32.msk vm6, v14  }
0x68e: {  	_ =	sdelay $0x4  }
0x68f: {  	[tilespmem:v2+s2+$0x0] =	vst.idx.add.f32.msk vm2, v1  }
0x690: {  	[tilespmem:s14], [sflag:$0x2] =	stream.strided.gather [hbm4b:s17+s8], $0x900, s9, s8, $0x38;
	[tilespmem:$0x1F800] =	vst v63  }
0x691: {  	_ =	swait.ge [sflag:s20], $0x900  }
0x692: {  	[sflag:s20] =	ssyncset.done $0x0  }
0x693: {  	s0 =	simm.s32 $0x0;
	[sflag:s20] =	ssyncadd.s32 $0xFFFFF700  }
0x694: {  	v1 =	vld [tilespmem:s0+$0x17A70]  }
0x695: {  	v2 =	vld [tilespmem:s0+$0x17A00]  }
0x696: {  	v3 =	vld [tilespmem:s0+$0x17A10]  }
0x697: {  	v4 =	vld [tilespmem:s0+$0x17A20]  }
0x698: {  	v5 =	vld [tilespmem:s0+$0x17A30]  }
0x699: {  	v6 =	vld [tilespmem:s0+$0x17A40]  }
0x69a: {  	v7 =	vld [tilespmem:s0+$0x1E670]  }
0x69b: {  	v8 =	vld [tilespmem:s0+$0x17A50]  }
0x69c: {  	v9 =	vld [tilespmem:s0+$0x17A60]  }
0x69d: {  	v10 =	vld [tilespmem:s0+$0x1E600];
	vm0 =	vgt.s32 v1, $0x11FFF  }
0x69e: {  	v11 =	vld [tilespmem:s0+$0x1E610];
	v1 =	vadd.s32 $0xFFFEE000, v1  }
0x69f: {  	v63 =	vld [tilespmem:s0+$0x1E620];
	vm2 =	vgt.s32 v4, $0x11FFF  }
0x6a0: {  	v12 =	vld [tilespmem:s0+$0x1E630];
	vm1 =	vgt.s32 v2, $0x11FFF;
	v4 =	vadd.s32 $0xFFFEE000, v4  }
0x6a1: {  	v13 =	vld [tilespmem:s0+$0x1E640];
	v2 =	vadd.s32 $0xFFFEE000, v2;
	vm3 =	vgt.s32 v5, $0x11FFF  }
0x6a2: {  	v14 =	vld [tilespmem:s0+$0x1E650];
	v5 =	vadd.s32 $0xFFFEE000, v5;
	vm4 =	vgt.s32 v6, $0x11FFF  }
0x6a3: {  	v6 =	vadd.s32 $0xFFFEE000, v6;
	vm5 =	vgt.s32 v8, $0x11FFF;
	[tilespmem:v1+s2+$0x0] =	vst.idx.add.f32.msk vm0, v7  }
0x6a4: {  	v8 =	vadd.s32 $0xFFFEE000, v8;
	vm0 =	vgt.s32 v3, $0x11FFF;
	v1 =	vld [tilespmem:s0+$0x1E660]  }
0x6a5: {  	v3 =	vadd.s32 $0xFFFEE000, v3;
	[tilespmem:v4+s2+$0x0] =	vst.idx.add.f32.msk vm2, v63;
	vm2 =	vgt.s32 v9, $0x11FFF  }
0x6a6: {  	[tilespmem:v2+s2+$0x0] =	vst.idx.add.f32.msk vm1, v10;
	v2 =	vadd.s32 $0xFFFEE000, v9  }
0x6a7: {  	[tilespmem:v5+s2+$0x0] =	vst.idx.add.f32.msk vm3, v12  }
0x6a8: {  	[tilespmem:v6+s2+$0x0] =	vst.idx.add.f32.msk vm4, v13  }
0x6a9: {  	[tilespmem:v8+s2+$0x0] =	vst.idx.add.f32.msk vm5, v14  }
0x6aa: {  	s3 =	simm.s32 $0x200;
	s13 =	simm.s32 $0x1C200;
	s0 =	simm.s32 $0x0;
	[tilespmem:v3+s2+$0x0] =	vst.idx.add.f32.msk vm0, v11  }
.LBB2_59:
0x6ab: {  	s5 =	sshra.s32 s3, $0x2;
	s0 =	sadd.s32 $0x8, s0;
	[tilespmem:v2+s2+$0x0] =	vst.idx.add.f32.msk vm2, v1  }
0x6ac: {  	v1 =	vld [tilespmem:s5+$0x17A70];
	p0 =	slt.u32 s0, $0x88  }
0x6ad: {  	v2 =	vld [tilespmem:s5+$0x17A00]  }
0x6ae: {  	v3 =	vld [tilespmem:s5+$0x17A10]  }
0x6af: {  	v4 =	vld [tilespmem:s5+$0x17A20]  }
0x6b0: {  	v5 =	vld [tilespmem:s5+$0x17A30]  }
0x6b1: {  	v6 =	vld [tilespmem:s5+$0x17A40];
	vm2 =	vgt.s32 v1, $0x11FFF  }
0x6b2: {  	v1 =	vadd.s32 $0xFFFEE000, v1;
	vm0 =	vgt.s32 v2, $0x11FFF;
	v7 =	vadd.s32 $0xFFFEE000, v2;
	v2 =	vld [tilespmem:s5+$0x1E670]  }
0x6b3: {  	vm1 =	vgt.s32 v3, $0x11FFF;
	v3 =	vadd.s32 $0xFFFEE000, v3;
	v8 =	vld [tilespmem:s5+$0x17A50]  }
0x6b4: {  	vm3 =	vgt.s32 v4, $0x11FFF;
	v4 =	vadd.s32 $0xFFFEE000, v4;
	v9 =	vld [tilespmem:s5+$0x17A60]  }
0x6b5: {  	v10 =	vld [tilespmem:s5+$0x1E600];
	vm4 =	vgt.s32 v5, $0x11FFF;
	v5 =	vadd.s32 $0xFFFEE000, v5  }
0x6b6: {  	v11 =	vld [tilespmem:s5+$0x1E610];
	vm5 =	vgt.s32 v6, $0x11FFF;
	v6 =	vadd.s32 $0xFFFEE000, v6  }
0x6b7: {  	[tilespmem:v1+s2+$0x0] =	vst.idx.add.f32.msk vm2, v2  }
0x6b8: {  	v12 =	vld [tilespmem:s5+$0x1E620];
	vm6 =	vgt.s32 v8, $0x11FFF;
	v8 =	vadd.s32 $0xFFFEE000, v8  }
0x6b9: {  	v13 =	vld [tilespmem:s5+$0x1E630];
	vm2 =	vgt.s32 v9, $0x11FFF;
	v2 =	vadd.s32 $0xFFFEE000, v9  }
0x6ba: {  	v9 =	vld [tilespmem:s5+$0x1E640]  }
0x6bb: {  	v14 =	vld [tilespmem:s5+$0x1E650]  }
0x6bc: {  	v1 =	vld [tilespmem:s5+$0x1E660]  }
0x6bd: {  	[tilespmem:v7+s2+$0x0] =	vst.idx.add.f32.msk vm0, v10  }
.Ltmp28:
0x6be: {  	[tilespmem:v3+s2+$0x0] =	vst.idx.add.f32.msk vm1, v11;
	(pc) =	sbr.rel @p0 .LBB2_59-.Ltmp28, $4  }
0x6bf: {  	[tilespmem:v4+s2+$0x0] =	vst.idx.add.f32.msk vm3, v12  }
0x6c0: {  	[tilespmem:v5+s2+$0x0] =	vst.idx.add.f32.msk vm4, v13  }
0x6c1: {  	[tilespmem:v6+s2+$0x0] =	vst.idx.add.f32.msk vm5, v9  }
0x6c2: {  	s3 =	sadd.s32 $0x200, s3;
	[tilespmem:v8+s2+$0x0] =	vst.idx.add.f32.msk vm6, v14  }
0x6c3: {  	_ =	sdelay $0x4  }
0x6c4: {  	[tilespmem:v2+s2+$0x0] =	vst.idx.add.f32.msk vm2, v1  }
0x6c5: {  	[tilespmem:s26], [sflag:$0x3] =	stream.strided.gather [hbm4b:s10+s8], $0x900, s9, s8, $0x38;
	[tilespmem:$0x1F800] =	vst v63  }
0x6c6: {  	_ =	swait.ge [sflag:s21], $0x900  }
0x6c7: {  	[sflag:s21] =	ssyncset.done $0x0  }
0x6c8: {  	s0 =	simm.s32 $0x0;
	[sflag:s21] =	ssyncadd.s32 $0xFFFFF700  }
0x6c9: {  	v1 =	vld [tilespmem:s0+$0x18370]  }
0x6ca: {  	v2 =	vld [tilespmem:s0+$0x18300]  }
0x6cb: {  	v3 =	vld [tilespmem:s0+$0x18310]  }
0x6cc: {  	v4 =	vld [tilespmem:s0+$0x18320]  }
0x6cd: {  	v5 =	vld [tilespmem:s0+$0x18330]  }
0x6ce: {  	v6 =	vld [tilespmem:s0+$0x18340]  }
0x6cf: {  	v7 =	vld [tilespmem:s0+$0x1EF70]  }
0x6d0: {  	v8 =	vld [tilespmem:s0+$0x18350]  }
0x6d1: {  	v9 =	vld [tilespmem:s0+$0x18360]  }
0x6d2: {  	v10 =	vld [tilespmem:s0+$0x1EF00];
	vm0 =	vgt.s32 v1, $0x11FFF  }
0x6d3: {  	v11 =	vld [tilespmem:s0+$0x1EF10];
	v1 =	vadd.s32 $0xFFFEE000, v1  }
0x6d4: {  	v63 =	vld [tilespmem:s0+$0x1EF20];
	vm2 =	vgt.s32 v4, $0x11FFF  }
0x6d5: {  	v12 =	vld [tilespmem:s0+$0x1EF30];
	vm1 =	vgt.s32 v2, $0x11FFF;
	v4 =	vadd.s32 $0xFFFEE000, v4  }
0x6d6: {  	v13 =	vld [tilespmem:s0+$0x1EF40];
	v2 =	vadd.s32 $0xFFFEE000, v2;
	vm3 =	vgt.s32 v5, $0x11FFF  }
0x6d7: {  	v14 =	vld [tilespmem:s0+$0x1EF50];
	v5 =	vadd.s32 $0xFFFEE000, v5;
	vm4 =	vgt.s32 v6, $0x11FFF  }
0x6d8: {  	v6 =	vadd.s32 $0xFFFEE000, v6;
	vm5 =	vgt.s32 v8, $0x11FFF;
	[tilespmem:v1+s2+$0x0] =	vst.idx.add.f32.msk vm0, v7  }
0x6d9: {  	v8 =	vadd.s32 $0xFFFEE000, v8;
	vm0 =	vgt.s32 v3, $0x11FFF;
	v1 =	vld [tilespmem:s0+$0x1EF60]  }
0x6da: {  	v3 =	vadd.s32 $0xFFFEE000, v3;
	[tilespmem:v4+s2+$0x0] =	vst.idx.add.f32.msk vm2, v63;
	vm2 =	vgt.s32 v9, $0x11FFF  }
0x6db: {  	[tilespmem:v2+s2+$0x0] =	vst.idx.add.f32.msk vm1, v10;
	v2 =	vadd.s32 $0xFFFEE000, v9  }
0x6dc: {  	[tilespmem:v5+s2+$0x0] =	vst.idx.add.f32.msk vm3, v12  }
0x6dd: {  	[tilespmem:v6+s2+$0x0] =	vst.idx.add.f32.msk vm4, v13  }
0x6de: {  	[tilespmem:v8+s2+$0x0] =	vst.idx.add.f32.msk vm5, v14  }
0x6df: {  	s3 =	simm.s32 $0x200;
	s17 =	simm.s32 $0x1B000;
	s0 =	simm.s32 $0x0;
	[tilespmem:v3+s2+$0x0] =	vst.idx.add.f32.msk vm0, v11  }
.LBB2_61:
0x6e0: {  	s5 =	sshra.s32 s3, $0x2;
	s0 =	sadd.s32 $0x8, s0;
	[tilespmem:v2+s2+$0x0] =	vst.idx.add.f32.msk vm2, v1  }
0x6e1: {  	v1 =	vld [tilespmem:s5+$0x18370];
	p0 =	slt.u32 s0, $0x88  }
0x6e2: {  	v2 =	vld [tilespmem:s5+$0x18300]  }
0x6e3: {  	v3 =	vld [tilespmem:s5+$0x18310]  }
0x6e4: {  	v4 =	vld [tilespmem:s5+$0x18320]  }
0x6e5: {  	v5 =	vld [tilespmem:s5+$0x18330]  }
0x6e6: {  	v6 =	vld [tilespmem:s5+$0x18340];
	vm2 =	vgt.s32 v1, $0x11FFF  }
0x6e7: {  	v1 =	vadd.s32 $0xFFFEE000, v1;
	vm0 =	vgt.s32 v2, $0x11FFF;
	v7 =	vadd.s32 $0xFFFEE000, v2;
	v2 =	vld [tilespmem:s5+$0x1EF70]  }
0x6e8: {  	vm1 =	vgt.s32 v3, $0x11FFF;
	v3 =	vadd.s32 $0xFFFEE000, v3;
	v8 =	vld [tilespmem:s5+$0x18350]  }
0x6e9: {  	vm3 =	vgt.s32 v4, $0x11FFF;
	v4 =	vadd.s32 $0xFFFEE000, v4;
	v9 =	vld [tilespmem:s5+$0x18360]  }
0x6ea: {  	v10 =	vld [tilespmem:s5+$0x1EF00];
	vm4 =	vgt.s32 v5, $0x11FFF;
	v5 =	vadd.s32 $0xFFFEE000, v5  }
0x6eb: {  	v11 =	vld [tilespmem:s5+$0x1EF10];
	vm5 =	vgt.s32 v6, $0x11FFF;
	v6 =	vadd.s32 $0xFFFEE000, v6  }
0x6ec: {  	[tilespmem:v1+s2+$0x0] =	vst.idx.add.f32.msk vm2, v2  }
0x6ed: {  	v12 =	vld [tilespmem:s5+$0x1EF20];
	vm6 =	vgt.s32 v8, $0x11FFF;
	v8 =	vadd.s32 $0xFFFEE000, v8  }
0x6ee: {  	v13 =	vld [tilespmem:s5+$0x1EF30];
	vm2 =	vgt.s32 v9, $0x11FFF;
	v2 =	vadd.s32 $0xFFFEE000, v9  }
0x6ef: {  	v9 =	vld [tilespmem:s5+$0x1EF40]  }
0x6f0: {  	v14 =	vld [tilespmem:s5+$0x1EF50]  }
0x6f1: {  	v1 =	vld [tilespmem:s5+$0x1EF60]  }
0x6f2: {  	[tilespmem:v7+s2+$0x0] =	vst.idx.add.f32.msk vm0, v10  }
.Ltmp29:
0x6f3: {  	[tilespmem:v3+s2+$0x0] =	vst.idx.add.f32.msk vm1, v11;
	(pc) =	sbr.rel @p0 .LBB2_61-.Ltmp29, $4  }
0x6f4: {  	[tilespmem:v4+s2+$0x0] =	vst.idx.add.f32.msk vm3, v12  }
0x6f5: {  	[tilespmem:v5+s2+$0x0] =	vst.idx.add.f32.msk vm4, v13  }
0x6f6: {  	[tilespmem:v6+s2+$0x0] =	vst.idx.add.f32.msk vm5, v9  }
0x6f7: {  	s3 =	sadd.s32 $0x200, s3;
	[tilespmem:v8+s2+$0x0] =	vst.idx.add.f32.msk vm6, v14  }
0x6f8: {  	_ =	sdelay $0x4  }
0x6f9: {  	[tilespmem:v2+s2+$0x0] =	vst.idx.add.f32.msk vm2, v1  }
0x6fa: {  	[tilespmem:s29], [sflag:$0x4] =	stream.strided.gather [hbm4b:s15+s8], $0x900, s9, s8, $0x38;
	[tilespmem:$0x1F800] =	vst v63  }
0x6fb: {  	_ =	swait.ge [sflag:s18], $0x900  }
0x6fc: {  	[sflag:s18] =	ssyncset.done $0x0  }
0x6fd: {  	s0 =	simm.s32 $0x0;
	[sflag:s18] =	ssyncadd.s32 $0xFFFFF700  }
0x6fe: {  	v1 =	vld [tilespmem:s0+$0x18C70]  }
0x6ff: {  	v2 =	vld [tilespmem:s0+$0x18C00]  }
0x700: {  	v3 =	vld [tilespmem:s0+$0x18C10]  }
0x701: {  	v4 =	vld [tilespmem:s0+$0x18C20]  }
0x702: {  	v5 =	vld [tilespmem:s0+$0x18C30]  }
0x703: {  	v6 =	vld [tilespmem:s0+$0x18C40]  }
0x704: {  	v7 =	vld [tilespmem:s0+$0x1D470]  }
0x705: {  	v8 =	vld [tilespmem:s0+$0x18C50]  }
0x706: {  	v9 =	vld [tilespmem:s0+$0x18C60]  }
0x707: {  	v10 =	vld [tilespmem:s0+$0x1D400];
	vm0 =	vgt.s32 v1, $0x11FFF  }
0x708: {  	v11 =	vld [tilespmem:s0+$0x1D410];
	v1 =	vadd.s32 $0xFFFEE000, v1  }
0x709: {  	v63 =	vld [tilespmem:s0+$0x1D420];
	vm2 =	vgt.s32 v4, $0x11FFF  }
0x70a: {  	v12 =	vld [tilespmem:s0+$0x1D430];
	vm1 =	vgt.s32 v2, $0x11FFF;
	v4 =	vadd.s32 $0xFFFEE000, v4  }
0x70b: {  	v13 =	vld [tilespmem:s0+$0x1D440];
	v2 =	vadd.s32 $0xFFFEE000, v2;
	vm3 =	vgt.s32 v5, $0x11FFF  }
0x70c: {  	v14 =	vld [tilespmem:s0+$0x1D450];
	v5 =	vadd.s32 $0xFFFEE000, v5;
	vm4 =	vgt.s32 v6, $0x11FFF  }
0x70d: {  	v6 =	vadd.s32 $0xFFFEE000, v6;
	vm5 =	vgt.s32 v8, $0x11FFF;
	[tilespmem:v1+s2+$0x0] =	vst.idx.add.f32.msk vm0, v7  }
0x70e: {  	v8 =	vadd.s32 $0xFFFEE000, v8;
	vm0 =	vgt.s32 v3, $0x11FFF;
	v1 =	vld [tilespmem:s0+$0x1D460]  }
0x70f: {  	v3 =	vadd.s32 $0xFFFEE000, v3;
	[tilespmem:v4+s2+$0x0] =	vst.idx.add.f32.msk vm2, v63;
	vm2 =	vgt.s32 v9, $0x11FFF  }
0x710: {  	[tilespmem:v2+s2+$0x0] =	vst.idx.add.f32.msk vm1, v10;
	v2 =	vadd.s32 $0xFFFEE000, v9  }
0x711: {  	[tilespmem:v5+s2+$0x0] =	vst.idx.add.f32.msk vm3, v12  }
0x712: {  	[tilespmem:v6+s2+$0x0] =	vst.idx.add.f32.msk vm4, v13  }
0x713: {  	[tilespmem:v8+s2+$0x0] =	vst.idx.add.f32.msk vm5, v14  }
0x714: {  	s3 =	simm.s32 $0x200;
	s0 =	simm.s32 $0x0;
	[tilespmem:v3+s2+$0x0] =	vst.idx.add.f32.msk vm0, v11  }
.LBB2_63:
0x715: {  	s5 =	sshra.s32 s3, $0x2;
	s0 =	sadd.s32 $0x8, s0;
	[tilespmem:v2+s2+$0x0] =	vst.idx.add.f32.msk vm2, v1  }
0x716: {  	v1 =	vld [tilespmem:s5+$0x18C70];
	p0 =	slt.u32 s0, $0x88  }
0x717: {  	v2 =	vld [tilespmem:s5+$0x18C00]  }
0x718: {  	v3 =	vld [tilespmem:s5+$0x18C10]  }
0x719: {  	v4 =	vld [tilespmem:s5+$0x18C20]  }
0x71a: {  	v5 =	vld [tilespmem:s5+$0x18C30]  }
0x71b: {  	v6 =	vld [tilespmem:s5+$0x18C40];
	vm2 =	vgt.s32 v1, $0x11FFF  }
0x71c: {  	v1 =	vadd.s32 $0xFFFEE000, v1;
	vm0 =	vgt.s32 v2, $0x11FFF;
	v7 =	vadd.s32 $0xFFFEE000, v2;
	v2 =	vld [tilespmem:s5+$0x1D470]  }
0x71d: {  	vm1 =	vgt.s32 v3, $0x11FFF;
	v3 =	vadd.s32 $0xFFFEE000, v3;
	v8 =	vld [tilespmem:s5+$0x18C50]  }
0x71e: {  	vm3 =	vgt.s32 v4, $0x11FFF;
	v4 =	vadd.s32 $0xFFFEE000, v4;
	v9 =	vld [tilespmem:s5+$0x18C60]  }
0x71f: {  	v10 =	vld [tilespmem:s5+$0x1D400];
	vm4 =	vgt.s32 v5, $0x11FFF;
	v5 =	vadd.s32 $0xFFFEE000, v5  }
0x720: {  	v11 =	vld [tilespmem:s5+$0x1D410];
	vm5 =	vgt.s32 v6, $0x11FFF;
	v6 =	vadd.s32 $0xFFFEE000, v6  }
0x721: {  	[tilespmem:v1+s2+$0x0] =	vst.idx.add.f32.msk vm2, v2  }
0x722: {  	v12 =	vld [tilespmem:s5+$0x1D420];
	vm6 =	vgt.s32 v8, $0x11FFF;
	v8 =	vadd.s32 $0xFFFEE000, v8  }
0x723: {  	v13 =	vld [tilespmem:s5+$0x1D430];
	vm2 =	vgt.s32 v9, $0x11FFF;
	v2 =	vadd.s32 $0xFFFEE000, v9  }
0x724: {  	v9 =	vld [tilespmem:s5+$0x1D440]  }
0x725: {  	v14 =	vld [tilespmem:s5+$0x1D450]  }
0x726: {  	v1 =	vld [tilespmem:s5+$0x1D460]  }
0x727: {  	[tilespmem:v7+s2+$0x0] =	vst.idx.add.f32.msk vm0, v10  }
.Ltmp30:
0x728: {  	[tilespmem:v3+s2+$0x0] =	vst.idx.add.f32.msk vm1, v11;
	(pc) =	sbr.rel @p0 .LBB2_63-.Ltmp30, $4  }
0x729: {  	[tilespmem:v4+s2+$0x0] =	vst.idx.add.f32.msk vm3, v12  }
0x72a: {  	[tilespmem:v5+s2+$0x0] =	vst.idx.add.f32.msk vm4, v13  }
0x72b: {  	[tilespmem:v6+s2+$0x0] =	vst.idx.add.f32.msk vm5, v9  }
0x72c: {  	s3 =	sadd.s32 $0x200, s3;
	[tilespmem:v8+s2+$0x0] =	vst.idx.add.f32.msk vm6, v14  }
0x72d: {  	_ =	sdelay $0x4  }
0x72e: {  	[tilespmem:v2+s2+$0x0] =	vst.idx.add.f32.msk vm2, v1  }
0x72f: {  	_ =	swait.ge [sflag:s19], $0x900  }
0x730: {  	[sflag:s19] =	ssyncset.done $0x0  }
0x731: {  	s0 =	simm.s32 $0x0;
	[sflag:s19] =	ssyncadd.s32 $0xFFFFF700  }
0x732: {  	v1 =	vld [tilespmem:s0+$0x19570]  }
0x733: {  	v2 =	vld [tilespmem:s0+$0x19500]  }
0x734: {  	v3 =	vld [tilespmem:s0+$0x19510]  }
0x735: {  	v4 =	vld [tilespmem:s0+$0x19520]  }
0x736: {  	v5 =	vld [tilespmem:s0+$0x19530]  }
0x737: {  	v6 =	vld [tilespmem:s0+$0x19540]  }
0x738: {  	v7 =	vld [tilespmem:s0+$0x1DD70]  }
0x739: {  	v8 =	vld [tilespmem:s0+$0x19550]  }
0x73a: {  	v9 =	vld [tilespmem:s0+$0x19560]  }
0x73b: {  	v10 =	vld [tilespmem:s0+$0x1DD00];
	vm0 =	vgt.s32 v1, $0x11FFF  }
0x73c: {  	v11 =	vld [tilespmem:s0+$0x1DD10];
	v1 =	vadd.s32 $0xFFFEE000, v1  }
0x73d: {  	v63 =	vld [tilespmem:s0+$0x1DD20];
	vm2 =	vgt.s32 v4, $0x11FFF  }
0x73e: {  	v12 =	vld [tilespmem:s0+$0x1DD30];
	vm1 =	vgt.s32 v2, $0x11FFF;
	v4 =	vadd.s32 $0xFFFEE000, v4  }
0x73f: {  	v13 =	vld [tilespmem:s0+$0x1DD40];
	v2 =	vadd.s32 $0xFFFEE000, v2;
	vm3 =	vgt.s32 v5, $0x11FFF  }
0x740: {  	v14 =	vld [tilespmem:s0+$0x1DD50];
	v5 =	vadd.s32 $0xFFFEE000, v5;
	vm4 =	vgt.s32 v6, $0x11FFF  }
0x741: {  	v6 =	vadd.s32 $0xFFFEE000, v6;
	vm5 =	vgt.s32 v8, $0x11FFF;
	[tilespmem:v1+s2+$0x0] =	vst.idx.add.f32.msk vm0, v7  }
0x742: {  	v8 =	vadd.s32 $0xFFFEE000, v8;
	vm0 =	vgt.s32 v3, $0x11FFF;
	v1 =	vld [tilespmem:s0+$0x1DD60]  }
0x743: {  	v3 =	vadd.s32 $0xFFFEE000, v3;
	[tilespmem:v4+s2+$0x0] =	vst.idx.add.f32.msk vm2, v63;
	vm2 =	vgt.s32 v9, $0x11FFF  }
0x744: {  	[tilespmem:v2+s2+$0x0] =	vst.idx.add.f32.msk vm1, v10;
	v2 =	vadd.s32 $0xFFFEE000, v9  }
0x745: {  	[tilespmem:v5+s2+$0x0] =	vst.idx.add.f32.msk vm3, v12  }
0x746: {  	[tilespmem:v6+s2+$0x0] =	vst.idx.add.f32.msk vm4, v13  }
0x747: {  	[tilespmem:v8+s2+$0x0] =	vst.idx.add.f32.msk vm5, v14  }
0x748: {  	s3 =	simm.s32 $0x200;
	s0 =	simm.s32 $0x0;
	[tilespmem:v3+s2+$0x0] =	vst.idx.add.f32.msk vm0, v11  }
.LBB2_65:
0x749: {  	s5 =	sshra.s32 s3, $0x2;
	s0 =	sadd.s32 $0x8, s0;
	[tilespmem:v2+s2+$0x0] =	vst.idx.add.f32.msk vm2, v1  }
0x74a: {  	v1 =	vld [tilespmem:s5+$0x19570];
	p0 =	slt.u32 s0, $0x88  }
0x74b: {  	v2 =	vld [tilespmem:s5+$0x19500]  }
0x74c: {  	v3 =	vld [tilespmem:s5+$0x19510]  }
0x74d: {  	v4 =	vld [tilespmem:s5+$0x19520]  }
0x74e: {  	v5 =	vld [tilespmem:s5+$0x19530]  }
0x74f: {  	v6 =	vld [tilespmem:s5+$0x19540];
	vm2 =	vgt.s32 v1, $0x11FFF  }
0x750: {  	v1 =	vadd.s32 $0xFFFEE000, v1;
	vm0 =	vgt.s32 v2, $0x11FFF;
	v7 =	vadd.s32 $0xFFFEE000, v2;
	v2 =	vld [tilespmem:s5+$0x1DD70]  }
0x751: {  	vm1 =	vgt.s32 v3, $0x11FFF;
	v3 =	vadd.s32 $0xFFFEE000, v3;
	v8 =	vld [tilespmem:s5+$0x19550]  }
0x752: {  	vm3 =	vgt.s32 v4, $0x11FFF;
	v4 =	vadd.s32 $0xFFFEE000, v4;
	v9 =	vld [tilespmem:s5+$0x19560]  }
0x753: {  	v10 =	vld [tilespmem:s5+$0x1DD00];
	vm4 =	vgt.s32 v5, $0x11FFF;
	v5 =	vadd.s32 $0xFFFEE000, v5  }
0x754: {  	v11 =	vld [tilespmem:s5+$0x1DD10];
	vm5 =	vgt.s32 v6, $0x11FFF;
	v6 =	vadd.s32 $0xFFFEE000, v6  }
0x755: {  	[tilespmem:v1+s2+$0x0] =	vst.idx.add.f32.msk vm2, v2  }
0x756: {  	v12 =	vld [tilespmem:s5+$0x1DD20];
	vm6 =	vgt.s32 v8, $0x11FFF;
	v8 =	vadd.s32 $0xFFFEE000, v8  }
0x757: {  	v13 =	vld [tilespmem:s5+$0x1DD30];
	vm2 =	vgt.s32 v9, $0x11FFF;
	v2 =	vadd.s32 $0xFFFEE000, v9  }
0x758: {  	v9 =	vld [tilespmem:s5+$0x1DD40]  }
0x759: {  	v14 =	vld [tilespmem:s5+$0x1DD50]  }
0x75a: {  	v1 =	vld [tilespmem:s5+$0x1DD60]  }
0x75b: {  	[tilespmem:v7+s2+$0x0] =	vst.idx.add.f32.msk vm0, v10  }
.Ltmp31:
0x75c: {  	[tilespmem:v3+s2+$0x0] =	vst.idx.add.f32.msk vm1, v11;
	(pc) =	sbr.rel @p0 .LBB2_65-.Ltmp31, $4  }
0x75d: {  	[tilespmem:v4+s2+$0x0] =	vst.idx.add.f32.msk vm3, v12  }
0x75e: {  	[tilespmem:v5+s2+$0x0] =	vst.idx.add.f32.msk vm4, v13  }
0x75f: {  	[tilespmem:v6+s2+$0x0] =	vst.idx.add.f32.msk vm5, v9  }
0x760: {  	s3 =	sadd.s32 $0x200, s3;
	[tilespmem:v8+s2+$0x0] =	vst.idx.add.f32.msk vm6, v14  }
0x761: {  	_ =	sdelay $0x4  }
0x762: {  	[tilespmem:v2+s2+$0x0] =	vst.idx.add.f32.msk vm2, v1  }
0x763: {  	_ =	swait.ge [sflag:s20], $0x900  }
0x764: {  	[sflag:s20] =	ssyncset.done $0x0  }
0x765: {  	s0 =	simm.s32 $0x0;
	[sflag:s20] =	ssyncadd.s32 $0xFFFFF700  }
0x766: {  	v1 =	vld [tilespmem:s0+$0x19E70]  }
0x767: {  	v2 =	vld [tilespmem:s0+$0x19E00]  }
0x768: {  	v3 =	vld [tilespmem:s0+$0x19E10]  }
0x769: {  	v4 =	vld [tilespmem:s0+$0x19E20]  }
0x76a: {  	v5 =	vld [tilespmem:s0+$0x19E30]  }
0x76b: {  	v6 =	vld [tilespmem:s0+$0x19E40]  }
0x76c: {  	v7 =	vld [tilespmem:s0+$0x1E670]  }
0x76d: {  	v8 =	vld [tilespmem:s0+$0x19E50]  }
0x76e: {  	v9 =	vld [tilespmem:s0+$0x19E60]  }
0x76f: {  	v10 =	vld [tilespmem:s0+$0x1E600];
	vm0 =	vgt.s32 v1, $0x11FFF  }
0x770: {  	v11 =	vld [tilespmem:s0+$0x1E610];
	v1 =	vadd.s32 $0xFFFEE000, v1  }
0x771: {  	v63 =	vld [tilespmem:s0+$0x1E620];
	vm2 =	vgt.s32 v4, $0x11FFF  }
0x772: {  	v12 =	vld [tilespmem:s0+$0x1E630];
	vm1 =	vgt.s32 v2, $0x11FFF;
	v4 =	vadd.s32 $0xFFFEE000, v4  }
0x773: {  	v13 =	vld [tilespmem:s0+$0x1E640];
	v2 =	vadd.s32 $0xFFFEE000, v2;
	vm3 =	vgt.s32 v5, $0x11FFF  }
0x774: {  	v14 =	vld [tilespmem:s0+$0x1E650];
	v5 =	vadd.s32 $0xFFFEE000, v5;
	vm4 =	vgt.s32 v6, $0x11FFF  }
0x775: {  	v6 =	vadd.s32 $0xFFFEE000, v6;
	vm5 =	vgt.s32 v8, $0x11FFF;
	[tilespmem:v1+s2+$0x0] =	vst.idx.add.f32.msk vm0, v7  }
0x776: {  	v8 =	vadd.s32 $0xFFFEE000, v8;
	vm0 =	vgt.s32 v3, $0x11FFF;
	v1 =	vld [tilespmem:s0+$0x1E660]  }
0x777: {  	v3 =	vadd.s32 $0xFFFEE000, v3;
	[tilespmem:v4+s2+$0x0] =	vst.idx.add.f32.msk vm2, v63;
	vm2 =	vgt.s32 v9, $0x11FFF  }
0x778: {  	[tilespmem:v2+s2+$0x0] =	vst.idx.add.f32.msk vm1, v10;
	v2 =	vadd.s32 $0xFFFEE000, v9  }
0x779: {  	[tilespmem:v5+s2+$0x0] =	vst.idx.add.f32.msk vm3, v12  }
0x77a: {  	[tilespmem:v6+s2+$0x0] =	vst.idx.add.f32.msk vm4, v13  }
0x77b: {  	[tilespmem:v8+s2+$0x0] =	vst.idx.add.f32.msk vm5, v14  }
0x77c: {  	s3 =	simm.s32 $0x200;
	s0 =	simm.s32 $0x0;
	[tilespmem:v3+s2+$0x0] =	vst.idx.add.f32.msk vm0, v11  }
.LBB2_67:
0x77d: {  	s5 =	sshra.s32 s3, $0x2;
	s0 =	sadd.s32 $0x8, s0;
	[tilespmem:v2+s2+$0x0] =	vst.idx.add.f32.msk vm2, v1  }
0x77e: {  	v1 =	vld [tilespmem:s5+$0x19E70];
	p0 =	slt.u32 s0, $0x88  }
0x77f: {  	v2 =	vld [tilespmem:s5+$0x19E00]  }
0x780: {  	v3 =	vld [tilespmem:s5+$0x19E10]  }
0x781: {  	v4 =	vld [tilespmem:s5+$0x19E20]  }
0x782: {  	v5 =	vld [tilespmem:s5+$0x19E30]  }
0x783: {  	v6 =	vld [tilespmem:s5+$0x19E40];
	vm2 =	vgt.s32 v1, $0x11FFF  }
0x784: {  	v1 =	vadd.s32 $0xFFFEE000, v1;
	vm0 =	vgt.s32 v2, $0x11FFF;
	v7 =	vadd.s32 $0xFFFEE000, v2;
	v2 =	vld [tilespmem:s5+$0x1E670]  }
0x785: {  	vm1 =	vgt.s32 v3, $0x11FFF;
	v3 =	vadd.s32 $0xFFFEE000, v3;
	v8 =	vld [tilespmem:s5+$0x19E50]  }
0x786: {  	vm3 =	vgt.s32 v4, $0x11FFF;
	v4 =	vadd.s32 $0xFFFEE000, v4;
	v9 =	vld [tilespmem:s5+$0x19E60]  }
0x787: {  	v10 =	vld [tilespmem:s5+$0x1E600];
	vm4 =	vgt.s32 v5, $0x11FFF;
	v5 =	vadd.s32 $0xFFFEE000, v5  }
0x788: {  	v11 =	vld [tilespmem:s5+$0x1E610];
	vm5 =	vgt.s32 v6, $0x11FFF;
	v6 =	vadd.s32 $0xFFFEE000, v6  }
0x789: {  	[tilespmem:v1+s2+$0x0] =	vst.idx.add.f32.msk vm2, v2  }
0x78a: {  	v12 =	vld [tilespmem:s5+$0x1E620];
	vm6 =	vgt.s32 v8, $0x11FFF;
	v8 =	vadd.s32 $0xFFFEE000, v8  }
0x78b: {  	v13 =	vld [tilespmem:s5+$0x1E630];
	vm2 =	vgt.s32 v9, $0x11FFF;
	v2 =	vadd.s32 $0xFFFEE000, v9  }
0x78c: {  	v9 =	vld [tilespmem:s5+$0x1E640]  }
0x78d: {  	v14 =	vld [tilespmem:s5+$0x1E650]  }
0x78e: {  	v1 =	vld [tilespmem:s5+$0x1E660]  }
0x78f: {  	[tilespmem:v7+s2+$0x0] =	vst.idx.add.f32.msk vm0, v10  }
.Ltmp32:
0x790: {  	[tilespmem:v3+s2+$0x0] =	vst.idx.add.f32.msk vm1, v11;
	(pc) =	sbr.rel @p0 .LBB2_67-.Ltmp32, $4  }
0x791: {  	[tilespmem:v4+s2+$0x0] =	vst.idx.add.f32.msk vm3, v12  }
0x792: {  	[tilespmem:v5+s2+$0x0] =	vst.idx.add.f32.msk vm4, v13  }
0x793: {  	[tilespmem:v6+s2+$0x0] =	vst.idx.add.f32.msk vm5, v9  }
0x794: {  	s3 =	sadd.s32 $0x200, s3;
	[tilespmem:v8+s2+$0x0] =	vst.idx.add.f32.msk vm6, v14  }
0x795: {  	_ =	sdelay $0x4  }
0x796: {  	[tilespmem:v2+s2+$0x0] =	vst.idx.add.f32.msk vm2, v1  }
0x797: {  	_ =	swait.ge [sflag:s21], $0x900  }
0x798: {  	[sflag:s21] =	ssyncset.done $0x0  }
0x799: {  	s0 =	simm.s32 $0x0;
	[sflag:s21] =	ssyncadd.s32 $0xFFFFF700  }
0x79a: {  	v1 =	vld [tilespmem:s0+$0x1A770]  }
0x79b: {  	v2 =	vld [tilespmem:s0+$0x1A700]  }
0x79c: {  	v3 =	vld [tilespmem:s0+$0x1A710]  }
0x79d: {  	v4 =	vld [tilespmem:s0+$0x1A720]  }
0x79e: {  	v5 =	vld [tilespmem:s0+$0x1A730]  }
0x79f: {  	v6 =	vld [tilespmem:s0+$0x1A740]  }
0x7a0: {  	v7 =	vld [tilespmem:s0+$0x1EF70]  }
0x7a1: {  	v8 =	vld [tilespmem:s0+$0x1A750]  }
0x7a2: {  	v9 =	vld [tilespmem:s0+$0x1A760]  }
0x7a3: {  	v10 =	vld [tilespmem:s0+$0x1EF00];
	vm0 =	vgt.s32 v1, $0x11FFF  }
0x7a4: {  	v11 =	vld [tilespmem:s0+$0x1EF10];
	v1 =	vadd.s32 $0xFFFEE000, v1  }
0x7a5: {  	v63 =	vld [tilespmem:s0+$0x1EF20];
	vm2 =	vgt.s32 v4, $0x11FFF  }
0x7a6: {  	v12 =	vld [tilespmem:s0+$0x1EF30];
	vm1 =	vgt.s32 v2, $0x11FFF;
	v4 =	vadd.s32 $0xFFFEE000, v4  }
0x7a7: {  	v13 =	vld [tilespmem:s0+$0x1EF40];
	v2 =	vadd.s32 $0xFFFEE000, v2;
	vm3 =	vgt.s32 v5, $0x11FFF  }
0x7a8: {  	v14 =	vld [tilespmem:s0+$0x1EF50];
	v5 =	vadd.s32 $0xFFFEE000, v5;
	vm4 =	vgt.s32 v6, $0x11FFF  }
0x7a9: {  	v6 =	vadd.s32 $0xFFFEE000, v6;
	vm5 =	vgt.s32 v8, $0x11FFF;
	[tilespmem:v1+s2+$0x0] =	vst.idx.add.f32.msk vm0, v7  }
0x7aa: {  	v8 =	vadd.s32 $0xFFFEE000, v8;
	vm0 =	vgt.s32 v3, $0x11FFF;
	v1 =	vld [tilespmem:s0+$0x1EF60]  }
0x7ab: {  	v3 =	vadd.s32 $0xFFFEE000, v3;
	[tilespmem:v4+s2+$0x0] =	vst.idx.add.f32.msk vm2, v63;
	vm2 =	vgt.s32 v9, $0x11FFF  }
0x7ac: {  	[tilespmem:v2+s2+$0x0] =	vst.idx.add.f32.msk vm1, v10;
	v2 =	vadd.s32 $0xFFFEE000, v9  }
0x7ad: {  	[tilespmem:v5+s2+$0x0] =	vst.idx.add.f32.msk vm3, v12  }
0x7ae: {  	[tilespmem:v6+s2+$0x0] =	vst.idx.add.f32.msk vm4, v13  }
0x7af: {  	[tilespmem:v8+s2+$0x0] =	vst.idx.add.f32.msk vm5, v14  }
0x7b0: {  	s3 =	simm.s32 $0x200;
	s0 =	simm.s32 $0x0;
	[tilespmem:v3+s2+$0x0] =	vst.idx.add.f32.msk vm0, v11  }
.LBB2_69:
0x7b1: {  	s5 =	sshra.s32 s3, $0x2;
	s0 =	sadd.s32 $0x8, s0;
	[tilespmem:v2+s2+$0x0] =	vst.idx.add.f32.msk vm2, v1  }
0x7b2: {  	v1 =	vld [tilespmem:s5+$0x1A770];
	p0 =	slt.u32 s0, $0x88  }
0x7b3: {  	v2 =	vld [tilespmem:s5+$0x1A700]  }
0x7b4: {  	v3 =	vld [tilespmem:s5+$0x1A710]  }
0x7b5: {  	v4 =	vld [tilespmem:s5+$0x1A720]  }
0x7b6: {  	v5 =	vld [tilespmem:s5+$0x1A730]  }
0x7b7: {  	v6 =	vld [tilespmem:s5+$0x1A740];
	vm2 =	vgt.s32 v1, $0x11FFF  }
0x7b8: {  	v1 =	vadd.s32 $0xFFFEE000, v1;
	vm0 =	vgt.s32 v2, $0x11FFF;
	v7 =	vadd.s32 $0xFFFEE000, v2;
	v2 =	vld [tilespmem:s5+$0x1EF70]  }
0x7b9: {  	vm1 =	vgt.s32 v3, $0x11FFF;
	v3 =	vadd.s32 $0xFFFEE000, v3;
	v8 =	vld [tilespmem:s5+$0x1A750]  }
0x7ba: {  	vm3 =	vgt.s32 v4, $0x11FFF;
	v4 =	vadd.s32 $0xFFFEE000, v4;
	v9 =	vld [tilespmem:s5+$0x1A760]  }
0x7bb: {  	v10 =	vld [tilespmem:s5+$0x1EF00];
	vm4 =	vgt.s32 v5, $0x11FFF;
	v5 =	vadd.s32 $0xFFFEE000, v5  }
0x7bc: {  	v11 =	vld [tilespmem:s5+$0x1EF10];
	vm5 =	vgt.s32 v6, $0x11FFF;
	v6 =	vadd.s32 $0xFFFEE000, v6  }
0x7bd: {  	[tilespmem:v1+s2+$0x0] =	vst.idx.add.f32.msk vm2, v2  }
0x7be: {  	v12 =	vld [tilespmem:s5+$0x1EF20];
	vm6 =	vgt.s32 v8, $0x11FFF;
	v8 =	vadd.s32 $0xFFFEE000, v8  }
0x7bf: {  	v13 =	vld [tilespmem:s5+$0x1EF30];
	vm2 =	vgt.s32 v9, $0x11FFF;
	v2 =	vadd.s32 $0xFFFEE000, v9  }
0x7c0: {  	v9 =	vld [tilespmem:s5+$0x1EF40]  }
0x7c1: {  	v14 =	vld [tilespmem:s5+$0x1EF50]  }
0x7c2: {  	v1 =	vld [tilespmem:s5+$0x1EF60]  }
0x7c3: {  	[tilespmem:v7+s2+$0x0] =	vst.idx.add.f32.msk vm0, v10  }
.Ltmp33:
0x7c4: {  	[tilespmem:v3+s2+$0x0] =	vst.idx.add.f32.msk vm1, v11;
	(pc) =	sbr.rel @p0 .LBB2_69-.Ltmp33, $4  }
0x7c5: {  	[tilespmem:v4+s2+$0x0] =	vst.idx.add.f32.msk vm3, v12  }
0x7c6: {  	[tilespmem:v5+s2+$0x0] =	vst.idx.add.f32.msk vm4, v13  }
0x7c7: {  	[tilespmem:v6+s2+$0x0] =	vst.idx.add.f32.msk vm5, v9  }
0x7c8: {  	s3 =	sadd.s32 $0x200, s3;
	[tilespmem:v8+s2+$0x0] =	vst.idx.add.f32.msk vm6, v14  }
0x7c9: {  	_ = 	snop  }
0x7ca: {  	s24 =	sadd.s32 $0x1, s24  }
0x7cb: {  	p0 =	sne.s32 s24, $0x6  }
.Ltmp34:
0x7cc: {  	_ = 	snop;
	(pc) =	sbr.rel @p0 .LBB2_2-.Ltmp34, $4  }
0x7cd: {  	_ = 	snop  }
0x7ce: {  	[tilespmem:v2+s2+$0x0] =	vst.idx.add.f32.msk vm2, v1  }
0x7cf: {  	[hbm4b:s25+s8] =	stream.strided.scatter [tilespmem:s2], [sflag:$0x5], $0x12000, s9, s8, $0x38;
	[tilespmem:$0x1F800] =	vst v63  }
0x7d0: {  	s25 =	simm.s32 $0x1B900  }
0x7d1: {  	s3 =	simm.s32 $0x5  }
0x7d2: {  	_ =	swait.ge [sflag:s3], $0x12000  }
0x7d3: {  	s5 =	rddreg [dreg:$0x6]  }
0x7d4: {  	s0 =	rddreg [dreg:$0x5];
	s5 =	sadd.s32 $0x1, s5  }
0x7d5: {  	p0 =	sne.s32 s5, s0  }
.Ltmp35:
0x7d6: {  	_ = 	snop;
	(pc) =	sbr.rel @p0 .LBB2_1-.Ltmp35, $3  }
0x7d7: {  	_ =	sdelay $0x1  }
0x7d8: {  	[sflag:s3] =	ssyncset.done $0x0  }
0x7d9: {  	[sflag:s3] =	ssyncadd.s32 $0xFFFEE000  }
0x7da: {  	_ =	sfence.sel $0x180000  }
0x7db: {  	[bflag:$0x0] =	sbarrier.arrive $0xFFFF  }
0x7dc: {  	_ =	strace $0x90000047  }
0x7dd: {  	s0 =	stileid.u32;
	[bflag:$0x2] =	sbarrier.arrive $0xFFFF  }
0x7de: {  	p0 =	sne.s32 s0, $0x0;
	s0 =	rddreg [dreg:$0x2]  }
0x7df: {  	s0 =	sadd.s32 @!p0 $0x100000, s0  }
0x7e0: {  	[sflag:s0] =	ssyncadd.tile.s32 @!p0 $0x1;
	_ =	shalt  }
.Lfunc_end2:
_tile_overlayer_lowered:
.L_overlay_start_2:
0x7e1: {  	(tag) =	ssettag $0x2  }
0x7e2: {  	s0 =	rddreg [dreg:$0x0];
	s2 =	stileid.u32  }
0x7e3: {  	s1 =	rddreg [dreg:$0x1];
	p0 =	sne.s32 s2, $0x0  }
0x7e4: {  	s3 =	rddreg [dreg:$0x2];
	[bflag:$0x3] =	sbarrier.arrive $0xFFFF;
	s2 =	simm.s32 @!p0 $0x1C06  }
0x7e5: {  	[timem:s3], [sflag:s2] =	dma.local @!p0 [hbm:s0], s1  }
0x7e6: {  	s0 =	simm.s32 @!p0 $0x6  }
0x7e7: {  	_ =	swait.ge @!p0 [sflag:s0], s1  }
0x7e8: {  	s1 =	ssub.s32 @!p0 $0x0, s1;
	[sflag:s0] =	ssyncset.done @!p0 $0x0  }
0x7e9: {  	[sflag:s0] =	ssyncadd.s32 @!p0 s1  }
0x7ea: {  	[bflag:$0x3] =	sbarrier.arrive $0xFFFF  }
0x7eb: {  	_ =	shalt  }

// kernel: sparse-core-data-format-call.cloned.1.call-start
scs
called_computation_lowered:
.L_overlay_start_0:
0x0: {  	s2 =	sld [smem:$0x3FD9]  }
0x1: {  	s3 =	sld [smem:$0x3FFE];
	_ =	sdelay $0x1  }
0x2: {  	s1 =	srdreg.scid  }
0x3: {  	s0 =	sand.u32 $0x1, s1  }
0x4: {  	s18 =	sshll.u32 s0, $0xA;
	s2 =	sadd.s32 s3, s2  }
0x5: {  	s2 =	sadd.s32 s2, s18  }
0x6: {  	[smem:$0x3FC6] =	sst s2  }
0x7: {  	_ = 	snop  }
0x8: {  	s2 =	sld [smem:$0x3FD0];
	(tm) =	ssettm $0x1  }
0x9: {  	s19 =	sld [smem:$0x3FFB];
	_ =	sdelay $0x3  }
0xa: {  	_ =	strace s19  }
0xb: {  	s3 =	sld [smem:$0x3FFC];
	_ =	sdelay $0x3  }
0xc: {  	_ =	strace s3  }
0xd: {  	s3 =	sld [smem:$0x3FFD];
	_ =	sdelay $0x3  }
0xe: {  	_ =	strace s3  }
0xf: {  	_ =	strace $0x8FFFFFFF  }
0x10: {  	s20 =	sld [smem:$0x3FDB];
	_ =	sdelay $0x1  }
0x11: {  	s4 =	simm.s32 $_scs_section_size  }
0x12: {  	s5 =	simm.s32 $_size__tile_overlayer_lowered;
	s6 =	simm.s32 $_tile_overlayer_lowered  }
0x13: {  	s23 =	simm.s32 $0x1BFF;
	s22 =	sshll.u32 s6, $0x1;
	s3 =	sadd.s32 s4, s20  }
0x14: {  	s7 =	simm.s32 $0x0;
	s21 =	sshll.u32 s5, $0x1;
	s5 =	sadd.s32 s22, s3  }
0x15: {  	[timem:s7], [sflag:s23] =	dma.local [hbm:s5], s21  }
0x16: {  	_ =	swait.ge [sflag:s23], s21  }
0x17: {  	s4 =	ssub.s32 $0x0, s21;
	[sflag:s23] =	ssyncset.done $0x0  }
0x18: {  	[sflag:s23] =	ssyncadd.s32 s4;
	_ =	sdelay $0x1  }
0x19: {  	s24 =	simm.s32 $0x1B8B  }
0x1a: {  	_ =	swait.ge [sflag:s24], $0x1  }
0x1b: {  	[sflag:s24] =	ssyncset.done $0x0  }
0x1c: {  	s26 =	simm.s32 $0x1B8E;
	s25 =	sld [smem:$0x3FFE];
	[sflag:s24] =	ssyncadd.s32 $0xFFFFFFFF  }
0x1d: {  	s27 =	simm.s32 $execute0_lowered;
	[smem:$0x3FD2] =	sst s26  }
0x1e: {  	s5 =	sshll.u32 s27, $0x1;
	_ =	strace $0x80000049;
	[dreg:$0x1] =	wrdreg $0xFFFFFFFF  }
0x1f: {  	s28 =	simm.s32 $_size_execute0_lowered;
	s3 =	sadd.s32 s3, s5;
	[dreg:$0x0] =	wrdreg $0x0  }
0x20: {  	s5 =	sshll.u32 s28, $0x1;
	[dreg:$0x2] =	wrdreg s3  }
0x21: {  	[dreg:$0x3] =	wrdreg s5  }
0x22: {  	[dreg:$0x4] =	wrdreg $0xC0  }
0x23: {  	_ =	task [dreg:s7], $0x5FFFF  }
0x24: {  	[dreg:$0x1] =	wrdreg $0xFFFFFFFF  }
0x25: {  	[dreg:$0x0] =	wrdreg $0x60  }
0x26: {  	[dreg:$0x2] =	wrdreg s25  }
0x27: {  	[dreg:$0x3] =	wrdreg s2  }
0x28: {  	[dreg:$0x4] =	wrdreg $0x9  }
0x29: {  	_ =	task.clear_ibuf [dreg:s7], $0x5FFFF;
	_ =	strace $0x90000049  }
0x2a: {  	s29 =	simm.s32 $0x9;
	_ =	strace $0x8000004B  }
0x2b: {  	_ =	swait.ge [sflag:s29], $0x1  }
0x2c: {  	[sflag:s29] =	ssyncadd.s32 $0xFFFFFFFF  }
0x2d: {  	_ =	strace $0x9000004B  }
0x2e: {  	_ =	sfence  }
0x2f: {  	s30 =	sld [smem:$0x0];
	_ =	sdelay $0x2  }
0x30: {  	s31 =	sshll.u32 s1, $0xD;
	s1 =	sshrl.u32 s1, $0x2  }
0x31: {  	s3 =	sand.u32 $0x4000, s31;
	s1 =	sadd.s32 s1, s30  }
0x32: {  	s0 =	sor.u32 s3, s0;
	s1 =	sshll.u32 s1, $0x11  }
0x33: {  	s0 =	sor.u32 s1, s0  }
0x34: {  	s0 =	sadd.s32 $0x8F2B, s0  }
0x35: {  	[sflag:s0] =	ssyncadd.remote.s32 $0x1  }
0x36: {  	_ =	sfence.sel $0xFFFF  }
0x37: {  	[dreg:$0x0] =	wrdreg $0xFFFFFFFF;
	(pc) =	sbr.abs _section_cstart, $3  }
0x38: {  	[dreg:$0x1] =	wrdreg $0xFFFFFFFF  }
0x39: {  	_ =	task.clear_ibuf [dreg:s7], $0x2FFFF;
	_ =	strace $0x9FFFFFFF  }
0x3a: {  	(tm) =	ssettm $0x7FFFFFFF  }
0x3b: {  	_ =	shalt  }
tec
execute0_lowered:
.L_overlay_start_1:
0x0: {  	(tag) =	ssettag $0x1  }
0x1: {  	s0 =	srdreg.scid  }
0x2: {  	s1 =	sshll.u32 s0, $0x4  }
0x3: {  	s0 =	stileid.u32;
	s1 =	sand.u32 $0x10, s1  }
0x4: {  	s7 =	rddreg [dreg:$0x0];
	s1 =	sor.u32 s0, s1  }
0x5: {  	s8 =	simm.s32 $0x2;
	s18 =	simm.s32 $0x0;
	s1 =	sshrl.u32 s1, $0x1  }
0x6: {  	s9 =	simm.s32 $0x9000;
	s20 =	simm.s32 $0x0;
	s3 =	ssub.s32 $0xC, s1  }
0x7: {  	s16 =	simm.s32 $0x0;
	s2 =	sand.u32 $0x1, s0;
	p0 =	sgt.s32 s3, $0x0  }
0x8: {  	s17 =	simm.s32 $0x0;
	s4 =	ssub.s32 $0x2, s2;
	s3 =	simm.s32 @!p0 $0x0  }
0x9: {  	s5 =	sshrl.u32 s4, $0x1;
	s6 =	sand.u32 $0x1, s4;
	s3 =	sadd.s32 $0xF, s3  }
0xa: {  	s19 =	simm.s32 $0x0;
	s5 =	sadd.s32 s6, s5;
	s31 =	sshrl.u32 s3, $0x4  }
0xb: {  	s10 =	simm.s32 $0x0;
	s11 =	simm.s32 $0x0;
	s6 =	smul.u32 s31, s5  }
.Ltmp0:
0xc: {  	s12 =	simm.s32 $0x0;
	s4 =	rddreg [dreg:$0x1];
	(pc) =	sbr.rel .LBB1_1-.Ltmp0, $4  }
0xd: {  	s15 =	simm.s32 $0x0;
	s7 =	sadd.s32 $0xD8800, s7;
	s3 =	rddreg [dreg:$0x2]  }
0xe: {  	_ =	strace $0x8000004A;
	s5 =	simm.s32 $0x1;
	s6 =	smul.u32 $0x48, s6  }
0xf: {  	s14 =	smov.u32 s2;
	s13 =	smov.u32 s1;
	[sflag:s5] =	ssyncpa.u1 $0x0  }
0x10: {  	p0 =	por $0x0, $0x0;
	[sflag:s8] =	ssyncpa.u1 $0x0;
	s8 =	sor.u32 $0x1, s6  }
.LBB1_7:
0x11: {  	s21 =	sadd.s32 $0x80, s10  }
0x12: {  	s16 =	sadd.s32 $0x8, s11;
	s22 =	smov.u32 s11;
	p2 =	sgt.s32 s21, $0x17F  }
0x13: {  	s22 =	smov.u32 @p2 s16  }
0x14: {  	s23 =	smov.u32 s12;
	s16 =	sadd.s32 $0x10, s12;
	p3 =	sgt.s32 s22, $0x7  }
0x15: {  	s23 =	smov.u32 @p3 s16  }
0x16: {  	s24 =	smov.u32 s13;
	s16 =	sadd.s32 $0x10, s13;
	p4 =	sgt.s32 s23, $0x17F  }
0x17: {  	p1 =	slt.u32 s15, $0x2;
	s25 =	smov.u32 s14;
	s24 =	smov.u32 @p4 s16  }
0x18: {  	s18 =	smov.u32 s10;
	s16 =	sadd.s32 $0x2, s14;
	p5 =	sgt.s32 s24, $0xB  }
0x19: {  	s20 =	smov.u32 s11;
	s17 =	smov.u32 s13;
	s25 =	smov.u32 @p5 s16  }
0x1a: {  	s19 =	smov.u32 s14;
	s21 =	simm.s32 @p2 $0x0;
	p2 =	sgt.s32 s25, $0x1  }
0x1b: {  	s26 =	simm.s32 @!p1 $0x2;
	s25 =	smov.u32 @p2 s2;
	p2 =	sne.s32 s15, s8  }
.Ltmp1:
0x1c: {  	p0 =	por !p0, !p0;
	_ =	swait.ge @!p1 [sflag:s26], $0x4000;
	(pc) =	sbr.rel @!p2 .LBB1_8-.Ltmp1, $4  }
0x1d: {  	[sflag:s26] =	ssyncset.done @!p1 $0x0;
	s10 =	smov.u32 s21;
	s22 =	simm.s32 @p3 $0x0  }
0x1e: {  	[sflag:s26] =	ssyncadd.s32 @!p1 $0xFFFFC000;
	s11 =	smov.u32 s22;
	s23 =	simm.s32 @p4 $0x0  }
0x1f: {  	s24 =	smov.u32 @p5 s1;
	s16 =	smov.u32 s12;
	s12 =	smov.u32 s23  }
0x20: {  	s13 =	smov.u32 s24;
	s15 =	sadd.s32 $0x1, s15;
	s14 =	smov.u32 s25  }
.LBB1_1:
0x21: {  	p1 =	sge.u32 s15, s6  }
0x22: {  	s21 =	sshrl.u32 @!p1 s11, $0x3  }
0x23: {  	s22 =	sshll.u32 @!p1 s10, $0x3;
	s21 =	smul.u32 @!p1 $0xC00, s21  }
0x24: {  	s23 =	sshll.u32 @!p1 s11, $0x7;
	s22 =	sand.u32 @!p1 $0xFFFFFC00, s22  }
0x25: {  	s21 =	sadd.s32 @!p1 s21, s22;
	s22 =	sand.u32 @!p1 $0x380, s23  }
0x26: {  	s25 =	smul.u32 @!p1 $0x1B0000, s14;
	s23 =	sand.u32 @!p1 $0x7F, s10;
	s21 =	sor.u32 @!p1 s22, s21  }
0x27: {  	s26 =	smul.u32 @!p1 $0x24000, s13;
	s22 =	sor.u32 @!p1 s23, s21  }
0x28: {  	s23 =	smulhi.u32 @!p1 $0xAAAAAAAB, s22  }
0x29: {  	s21 =	smulhi.u32 @!p1 $0xAAAAAAAB, s21  }
0x2a: {  	s31 =	sadd.s32 $0xFFFFFFFF, s15;
	s27 =	smul.u32 @!p1 $0x180, s12;
	s23 =	sshrl.u32 @!p1 s23, $0x8  }
0x2b: {  	s24 =	sxor.u32 @!p1 $0xFFFFFFFF, s15;
	s21 =	sshrl.u32 @!p1 s21, $0x8;
	s23 =	smul.u32 @!p1 $0x180, s23  }
0x2c: {  	s24 =	sshll.u32 @!p1 s24, $0xE;
	s25 =	sadd.s32 @!p1 s7, s25;
	s21 =	sand.u32 @!p1 $0x7, s21  }
0x2d: {  	s21 =	smul.u32 @!p1 $0x30, s21;
	s22 =	ssub.s32 @!p1 s22, s23;
	s23 =	sadd.s32 @!p1 s26, s25  }
0x2e: {  	s24 =	sand.u32 @!p1 $0x4000, s24;
	s23 =	sadd.s32 @!p1 s27, s23;
	s25 =	sand.u32 @!p1 $0x7, s22  }
0x2f: {  	s22 =	sshrl.u32 @!p1 s22, $0x3;
	s21 =	sadd.s32 @!p1 s21, s23;
	s23 =	sshll.u32 @!p1 s25, $0x12  }
0x30: {  	s21 =	sadd.s32 @!p1 s22, s21;
	s22 =	sor.u32 @!p1 $0x400, s23;
	s23 =	simm.s32 @!p1 $0xC00  }
0x31: {  	[tilespmem:s24], [sflag:$0x1] =	stream.strided.gather @!p1 [hbm4b:s21+s22], $0x4000, s23, s22, $0x38;
	[tilespmem:$0x10000] =	vst v63  }
0x32: {  	p1 =	sge.u32 s31, s6  }
.Ltmp2:
0x33: {  	_ = 	snop;
	(pc) =	sbr.rel @p1 .LBB1_7-.Ltmp2, $1  }
0x34: {  	_ =	sdelay $0x3  }
0x35: {  	s21 =	simm.s32 $0x1;
	_ =	swait.ge [sflag:s5], $0x4000;
	s24 =	sshll.u32 s15, $0xE  }
0x36: {  	s21 =	simm.s32 @!p0 $0x0;
	[sflag:s5] =	ssyncset.done $0x0;
	s31 =	sand.u32 $0x4000, s24  }
0x37: {  	s24 =	simm.s32 $0x0;
	s21 =	sshll.u32 s21, $0xE;
	[sflag:s5] =	ssyncadd.s32 $0xFFFFC000  }
0x38: {  	s22 =	sor.u32 $0x8040, s21;
	s23 =	sor.u32 $0x40, s21;
	s21 =	sor.u32 $0x8000, s31  }
.LBB1_3:
0x39: {  	v1 =	vmov s23;
	_ =	sdelay $0x3  }
0x3a: {  	s25 =	simm.s32 $0x0  }
0x3b: {  	v7 =	vld.idx.msk [tilespmem:v1+s25+$0x30 ss:$0x1], $0xffff  }
0x3c: {  	v0 =	vmov s22;
	v8 =	vld.idx.msk [tilespmem:v1+s25+$0xFFFFFFC0 ss:$0x1], $0xffff  }
0x3d: {  	v6 =	vld.idx.msk [tilespmem:v1+s25+$0xFFFFFFD0 ss:$0x1], $0xffff  }
0x3e: {  	v5 =	vld.idx.msk [tilespmem:v1+s25+$0xFFFFFFE0 ss:$0x1], $0xffff  }
0x3f: {  	v4 =	vld.idx.msk [tilespmem:v1+s25+$0xFFFFFFF0 ss:$0x1], $0xffff  }
0x40: {  	v2 =	vld.idx.msk [tilespmem:v1+s25+$0x0 ss:$0x1], $0xffff  }
0x41: {  	v3 =	vld.idx.msk [tilespmem:v1+s25+$0x10 ss:$0x1], $0xffff;
	[tilespmem:v0+s25+$0x30 ss:$0x1] =	vst.idx.msk $0xffff, v7  }
0x42: {  	s26 =	simm.s32 $0x80;
	s27 =	simm.s32 $0x400;
	[tilespmem:v0+s25+$0xFFFFFFC0 ss:$0x1] =	vst.idx.msk $0xffff, v8;
	v7 =	vld.idx.msk [tilespmem:v1+s25+$0x20 ss:$0x1], $0xffff  }
.LBB1_4:
0x43: {  	p1 =	sne.s32 s27, $0xE00;
	v8 =	vld.idx.msk [tilespmem:v1+s26+$0x30 ss:$0x1], $0xffff;
	[tilespmem:v0+s25+$0xFFFFFFD0 ss:$0x1] =	vst.idx.msk $0xffff, v6  }
0x44: {  	v9 =	vld.idx.msk [tilespmem:v1+s26+$0xFFFFFFC0 ss:$0x1], $0xffff;
	[tilespmem:v0+s25+$0xFFFFFFE0 ss:$0x1] =	vst.idx.msk $0xffff, v5  }
0x45: {  	v6 =	vld.idx.msk [tilespmem:v1+s26+$0xFFFFFFD0 ss:$0x1], $0xffff;
	[tilespmem:v0+s25+$0xFFFFFFF0 ss:$0x1] =	vst.idx.msk $0xffff, v4  }
.Ltmp3:
0x46: {  	v5 =	vld.idx.msk [tilespmem:v1+s26+$0xFFFFFFE0 ss:$0x1], $0xffff;
	[tilespmem:v0+s25+$0x0 ss:$0x1] =	vst.idx.msk $0xffff, v2;
	(pc) =	sbr.rel @p1 .LBB1_4-.Ltmp3, $4  }
0x47: {  	v4 =	vld.idx.msk [tilespmem:v1+s26+$0xFFFFFFF0 ss:$0x1], $0xffff;
	[tilespmem:v0+s25+$0x10 ss:$0x1] =	vst.idx.msk $0xffff, v3  }
0x48: {  	v2 =	vld.idx.msk [tilespmem:v1+s26+$0x0 ss:$0x1], $0xffff;
	[tilespmem:v0+s25+$0x20 ss:$0x1] =	vst.idx.msk $0xffff, v7;
	s25 =	smov.u32 s26  }
0x49: {  	v3 =	vld.idx.msk [tilespmem:v1+s25+$0x10 ss:$0x1], $0xffff;
	[tilespmem:v0+s25+$0x30 ss:$0x1] =	vst.idx.msk $0xffff, v8  }
0x4a: {  	s26 =	sshra.s32 s27, $0x2;
	s27 =	sadd.s32 $0x200, s27;
	[tilespmem:v0+s25+$0xFFFFFFC0 ss:$0x1] =	vst.idx.msk $0xffff, v9;
	v7 =	vld.idx.msk [tilespmem:v1+s25+$0x20 ss:$0x1], $0xffff  }
0x4b: {  	_ =	sdelay $0x3  }
0x4c: {  	[tilespmem:v0+s25+$0xFFFFFFD0 ss:$0x1] =	vst.idx.msk $0xffff, v6  }
0x4d: {  	v56 =	vld.idx.msk [tilespmem:v1+s26+$0x30 ss:$0x1], $0xffff;
	[tilespmem:v0+s25+$0xFFFFFFE0 ss:$0x1] =	vst.idx.msk $0xffff, v5  }
0x4e: {  	v57 =	vld.idx.msk [tilespmem:v1+s26+$0xFFFFFFC0 ss:$0x1], $0xffff;
	[tilespmem:v0+s25+$0xFFFFFFF0 ss:$0x1] =	vst.idx.msk $0xffff, v4  }
0x4f: {  	v58 =	vld.idx.msk [tilespmem:v1+s26+$0xFFFFFFD0 ss:$0x1], $0xffff;
	[tilespmem:v0+s25+$0x0 ss:$0x1] =	vst.idx.msk $0xffff, v2  }
0x50: {  	v59 =	vld.idx.msk [tilespmem:v1+s26+$0xFFFFFFE0 ss:$0x1], $0xffff;
	[tilespmem:v0+s25+$0x10 ss:$0x1] =	vst.idx.msk $0xffff, v3  }
0x51: {  	v60 =	vld.idx.msk [tilespmem:v1+s26+$0xFFFFFFF0 ss:$0x1], $0xffff;
	[tilespmem:v0+s25+$0x20 ss:$0x1] =	vst.idx.msk $0xffff, v7  }
0x52: {  	v61 =	vld.idx.msk [tilespmem:v1+s26+$0x0 ss:$0x1], $0xffff;
	[tilespmem:v0+s26+$0x30 ss:$0x1] =	vst.idx.msk $0xffff, v56  }
0x53: {  	v62 =	vld.idx.msk [tilespmem:v1+s26+$0x10 ss:$0x1], $0xffff;
	s24 =	sadd.s32 $0x1, s24;
	[tilespmem:v0+s26+$0xFFFFFFC0 ss:$0x1] =	vst.idx.msk $0xffff, v57  }
0x54: {  	v63 =	vld.idx.msk [tilespmem:v1+s26+$0x20 ss:$0x1], $0xffff;
	p1 =	sne.s32 s24, $0x10;
	[tilespmem:v0+s26+$0xFFFFFFD0 ss:$0x1] =	vst.idx.msk $0xffff, v58  }
.Ltmp4:
0x55: {  	[tilespmem:v0+s26+$0xFFFFFFE0 ss:$0x1] =	vst.idx.msk $0xffff, v59;
	(pc) =	sbr.rel @p1 .LBB1_3-.Ltmp4, $4  }
0x56: {  	[tilespmem:v0+s26+$0xFFFFFFF0 ss:$0x1] =	vst.idx.msk $0xffff, v60  }
0x57: {  	[tilespmem:v0+s26+$0x0 ss:$0x1] =	vst.idx.msk $0xffff, v61  }
0x58: {  	[tilespmem:v0+s26+$0x10 ss:$0x1] =	vst.idx.msk $0xffff, v62  }
0x59: {  	s22 =	sadd.s32 $0x400, s22;
	s23 =	sadd.s32 $0x400, s23;
	[tilespmem:v0+s26+$0x20 ss:$0x1] =	vst.idx.msk $0xffff, v63  }
0x5a: {  	s22 =	sshrl.u32 s20, $0x3  }
0x5b: {  	s23 =	sshll.u32 s18, $0x3;
	s22 =	smul.u32 $0xC00, s22  }
0x5c: {  	s28 =	sshll.u32 s20, $0x7;
	s23 =	sand.u32 $0xFFFFFC00, s23  }
0x5d: {  	s20 =	sand.u32 $0x380, s28;
	s22 =	sadd.s32 s22, s23  }
0x5e: {  	s29 =	sand.u32 $0x7F, s18;
	s19 =	smul.u32 $0x1B0000, s19;
	s20 =	sor.u32 s20, s22  }
0x5f: {  	s18 =	sor.u32 s29, s20;
	s20 =	smulhi.u32 $0xAAAAAAAB, s20  }
0x60: {  	s30 =	smulhi.u32 $0xAAAAAAAB, s18  }
0x61: {  	s17 =	smul.u32 $0x180, s17  }
0x62: {  	s16 =	smul.u32 $0x1200, s16;
	s20 =	sshrl.u32 s20, $0x8;
	s22 =	sshrl.u32 s30, $0x8  }
0x63: {  	s20 =	sand.u32 $0x7, s20;
	s22 =	smul.u32 $0x180, s22  }
0x64: {  	s19 =	sadd.s32 s4, s19;
	s20 =	smul.u32 $0x30, s20  }
.Ltmp5:
0x65: {  	s17 =	sadd.s32 s17, s19;
	s18 =	ssub.s32 s18, s22;
	(pc) =	sbr.rel .LBB1_7-.Ltmp5, $4  }
0x66: {  	s16 =	sadd.s32 s16, s17;
	s31 =	sand.u32 $0x7, s18  }
0x67: {  	s16 =	sadd.s32 s20, s16;
	s18 =	sshrl.u32 s18, $0x3;
	s17 =	sshll.u32 s31, $0x12  }
0x68: {  	s16 =	sadd.s32 s18, s16;
	s17 =	sor.u32 $0x400, s17  }
0x69: {  	[hbm4b:s16+s17] =	stream.strided.scatter [tilespmem:s21], [sflag:$0x2], $0x4000, s9, s17, $0x38;
	[tilespmem:$0x10000] =	vst v63  }
.LBB1_8:
0x6a: {  	_ =	sfence.sel $0x180000  }
0x6b: {  	s1 =	simm.s32 $0x1;
	[bflag:$0x0] =	sbarrier.arrive $0xFFFF  }
0x6c: {  	s31 =	simm.s32 $0x2;
	[sflag:s1] =	ssyncpa.u1 $0x1  }
0x6d: {  	[sflag:s31] =	ssyncpa.u1 $0x1  }
0x6e: {  	p0 =	sne.s32 s0, $0x0;
	_ =	strace $0x9000004A  }
0x6f: {  	s0 =	sadd.s32 @!p0 $0x100000, s3;
	[bflag:$0x2] =	sbarrier.arrive $0xFFFF  }
0x70: {  	[sflag:s0] =	ssyncadd.tile.s32 @!p0 $0x1;
	_ =	shalt  }
.Lfunc_end1:
_tile_overlayer_lowered:
.L_overlay_start_2:
0x71: {  	(tag) =	ssettag $0x2  }
0x72: {  	s0 =	rddreg [dreg:$0x0];
	s2 =	stileid.u32  }
0x73: {  	s1 =	rddreg [dreg:$0x1];
	p0 =	sne.s32 s2, $0x0  }
0x74: {  	s3 =	rddreg [dreg:$0x2];
	[bflag:$0x3] =	sbarrier.arrive $0xFFFF;
	s2 =	simm.s32 @!p0 $0x1C01  }
0x75: {  	[timem:s3], [sflag:s2] =	dma.local @!p0 [hbm:s0], s1  }
0x76: {  	s0 =	simm.s32 @!p0 $0x1  }
0x77: {  	_ =	swait.ge @!p0 [sflag:s0], s1  }
0x78: {  	s1 =	ssub.s32 @!p0 $0x0, s1;
	[sflag:s0] =	ssyncset.done @!p0 $0x0  }
0x79: {  	[sflag:s0] =	ssyncadd.s32 @!p0 s1  }
0x7a: {  	[bflag:$0x3] =	sbarrier.arrive $0xFFFF  }
0x7b: {  	_ =	shalt  }

</sc_bundles>
